<compile_context>
chip_gen: v7x
topology: tpu7x:2x2x1
jax: 0.10.2.dev20260603
libtpu: 0.0.44.dev20260713+nightly
codegen_flags: <defaults>
</compile_context>

<pallas_src>
import functools

import jax
import jax.numpy as jnp
from jax import lax
from jax.experimental import pallas as pl
from jax.experimental.pallas import tpu as pltpu
from jax.experimental.pallas import tpu_sc as plsc

MAXW = 1.0
NC, NS, L = 2, 16, 16
NW = NC * NS
CHUNK = 80


def _pre(pred, data):
    n, d = pred.shape
    h = d // 2

    def rne16(x):
        b = lax.bitcast_convert_type(x, jnp.int32)
        rb = jnp.bitwise_and(lax.shift_right_logical(b, 16), 1)
        b = b + 32767 + rb
        return lax.shift_right_logical(b, 16)

    def body(pred_ref, data_ref, diff_ref, acc_ref):
        df = pred_ref[...] - data_ref[...]
        acc_ref[0, 0] = jnp.sum(df * df)
        lo = rne16(df[:, :h])
        hi = rne16(df[:, h:])
        diff_ref[...] = jnp.bitwise_or(lo, lax.shift_left(hi, 16))

    return pl.pallas_call(
        body,
        out_shape=[
            jax.ShapeDtypeStruct((n, h), jnp.int32),
            jax.ShapeDtypeStruct((1, 1), jnp.float32),
        ],
        out_specs=[
            pl.BlockSpec(memory_space=pltpu.VMEM),
            pl.BlockSpec(memory_space=pltpu.SMEM),
        ],
    )(pred, data)


def _sc_edges(diff, src, dst, attr, n, e):
    epw = e // NW
    nchunk = epw // CHUNK
    groups = CHUNK // L

    mesh = plsc.VectorSubcoreMesh(core_axis_name="c", subcore_axis_name="s")

    @functools.partial(
        pl.kernel,
        out_type=jax.ShapeDtypeStruct((NW * n,), jnp.float32),
        mesh=mesh,
        compiler_params=pltpu.CompilerParams(
            needs_layout_passes=False, use_tc_tiling_on_sc=False),
        scratch_types=[
            pltpu.VMEM((epw,), jnp.int32),
            pltpu.VMEM((epw,), jnp.int32),
            pltpu.VMEM((epw,), jnp.float32),
            pltpu.VMEM((CHUNK, 64), jnp.int32),
            pltpu.VMEM((CHUNK, 64), jnp.int32),
            pltpu.VMEM((CHUNK, 64), jnp.int32),
            pltpu.VMEM((CHUNK, 64), jnp.int32),
            pltpu.VMEM((n,), jnp.float32),
            pltpu.VMEM((L,), jnp.float32),
            pltpu.SemaphoreType.DMA,
            pltpu.SemaphoreType.DMA,
        ],
    )
    def k(diff_hbm, src_hbm, dst_hbm, attr_hbm, out_hbm,
          sidx_v, didx_v, attr_v, srows0_v, drows0_v, srows1_v, drows1_v,
          nw_v, w16_v, sem0, sem1):
        c = lax.axis_index("c")
        s = lax.axis_index("s")
        wid = s * NC + c
        base = wid * epw

        pltpu.sync_copy(src_hbm.at[pl.ds(base, epw)], sidx_v)
        pltpu.sync_copy(dst_hbm.at[pl.ds(base, epw)], didx_v)
        pltpu.sync_copy(attr_hbm.at[pl.ds(base, epw)], attr_v)

        zeros = jnp.zeros((L,), jnp.float32)

        def zbody(i, carry):
            nw_v[pl.ds(i * L, L)] = zeros
            return carry

        lax.fori_loop(0, n // L, zbody, 0)

        iota = lax.iota(jnp.int32, L)
        neg_inf = jnp.full((2 * L,), -jnp.inf, jnp.bfloat16)
        lane15 = iota == (L - 1)
        himask = jnp.full((L,), -65536, jnp.int32)

        def issue(ci, srows_v, drows_v, sem):
            pltpu.async_copy(
                diff_hbm.at[sidx_v.at[pl.ds(ci * CHUNK, CHUNK)]], srows_v, sem)
            pltpu.async_copy(
                diff_hbm.at[didx_v.at[pl.ds(ci * CHUNK, CHUNK)]], drows_v, sem)

        def drain(srows_v, drows_v, sem):
            pltpu.make_async_copy(
                diff_hbm.at[sidx_v.at[pl.ds(0, CHUNK)]], srows_v, sem).wait()
            pltpu.make_async_copy(
                diff_hbm.at[didx_v.at[pl.ds(0, CHUNK)]], drows_v, sem).wait()

        def compute(ci, srows_v, drows_v):
            def group_body(g, gcarry):
                iw = 8
                for eb in range(L // iw):
                    rows = [g * L + iw * eb + j for j in range(iw)]
                    ms = [neg_inf] * iw
                    for dd in range(128 // (2 * L)):
                        svs = [plsc.bitcast(
                            srows_v[r, pl.ds(dd * L, L)], jnp.bfloat16)
                            for r in rows]
                        tvs = [plsc.bitcast(
                            drows_v[r, pl.ds(dd * L, L)], jnp.bfloat16)
                            for r in rows]
                        ms = [jnp.maximum(m, sv - tv)
                              for m, sv, tv in zip(ms, svs, tvs)]
                    mis = [plsc.bitcast(m, jnp.int32) for m in ms]
                    mlos = [plsc.bitcast(jnp.left_shift(mi, 16), jnp.float32)
                            for mi in mis]
                    mhis = [plsc.bitcast(jnp.bitwise_and(mi, himask),
                                         jnp.float32) for mi in mis]
                    mscs = [plsc.cummax(jnp.maximum(a, b))
                            for a, b in zip(mlos, mhis)]
                    for j in range(iw):
                        plsc.store_scatter(
                            w16_v,
                            [jnp.full((L,), iw * eb + j, jnp.int32)],
                            mscs[j], mask=lane15)
                off = ci * CHUNK + g * L
                w = w16_v[...] / attr_v[pl.ds(off, L)]
                plsc.addupdate_scatter(nw_v, [didx_v[pl.ds(off, L)]], w)
                return gcarry

            lax.fori_loop(0, groups, group_body, 0)

        assert nchunk % 2 == 1
        issue(0, srows0_v, drows0_v, sem0)

        def pair_body(j, carry):
            c0 = 2 * j
            issue(c0 + 1, srows1_v, drows1_v, sem1)
            drain(srows0_v, drows0_v, sem0)
            compute(c0, srows0_v, drows0_v)
            issue(c0 + 2, srows0_v, drows0_v, sem0)
            drain(srows1_v, drows1_v, sem1)
            compute(c0 + 1, srows1_v, drows1_v)
            return carry

        lax.fori_loop(0, (nchunk - 1) // 2, pair_body, 0)
        drain(srows0_v, drows0_v, sem0)
        compute(nchunk - 1, srows0_v, drows0_v)
        pltpu.sync_copy(nw_v, out_hbm.at[pl.ds(wid * n, n)])

    return k(diff, src, dst, attr)


def _post(nw_parts, sqsum, n, d):

    def body(nw_ref, sq_ref, out_ref):
        nw = jnp.sum(nw_ref[...], axis=0)
        nw = jnp.minimum(nw, MAXW)
        out_ref[0, 0] = sq_ref[0, 0] / jnp.float32(n * d) * jnp.sum(nw)

    return pl.pallas_call(
        body,
        out_shape=jax.ShapeDtypeStruct((1, 1), jnp.float32),
        in_specs=[
            pl.BlockSpec(memory_space=pltpu.VMEM),
            pl.BlockSpec(memory_space=pltpu.SMEM),
        ],
        out_specs=pl.BlockSpec(memory_space=pltpu.SMEM),
    )(nw_parts, sqsum)


def kernel(pred, data, edge_index, edge_attr):
    n, d = pred.shape
    e = edge_index.shape[1]

    src = edge_index[0].astype(jnp.int32)
    dst = edge_index[1].astype(jnp.int32)
    attr = edge_attr.reshape(e)

    diff32, sqsum = _pre(pred, data)
    nw_flat = _sc_edges(diff32, src, dst, attr, n, e)
    out = _post(nw_flat.reshape(NW, n), sqsum, n, d)
    return out[0, 0]

# --- scband reference (transcript-rebuilt; emitter-appended) ---
"""Pipeline reference for scband-gradientbased-loss-45775761440941 (READ-ONLY COPY).

The authoritative reference and input builder live on the scoring server;
editing this copy changes nothing except your own understanding.
"""

import jax, jax.numpy as jnp
import numpy as np

MAX_WEIGHT = 1.0

def setup_inputs(seed: int = 0) -> dict:
    key = jax.random.key(seed)
    k1, k2, k3, k4 = jax.random.split(key, 4)
    N, D, E = 10000, 128, 320000
    pred = jax.random.normal(k1, (N, D), dtype=jnp.float32)
    data = jax.random.normal(k2, (N, D), dtype=jnp.float32)
    edge_index = jax.random.randint(k3, (2, E), 0, N, dtype=jnp.int64)
    edge_attr = jax.random.uniform(k4, (E, 1), dtype=jnp.float32)
    return {"pred": pred, "data": data, "edge_index": edge_index, "edge_attr": edge_attr}


def reference(pred, data, edge_index, edge_attr):
    # gradient along edges: gather src/dst node values, divide by edge length
    grad_pred = (pred[edge_index[0]] - pred[edge_index[1]]) / edge_attr
    grad_data = (data[edge_index[0]] - data[edge_index[1]]) / edge_attr
    # per-edge weight: max over feature dim of gradient mismatch
    edge_weight = jnp.max(grad_pred - grad_data, axis=1)
    # scatter-add edge weights onto destination nodes
    node_weight = jnp.zeros(pred.shape[0], dtype=pred.dtype).at[edge_index[1]].add(edge_weight)
    # torch.clamp(max=max_weight): upper clamp only
    node_weight = jnp.minimum(node_weight, MAX_WEIGHT)
    node_weight = jnp.sum(node_weight)
    loss = (pred - data) ** 2
    loss = jnp.mean(loss) * node_weight
    return loss

if __name__ == "__main__":
    import jax
    _d = setup_inputs()
    print(jax.jit(kernel)(*tuple(_d.values())))

</pallas_src>

<mosaic_0001>
#map = affine_map<(d0, d1) -> (0, 0)>
#map1 = affine_map<(d0, d1) -> (0)>
module attributes {stable_mosaic.version = 14 : i64} {
  func.func @k(%arg0: i32, %arg1: i32, %arg2: memref<10000x64xi32, #tpu.memory_space<hbm>>, %arg3: memref<320000xi32, #tpu.memory_space<hbm>>, %arg4: memref<320000xi32, #tpu.memory_space<hbm>>, %arg5: memref<320000xf32, #tpu.memory_space<hbm>>, %arg6: memref<320000xf32, #tpu.memory_space<hbm>>, %arg7: memref<10000xi32, #tpu.memory_space<vmem>>, %arg8: memref<10000xi32, #tpu.memory_space<vmem>>, %arg9: memref<10000xf32, #tpu.memory_space<vmem>>, %arg10: memref<80x64xi32, #tpu.memory_space<vmem>>, %arg11: memref<80x64xi32, #tpu.memory_space<vmem>>, %arg12: memref<80x64xi32, #tpu.memory_space<vmem>>, %arg13: memref<80x64xi32, #tpu.memory_space<vmem>>, %arg14: memref<10000xf32, #tpu.memory_space<vmem>>, %arg15: memref<16xf32, #tpu.memory_space<vmem>>, %arg16: memref<!tpu.dma_semaphore, #tpu.memory_space<semaphore_mem>>, %arg17: memref<!tpu.dma_semaphore, #tpu.memory_space<semaphore_mem>>) attributes {dimension_semantics = [#tpu.dimension_semantics<core_parallel>, #tpu.dimension_semantics<subcore_parallel>], iteration_bounds = array<i64: 2, 16>, scalar_prefetch = 0 : i64, scratch_operands = 11 : i64, tpu.core_type = #tpu.core_type<sc_vector_subcore>, window_params = [{transform_indices = #map}, {transform_indices = #map1}, {transform_indices = #map1}, {transform_indices = #map1}, {transform_indices = #map1}]} {
    %mul3A = arith.constant 2 : i32
    %mul3A_0 = arith.muli %arg1, %mul3A : i32
    %add3A = arith.addi %mul3A_0, %arg0 : i32
    %mul3A_1 = arith.constant 10000 : i32
    %mul3A_2 = arith.muli %add3A, %mul3A_1 : i32
    "tpu.region"() ({
      %run_scoped3A = tpu.sem_alloc : memref<!tpu.dma_semaphore, #tpu.memory_space<semaphore_mem>>
      %dma_start3A_47 = tpu.memref_slice %arg3[%mul3A_2] : memref<320000xi32, #tpu.memory_space<hbm>> -> memref<10000xi32, #tpu.memory_space<hbm>>
      %dma_start3A_48 = tpu.memref_slice %arg3[%mul3A_2] : memref<320000xi32, #tpu.memory_space<hbm>> -> memref<10000xi32, #tpu.memory_space<hbm>>
      tpu.enqueue_dma source(%dma_start3A_48 : memref<10000xi32, #tpu.memory_space<hbm>>) target(%arg7 : memref<10000xi32, #tpu.memory_space<vmem>>) target_semaphore(%run_scoped3A : memref<!tpu.dma_semaphore, #tpu.memory_space<semaphore_mem>>)
      %dma_wait3A_49 = tpu.memref_slice %arg3[%mul3A_2] : memref<320000xi32, #tpu.memory_space<hbm>> -> memref<10000xi32, #tpu.memory_space<hbm>>
      %dma_wait3A_50 = tpu.memref_slice %arg3[%mul3A_2] : memref<320000xi32, #tpu.memory_space<hbm>> -> memref<10000xi32, #tpu.memory_space<hbm>>
      tpu.wait_dma2 semaphore(%run_scoped3A : memref<!tpu.dma_semaphore, #tpu.memory_space<semaphore_mem>>) src(%dma_wait3A_50 : memref<10000xi32, #tpu.memory_space<hbm>>) dst(%arg7 : memref<10000xi32, #tpu.memory_space<vmem>>)
      tpu.yield
    }) : () -> ()
    "tpu.region"() ({
      %run_scoped3A = tpu.sem_alloc : memref<!tpu.dma_semaphore, #tpu.memory_space<semaphore_mem>>
      %dma_start3A_47 = tpu.memref_slice %arg4[%mul3A_2] : memref<320000xi32, #tpu.memory_space<hbm>> -> memref<10000xi32, #tpu.memory_space<hbm>>
      %dma_start3A_48 = tpu.memref_slice %arg4[%mul3A_2] : memref<320000xi32, #tpu.memory_space<hbm>> -> memref<10000xi32, #tpu.memory_space<hbm>>
      tpu.enqueue_dma source(%dma_start3A_48 : memref<10000xi32, #tpu.memory_space<hbm>>) target(%arg8 : memref<10000xi32, #tpu.memory_space<vmem>>) target_semaphore(%run_scoped3A : memref<!tpu.dma_semaphore, #tpu.memory_space<semaphore_mem>>)
      %dma_wait3A_49 = tpu.memref_slice %arg4[%mul3A_2] : memref<320000xi32, #tpu.memory_space<hbm>> -> memref<10000xi32, #tpu.memory_space<hbm>>
      %dma_wait3A_50 = tpu.memref_slice %arg4[%mul3A_2] : memref<320000xi32, #tpu.memory_space<hbm>> -> memref<10000xi32, #tpu.memory_space<hbm>>
      tpu.wait_dma2 semaphore(%run_scoped3A : memref<!tpu.dma_semaphore, #tpu.memory_space<semaphore_mem>>) src(%dma_wait3A_50 : memref<10000xi32, #tpu.memory_space<hbm>>) dst(%arg8 : memref<10000xi32, #tpu.memory_space<vmem>>)
      tpu.yield
    }) : () -> ()
    "tpu.region"() ({
      %run_scoped3A = tpu.sem_alloc : memref<!tpu.dma_semaphore, #tpu.memory_space<semaphore_mem>>
      %dma_start3A_47 = tpu.memref_slice %arg5[%mul3A_2] : memref<320000xf32, #tpu.memory_space<hbm>> -> memref<10000xf32, #tpu.memory_space<hbm>>
      %dma_start3A_48 = tpu.memref_slice %arg5[%mul3A_2] : memref<320000xf32, #tpu.memory_space<hbm>> -> memref<10000xf32, #tpu.memory_space<hbm>>
      tpu.enqueue_dma source(%dma_start3A_48 : memref<10000xf32, #tpu.memory_space<hbm>>) target(%arg9 : memref<10000xf32, #tpu.memory_space<vmem>>) target_semaphore(%run_scoped3A : memref<!tpu.dma_semaphore, #tpu.memory_space<semaphore_mem>>)
      %dma_wait3A_49 = tpu.memref_slice %arg5[%mul3A_2] : memref<320000xf32, #tpu.memory_space<hbm>> -> memref<10000xf32, #tpu.memory_space<hbm>>
      %dma_wait3A_50 = tpu.memref_slice %arg5[%mul3A_2] : memref<320000xf32, #tpu.memory_space<hbm>> -> memref<10000xf32, #tpu.memory_space<hbm>>
      tpu.wait_dma2 semaphore(%run_scoped3A : memref<!tpu.dma_semaphore, #tpu.memory_space<semaphore_mem>>) src(%dma_wait3A_50 : memref<10000xf32, #tpu.memory_space<hbm>>) dst(%arg9 : memref<10000xf32, #tpu.memory_space<vmem>>)
      tpu.yield
    }) : () -> ()
    %broadcast_in_dim3A = arith.constant 0.000000e+00 : f32
    %broadcast_in_dim3A_3 = vector.broadcast %broadcast_in_dim3A : f32 to vector<16xf32>
    %scan3A = arith.constant 0 : i32
    %scan3A_4 = arith.constant 0 : i32
    %scan3A_5 = arith.constant 625 : i32
    %scan3A_6 = arith.addi %scan3A_4, %scan3A_5 : i32
    %scan3A_7 = arith.constant 1 : i32
    scf.for %scan3A_47 = %scan3A_4 to %scan3A_6 step %scan3A_7  : i32 {
      %mul3A_48 = arith.constant 16 : i32
      %mul3A_49 = arith.muli %scan3A_47, %mul3A_48 : i32
      %swap3A = arith.index_cast %mul3A_49 : i32 to index
      %swap3A_50 = tpu.vector_load %arg14[%swap3A] {strides = array<i32>} : memref<10000xf32, #tpu.memory_space<vmem>>, vector<16xf32>,
      tpu.vector_store %arg14[%swap3A], %broadcast_in_dim3A_3 {strides = array<i32>} : memref<10000xf32, #tpu.memory_space<vmem>>, vector<16xf32>,
    }
    %scan3A_8 = arith.constant 625 : i32
    %iota3A = tpu.iota {dimensions = array<i32: 0>} : vector<16xi32>
    %broadcast_in_dim3A_9 = arith.constant 0xFF80 : bf16
    %broadcast_in_dim3A_10 = vector.broadcast %broadcast_in_dim3A_9 : bf16 to vector<32xbf16>
    %eq3A = arith.constant 15 : i32
    %eq3A_11 = vector.broadcast %eq3A : i32 to vector<16xi32>
    %eq3A_12 = arith.cmpi eq, %iota3A, %eq3A_11 : vector<16xi32>
    %broadcast_in_dim3A_13 = arith.constant -65536 : i32
    %broadcast_in_dim3A_14 = vector.broadcast %broadcast_in_dim3A_13 : i32 to vector<16xi32>
    %dma_start3A = arith.constant 0 : i32
    %dma_start3A_15 = tpu.memref_slice %arg7[%dma_start3A] : memref<10000xi32, #tpu.memory_space<vmem>> -> memref<80xi32, #tpu.memory_space<vmem>>
    %dma_start3A_16 = arith.constant 0 : i32
    %dma_start3A_17 = arith.constant 0 : i32
    %dma_start3A_18 = tpu.memref_slice %arg2[%dma_start3A_16, %dma_start3A_17] : memref<10000x64xi32, #tpu.memory_space<hbm>> -> memref<10000x64xi32, #tpu.memory_space<hbm>>
    tpu.enqueue_indirect_dma source(%dma_start3A_18 : memref<10000x64xi32, #tpu.memory_space<hbm>>) target(%arg10 : memref<80x64xi32, #tpu.memory_space<vmem>>) offsets(%dma_start3A_15 : memref<80xi32, #tpu.memory_space<vmem>>) semaphore(%arg16 : memref<!tpu.dma_semaphore, #tpu.memory_space<semaphore_mem>>)
    %dma_start3A_19 = arith.constant 0 : i32
    %dma_start3A_20 = tpu.memref_slice %arg8[%dma_start3A_19] : memref<10000xi32, #tpu.memory_space<vmem>> -> memref<80xi32, #tpu.memory_space<vmem>>
    %dma_start3A_21 = arith.constant 0 : i32
    %dma_start3A_22 = arith.constant 0 : i32
    %dma_start3A_23 = tpu.memref_slice %arg2[%dma_start3A_21, %dma_start3A_22] : memref<10000x64xi32, #tpu.memory_space<hbm>> -> memref<10000x64xi32, #tpu.memory_space<hbm>>
    tpu.enqueue_indirect_dma source(%dma_start3A_23 : memref<10000x64xi32, #tpu.memory_space<hbm>>) target(%arg11 : memref<80x64xi32, #tpu.memory_space<vmem>>) offsets(%dma_start3A_20 : memref<80xi32, #tpu.memory_space<vmem>>) semaphore(%arg16 : memref<!tpu.dma_semaphore, #tpu.memory_space<semaphore_mem>>)
    %scan3A_24 = arith.constant 0 : i32
    %scan3A_25 = arith.constant 0 : i32
    %scan3A_26 = arith.constant 62 : i32
    %scan3A_27 = arith.addi %scan3A_25, %scan3A_26 : i32
    %scan3A_28 = arith.constant 1 : i32
    scf.for %scan3A_47 = %scan3A_25 to %scan3A_27 step %scan3A_28  : i32 {
      %mul3A_48 = arith.constant 2 : i32
      %mul3A_49 = arith.muli %mul3A_48, %scan3A_47 : i32
      %add3A_50 = arith.constant 1 : i32
      %add3A_51 = arith.addi %mul3A_49, %add3A_50 : i32
      %mul3A_52 = arith.constant 80 : i32
      %mul3A_53 = arith.muli %add3A_51, %mul3A_52 : i32
      %dma_start3A_54 = tpu.memref_slice %arg7[%mul3A_53] : memref<10000xi32, #tpu.memory_space<vmem>> -> memref<80xi32, #tpu.memory_space<vmem>>
      %dma_start3A_55 = arith.constant 0 : i32
      %dma_start3A_56 = arith.constant 0 : i32
      %dma_start3A_57 = tpu.memref_slice %arg2[%dma_start3A_55, %dma_start3A_56] : memref<10000x64xi32, #tpu.memory_space<hbm>> -> memref<10000x64xi32, #tpu.memory_space<hbm>>
      tpu.enqueue_indirect_dma source(%dma_start3A_57 : memref<10000x64xi32, #tpu.memory_space<hbm>>) target(%arg12 : memref<80x64xi32, #tpu.memory_space<vmem>>) offsets(%dma_start3A_54 : memref<80xi32, #tpu.memory_space<vmem>>) semaphore(%arg17 : memref<!tpu.dma_semaphore, #tpu.memory_space<semaphore_mem>>)
      %mul3A_58 = arith.constant 80 : i32
      %mul3A_59 = arith.muli %add3A_51, %mul3A_58 : i32
      %dma_start3A_60 = tpu.memref_slice %arg8[%mul3A_59] : memref<10000xi32, #tpu.memory_space<vmem>> -> memref<80xi32, #tpu.memory_space<vmem>>
      %dma_start3A_61 = arith.constant 0 : i32
      %dma_start3A_62 = arith.constant 0 : i32
      %dma_start3A_63 = tpu.memref_slice %arg2[%dma_start3A_61, %dma_start3A_62] : memref<10000x64xi32, #tpu.memory_space<hbm>> -> memref<10000x64xi32, #tpu.memory_space<hbm>>
      tpu.enqueue_indirect_dma source(%dma_start3A_63 : memref<10000x64xi32, #tpu.memory_space<hbm>>) target(%arg13 : memref<80x64xi32, #tpu.memory_space<vmem>>) offsets(%dma_start3A_60 : memref<80xi32, #tpu.memory_space<vmem>>) semaphore(%arg17 : memref<!tpu.dma_semaphore, #tpu.memory_space<semaphore_mem>>)
      %dma_wait3A_64 = arith.constant 0 : i32
      %dma_wait3A_65 = tpu.memref_slice %arg7[%dma_wait3A_64] : memref<10000xi32, #tpu.memory_space<vmem>> -> memref<80xi32, #tpu.memory_space<vmem>>
      %dma_wait3A_66 = arith.constant 0 : i32
      %dma_wait3A_67 = arith.constant 0 : i32
      %dma_wait3A_68 = tpu.memref_slice %arg2[%dma_wait3A_66, %dma_wait3A_67] : memref<10000x64xi32, #tpu.memory_space<hbm>> -> memref<10000x64xi32, #tpu.memory_space<hbm>>
      tpu.wait_indirect_dma semaphore(%arg16 : memref<!tpu.dma_semaphore, #tpu.memory_space<semaphore_mem>>) src(%dma_wait3A_68 : memref<10000x64xi32, #tpu.memory_space<hbm>>) dst(%arg10 : memref<80x64xi32, #tpu.memory_space<vmem>>)
      %dma_wait3A_69 = arith.constant 0 : i32
      %dma_wait3A_70 = tpu.memref_slice %arg8[%dma_wait3A_69] : memref<10000xi32, #tpu.memory_space<vmem>> -> memref<80xi32, #tpu.memory_space<vmem>>
      %dma_wait3A_71 = arith.constant 0 : i32
      %dma_wait3A_72 = arith.constant 0 : i32
      %dma_wait3A_73 = tpu.memref_slice %arg2[%dma_wait3A_71, %dma_wait3A_72] : memref<10000x64xi32, #tpu.memory_space<hbm>> -> memref<10000x64xi32, #tpu.memory_space<hbm>>
      tpu.wait_indirect_dma semaphore(%arg16 : memref<!tpu.dma_semaphore, #tpu.memory_space<semaphore_mem>>) src(%dma_wait3A_73 : memref<10000x64xi32, #tpu.memory_space<hbm>>) dst(%arg11 : memref<80x64xi32, #tpu.memory_space<vmem>>)
      %scan3A_74 = arith.constant 0 : i32
      %scan3A_75 = arith.constant 0 : i32
      %scan3A_76 = arith.constant 5 : i32
      %scan3A_77 = arith.addi %scan3A_75, %scan3A_76 : i32
      %scan3A_78 = arith.constant 1 : i32
      scf.for %scan3A_112 = %scan3A_75 to %scan3A_77 step %scan3A_78  : i32 {
        %mul3A_113 = arith.constant 16 : i32
        %mul3A_114 = arith.muli %scan3A_112, %mul3A_113 : i32
        %add3A_115 = arith.constant 0 : i32
        %add3A_116 = arith.addi %mul3A_114, %add3A_115 : i32
        %add3A_117 = arith.constant 0 : i32
        %add3A_118 = arith.addi %add3A_116, %add3A_117 : i32
        %mul3A_119 = arith.constant 16 : i32
        %mul3A_120 = arith.muli %scan3A_112, %mul3A_119 : i32
        %add3A_121 = arith.constant 0 : i32
        %add3A_122 = arith.addi %mul3A_120, %add3A_121 : i32
        %add3A_123 = arith.constant 1 : i32
        %add3A_124 = arith.addi %add3A_122, %add3A_123 : i32
        %mul3A_125 = arith.constant 16 : i32
        %mul3A_126 = arith.muli %scan3A_112, %mul3A_125 : i32
        %add3A_127 = arith.constant 0 : i32
        %add3A_128 = arith.addi %mul3A_126, %add3A_127 : i32
        %add3A_129 = arith.constant 2 : i32
        %add3A_130 = arith.addi %add3A_128, %add3A_129 : i32
        %mul3A_131 = arith.constant 16 : i32
        %mul3A_132 = arith.muli %scan3A_112, %mul3A_131 : i32
        %add3A_133 = arith.constant 0 : i32
        %add3A_134 = arith.addi %mul3A_132, %add3A_133 : i32
        %add3A_135 = arith.constant 3 : i32
        %add3A_136 = arith.addi %add3A_134, %add3A_135 : i32
        %mul3A_137 = arith.constant 16 : i32
        %mul3A_138 = arith.muli %scan3A_112, %mul3A_137 : i32
        %add3A_139 = arith.constant 0 : i32
        %add3A_140 = arith.addi %mul3A_138, %add3A_139 : i32
        %add3A_141 = arith.constant 4 : i32
        %add3A_142 = arith.addi %add3A_140, %add3A_141 : i32
        %mul3A_143 = arith.constant 16 : i32
        %mul3A_144 = arith.muli %scan3A_112, %mul3A_143 : i32
        %add3A_145 = arith.constant 0 : i32
        %add3A_146 = arith.addi %mul3A_144, %add3A_145 : i32
        %add3A_147 = arith.constant 5 : i32
        %add3A_148 = arith.addi %add3A_146, %add3A_147 : i32
        %mul3A_149 = arith.constant 16 : i32
        %mul3A_150 = arith.muli %scan3A_112, %mul3A_149 : i32
        %add3A_151 = arith.constant 0 : i32
        %add3A_152 = arith.addi %mul3A_150, %add3A_151 : i32
        %add3A_153 = arith.constant 6 : i32
        %add3A_154 = arith.addi %add3A_152, %add3A_153 : i32
        %mul3A_155 = arith.constant 16 : i32
        %mul3A_156 = arith.muli %scan3A_112, %mul3A_155 : i32
        %add3A_157 = arith.constant 0 : i32
        %add3A_158 = arith.addi %mul3A_156, %add3A_157 : i32
        %add3A_159 = arith.constant 7 : i32
        %add3A_160 = arith.addi %add3A_158, %add3A_159 : i32
        %get3A = arith.index_cast %add3A_118 : i32 to index
        %get3A_161 = arith.constant 0 : index
        %get3A_162 = tpu.vector_load %arg10[%get3A, %get3A_161] {strides = array<i32>} : memref<80x64xi32, #tpu.memory_space<vmem>>, vector<16xi32>,
        %bitcast3A = vector.bitcast %get3A_162 : vector<16xi32> to vector<32xbf16>
        %get3A_163 = arith.index_cast %add3A_124 : i32 to index
        %get3A_164 = arith.constant 0 : index
        %get3A_165 = tpu.vector_load %arg10[%get3A_163, %get3A_164] {strides = array<i32>} : memref<80x64xi32, #tpu.memory_space<vmem>>, vector<16xi32>,
        %bitcast3A_166 = vector.bitcast %get3A_165 : vector<16xi32> to vector<32xbf16>
        %get3A_167 = arith.index_cast %add3A_130 : i32 to index
        %get3A_168 = arith.constant 0 : index
        %get3A_169 = tpu.vector_load %arg10[%get3A_167, %get3A_168] {strides = array<i32>} : memref<80x64xi32, #tpu.memory_space<vmem>>, vector<16xi32>,
        %bitcast3A_170 = vector.bitcast %get3A_169 : vector<16xi32> to vector<32xbf16>
        %get3A_171 = arith.index_cast %add3A_136 : i32 to index
        %get3A_172 = arith.constant 0 : index
        %get3A_173 = tpu.vector_load %arg10[%get3A_171, %get3A_172] {strides = array<i32>} : memref<80x64xi32, #tpu.memory_space<vmem>>, vector<16xi32>,
        %bitcast3A_174 = vector.bitcast %get3A_173 : vector<16xi32> to vector<32xbf16>
        %get3A_175 = arith.index_cast %add3A_142 : i32 to index
        %get3A_176 = arith.constant 0 : index
        %get3A_177 = tpu.vector_load %arg10[%get3A_175, %get3A_176] {strides = array<i32>} : memref<80x64xi32, #tpu.memory_space<vmem>>, vector<16xi32>,
        %bitcast3A_178 = vector.bitcast %get3A_177 : vector<16xi32> to vector<32xbf16>
        %get3A_179 = arith.index_cast %add3A_148 : i32 to index
        %get3A_180 = arith.constant 0 : index
        %get3A_181 = tpu.vector_load %arg10[%get3A_179, %get3A_180] {strides = array<i32>} : memref<80x64xi32, #tpu.memory_space<vmem>>, vector<16xi32>,
        %bitcast3A_182 = vector.bitcast %get3A_181 : vector<16xi32> to vector<32xbf16>
        %get3A_183 = arith.index_cast %add3A_154 : i32 to index
        %get3A_184 = arith.constant 0 : index
        %get3A_185 = tpu.vector_load %arg10[%get3A_183, %get3A_184] {strides = array<i32>} : memref<80x64xi32, #tpu.memory_space<vmem>>, vector<16xi32>,
        %bitcast3A_186 = vector.bitcast %get3A_185 : vector<16xi32> to vector<32xbf16>
        %get3A_187 = arith.index_cast %add3A_160 : i32 to index
        %get3A_188 = arith.constant 0 : index
        %get3A_189 = tpu.vector_load %arg10[%get3A_187, %get3A_188] {strides = array<i32>} : memref<80x64xi32, #tpu.memory_space<vmem>>, vector<16xi32>,
        %bitcast3A_190 = vector.bitcast %get3A_189 : vector<16xi32> to vector<32xbf16>
        %get3A_191 = arith.index_cast %add3A_118 : i32 to index
        %get3A_192 = arith.constant 0 : index
        %get3A_193 = tpu.vector_load %arg11[%get3A_191, %get3A_192] {strides = array<i32>} : memref<80x64xi32, #tpu.memory_space<vmem>>, vector<16xi32>,
        %bitcast3A_194 = vector.bitcast %get3A_193 : vector<16xi32> to vector<32xbf16>
        %get3A_195 = arith.index_cast %add3A_124 : i32 to index
        %get3A_196 = arith.constant 0 : index
        %get3A_197 = tpu.vector_load %arg11[%get3A_195, %get3A_196] {strides = array<i32>} : memref<80x64xi32, #tpu.memory_space<vmem>>, vector<16xi32>,
        %bitcast3A_198 = vector.bitcast %get3A_197 : vector<16xi32> to vector<32xbf16>
        %get3A_199 = arith.index_cast %add3A_130 : i32 to index
        %get3A_200 = arith.constant 0 : index
        %get3A_201 = tpu.vector_load %arg11[%get3A_199, %get3A_200] {strides = array<i32>} : memref<80x64xi32, #tpu.memory_space<vmem>>, vector<16xi32>,
        %bitcast3A_202 = vector.bitcast %get3A_201 : vector<16xi32> to vector<32xbf16>
        %get3A_203 = arith.index_cast %add3A_136 : i32 to index
        %get3A_204 = arith.constant 0 : index
        %get3A_205 = tpu.vector_load %arg11[%get3A_203, %get3A_204] {strides = array<i32>} : memref<80x64xi32, #tpu.memory_space<vmem>>, vector<16xi32>,
        %bitcast3A_206 = vector.bitcast %get3A_205 : vector<16xi32> to vector<32xbf16>
        %get3A_207 = arith.index_cast %add3A_142 : i32 to index
        %get3A_208 = arith.constant 0 : index
        %get3A_209 = tpu.vector_load %arg11[%get3A_207, %get3A_208] {strides = array<i32>} : memref<80x64xi32, #tpu.memory_space<vmem>>, vector<16xi32>,
        %bitcast3A_210 = vector.bitcast %get3A_209 : vector<16xi32> to vector<32xbf16>
        %get3A_211 = arith.index_cast %add3A_148 : i32 to index
        %get3A_212 = arith.constant 0 : index
        %get3A_213 = tpu.vector_load %arg11[%get3A_211, %get3A_212] {strides = array<i32>} : memref<80x64xi32, #tpu.memory_space<vmem>>, vector<16xi32>,
        %bitcast3A_214 = vector.bitcast %get3A_213 : vector<16xi32> to vector<32xbf16>
        %get3A_215 = arith.index_cast %add3A_154 : i32 to index
        %get3A_216 = arith.constant 0 : index
        %get3A_217 = tpu.vector_load %arg11[%get3A_215, %get3A_216] {strides = array<i32>} : memref<80x64xi32, #tpu.memory_space<vmem>>, vector<16xi32>,
        %bitcast3A_218 = vector.bitcast %get3A_217 : vector<16xi32> to vector<32xbf16>
        %get3A_219 = arith.index_cast %add3A_160 : i32 to index
        %get3A_220 = arith.constant 0 : index
        %get3A_221 = tpu.vector_load %arg11[%get3A_219, %get3A_220] {strides = array<i32>} : memref<80x64xi32, #tpu.memory_space<vmem>>, vector<16xi32>,
        %bitcast3A_222 = vector.bitcast %get3A_221 : vector<16xi32> to vector<32xbf16>
        %sub3A = arith.subf %bitcast3A, %bitcast3A_194 : vector<32xbf16>
        %max3A = arith.maximumf %broadcast_in_dim3A_10, %sub3A : vector<32xbf16>
        %sub3A_223 = arith.subf %bitcast3A_166, %bitcast3A_198 : vector<32xbf16>
        %max3A_224 = arith.maximumf %broadcast_in_dim3A_10, %sub3A_223 : vector<32xbf16>
        %sub3A_225 = arith.subf %bitcast3A_170, %bitcast3A_202 : vector<32xbf16>
        %max3A_226 = arith.maximumf %broadcast_in_dim3A_10, %sub3A_225 : vector<32xbf16>
        %sub3A_227 = arith.subf %bitcast3A_174, %bitcast3A_206 : vector<32xbf16>
        %max3A_228 = arith.maximumf %broadcast_in_dim3A_10, %sub3A_227 : vector<32xbf16>
        %sub3A_229 = arith.subf %bitcast3A_178, %bitcast3A_210 : vector<32xbf16>
        %max3A_230 = arith.maximumf %broadcast_in_dim3A_10, %sub3A_229 : vector<32xbf16>
        %sub3A_231 = arith.subf %bitcast3A_182, %bitcast3A_214 : vector<32xbf16>
        %max3A_232 = arith.maximumf %broadcast_in_dim3A_10, %sub3A_231 : vector<32xbf16>
        %sub3A_233 = arith.subf %bitcast3A_186, %bitcast3A_218 : vector<32xbf16>
        %max3A_234 = arith.maximumf %broadcast_in_dim3A_10, %sub3A_233 : vector<32xbf16>
        %sub3A_235 = arith.subf %bitcast3A_190, %bitcast3A_222 : vector<32xbf16>
        %max3A_236 = arith.maximumf %broadcast_in_dim3A_10, %sub3A_235 : vector<32xbf16>
        %get3A_237 = arith.index_cast %add3A_118 : i32 to index
        %get3A_238 = arith.constant 16 : index
        %get3A_239 = tpu.vector_load %arg10[%get3A_237, %get3A_238] {strides = array<i32>} : memref<80x64xi32, #tpu.memory_space<vmem>>, vector<16xi32>,
        %bitcast3A_240 = vector.bitcast %get3A_239 : vector<16xi32> to vector<32xbf16>
        %get3A_241 = arith.index_cast %add3A_124 : i32 to index
        %get3A_242 = arith.constant 16 : index
        %get3A_243 = tpu.vector_load %arg10[%get3A_241, %get3A_242] {strides = array<i32>} : memref<80x64xi32, #tpu.memory_space<vmem>>, vector<16xi32>,
        %bitcast3A_244 = vector.bitcast %get3A_243 : vector<16xi32> to vector<32xbf16>
        %get3A_245 = arith.index_cast %add3A_130 : i32 to index
        %get3A_246 = arith.constant 16 : index
        %get3A_247 = tpu.vector_load %arg10[%get3A_245, %get3A_246] {strides = array<i32>} : memref<80x64xi32, #tpu.memory_space<vmem>>, vector<16xi32>,
        %bitcast3A_248 = vector.bitcast %get3A_247 : vector<16xi32> to vector<32xbf16>
        %get3A_249 = arith.index_cast %add3A_136 : i32 to index
        %get3A_250 = arith.constant 16 : index
        %get3A_251 = tpu.vector_load %arg10[%get3A_249, %get3A_250] {strides = array<i32>} : memref<80x64xi32, #tpu.memory_space<vmem>>, vector<16xi32>,
        %bitcast3A_252 = vector.bitcast %get3A_251 : vector<16xi32> to vector<32xbf16>
        %get3A_253 = arith.index_cast %add3A_142 : i32 to index
        %get3A_254 = arith.constant 16 : index
        %get3A_255 = tpu.vector_load %arg10[%get3A_253, %get3A_254] {strides = array<i32>} : memref<80x64xi32, #tpu.memory_space<vmem>>, vector<16xi32>,
        %bitcast3A_256 = vector.bitcast %get3A_255 : vector<16xi32> to vector<32xbf16>
        %get3A_257 = arith.index_cast %add3A_148 : i32 to index
        %get3A_258 = arith.constant 16 : index
        %get3A_259 = tpu.vector_load %arg10[%get3A_257, %get3A_258] {strides = array<i32>} : memref<80x64xi32, #tpu.memory_space<vmem>>, vector<16xi32>,
        %bitcast3A_260 = vector.bitcast %get3A_259 : vector<16xi32> to vector<32xbf16>
        %get3A_261 = arith.index_cast %add3A_154 : i32 to index
        %get3A_262 = arith.constant 16 : index
        %get3A_263 = tpu.vector_load %arg10[%get3A_261, %get3A_262] {strides = array<i32>} : memref<80x64xi32, #tpu.memory_space<vmem>>, vector<16xi32>,
        %bitcast3A_264 = vector.bitcast %get3A_263 : vector<16xi32> to vector<32xbf16>
        %get3A_265 = arith.index_cast %add3A_160 : i32 to index
        %get3A_266 = arith.constant 16 : index
        %get3A_267 = tpu.vector_load %arg10[%get3A_265, %get3A_266] {strides = array<i32>} : memref<80x64xi32, #tpu.memory_space<vmem>>, vector<16xi32>,
        %bitcast3A_268 = vector.bitcast %get3A_267 : vector<16xi32> to vector<32xbf16>
        %get3A_269 = arith.index_cast %add3A_118 : i32 to index
        %get3A_270 = arith.constant 16 : index
        %get3A_271 = tpu.vector_load %arg11[%get3A_269, %get3A_270] {strides = array<i32>} : memref<80x64xi32, #tpu.memory_space<vmem>>, vector<16xi32>,
        %bitcast3A_272 = vector.bitcast %get3A_271 : vector<16xi32> to vector<32xbf16>
        %get3A_273 = arith.index_cast %add3A_124 : i32 to index
        %get3A_274 = arith.constant 16 : index
        %get3A_275 = tpu.vector_load %arg11[%get3A_273, %get3A_274] {strides = array<i32>} : memref<80x64xi32, #tpu.memory_space<vmem>>, vector<16xi32>,
        %bitcast3A_276 = vector.bitcast %get3A_275 : vector<16xi32> to vector<32xbf16>
        %get3A_277 = arith.index_cast %add3A_130 : i32 to index
        %get3A_278 = arith.constant 16 : index
        %get3A_279 = tpu.vector_load %arg11[%get3A_277, %get3A_278] {strides = array<i32>} : memref<80x64xi32, #tpu.memory_space<vmem>>, vector<16xi32>,
        %bitcast3A_280 = vector.bitcast %get3A_279 : vector<16xi32> to vector<32xbf16>
        %get3A_281 = arith.index_cast %add3A_136 : i32 to index
        %get3A_282 = arith.constant 16 : index
        %get3A_283 = tpu.vector_load %arg11[%get3A_281, %get3A_282] {strides = array<i32>} : memref<80x64xi32, #tpu.memory_space<vmem>>, vector<16xi32>,
        %bitcast3A_284 = vector.bitcast %get3A_283 : vector<16xi32> to vector<32xbf16>
        %get3A_285 = arith.index_cast %add3A_142 : i32 to index
        %get3A_286 = arith.constant 16 : index
        %get3A_287 = tpu.vector_load %arg11[%get3A_285, %get3A_286] {strides = array<i32>} : memref<80x64xi32, #tpu.memory_space<vmem>>, vector<16xi32>,
        %bitcast3A_288 = vector.bitcast %get3A_287 : vector<16xi32> to vector<32xbf16>
        %get3A_289 = arith.index_cast %add3A_148 : i32 to index
        %get3A_290 = arith.constant 16 : index
        %get3A_291 = tpu.vector_load %arg11[%get3A_289, %get3A_290] {strides = array<i32>} : memref<80x64xi32, #tpu.memory_space<vmem>>, vector<16xi32>,
        %bitcast3A_292 = vector.bitcast %get3A_291 : vector<16xi32> to vector<32xbf16>
        %get3A_293 = arith.index_cast %add3A_154 : i32 to index
        %get3A_294 = arith.constant 16 : index
        %get3A_295 = tpu.vector_load %arg11[%get3A_293, %get3A_294] {strides = array<i32>} : memref<80x64xi32, #tpu.memory_space<vmem>>, vector<16xi32>,
        %bitcast3A_296 = vector.bitcast %get3A_295 : vector<16xi32> to vector<32xbf16>
        %get3A_297 = arith.index_cast %add3A_160 : i32 to index
        %get3A_298 = arith.constant 16 : index
        %get3A_299 = tpu.vector_load %arg11[%get3A_297, %get3A_298] {strides = array<i32>} : memref<80x64xi32, #tpu.memory_space<vmem>>, vector<16xi32>,
        %bitcast3A_300 = vector.bitcast %get3A_299 : vector<16xi32> to vector<32xbf16>
        %sub3A_301 = arith.subf %bitcast3A_240, %bitcast3A_272 : vector<32xbf16>
        %max3A_302 = arith.maximumf %max3A, %sub3A_301 : vector<32xbf16>
        %sub3A_303 = arith.subf %bitcast3A_244, %bitcast3A_276 : vector<32xbf16>
        %max3A_304 = arith.maximumf %max3A_224, %sub3A_303 : vector<32xbf16>
        %sub3A_305 = arith.subf %bitcast3A_248, %bitcast3A_280 : vector<32xbf16>
        %max3A_306 = arith.maximumf %max3A_226, %sub3A_305 : vector<32xbf16>
        %sub3A_307 = arith.subf %bitcast3A_252, %bitcast3A_284 : vector<32xbf16>
        %max3A_308 = arith.maximumf %max3A_228, %sub3A_307 : vector<32xbf16>
        %sub3A_309 = arith.subf %bitcast3A_256, %bitcast3A_288 : vector<32xbf16>
        %max3A_310 = arith.maximumf %max3A_230, %sub3A_309 : vector<32xbf16>
        %sub3A_311 = arith.subf %bitcast3A_260, %bitcast3A_292 : vector<32xbf16>
        %max3A_312 = arith.maximumf %max3A_232, %sub3A_311 : vector<32xbf16>
        %sub3A_313 = arith.subf %bitcast3A_264, %bitcast3A_296 : vector<32xbf16>
        %max3A_314 = arith.maximumf %max3A_234, %sub3A_313 : vector<32xbf16>
        %sub3A_315 = arith.subf %bitcast3A_268, %bitcast3A_300 : vector<32xbf16>
        %max3A_316 = arith.maximumf %max3A_236, %sub3A_315 : vector<32xbf16>
        %get3A_317 = arith.index_cast %add3A_118 : i32 to index
        %get3A_318 = arith.constant 32 : index
        %get3A_319 = tpu.vector_load %arg10[%get3A_317, %get3A_318] {strides = array<i32>} : memref<80x64xi32, #tpu.memory_space<vmem>>, vector<16xi32>,
        %bitcast3A_320 = vector.bitcast %get3A_319 : vector<16xi32> to vector<32xbf16>
        %get3A_321 = arith.index_cast %add3A_124 : i32 to index
        %get3A_322 = arith.constant 32 : index
        %get3A_323 = tpu.vector_load %arg10[%get3A_321, %get3A_322] {strides = array<i32>} : memref<80x64xi32, #tpu.memory_space<vmem>>, vector<16xi32>,
        %bitcast3A_324 = vector.bitcast %get3A_323 : vector<16xi32> to vector<32xbf16>
        %get3A_325 = arith.index_cast %add3A_130 : i32 to index
        %get3A_326 = arith.constant 32 : index
        %get3A_327 = tpu.vector_load %arg10[%get3A_325, %get3A_326] {strides = array<i32>} : memref<80x64xi32, #tpu.memory_space<vmem>>, vector<16xi32>,
        %bitcast3A_328 = vector.bitcast %get3A_327 : vector<16xi32> to vector<32xbf16>
        %get3A_329 = arith.index_cast %add3A_136 : i32 to index
        %get3A_330 = arith.constant 32 : index
        %get3A_331 = tpu.vector_load %arg10[%get3A_329, %get3A_330] {strides = array<i32>} : memref<80x64xi32, #tpu.memory_space<vmem>>, vector<16xi32>,
        %bitcast3A_332 = vector.bitcast %get3A_331 : vector<16xi32> to vector<32xbf16>
        %get3A_333 = arith.index_cast %add3A_142 : i32 to index
        %get3A_334 = arith.constant 32 : index
        %get3A_335 = tpu.vector_load %arg10[%get3A_333, %get3A_334] {strides = array<i32>} : memref<80x64xi32, #tpu.memory_space<vmem>>, vector<16xi32>,
        %bitcast3A_336 = vector.bitcast %get3A_335 : vector<16xi32> to vector<32xbf16>
        %get3A_337 = arith.index_cast %add3A_148 : i32 to index
        %get3A_338 = arith.constant 32 : index
        %get3A_339 = tpu.vector_load %arg10[%get3A_337, %get3A_338] {strides = array<i32>} : memref<80x64xi32, #tpu.memory_space<vmem>>, vector<16xi32>,
        %bitcast3A_340 = vector.bitcast %get3A_339 : vector<16xi32> to vector<32xbf16>
        %get3A_341 = arith.index_cast %add3A_154 : i32 to index
        %get3A_342 = arith.constant 32 : index
        %get3A_343 = tpu.vector_load %arg10[%get3A_341, %get3A_342] {strides = array<i32>} : memref<80x64xi32, #tpu.memory_space<vmem>>, vector<16xi32>,
        %bitcast3A_344 = vector.bitcast %get3A_343 : vector<16xi32> to vector<32xbf16>
        %get3A_345 = arith.index_cast %add3A_160 : i32 to index
        %get3A_346 = arith.constant 32 : index
        %get3A_347 = tpu.vector_load %arg10[%get3A_345, %get3A_346] {strides = array<i32>} : memref<80x64xi32, #tpu.memory_space<vmem>>, vector<16xi32>,
        %bitcast3A_348 = vector.bitcast %get3A_347 : vector<16xi32> to vector<32xbf16>
        %get3A_349 = arith.index_cast %add3A_118 : i32 to index
        %get3A_350 = arith.constant 32 : index
        %get3A_351 = tpu.vector_load %arg11[%get3A_349, %get3A_350] {strides = array<i32>} : memref<80x64xi32, #tpu.memory_space<vmem>>, vector<16xi32>,
        %bitcast3A_352 = vector.bitcast %get3A_351 : vector<16xi32> to vector<32xbf16>
        %get3A_353 = arith.index_cast %add3A_124 : i32 to index
        %get3A_354 = arith.constant 32 : index
        %get3A_355 = tpu.vector_load %arg11[%get3A_353, %get3A_354] {strides = array<i32>} : memref<80x64xi32, #tpu.memory_space<vmem>>, vector<16xi32>,
        %bitcast3A_356 = vector.bitcast %get3A_355 : vector<16xi32> to vector<32xbf16>
        %get3A_357 = arith.index_cast %add3A_130 : i32 to index
        %get3A_358 = arith.constant 32 : index
        %get3A_359 = tpu.vector_load %arg11[%get3A_357, %get3A_358] {strides = array<i32>} : memref<80x64xi32, #tpu.memory_space<vmem>>, vector<16xi32>,
        %bitcast3A_360 = vector.bitcast %get3A_359 : vector<16xi32> to vector<32xbf16>
        %get3A_361 = arith.index_cast %add3A_136 : i32 to index
        %get3A_362 = arith.constant 32 : index
        %get3A_363 = tpu.vector_load %arg11[%get3A_361, %get3A_362] {strides = array<i32>} : memref<80x64xi32, #tpu.memory_space<vmem>>, vector<16xi32>,
        %bitcast3A_364 = vector.bitcast %get3A_363 : vector<16xi32> to vector<32xbf16>
        %get3A_365 = arith.index_cast %add3A_142 : i32 to index
        %get3A_366 = arith.constant 32 : index
        %get3A_367 = tpu.vector_load %arg11[%get3A_365, %get3A_366] {strides = array<i32>} : memref<80x64xi32, #tpu.memory_space<vmem>>, vector<16xi32>,
        %bitcast3A_368 = vector.bitcast %get3A_367 : vector<16xi32> to vector<32xbf16>
        %get3A_369 = arith.index_cast %add3A_148 : i32 to index
        %get3A_370 = arith.constant 32 : index
        %get3A_371 = tpu.vector_load %arg11[%get3A_369, %get3A_370] {strides = array<i32>} : memref<80x64xi32, #tpu.memory_space<vmem>>, vector<16xi32>,
        %bitcast3A_372 = vector.bitcast %get3A_371 : vector<16xi32> to vector<32xbf16>
        %get3A_373 = arith.index_cast %add3A_154 : i32 to index
        %get3A_374 = arith.constant 32 : index
        %get3A_375 = tpu.vector_load %arg11[%get3A_373, %get3A_374] {strides = array<i32>} : memref<80x64xi32, #tpu.memory_space<vmem>>, vector<16xi32>,
        %bitcast3A_376 = vector.bitcast %get3A_375 : vector<16xi32> to vector<32xbf16>
        %get3A_377 = arith.index_cast %add3A_160 : i32 to index
        %get3A_378 = arith.constant 32 : index
        %get3A_379 = tpu.vector_load %arg11[%get3A_377, %get3A_378] {strides = array<i32>} : memref<80x64xi32, #tpu.memory_space<vmem>>, vector<16xi32>,
        %bitcast3A_380 = vector.bitcast %get3A_379 : vector<16xi32> to vector<32xbf16>
        %sub3A_381 = arith.subf %bitcast3A_320, %bitcast3A_352 : vector<32xbf16>
        %max3A_382 = arith.maximumf %max3A_302, %sub3A_381 : vector<32xbf16>
        %sub3A_383 = arith.subf %bitcast3A_324, %bitcast3A_356 : vector<32xbf16>
        %max3A_384 = arith.maximumf %max3A_304, %sub3A_383 : vector<32xbf16>
        %sub3A_385 = arith.subf %bitcast3A_328, %bitcast3A_360 : vector<32xbf16>
        %max3A_386 = arith.maximumf %max3A_306, %sub3A_385 : vector<32xbf16>
        %sub3A_387 = arith.subf %bitcast3A_332, %bitcast3A_364 : vector<32xbf16>
        %max3A_388 = arith.maximumf %max3A_308, %sub3A_387 : vector<32xbf16>
        %sub3A_389 = arith.subf %bitcast3A_336, %bitcast3A_368 : vector<32xbf16>
        %max3A_390 = arith.maximumf %max3A_310, %sub3A_389 : vector<32xbf16>
        %sub3A_391 = arith.subf %bitcast3A_340, %bitcast3A_372 : vector<32xbf16>
        %max3A_392 = arith.maximumf %max3A_312, %sub3A_391 : vector<32xbf16>
        %sub3A_393 = arith.subf %bitcast3A_344, %bitcast3A_376 : vector<32xbf16>
        %max3A_394 = arith.maximumf %max3A_314, %sub3A_393 : vector<32xbf16>
        %sub3A_395 = arith.subf %bitcast3A_348, %bitcast3A_380 : vector<32xbf16>
        %max3A_396 = arith.maximumf %max3A_316, %sub3A_395 : vector<32xbf16>
        %get3A_397 = arith.index_cast %add3A_118 : i32 to index
        %get3A_398 = arith.constant 48 : index
        %get3A_399 = tpu.vector_load %arg10[%get3A_397, %get3A_398] {strides = array<i32>} : memref<80x64xi32, #tpu.memory_space<vmem>>, vector<16xi32>,
        %bitcast3A_400 = vector.bitcast %get3A_399 : vector<16xi32> to vector<32xbf16>
        %get3A_401 = arith.index_cast %add3A_124 : i32 to index
        %get3A_402 = arith.constant 48 : index
        %get3A_403 = tpu.vector_load %arg10[%get3A_401, %get3A_402] {strides = array<i32>} : memref<80x64xi32, #tpu.memory_space<vmem>>, vector<16xi32>,
        %bitcast3A_404 = vector.bitcast %get3A_403 : vector<16xi32> to vector<32xbf16>
        %get3A_405 = arith.index_cast %add3A_130 : i32 to index
        %get3A_406 = arith.constant 48 : index
        %get3A_407 = tpu.vector_load %arg10[%get3A_405, %get3A_406] {strides = array<i32>} : memref<80x64xi32, #tpu.memory_space<vmem>>, vector<16xi32>,
        %bitcast3A_408 = vector.bitcast %get3A_407 : vector<16xi32> to vector<32xbf16>
        %get3A_409 = arith.index_cast %add3A_136 : i32 to index
        %get3A_410 = arith.constant 48 : index
        %get3A_411 = tpu.vector_load %arg10[%get3A_409, %get3A_410] {strides = array<i32>} : memref<80x64xi32, #tpu.memory_space<vmem>>, vector<16xi32>,
        %bitcast3A_412 = vector.bitcast %get3A_411 : vector<16xi32> to vector<32xbf16>
        %get3A_413 = arith.index_cast %add3A_142 : i32 to index
        %get3A_414 = arith.constant 48 : index
        %get3A_415 = tpu.vector_load %arg10[%get3A_413, %get3A_414] {strides = array<i32>} : memref<80x64xi32, #tpu.memory_space<vmem>>, vector<16xi32>,
        %bitcast3A_416 = vector.bitcast %get3A_415 : vector<16xi32> to vector<32xbf16>
        %get3A_417 = arith.index_cast %add3A_148 : i32 to index
        %get3A_418 = arith.constant 48 : index
        %get3A_419 = tpu.vector_load %arg10[%get3A_417, %get3A_418] {strides = array<i32>} : memref<80x64xi32, #tpu.memory_space<vmem>>, vector<16xi32>,
        %bitcast3A_420 = vector.bitcast %get3A_419 : vector<16xi32> to vector<32xbf16>
        %get3A_421 = arith.index_cast %add3A_154 : i32 to index
        %get3A_422 = arith.constant 48 : index
        %get3A_423 = tpu.vector_load %arg10[%get3A_421, %get3A_422] {strides = array<i32>} : memref<80x64xi32, #tpu.memory_space<vmem>>, vector<16xi32>,
        %bitcast3A_424 = vector.bitcast %get3A_423 : vector<16xi32> to vector<32xbf16>
        %get3A_425 = arith.index_cast %add3A_160 : i32 to index
        %get3A_426 = arith.constant 48 : index
        %get3A_427 = tpu.vector_load %arg10[%get3A_425, %get3A_426] {strides = array<i32>} : memref<80x64xi32, #tpu.memory_space<vmem>>, vector<16xi32>,
        %bitcast3A_428 = vector.bitcast %get3A_427 : vector<16xi32> to vector<32xbf16>
        %get3A_429 = arith.index_cast %add3A_118 : i32 to index
        %get3A_430 = arith.constant 48 : index
        %get3A_431 = tpu.vector_load %arg11[%get3A_429, %get3A_430] {strides = array<i32>} : memref<80x64xi32, #tpu.memory_space<vmem>>, vector<16xi32>,
        %bitcast3A_432 = vector.bitcast %get3A_431 : vector<16xi32> to vector<32xbf16>
        %get3A_433 = arith.index_cast %add3A_124 : i32 to index
        %get3A_434 = arith.constant 48 : index
        %get3A_435 = tpu.vector_load %arg11[%get3A_433, %get3A_434] {strides = array<i32>} : memref<80x64xi32, #tpu.memory_space<vmem>>, vector<16xi32>,
        %bitcast3A_436 = vector.bitcast %get3A_435 : vector<16xi32> to vector<32xbf16>
        %get3A_437 = arith.index_cast %add3A_130 : i32 to index
        %get3A_438 = arith.constant 48 : index
        %get3A_439 = tpu.vector_load %arg11[%get3A_437, %get3A_438] {strides = array<i32>} : memref<80x64xi32, #tpu.memory_space<vmem>>, vector<16xi32>,
        %bitcast3A_440 = vector.bitcast %get3A_439 : vector<16xi32> to vector<32xbf16>
        %get3A_441 = arith.index_cast %add3A_136 : i32 to index
        %get3A_442 = arith.constant 48 : index
        %get3A_443 = tpu.vector_load %arg11[%get3A_441, %get3A_442] {strides = array<i32>} : memref<80x64xi32, #tpu.memory_space<vmem>>, vector<16xi32>,
        %bitcast3A_444 = vector.bitcast %get3A_443 : vector<16xi32> to vector<32xbf16>
        %get3A_445 = arith.index_cast %add3A_142 : i32 to index
        %get3A_446 = arith.constant 48 : index
        %get3A_447 = tpu.vector_load %arg11[%get3A_445, %get3A_446] {strides = array<i32>} : memref<80x64xi32, #tpu.memory_space<vmem>>, vector<16xi32>,
        %bitcast3A_448 = vector.bitcast %get3A_447 : vector<16xi32> to vector<32xbf16>
        %get3A_449 = arith.index_cast %add3A_148 : i32 to index
        %get3A_450 = arith.constant 48 : index
        %get3A_451 = tpu.vector_load %arg11[%get3A_449, %get3A_450] {strides = array<i32>} : memref<80x64xi32, #tpu.memory_space<vmem>>, vector<16xi32>,
        %bitcast3A_452 = vector.bitcast %get3A_451 : vector<16xi32> to vector<32xbf16>
        %get3A_453 = arith.index_cast %add3A_154 : i32 to index
        %get3A_454 = arith.constant 48 : index
        %get3A_455 = tpu.vector_load %arg11[%get3A_453, %get3A_454] {strides = array<i32>} : memref<80x64xi32, #tpu.memory_space<vmem>>, vector<16xi32>,
        %bitcast3A_456 = vector.bitcast %get3A_455 : vector<16xi32> to vector<32xbf16>
        %get3A_457 = arith.index_cast %add3A_160 : i32 to index
        %get3A_458 = arith.constant 48 : index
        %get3A_459 = tpu.vector_load %arg11[%get3A_457, %get3A_458] {strides = array<i32>} : memref<80x64xi32, #tpu.memory_space<vmem>>, vector<16xi32>,
        %bitcast3A_460 = vector.bitcast %get3A_459 : vector<16xi32> to vector<32xbf16>
        %sub3A_461 = arith.subf %bitcast3A_400, %bitcast3A_432 : vector<32xbf16>
        %max3A_462 = arith.maximumf %max3A_382, %sub3A_461 : vector<32xbf16>
        %sub3A_463 = arith.subf %bitcast3A_404, %bitcast3A_436 : vector<32xbf16>
        %max3A_464 = arith.maximumf %max3A_384, %sub3A_463 : vector<32xbf16>
        %sub3A_465 = arith.subf %bitcast3A_408, %bitcast3A_440 : vector<32xbf16>
        %max3A_466 = arith.maximumf %max3A_386, %sub3A_465 : vector<32xbf16>
        %sub3A_467 = arith.subf %bitcast3A_412, %bitcast3A_444 : vector<32xbf16>
        %max3A_468 = arith.maximumf %max3A_388, %sub3A_467 : vector<32xbf16>
        %sub3A_469 = arith.subf %bitcast3A_416, %bitcast3A_448 : vector<32xbf16>
        %max3A_470 = arith.maximumf %max3A_390, %sub3A_469 : vector<32xbf16>
        %sub3A_471 = arith.subf %bitcast3A_420, %bitcast3A_452 : vector<32xbf16>
        %max3A_472 = arith.maximumf %max3A_392, %sub3A_471 : vector<32xbf16>
        %sub3A_473 = arith.subf %bitcast3A_424, %bitcast3A_456 : vector<32xbf16>
        %max3A_474 = arith.maximumf %max3A_394, %sub3A_473 : vector<32xbf16>
        %sub3A_475 = arith.subf %bitcast3A_428, %bitcast3A_460 : vector<32xbf16>
        %max3A_476 = arith.maximumf %max3A_396, %sub3A_475 : vector<32xbf16>
        %bitcast3A_477 = vector.bitcast %max3A_462 : vector<32xbf16> to vector<16xi32>
        %bitcast3A_478 = vector.bitcast %max3A_464 : vector<32xbf16> to vector<16xi32>
        %bitcast3A_479 = vector.bitcast %max3A_466 : vector<32xbf16> to vector<16xi32>
        %bitcast3A_480 = vector.bitcast %max3A_468 : vector<32xbf16> to vector<16xi32>
        %bitcast3A_481 = vector.bitcast %max3A_470 : vector<32xbf16> to vector<16xi32>
        %bitcast3A_482 = vector.bitcast %max3A_472 : vector<32xbf16> to vector<16xi32>
        %bitcast3A_483 = vector.bitcast %max3A_474 : vector<32xbf16> to vector<16xi32>
        %bitcast3A_484 = vector.bitcast %max3A_476 : vector<32xbf16> to vector<16xi32>
        %shift_left3A = arith.constant 16 : i32
        %shift_left3A_485 = vector.broadcast %shift_left3A : i32 to vector<16xi32>
        %shift_left3A_486 = arith.shli %bitcast3A_477, %shift_left3A_485 : vector<16xi32>
        %bitcast3A_487 = vector.bitcast %shift_left3A_486 : vector<16xi32> to vector<16xf32>
        %shift_left3A_488 = arith.constant 16 : i32
        %shift_left3A_489 = vector.broadcast %shift_left3A_488 : i32 to vector<16xi32>
        %shift_left3A_490 = arith.shli %bitcast3A_478, %shift_left3A_489 : vector<16xi32>
        %bitcast3A_491 = vector.bitcast %shift_left3A_490 : vector<16xi32> to vector<16xf32>
        %shift_left3A_492 = arith.constant 16 : i32
        %shift_left3A_493 = vector.broadcast %shift_left3A_492 : i32 to vector<16xi32>
        %shift_left3A_494 = arith.shli %bitcast3A_479, %shift_left3A_493 : vector<16xi32>
        %bitcast3A_495 = vector.bitcast %shift_left3A_494 : vector<16xi32> to vector<16xf32>
        %shift_left3A_496 = arith.constant 16 : i32
        %shift_left3A_497 = vector.broadcast %shift_left3A_496 : i32 to vector<16xi32>
        %shift_left3A_498 = arith.shli %bitcast3A_480, %shift_left3A_497 : vector<16xi32>
        %bitcast3A_499 = vector.bitcast %shift_left3A_498 : vector<16xi32> to vector<16xf32>
        %shift_left3A_500 = arith.constant 16 : i32
        %shift_left3A_501 = vector.broadcast %shift_left3A_500 : i32 to vector<16xi32>
        %shift_left3A_502 = arith.shli %bitcast3A_481, %shift_left3A_501 : vector<16xi32>
        %bitcast3A_503 = vector.bitcast %shift_left3A_502 : vector<16xi32> to vector<16xf32>
        %shift_left3A_504 = arith.constant 16 : i32
        %shift_left3A_505 = vector.broadcast %shift_left3A_504 : i32 to vector<16xi32>
        %shift_left3A_506 = arith.shli %bitcast3A_482, %shift_left3A_505 : vector<16xi32>
        %bitcast3A_507 = vector.bitcast %shift_left3A_506 : vector<16xi32> to vector<16xf32>
        %shift_left3A_508 = arith.constant 16 : i32
        %shift_left3A_509 = vector.broadcast %shift_left3A_508 : i32 to vector<16xi32>
        %shift_left3A_510 = arith.shli %bitcast3A_483, %shift_left3A_509 : vector<16xi32>
        %bitcast3A_511 = vector.bitcast %shift_left3A_510 : vector<16xi32> to vector<16xf32>
        %shift_left3A_512 = arith.constant 16 : i32
        %shift_left3A_513 = vector.broadcast %shift_left3A_512 : i32 to vector<16xi32>
        %shift_left3A_514 = arith.shli %bitcast3A_484, %shift_left3A_513 : vector<16xi32>
        %bitcast3A_515 = vector.bitcast %shift_left3A_514 : vector<16xi32> to vector<16xf32>
        %and3A = arith.andi %bitcast3A_477, %broadcast_in_dim3A_14 : vector<16xi32>
        %bitcast3A_516 = vector.bitcast %and3A : vector<16xi32> to vector<16xf32>
        %and3A_517 = arith.andi %bitcast3A_478, %broadcast_in_dim3A_14 : vector<16xi32>
        %bitcast3A_518 = vector.bitcast %and3A_517 : vector<16xi32> to vector<16xf32>
        %and3A_519 = arith.andi %bitcast3A_479, %broadcast_in_dim3A_14 : vector<16xi32>
        %bitcast3A_520 = vector.bitcast %and3A_519 : vector<16xi32> to vector<16xf32>
        %and3A_521 = arith.andi %bitcast3A_480, %broadcast_in_dim3A_14 : vector<16xi32>
        %bitcast3A_522 = vector.bitcast %and3A_521 : vector<16xi32> to vector<16xf32>
        %and3A_523 = arith.andi %bitcast3A_481, %broadcast_in_dim3A_14 : vector<16xi32>
        %bitcast3A_524 = vector.bitcast %and3A_523 : vector<16xi32> to vector<16xf32>
        %and3A_525 = arith.andi %bitcast3A_482, %broadcast_in_dim3A_14 : vector<16xi32>
        %bitcast3A_526 = vector.bitcast %and3A_525 : vector<16xi32> to vector<16xf32>
        %and3A_527 = arith.andi %bitcast3A_483, %broadcast_in_dim3A_14 : vector<16xi32>
        %bitcast3A_528 = vector.bitcast %and3A_527 : vector<16xi32> to vector<16xf32>
        %and3A_529 = arith.andi %bitcast3A_484, %broadcast_in_dim3A_14 : vector<16xi32>
        %bitcast3A_530 = vector.bitcast %and3A_529 : vector<16xi32> to vector<16xf32>
        %max3A_531 = arith.maximumf %bitcast3A_487, %bitcast3A_516 : vector<16xf32>
        %broadcast_in_dim3A_532 = arith.constant true
        %broadcast_in_dim3A_533 = vector.broadcast %broadcast_in_dim3A_532 : i1 to vector<16xi1>
        %masked_cummax3A = tpu.scan <max>, %max3A_531 masked %broadcast_in_dim3A_533 : vector<16xf32>, vector<16xi1> -> vector<16xf32>
        %max3A_534 = arith.maximumf %bitcast3A_491, %bitcast3A_518 : vector<16xf32>
        %broadcast_in_dim3A_535 = arith.constant true
        %broadcast_in_dim3A_536 = vector.broadcast %broadcast_in_dim3A_535 : i1 to vector<16xi1>
        %masked_cummax3A_537 = tpu.scan <max>, %max3A_534 masked %broadcast_in_dim3A_536 : vector<16xf32>, vector<16xi1> -> vector<16xf32>
        %max3A_538 = arith.maximumf %bitcast3A_495, %bitcast3A_520 : vector<16xf32>
        %broadcast_in_dim3A_539 = arith.constant true
        %broadcast_in_dim3A_540 = vector.broadcast %broadcast_in_dim3A_539 : i1 to vector<16xi1>
        %masked_cummax3A_541 = tpu.scan <max>, %max3A_538 masked %broadcast_in_dim3A_540 : vector<16xf32>, vector<16xi1> -> vector<16xf32>
        %max3A_542 = arith.maximumf %bitcast3A_499, %bitcast3A_522 : vector<16xf32>
        %broadcast_in_dim3A_543 = arith.constant true
        %broadcast_in_dim3A_544 = vector.broadcast %broadcast_in_dim3A_543 : i1 to vector<16xi1>
        %masked_cummax3A_545 = tpu.scan <max>, %max3A_542 masked %broadcast_in_dim3A_544 : vector<16xf32>, vector<16xi1> -> vector<16xf32>
        %max3A_546 = arith.maximumf %bitcast3A_503, %bitcast3A_524 : vector<16xf32>
        %broadcast_in_dim3A_547 = arith.constant true
        %broadcast_in_dim3A_548 = vector.broadcast %broadcast_in_dim3A_547 : i1 to vector<16xi1>
        %masked_cummax3A_549 = tpu.scan <max>, %max3A_546 masked %broadcast_in_dim3A_548 : vector<16xf32>, vector<16xi1> -> vector<16xf32>
        %max3A_550 = arith.maximumf %bitcast3A_507, %bitcast3A_526 : vector<16xf32>
        %broadcast_in_dim3A_551 = arith.constant true
        %broadcast_in_dim3A_552 = vector.broadcast %broadcast_in_dim3A_551 : i1 to vector<16xi1>
        %masked_cummax3A_553 = tpu.scan <max>, %max3A_550 masked %broadcast_in_dim3A_552 : vector<16xf32>, vector<16xi1> -> vector<16xf32>
        %max3A_554 = arith.maximumf %bitcast3A_511, %bitcast3A_528 : vector<16xf32>
        %broadcast_in_dim3A_555 = arith.constant true
        %broadcast_in_dim3A_556 = vector.broadcast %broadcast_in_dim3A_555 : i1 to vector<16xi1>
        %masked_cummax3A_557 = tpu.scan <max>, %max3A_554 masked %broadcast_in_dim3A_556 : vector<16xf32>, vector<16xi1> -> vector<16xf32>
        %max3A_558 = arith.maximumf %bitcast3A_515, %bitcast3A_530 : vector<16xf32>
        %broadcast_in_dim3A_559 = arith.constant true
        %broadcast_in_dim3A_560 = vector.broadcast %broadcast_in_dim3A_559 : i1 to vector<16xi1>
        %masked_cummax3A_561 = tpu.scan <max>, %max3A_558 masked %broadcast_in_dim3A_560 : vector<16xf32>, vector<16xi1> -> vector<16xf32>
        %broadcast_in_dim3A_562 = arith.constant 0 : i32
        %broadcast_in_dim3A_563 = vector.broadcast %broadcast_in_dim3A_562 : i32 to vector<16xi32>
        tpu.vector_store_idx %arg15[%broadcast_in_dim3A_563], %masked_cummax3A masked %eq3A_12 : memref<16xf32, #tpu.memory_space<vmem>>[vector<16xi32>], vector<16xf32>, vector<16xi1>
        %broadcast_in_dim3A_564 = arith.constant 1 : i32
        %broadcast_in_dim3A_565 = vector.broadcast %broadcast_in_dim3A_564 : i32 to vector<16xi32>
        tpu.vector_store_idx %arg15[%broadcast_in_dim3A_565], %masked_cummax3A_537 masked %eq3A_12 : memref<16xf32, #tpu.memory_space<vmem>>[vector<16xi32>], vector<16xf32>, vector<16xi1>
        %broadcast_in_dim3A_566 = arith.constant 2 : i32
        %broadcast_in_dim3A_567 = vector.broadcast %broadcast_in_dim3A_566 : i32 to vector<16xi32>
        tpu.vector_store_idx %arg15[%broadcast_in_dim3A_567], %masked_cummax3A_541 masked %eq3A_12 : memref<16xf32, #tpu.memory_space<vmem>>[vector<16xi32>], vector<16xf32>, vector<16xi1>
        %broadcast_in_dim3A_568 = arith.constant 3 : i32
        %broadcast_in_dim3A_569 = vector.broadcast %broadcast_in_dim3A_568 : i32 to vector<16xi32>
        tpu.vector_store_idx %arg15[%broadcast_in_dim3A_569], %masked_cummax3A_545 masked %eq3A_12 : memref<16xf32, #tpu.memory_space<vmem>>[vector<16xi32>], vector<16xf32>, vector<16xi1>
        %broadcast_in_dim3A_570 = arith.constant 4 : i32
        %broadcast_in_dim3A_571 = vector.broadcast %broadcast_in_dim3A_570 : i32 to vector<16xi32>
        tpu.vector_store_idx %arg15[%broadcast_in_dim3A_571], %masked_cummax3A_549 masked %eq3A_12 : memref<16xf32, #tpu.memory_space<vmem>>[vector<16xi32>], vector<16xf32>, vector<16xi1>
        %broadcast_in_dim3A_572 = arith.constant 5 : i32
        %broadcast_in_dim3A_573 = vector.broadcast %broadcast_in_dim3A_572 : i32 to vector<16xi32>
        tpu.vector_store_idx %arg15[%broadcast_in_dim3A_573], %masked_cummax3A_553 masked %eq3A_12 : memref<16xf32, #tpu.memory_space<vmem>>[vector<16xi32>], vector<16xf32>, vector<16xi1>
        %broadcast_in_dim3A_574 = arith.constant 6 : i32
        %broadcast_in_dim3A_575 = vector.broadcast %broadcast_in_dim3A_574 : i32 to vector<16xi32>
        tpu.vector_store_idx %arg15[%broadcast_in_dim3A_575], %masked_cummax3A_557 masked %eq3A_12 : memref<16xf32, #tpu.memory_space<vmem>>[vector<16xi32>], vector<16xf32>, vector<16xi1>
        %broadcast_in_dim3A_576 = arith.constant 7 : i32
        %broadcast_in_dim3A_577 = vector.broadcast %broadcast_in_dim3A_576 : i32 to vector<16xi32>
        tpu.vector_store_idx %arg15[%broadcast_in_dim3A_577], %masked_cummax3A_561 masked %eq3A_12 : memref<16xf32, #tpu.memory_space<vmem>>[vector<16xi32>], vector<16xf32>, vector<16xi1>
        %mul3A_578 = arith.constant 16 : i32
        %mul3A_579 = arith.muli %scan3A_112, %mul3A_578 : i32
        %add3A_580 = arith.constant 8 : i32
        %add3A_581 = arith.addi %mul3A_579, %add3A_580 : i32
        %add3A_582 = arith.constant 0 : i32
        %add3A_583 = arith.addi %add3A_581, %add3A_582 : i32
        %mul3A_584 = arith.constant 16 : i32
        %mul3A_585 = arith.muli %scan3A_112, %mul3A_584 : i32
        %add3A_586 = arith.constant 8 : i32
        %add3A_587 = arith.addi %mul3A_585, %add3A_586 : i32
        %add3A_588 = arith.constant 1 : i32
        %add3A_589 = arith.addi %add3A_587, %add3A_588 : i32
        %mul3A_590 = arith.constant 16 : i32
        %mul3A_591 = arith.muli %scan3A_112, %mul3A_590 : i32
        %add3A_592 = arith.constant 8 : i32
        %add3A_593 = arith.addi %mul3A_591, %add3A_592 : i32
        %add3A_594 = arith.constant 2 : i32
        %add3A_595 = arith.addi %add3A_593, %add3A_594 : i32
        %mul3A_596 = arith.constant 16 : i32
        %mul3A_597 = arith.muli %scan3A_112, %mul3A_596 : i32
        %add3A_598 = arith.constant 8 : i32
        %add3A_599 = arith.addi %mul3A_597, %add3A_598 : i32
        %add3A_600 = arith.constant 3 : i32
        %add3A_601 = arith.addi %add3A_599, %add3A_600 : i32
        %mul3A_602 = arith.constant 16 : i32
        %mul3A_603 = arith.muli %scan3A_112, %mul3A_602 : i32
        %add3A_604 = arith.constant 8 : i32
        %add3A_605 = arith.addi %mul3A_603, %add3A_604 : i32
        %add3A_606 = arith.constant 4 : i32
        %add3A_607 = arith.addi %add3A_605, %add3A_606 : i32
        %mul3A_608 = arith.constant 16 : i32
        %mul3A_609 = arith.muli %scan3A_112, %mul3A_608 : i32
        %add3A_610 = arith.constant 8 : i32
        %add3A_611 = arith.addi %mul3A_609, %add3A_610 : i32
        %add3A_612 = arith.constant 5 : i32
        %add3A_613 = arith.addi %add3A_611, %add3A_612 : i32
        %mul3A_614 = arith.constant 16 : i32
        %mul3A_615 = arith.muli %scan3A_112, %mul3A_614 : i32
        %add3A_616 = arith.constant 8 : i32
        %add3A_617 = arith.addi %mul3A_615, %add3A_616 : i32
        %add3A_618 = arith.constant 6 : i32
        %add3A_619 = arith.addi %add3A_617, %add3A_618 : i32
        %mul3A_620 = arith.constant 16 : i32
        %mul3A_621 = arith.muli %scan3A_112, %mul3A_620 : i32
        %add3A_622 = arith.constant 8 : i32
        %add3A_623 = arith.addi %mul3A_621, %add3A_622 : i32
        %add3A_624 = arith.constant 7 : i32
        %add3A_625 = arith.addi %add3A_623, %add3A_624 : i32
        %get3A_626 = arith.index_cast %add3A_583 : i32 to index
        %get3A_627 = arith.constant 0 : index
        %get3A_628 = tpu.vector_load %arg10[%get3A_626, %get3A_627] {strides = array<i32>} : memref<80x64xi32, #tpu.memory_space<vmem>>, vector<16xi32>,
        %bitcast3A_629 = vector.bitcast %get3A_628 : vector<16xi32> to vector<32xbf16>
        %get3A_630 = arith.index_cast %add3A_589 : i32 to index
        %get3A_631 = arith.constant 0 : index
        %get3A_632 = tpu.vector_load %arg10[%get3A_630, %get3A_631] {strides = array<i32>} : memref<80x64xi32, #tpu.memory_space<vmem>>, vector<16xi32>,
        %bitcast3A_633 = vector.bitcast %get3A_632 : vector<16xi32> to vector<32xbf16>
        %get3A_634 = arith.index_cast %add3A_595 : i32 to index
        %get3A_635 = arith.constant 0 : index
        %get3A_636 = tpu.vector_load %arg10[%get3A_634, %get3A_635] {strides = array<i32>} : memref<80x64xi32, #tpu.memory_space<vmem>>, vector<16xi32>,
        %bitcast3A_637 = vector.bitcast %get3A_636 : vector<16xi32> to vector<32xbf16>
        %get3A_638 = arith.index_cast %add3A_601 : i32 to index
        %get3A_639 = arith.constant 0 : index
        %get3A_640 = tpu.vector_load %arg10[%get3A_638, %get3A_639] {strides = array<i32>} : memref<80x64xi32, #tpu.memory_space<vmem>>, vector<16xi32>,
        %bitcast3A_641 = vector.bitcast %get3A_640 : vector<16xi32> to vector<32xbf16>
        %get3A_642 = arith.index_cast %add3A_607 : i32 to index
        %get3A_643 = arith.constant 0 : index
        %get3A_644 = tpu.vector_load %arg10[%get3A_642, %get3A_643] {strides = array<i32>} : memref<80x64xi32, #tpu.memory_space<vmem>>, vector<16xi32>,
        %bitcast3A_645 = vector.bitcast %get3A_644 : vector<16xi32> to vector<32xbf16>
        %get3A_646 = arith.index_cast %add3A_613 : i32 to index
        %get3A_647 = arith.constant 0 : index
        %get3A_648 = tpu.vector_load %arg10[%get3A_646, %get3A_647] {strides = array<i32>} : memref<80x64xi32, #tpu.memory_space<vmem>>, vector<16xi32>,
        %bitcast3A_649 = vector.bitcast %get3A_648 : vector<16xi32> to vector<32xbf16>
        %get3A_650 = arith.index_cast %add3A_619 : i32 to index
        %get3A_651 = arith.constant 0 : index
        %get3A_652 = tpu.vector_load %arg10[%get3A_650, %get3A_651] {strides = array<i32>} : memref<80x64xi32, #tpu.memory_space<vmem>>, vector<16xi32>,
        %bitcast3A_653 = vector.bitcast %get3A_652 : vector<16xi32> to vector<32xbf16>
        %get3A_654 = arith.index_cast %add3A_625 : i32 to index
        %get3A_655 = arith.constant 0 : index
        %get3A_656 = tpu.vector_load %arg10[%get3A_654, %get3A_655] {strides = array<i32>} : memref<80x64xi32, #tpu.memory_space<vmem>>, vector<16xi32>,
        %bitcast3A_657 = vector.bitcast %get3A_656 : vector<16xi32> to vector<32xbf16>
        %get3A_658 = arith.index_cast %add3A_583 : i32 to index
        %get3A_659 = arith.constant 0 : index
        %get3A_660 = tpu.vector_load %arg11[%get3A_658, %get3A_659] {strides = array<i32>} : memref<80x64xi32, #tpu.memory_space<vmem>>, vector<16xi32>,
        %bitcast3A_661 = vector.bitcast %get3A_660 : vector<16xi32> to vector<32xbf16>
        %get3A_662 = arith.index_cast %add3A_589 : i32 to index
        %get3A_663 = arith.constant 0 : index
        %get3A_664 = tpu.vector_load %arg11[%get3A_662, %get3A_663] {strides = array<i32>} : memref<80x64xi32, #tpu.memory_space<vmem>>, vector<16xi32>,
        %bitcast3A_665 = vector.bitcast %get3A_664 : vector<16xi32> to vector<32xbf16>
        %get3A_666 = arith.index_cast %add3A_595 : i32 to index
        %get3A_667 = arith.constant 0 : index
        %get3A_668 = tpu.vector_load %arg11[%get3A_666, %get3A_667] {strides = array<i32>} : memref<80x64xi32, #tpu.memory_space<vmem>>, vector<16xi32>,
        %bitcast3A_669 = vector.bitcast %get3A_668 : vector<16xi32> to vector<32xbf16>
        %get3A_670 = arith.index_cast %add3A_601 : i32 to index
        %get3A_671 = arith.constant 0 : index
        %get3A_672 = tpu.vector_load %arg11[%get3A_670, %get3A_671] {strides = array<i32>} : memref<80x64xi32, #tpu.memory_space<vmem>>, vector<16xi32>,
        %bitcast3A_673 = vector.bitcast %get3A_672 : vector<16xi32> to vector<32xbf16>
        %get3A_674 = arith.index_cast %add3A_607 : i32 to index
        %get3A_675 = arith.constant 0 : index
        %get3A_676 = tpu.vector_load %arg11[%get3A_674, %get3A_675] {strides = array<i32>} : memref<80x64xi32, #tpu.memory_space<vmem>>, vector<16xi32>,
        %bitcast3A_677 = vector.bitcast %get3A_676 : vector<16xi32> to vector<32xbf16>
        %get3A_678 = arith.index_cast %add3A_613 : i32 to index
        %get3A_679 = arith.constant 0 : index
        %get3A_680 = tpu.vector_load %arg11[%get3A_678, %get3A_679] {strides = array<i32>} : memref<80x64xi32, #tpu.memory_space<vmem>>, vector<16xi32>,
        %bitcast3A_681 = vector.bitcast %get3A_680 : vector<16xi32> to vector<32xbf16>
        %get3A_682 = arith.index_cast %add3A_619 : i32 to index
        %get3A_683 = arith.constant 0 : index
        %get3A_684 = tpu.vector_load %arg11[%get3A_682, %get3A_683] {strides = array<i32>} : memref<80x64xi32, #tpu.memory_space<vmem>>, vector<16xi32>,
        %bitcast3A_685 = vector.bitcast %get3A_684 : vector<16xi32> to vector<32xbf16>
        %get3A_686 = arith.index_cast %add3A_625 : i32 to index
        %get3A_687 = arith.constant 0 : index
        %get3A_688 = tpu.vector_load %arg11[%get3A_686, %get3A_687] {strides = array<i32>} : memref<80x64xi32, #tpu.memory_space<vmem>>, vector<16xi32>,
        %bitcast3A_689 = vector.bitcast %get3A_688 : vector<16xi32> to vector<32xbf16>
        %sub3A_690 = arith.subf %bitcast3A_629, %bitcast3A_661 : vector<32xbf16>
        %max3A_691 = arith.maximumf %broadcast_in_dim3A_10, %sub3A_690 : vector<32xbf16>
        %sub3A_692 = arith.subf %bitcast3A_633, %bitcast3A_665 : vector<32xbf16>
        %max3A_693 = arith.maximumf %broadcast_in_dim3A_10, %sub3A_692 : vector<32xbf16>
        %sub3A_694 = arith.subf %bitcast3A_637, %bitcast3A_669 : vector<32xbf16>
        %max3A_695 = arith.maximumf %broadcast_in_dim3A_10, %sub3A_694 : vector<32xbf16>
        %sub3A_696 = arith.subf %bitcast3A_641, %bitcast3A_673 : vector<32xbf16>
        %max3A_697 = arith.maximumf %broadcast_in_dim3A_10, %sub3A_696 : vector<32xbf16>
        %sub3A_698 = arith.subf %bitcast3A_645, %bitcast3A_677 : vector<32xbf16>
        %max3A_699 = arith.maximumf %broadcast_in_dim3A_10, %sub3A_698 : vector<32xbf16>
        %sub3A_700 = arith.subf %bitcast3A_649, %bitcast3A_681 : vector<32xbf16>
        %max3A_701 = arith.maximumf %broadcast_in_dim3A_10, %sub3A_700 : vector<32xbf16>
        %sub3A_702 = arith.subf %bitcast3A_653, %bitcast3A_685 : vector<32xbf16>
        %max3A_703 = arith.maximumf %broadcast_in_dim3A_10, %sub3A_702 : vector<32xbf16>
        %sub3A_704 = arith.subf %bitcast3A_657, %bitcast3A_689 : vector<32xbf16>
        %max3A_705 = arith.maximumf %broadcast_in_dim3A_10, %sub3A_704 : vector<32xbf16>
        %get3A_706 = arith.index_cast %add3A_583 : i32 to index
        %get3A_707 = arith.constant 16 : index
        %get3A_708 = tpu.vector_load %arg10[%get3A_706, %get3A_707] {strides = array<i32>} : memref<80x64xi32, #tpu.memory_space<vmem>>, vector<16xi32>,
        %bitcast3A_709 = vector.bitcast %get3A_708 : vector<16xi32> to vector<32xbf16>
        %get3A_710 = arith.index_cast %add3A_589 : i32 to index
        %get3A_711 = arith.constant 16 : index
        %get3A_712 = tpu.vector_load %arg10[%get3A_710, %get3A_711] {strides = array<i32>} : memref<80x64xi32, #tpu.memory_space<vmem>>, vector<16xi32>,
        %bitcast3A_713 = vector.bitcast %get3A_712 : vector<16xi32> to vector<32xbf16>
        %get3A_714 = arith.index_cast %add3A_595 : i32 to index
        %get3A_715 = arith.constant 16 : index
        %get3A_716 = tpu.vector_load %arg10[%get3A_714, %get3A_715] {strides = array<i32>} : memref<80x64xi32, #tpu.memory_space<vmem>>, vector<16xi32>,
        %bitcast3A_717 = vector.bitcast %get3A_716 : vector<16xi32> to vector<32xbf16>
        %get3A_718 = arith.index_cast %add3A_601 : i32 to index
        %get3A_719 = arith.constant 16 : index
        %get3A_720 = tpu.vector_load %arg10[%get3A_718, %get3A_719] {strides = array<i32>} : memref<80x64xi32, #tpu.memory_space<vmem>>, vector<16xi32>,
        %bitcast3A_721 = vector.bitcast %get3A_720 : vector<16xi32> to vector<32xbf16>
        %get3A_722 = arith.index_cast %add3A_607 : i32 to index
        %get3A_723 = arith.constant 16 : index
        %get3A_724 = tpu.vector_load %arg10[%get3A_722, %get3A_723] {strides = array<i32>} : memref<80x64xi32, #tpu.memory_space<vmem>>, vector<16xi32>,
        %bitcast3A_725 = vector.bitcast %get3A_724 : vector<16xi32> to vector<32xbf16>
        %get3A_726 = arith.index_cast %add3A_613 : i32 to index
        %get3A_727 = arith.constant 16 : index
        %get3A_728 = tpu.vector_load %arg10[%get3A_726, %get3A_727] {strides = array<i32>} : memref<80x64xi32, #tpu.memory_space<vmem>>, vector<16xi32>,
        %bitcast3A_729 = vector.bitcast %get3A_728 : vector<16xi32> to vector<32xbf16>
        %get3A_730 = arith.index_cast %add3A_619 : i32 to index
        %get3A_731 = arith.constant 16 : index
        %get3A_732 = tpu.vector_load %arg10[%get3A_730, %get3A_731] {strides = array<i32>} : memref<80x64xi32, #tpu.memory_space<vmem>>, vector<16xi32>,
        %bitcast3A_733 = vector.bitcast %get3A_732 : vector<16xi32> to vector<32xbf16>
        %get3A_734 = arith.index_cast %add3A_625 : i32 to index
        %get3A_735 = arith.constant 16 : index
        %get3A_736 = tpu.vector_load %arg10[%get3A_734, %get3A_735] {strides = array<i32>} : memref<80x64xi32, #tpu.memory_space<vmem>>, vector<16xi32>,
        %bitcast3A_737 = vector.bitcast %get3A_736 : vector<16xi32> to vector<32xbf16>
        %get3A_738 = arith.index_cast %add3A_583 : i32 to index
        %get3A_739 = arith.constant 16 : index
        %get3A_740 = tpu.vector_load %arg11[%get3A_738, %get3A_739] {strides = array<i32>} : memref<80x64xi32, #tpu.memory_space<vmem>>, vector<16xi32>,
        %bitcast3A_741 = vector.bitcast %get3A_740 : vector<16xi32> to vector<32xbf16>
        %get3A_742 = arith.index_cast %add3A_589 : i32 to index
        %get3A_743 = arith.constant 16 : index
        %get3A_744 = tpu.vector_load %arg11[%get3A_742, %get3A_743] {strides = array<i32>} : memref<80x64xi32, #tpu.memory_space<vmem>>, vector<16xi32>,
        %bitcast3A_745 = vector.bitcast %get3A_744 : vector<16xi32> to vector<32xbf16>
        %get3A_746 = arith.index_cast %add3A_595 : i32 to index
        %get3A_747 = arith.constant 16 : index
        %get3A_748 = tpu.vector_load %arg11[%get3A_746, %get3A_747] {strides = array<i32>} : memref<80x64xi32, #tpu.memory_space<vmem>>, vector<16xi32>,
        %bitcast3A_749 = vector.bitcast %get3A_748 : vector<16xi32> to vector<32xbf16>
        %get3A_750 = arith.index_cast %add3A_601 : i32 to index
        %get3A_751 = arith.constant 16 : index
        %get3A_752 = tpu.vector_load %arg11[%get3A_750, %get3A_751] {strides = array<i32>} : memref<80x64xi32, #tpu.memory_space<vmem>>, vector<16xi32>,
        %bitcast3A_753 = vector.bitcast %get3A_752 : vector<16xi32> to vector<32xbf16>
        %get3A_754 = arith.index_cast %add3A_607 : i32 to index
        %get3A_755 = arith.constant 16 : index
        %get3A_756 = tpu.vector_load %arg11[%get3A_754, %get3A_755] {strides = array<i32>} : memref<80x64xi32, #tpu.memory_space<vmem>>, vector<16xi32>,
        %bitcast3A_757 = vector.bitcast %get3A_756 : vector<16xi32> to vector<32xbf16>
        %get3A_758 = arith.index_cast %add3A_613 : i32 to index
        %get3A_759 = arith.constant 16 : index
        %get3A_760 = tpu.vector_load %arg11[%get3A_758, %get3A_759] {strides = array<i32>} : memref<80x64xi32, #tpu.memory_space<vmem>>, vector<16xi32>,
        %bitcast3A_761 = vector.bitcast %get3A_760 : vector<16xi32> to vector<32xbf16>
        %get3A_762 = arith.index_cast %add3A_619 : i32 to index
        %get3A_763 = arith.constant 16 : index
        %get3A_764 = tpu.vector_load %arg11[%get3A_762, %get3A_763] {strides = array<i32>} : memref<80x64xi32, #tpu.memory_space<vmem>>, vector<16xi32>,
        %bitcast3A_765 = vector.bitcast %get3A_764 : vector<16xi32> to vector<32xbf16>
        %get3A_766 = arith.index_cast %add3A_625 : i32 to index
        %get3A_767 = arith.constant 16 : index
        %get3A_768 = tpu.vector_load %arg11[%get3A_766, %get3A_767] {strides = array<i32>} : memref<80x64xi32, #tpu.memory_space<vmem>>, vector<16xi32>,
        %bitcast3A_769 = vector.bitcast %get3A_768 : vector<16xi32> to vector<32xbf16>
        %sub3A_770 = arith.subf %bitcast3A_709, %bitcast3A_741 : vector<32xbf16>
        %max3A_771 = arith.maximumf %max3A_691, %sub3A_770 : vector<32xbf16>
        %sub3A_772 = arith.subf %bitcast3A_713, %bitcast3A_745 : vector<32xbf16>
        %max3A_773 = arith.maximumf %max3A_693, %sub3A_772 : vector<32xbf16>
        %sub3A_774 = arith.subf %bitcast3A_717, %bitcast3A_749 : vector<32xbf16>
        %max3A_775 = arith.maximumf %max3A_695, %sub3A_774 : vector<32xbf16>
        %sub3A_776 = arith.subf %bitcast3A_721, %bitcast3A_753 : vector<32xbf16>
        %max3A_777 = arith.maximumf %max3A_697, %sub3A_776 : vector<32xbf16>
        %sub3A_778 = arith.subf %bitcast3A_725, %bitcast3A_757 : vector<32xbf16>
        %max3A_779 = arith.maximumf %max3A_699, %sub3A_778 : vector<32xbf16>
        %sub3A_780 = arith.subf %bitcast3A_729, %bitcast3A_761 : vector<32xbf16>
        %max3A_781 = arith.maximumf %max3A_701, %sub3A_780 : vector<32xbf16>
        %sub3A_782 = arith.subf %bitcast3A_733, %bitcast3A_765 : vector<32xbf16>
        %max3A_783 = arith.maximumf %max3A_703, %sub3A_782 : vector<32xbf16>
        %sub3A_784 = arith.subf %bitcast3A_737, %bitcast3A_769 : vector<32xbf16>
        %max3A_785 = arith.maximumf %max3A_705, %sub3A_784 : vector<32xbf16>
        %get3A_786 = arith.index_cast %add3A_583 : i32 to index
        %get3A_787 = arith.constant 32 : index
        %get3A_788 = tpu.vector_load %arg10[%get3A_786, %get3A_787] {strides = array<i32>} : memref<80x64xi32, #tpu.memory_space<vmem>>, vector<16xi32>,
        %bitcast3A_789 = vector.bitcast %get3A_788 : vector<16xi32> to vector<32xbf16>
        %get3A_790 = arith.index_cast %add3A_589 : i32 to index
        %get3A_791 = arith.constant 32 : index
        %get3A_792 = tpu.vector_load %arg10[%get3A_790, %get3A_791] {strides = array<i32>} : memref<80x64xi32, #tpu.memory_space<vmem>>, vector<16xi32>,
        %bitcast3A_793 = vector.bitcast %get3A_792 : vector<16xi32> to vector<32xbf16>
        %get3A_794 = arith.index_cast %add3A_595 : i32 to index
        %get3A_795 = arith.constant 32 : index
        %get3A_796 = tpu.vector_load %arg10[%get3A_794, %get3A_795] {strides = array<i32>} : memref<80x64xi32, #tpu.memory_space<vmem>>, vector<16xi32>,
        %bitcast3A_797 = vector.bitcast %get3A_796 : vector<16xi32> to vector<32xbf16>
        %get3A_798 = arith.index_cast %add3A_601 : i32 to index
        %get3A_799 = arith.constant 32 : index
        %get3A_800 = tpu.vector_load %arg10[%get3A_798, %get3A_799] {strides = array<i32>} : memref<80x64xi32, #tpu.memory_space<vmem>>, vector<16xi32>,
        %bitcast3A_801 = vector.bitcast %get3A_800 : vector<16xi32> to vector<32xbf16>
        %get3A_802 = arith.index_cast %add3A_607 : i32 to index
        %get3A_803 = arith.constant 32 : index
        %get3A_804 = tpu.vector_load %arg10[%get3A_802, %get3A_803] {strides = array<i32>} : memref<80x64xi32, #tpu.memory_space<vmem>>, vector<16xi32>,
        %bitcast3A_805 = vector.bitcast %get3A_804 : vector<16xi32> to vector<32xbf16>
        %get3A_806 = arith.index_cast %add3A_613 : i32 to index
        %get3A_807 = arith.constant 32 : index
        %get3A_808 = tpu.vector_load %arg10[%get3A_806, %get3A_807] {strides = array<i32>} : memref<80x64xi32, #tpu.memory_space<vmem>>, vector<16xi32>,
        %bitcast3A_809 = vector.bitcast %get3A_808 : vector<16xi32> to vector<32xbf16>
        %get3A_810 = arith.index_cast %add3A_619 : i32 to index
        %get3A_811 = arith.constant 32 : index
        %get3A_812 = tpu.vector_load %arg10[%get3A_810, %get3A_811] {strides = array<i32>} : memref<80x64xi32, #tpu.memory_space<vmem>>, vector<16xi32>,
        %bitcast3A_813 = vector.bitcast %get3A_812 : vector<16xi32> to vector<32xbf16>
        %get3A_814 = arith.index_cast %add3A_625 : i32 to index
        %get3A_815 = arith.constant 32 : index
        %get3A_816 = tpu.vector_load %arg10[%get3A_814, %get3A_815] {strides = array<i32>} : memref<80x64xi32, #tpu.memory_space<vmem>>, vector<16xi32>,
        %bitcast3A_817 = vector.bitcast %get3A_816 : vector<16xi32> to vector<32xbf16>
        %get3A_818 = arith.index_cast %add3A_583 : i32 to index
        %get3A_819 = arith.constant 32 : index
        %get3A_820 = tpu.vector_load %arg11[%get3A_818, %get3A_819] {strides = array<i32>} : memref<80x64xi32, #tpu.memory_space<vmem>>, vector<16xi32>,
        %bitcast3A_821 = vector.bitcast %get3A_820 : vector<16xi32> to vector<32xbf16>
        %get3A_822 = arith.index_cast %add3A_589 : i32 to index
        %get3A_823 = arith.constant 32 : index
        %get3A_824 = tpu.vector_load %arg11[%get3A_822, %get3A_823] {strides = array<i32>} : memref<80x64xi32, #tpu.memory_space<vmem>>, vector<16xi32>,
        %bitcast3A_825 = vector.bitcast %get3A_824 : vector<16xi32> to vector<32xbf16>
        %get3A_826 = arith.index_cast %add3A_595 : i32 to index
        %get3A_827 = arith.constant 32 : index
        %get3A_828 = tpu.vector_load %arg11[%get3A_826, %get3A_827] {strides = array<i32>} : memref<80x64xi32, #tpu.memory_space<vmem>>, vector<16xi32>,
        %bitcast3A_829 = vector.bitcast %get3A_828 : vector<16xi32> to vector<32xbf16>
        %get3A_830 = arith.index_cast %add3A_601 : i32 to index
        %get3A_831 = arith.constant 32 : index
        %get3A_832 = tpu.vector_load %arg11[%get3A_830, %get3A_831] {strides = array<i32>} : memref<80x64xi32, #tpu.memory_space<vmem>>, vector<16xi32>,
        %bitcast3A_833 = vector.bitcast %get3A_832 : vector<16xi32> to vector<32xbf16>
        %get3A_834 = arith.index_cast %add3A_607 : i32 to index
        %get3A_835 = arith.constant 32 : index
        %get3A_836 = tpu.vector_load %arg11[%get3A_834, %get3A_835] {strides = array<i32>} : memref<80x64xi32, #tpu.memory_space<vmem>>, vector<16xi32>,
        %bitcast3A_837 = vector.bitcast %get3A_836 : vector<16xi32> to vector<32xbf16>
        %get3A_838 = arith.index_cast %add3A_613 : i32 to index
        %get3A_839 = arith.constant 32 : index
        %get3A_840 = tpu.vector_load %arg11[%get3A_838, %get3A_839] {strides = array<i32>} : memref<80x64xi32, #tpu.memory_space<vmem>>, vector<16xi32>,
        %bitcast3A_841 = vector.bitcast %get3A_840 : vector<16xi32> to vector<32xbf16>
        %get3A_842 = arith.index_cast %add3A_619 : i32 to index
        %get3A_843 = arith.constant 32 : index
        %get3A_844 = tpu.vector_load %arg11[%get3A_842, %get3A_843] {strides = array<i32>} : memref<80x64xi32, #tpu.memory_space<vmem>>, vector<16xi32>,
        %bitcast3A_845 = vector.bitcast %get3A_844 : vector<16xi32> to vector<32xbf16>
        %get3A_846 = arith.index_cast %add3A_625 : i32 to index
        %get3A_847 = arith.constant 32 : index
        %get3A_848 = tpu.vector_load %arg11[%get3A_846, %get3A_847] {strides = array<i32>} : memref<80x64xi32, #tpu.memory_space<vmem>>, vector<16xi32>,
        %bitcast3A_849 = vector.bitcast %get3A_848 : vector<16xi32> to vector<32xbf16>
        %sub3A_850 = arith.subf %bitcast3A_789, %bitcast3A_821 : vector<32xbf16>
        %max3A_851 = arith.maximumf %max3A_771, %sub3A_850 : vector<32xbf16>
        %sub3A_852 = arith.subf %bitcast3A_793, %bitcast3A_825 : vector<32xbf16>
        %max3A_853 = arith.maximumf %max3A_773, %sub3A_852 : vector<32xbf16>
        %sub3A_854 = arith.subf %bitcast3A_797, %bitcast3A_829 : vector<32xbf16>
        %max3A_855 = arith.maximumf %max3A_775, %sub3A_854 : vector<32xbf16>
        %sub3A_856 = arith.subf %bitcast3A_801, %bitcast3A_833 : vector<32xbf16>
        %max3A_857 = arith.maximumf %max3A_777, %sub3A_856 : vector<32xbf16>
        %sub3A_858 = arith.subf %bitcast3A_805, %bitcast3A_837 : vector<32xbf16>
        %max3A_859 = arith.maximumf %max3A_779, %sub3A_858 : vector<32xbf16>
        %sub3A_860 = arith.subf %bitcast3A_809, %bitcast3A_841 : vector<32xbf16>
        %max3A_861 = arith.maximumf %max3A_781, %sub3A_860 : vector<32xbf16>
        %sub3A_862 = arith.subf %bitcast3A_813, %bitcast3A_845 : vector<32xbf16>
        %max3A_863 = arith.maximumf %max3A_783, %sub3A_862 : vector<32xbf16>
        %sub3A_864 = arith.subf %bitcast3A_817, %bitcast3A_849 : vector<32xbf16>
        %max3A_865 = arith.maximumf %max3A_785, %sub3A_864 : vector<32xbf16>
        %get3A_866 = arith.index_cast %add3A_583 : i32 to index
        %get3A_867 = arith.constant 48 : index
        %get3A_868 = tpu.vector_load %arg10[%get3A_866, %get3A_867] {strides = array<i32>} : memref<80x64xi32, #tpu.memory_space<vmem>>, vector<16xi32>,
        %bitcast3A_869 = vector.bitcast %get3A_868 : vector<16xi32> to vector<32xbf16>
        %get3A_870 = arith.index_cast %add3A_589 : i32 to index
        %get3A_871 = arith.constant 48 : index
        %get3A_872 = tpu.vector_load %arg10[%get3A_870, %get3A_871] {strides = array<i32>} : memref<80x64xi32, #tpu.memory_space<vmem>>, vector<16xi32>,
        %bitcast3A_873 = vector.bitcast %get3A_872 : vector<16xi32> to vector<32xbf16>
        %get3A_874 = arith.index_cast %add3A_595 : i32 to index
        %get3A_875 = arith.constant 48 : index
        %get3A_876 = tpu.vector_load %arg10[%get3A_874, %get3A_875] {strides = array<i32>} : memref<80x64xi32, #tpu.memory_space<vmem>>, vector<16xi32>,
        %bitcast3A_877 = vector.bitcast %get3A_876 : vector<16xi32> to vector<32xbf16>
        %get3A_878 = arith.index_cast %add3A_601 : i32 to index
        %get3A_879 = arith.constant 48 : index
        %get3A_880 = tpu.vector_load %arg10[%get3A_878, %get3A_879] {strides = array<i32>} : memref<80x64xi32, #tpu.memory_space<vmem>>, vector<16xi32>,
        %bitcast3A_881 = vector.bitcast %get3A_880 : vector<16xi32> to vector<32xbf16>
        %get3A_882 = arith.index_cast %add3A_607 : i32 to index
        %get3A_883 = arith.constant 48 : index
        %get3A_884 = tpu.vector_load %arg10[%get3A_882, %get3A_883] {strides = array<i32>} : memref<80x64xi32, #tpu.memory_space<vmem>>, vector<16xi32>,
        %bitcast3A_885 = vector.bitcast %get3A_884 : vector<16xi32> to vector<32xbf16>
        %get3A_886 = arith.index_cast %add3A_613 : i32 to index
        %get3A_887 = arith.constant 48 : index
        %get3A_888 = tpu.vector_load %arg10[%get3A_886, %get3A_887] {strides = array<i32>} : memref<80x64xi32, #tpu.memory_space<vmem>>, vector<16xi32>,
        %bitcast3A_889 = vector.bitcast %get3A_888 : vector<16xi32> to vector<32xbf16>
        %get3A_890 = arith.index_cast %add3A_619 : i32 to index
        %get3A_891 = arith.constant 48 : index
        %get3A_892 = tpu.vector_load %arg10[%get3A_890, %get3A_891] {strides = array<i32>} : memref<80x64xi32, #tpu.memory_space<vmem>>, vector<16xi32>,
        %bitcast3A_893 = vector.bitcast %get3A_892 : vector<16xi32> to vector<32xbf16>
        %get3A_894 = arith.index_cast %add3A_625 : i32 to index
        %get3A_895 = arith.constant 48 : index
        %get3A_896 = tpu.vector_load %arg10[%get3A_894, %get3A_895] {strides = array<i32>} : memref<80x64xi32, #tpu.memory_space<vmem>>, vector<16xi32>,
        %bitcast3A_897 = vector.bitcast %get3A_896 : vector<16xi32> to vector<32xbf16>
        %get3A_898 = arith.index_cast %add3A_583 : i32 to index
        %get3A_899 = arith.constant 48 : index
        %get3A_900 = tpu.vector_load %arg11[%get3A_898, %get3A_899] {strides = array<i32>} : memref<80x64xi32, #tpu.memory_space<vmem>>, vector<16xi32>,
        %bitcast3A_901 = vector.bitcast %get3A_900 : vector<16xi32> to vector<32xbf16>
        %get3A_902 = arith.index_cast %add3A_589 : i32 to index
        %get3A_903 = arith.constant 48 : index
        %get3A_904 = tpu.vector_load %arg11[%get3A_902, %get3A_903] {strides = array<i32>} : memref<80x64xi32, #tpu.memory_space<vmem>>, vector<16xi32>,
        %bitcast3A_905 = vector.bitcast %get3A_904 : vector<16xi32> to vector<32xbf16>
        %get3A_906 = arith.index_cast %add3A_595 : i32 to index
        %get3A_907 = arith.constant 48 : index
        %get3A_908 = tpu.vector_load %arg11[%get3A_906, %get3A_907] {strides = array<i32>} : memref<80x64xi32, #tpu.memory_space<vmem>>, vector<16xi32>,
        %bitcast3A_909 = vector.bitcast %get3A_908 : vector<16xi32> to vector<32xbf16>
        %get3A_910 = arith.index_cast %add3A_601 : i32 to index
        %get3A_911 = arith.constant 48 : index
        %get3A_912 = tpu.vector_load %arg11[%get3A_910, %get3A_911] {strides = array<i32>} : memref<80x64xi32, #tpu.memory_space<vmem>>, vector<16xi32>,
        %bitcast3A_913 = vector.bitcast %get3A_912 : vector<16xi32> to vector<32xbf16>
        %get3A_914 = arith.index_cast %add3A_607 : i32 to index
        %get3A_915 = arith.constant 48 : index
        %get3A_916 = tpu.vector_load %arg11[%get3A_914, %get3A_915] {strides = array<i32>} : memref<80x64xi32, #tpu.memory_space<vmem>>, vector<16xi32>,
        %bitcast3A_917 = vector.bitcast %get3A_916 : vector<16xi32> to vector<32xbf16>
        %get3A_918 = arith.index_cast %add3A_613 : i32 to index
        %get3A_919 = arith.constant 48 : index
        %get3A_920 = tpu.vector_load %arg11[%get3A_918, %get3A_919] {strides = array<i32>} : memref<80x64xi32, #tpu.memory_space<vmem>>, vector<16xi32>,
        %bitcast3A_921 = vector.bitcast %get3A_920 : vector<16xi32> to vector<32xbf16>
        %get3A_922 = arith.index_cast %add3A_619 : i32 to index
        %get3A_923 = arith.constant 48 : index
        %get3A_924 = tpu.vector_load %arg11[%get3A_922, %get3A_923] {strides = array<i32>} : memref<80x64xi32, #tpu.memory_space<vmem>>, vector<16xi32>,
        %bitcast3A_925 = vector.bitcast %get3A_924 : vector<16xi32> to vector<32xbf16>
        %get3A_926 = arith.index_cast %add3A_625 : i32 to index
        %get3A_927 = arith.constant 48 : index
        %get3A_928 = tpu.vector_load %arg11[%get3A_926, %get3A_927] {strides = array<i32>} : memref<80x64xi32, #tpu.memory_space<vmem>>, vector<16xi32>,
        %bitcast3A_929 = vector.bitcast %get3A_928 : vector<16xi32> to vector<32xbf16>
        %sub3A_930 = arith.subf %bitcast3A_869, %bitcast3A_901 : vector<32xbf16>
        %max3A_931 = arith.maximumf %max3A_851, %sub3A_930 : vector<32xbf16>
        %sub3A_932 = arith.subf %bitcast3A_873, %bitcast3A_905 : vector<32xbf16>
        %max3A_933 = arith.maximumf %max3A_853, %sub3A_932 : vector<32xbf16>
        %sub3A_934 = arith.subf %bitcast3A_877, %bitcast3A_909 : vector<32xbf16>
        %max3A_935 = arith.maximumf %max3A_855, %sub3A_934 : vector<32xbf16>
        %sub3A_936 = arith.subf %bitcast3A_881, %bitcast3A_913 : vector<32xbf16>
        %max3A_937 = arith.maximumf %max3A_857, %sub3A_936 : vector<32xbf16>
        %sub3A_938 = arith.subf %bitcast3A_885, %bitcast3A_917 : vector<32xbf16>
        %max3A_939 = arith.maximumf %max3A_859, %sub3A_938 : vector<32xbf16>
        %sub3A_940 = arith.subf %bitcast3A_889, %bitcast3A_921 : vector<32xbf16>
        %max3A_941 = arith.maximumf %max3A_861, %sub3A_940 : vector<32xbf16>
        %sub3A_942 = arith.subf %bitcast3A_893, %bitcast3A_925 : vector<32xbf16>
        %max3A_943 = arith.maximumf %max3A_863, %sub3A_942 : vector<32xbf16>
        %sub3A_944 = arith.subf %bitcast3A_897, %bitcast3A_929 : vector<32xbf16>
        %max3A_945 = arith.maximumf %max3A_865, %sub3A_944 : vector<32xbf16>
        %bitcast3A_946 = vector.bitcast %max3A_931 : vector<32xbf16> to vector<16xi32>
        %bitcast3A_947 = vector.bitcast %max3A_933 : vector<32xbf16> to vector<16xi32>
        %bitcast3A_948 = vector.bitcast %max3A_935 : vector<32xbf16> to vector<16xi32>
        %bitcast3A_949 = vector.bitcast %max3A_937 : vector<32xbf16> to vector<16xi32>
        %bitcast3A_950 = vector.bitcast %max3A_939 : vector<32xbf16> to vector<16xi32>
        %bitcast3A_951 = vector.bitcast %max3A_941 : vector<32xbf16> to vector<16xi32>
        %bitcast3A_952 = vector.bitcast %max3A_943 : vector<32xbf16> to vector<16xi32>
        %bitcast3A_953 = vector.bitcast %max3A_945 : vector<32xbf16> to vector<16xi32>
        %shift_left3A_954 = arith.constant 16 : i32
        %shift_left3A_955 = vector.broadcast %shift_left3A_954 : i32 to vector<16xi32>
        %shift_left3A_956 = arith.shli %bitcast3A_946, %shift_left3A_955 : vector<16xi32>
        %bitcast3A_957 = vector.bitcast %shift_left3A_956 : vector<16xi32> to vector<16xf32>
        %shift_left3A_958 = arith.constant 16 : i32
        %shift_left3A_959 = vector.broadcast %shift_left3A_958 : i32 to vector<16xi32>
        %shift_left3A_960 = arith.shli %bitcast3A_947, %shift_left3A_959 : vector<16xi32>
        %bitcast3A_961 = vector.bitcast %shift_left3A_960 : vector<16xi32> to vector<16xf32>
        %shift_left3A_962 = arith.constant 16 : i32
        %shift_left3A_963 = vector.broadcast %shift_left3A_962 : i32 to vector<16xi32>
        %shift_left3A_964 = arith.shli %bitcast3A_948, %shift_left3A_963 : vector<16xi32>
        %bitcast3A_965 = vector.bitcast %shift_left3A_964 : vector<16xi32> to vector<16xf32>
        %shift_left3A_966 = arith.constant 16 : i32
        %shift_left3A_967 = vector.broadcast %shift_left3A_966 : i32 to vector<16xi32>
        %shift_left3A_968 = arith.shli %bitcast3A_949, %shift_left3A_967 : vector<16xi32>
        %bitcast3A_969 = vector.bitcast %shift_left3A_968 : vector<16xi32> to vector<16xf32>
        %shift_left3A_970 = arith.constant 16 : i32
        %shift_left3A_971 = vector.broadcast %shift_left3A_970 : i32 to vector<16xi32>
        %shift_left3A_972 = arith.shli %bitcast3A_950, %shift_left3A_971 : vector<16xi32>
        %bitcast3A_973 = vector.bitcast %shift_left3A_972 : vector<16xi32> to vector<16xf32>
        %shift_left3A_974 = arith.constant 16 : i32
        %shift_left3A_975 = vector.broadcast %shift_left3A_974 : i32 to vector<16xi32>
        %shift_left3A_976 = arith.shli %bitcast3A_951, %shift_left3A_975 : vector<16xi32>
        %bitcast3A_977 = vector.bitcast %shift_left3A_976 : vector<16xi32> to vector<16xf32>
        %shift_left3A_978 = arith.constant 16 : i32
        %shift_left3A_979 = vector.broadcast %shift_left3A_978 : i32 to vector<16xi32>
        %shift_left3A_980 = arith.shli %bitcast3A_952, %shift_left3A_979 : vector<16xi32>
        %bitcast3A_981 = vector.bitcast %shift_left3A_980 : vector<16xi32> to vector<16xf32>
        %shift_left3A_982 = arith.constant 16 : i32
        %shift_left3A_983 = vector.broadcast %shift_left3A_982 : i32 to vector<16xi32>
        %shift_left3A_984 = arith.shli %bitcast3A_953, %shift_left3A_983 : vector<16xi32>
        %bitcast3A_985 = vector.bitcast %shift_left3A_984 : vector<16xi32> to vector<16xf32>
        %and3A_986 = arith.andi %bitcast3A_946, %broadcast_in_dim3A_14 : vector<16xi32>
        %bitcast3A_987 = vector.bitcast %and3A_986 : vector<16xi32> to vector<16xf32>
        %and3A_988 = arith.andi %bitcast3A_947, %broadcast_in_dim3A_14 : vector<16xi32>
        %bitcast3A_989 = vector.bitcast %and3A_988 : vector<16xi32> to vector<16xf32>
        %and3A_990 = arith.andi %bitcast3A_948, %broadcast_in_dim3A_14 : vector<16xi32>
        %bitcast3A_991 = vector.bitcast %and3A_990 : vector<16xi32> to vector<16xf32>
        %and3A_992 = arith.andi %bitcast3A_949, %broadcast_in_dim3A_14 : vector<16xi32>
        %bitcast3A_993 = vector.bitcast %and3A_992 : vector<16xi32> to vector<16xf32>
        %and3A_994 = arith.andi %bitcast3A_950, %broadcast_in_dim3A_14 : vector<16xi32>
        %bitcast3A_995 = vector.bitcast %and3A_994 : vector<16xi32> to vector<16xf32>
        %and3A_996 = arith.andi %bitcast3A_951, %broadcast_in_dim3A_14 : vector<16xi32>
        %bitcast3A_997 = vector.bitcast %and3A_996 : vector<16xi32> to vector<16xf32>
        %and3A_998 = arith.andi %bitcast3A_952, %broadcast_in_dim3A_14 : vector<16xi32>
        %bitcast3A_999 = vector.bitcast %and3A_998 : vector<16xi32> to vector<16xf32>
        %and3A_1000 = arith.andi %bitcast3A_953, %broadcast_in_dim3A_14 : vector<16xi32>
        %bitcast3A_1001 = vector.bitcast %and3A_1000 : vector<16xi32> to vector<16xf32>
        %max3A_1002 = arith.maximumf %bitcast3A_957, %bitcast3A_987 : vector<16xf32>
        %broadcast_in_dim3A_1003 = arith.constant true
        %broadcast_in_dim3A_1004 = vector.broadcast %broadcast_in_dim3A_1003 : i1 to vector<16xi1>
        %masked_cummax3A_1005 = tpu.scan <max>, %max3A_1002 masked %broadcast_in_dim3A_1004 : vector<16xf32>, vector<16xi1> -> vector<16xf32>
        %max3A_1006 = arith.maximumf %bitcast3A_961, %bitcast3A_989 : vector<16xf32>
        %broadcast_in_dim3A_1007 = arith.constant true
        %broadcast_in_dim3A_1008 = vector.broadcast %broadcast_in_dim3A_1007 : i1 to vector<16xi1>
        %masked_cummax3A_1009 = tpu.scan <max>, %max3A_1006 masked %broadcast_in_dim3A_1008 : vector<16xf32>, vector<16xi1> -> vector<16xf32>
        %max3A_1010 = arith.maximumf %bitcast3A_965, %bitcast3A_991 : vector<16xf32>
        %broadcast_in_dim3A_1011 = arith.constant true
        %broadcast_in_dim3A_1012 = vector.broadcast %broadcast_in_dim3A_1011 : i1 to vector<16xi1>
        %masked_cummax3A_1013 = tpu.scan <max>, %max3A_1010 masked %broadcast_in_dim3A_1012 : vector<16xf32>, vector<16xi1> -> vector<16xf32>
        %max3A_1014 = arith.maximumf %bitcast3A_969, %bitcast3A_993 : vector<16xf32>
        %broadcast_in_dim3A_1015 = arith.constant true
        %broadcast_in_dim3A_1016 = vector.broadcast %broadcast_in_dim3A_1015 : i1 to vector<16xi1>
        %masked_cummax3A_1017 = tpu.scan <max>, %max3A_1014 masked %broadcast_in_dim3A_1016 : vector<16xf32>, vector<16xi1> -> vector<16xf32>
        %max3A_1018 = arith.maximumf %bitcast3A_973, %bitcast3A_995 : vector<16xf32>
        %broadcast_in_dim3A_1019 = arith.constant true
        %broadcast_in_dim3A_1020 = vector.broadcast %broadcast_in_dim3A_1019 : i1 to vector<16xi1>
        %masked_cummax3A_1021 = tpu.scan <max>, %max3A_1018 masked %broadcast_in_dim3A_1020 : vector<16xf32>, vector<16xi1> -> vector<16xf32>
        %max3A_1022 = arith.maximumf %bitcast3A_977, %bitcast3A_997 : vector<16xf32>
        %broadcast_in_dim3A_1023 = arith.constant true
        %broadcast_in_dim3A_1024 = vector.broadcast %broadcast_in_dim3A_1023 : i1 to vector<16xi1>
        %masked_cummax3A_1025 = tpu.scan <max>, %max3A_1022 masked %broadcast_in_dim3A_1024 : vector<16xf32>, vector<16xi1> -> vector<16xf32>
        %max3A_1026 = arith.maximumf %bitcast3A_981, %bitcast3A_999 : vector<16xf32>
        %broadcast_in_dim3A_1027 = arith.constant true
        %broadcast_in_dim3A_1028 = vector.broadcast %broadcast_in_dim3A_1027 : i1 to vector<16xi1>
        %masked_cummax3A_1029 = tpu.scan <max>, %max3A_1026 masked %broadcast_in_dim3A_1028 : vector<16xf32>, vector<16xi1> -> vector<16xf32>
        %max3A_1030 = arith.maximumf %bitcast3A_985, %bitcast3A_1001 : vector<16xf32>
        %broadcast_in_dim3A_1031 = arith.constant true
        %broadcast_in_dim3A_1032 = vector.broadcast %broadcast_in_dim3A_1031 : i1 to vector<16xi1>
        %masked_cummax3A_1033 = tpu.scan <max>, %max3A_1030 masked %broadcast_in_dim3A_1032 : vector<16xf32>, vector<16xi1> -> vector<16xf32>
        %broadcast_in_dim3A_1034 = arith.constant 8 : i32
        %broadcast_in_dim3A_1035 = vector.broadcast %broadcast_in_dim3A_1034 : i32 to vector<16xi32>
        tpu.vector_store_idx %arg15[%broadcast_in_dim3A_1035], %masked_cummax3A_1005 masked %eq3A_12 : memref<16xf32, #tpu.memory_space<vmem>>[vector<16xi32>], vector<16xf32>, vector<16xi1>
        %broadcast_in_dim3A_1036 = arith.constant 9 : i32
        %broadcast_in_dim3A_1037 = vector.broadcast %broadcast_in_dim3A_1036 : i32 to vector<16xi32>
        tpu.vector_store_idx %arg15[%broadcast_in_dim3A_1037], %masked_cummax3A_1009 masked %eq3A_12 : memref<16xf32, #tpu.memory_space<vmem>>[vector<16xi32>], vector<16xf32>, vector<16xi1>
        %broadcast_in_dim3A_1038 = arith.constant 10 : i32
        %broadcast_in_dim3A_1039 = vector.broadcast %broadcast_in_dim3A_1038 : i32 to vector<16xi32>
        tpu.vector_store_idx %arg15[%broadcast_in_dim3A_1039], %masked_cummax3A_1013 masked %eq3A_12 : memref<16xf32, #tpu.memory_space<vmem>>[vector<16xi32>], vector<16xf32>, vector<16xi1>
        %broadcast_in_dim3A_1040 = arith.constant 11 : i32
        %broadcast_in_dim3A_1041 = vector.broadcast %broadcast_in_dim3A_1040 : i32 to vector<16xi32>
        tpu.vector_store_idx %arg15[%broadcast_in_dim3A_1041], %masked_cummax3A_1017 masked %eq3A_12 : memref<16xf32, #tpu.memory_space<vmem>>[vector<16xi32>], vector<16xf32>, vector<16xi1>
        %broadcast_in_dim3A_1042 = arith.constant 12 : i32
        %broadcast_in_dim3A_1043 = vector.broadcast %broadcast_in_dim3A_1042 : i32 to vector<16xi32>
        tpu.vector_store_idx %arg15[%broadcast_in_dim3A_1043], %masked_cummax3A_1021 masked %eq3A_12 : memref<16xf32, #tpu.memory_space<vmem>>[vector<16xi32>], vector<16xf32>, vector<16xi1>
        %broadcast_in_dim3A_1044 = arith.constant 13 : i32
        %broadcast_in_dim3A_1045 = vector.broadcast %broadcast_in_dim3A_1044 : i32 to vector<16xi32>
        tpu.vector_store_idx %arg15[%broadcast_in_dim3A_1045], %masked_cummax3A_1025 masked %eq3A_12 : memref<16xf32, #tpu.memory_space<vmem>>[vector<16xi32>], vector<16xf32>, vector<16xi1>
        %broadcast_in_dim3A_1046 = arith.constant 14 : i32
        %broadcast_in_dim3A_1047 = vector.broadcast %broadcast_in_dim3A_1046 : i32 to vector<16xi32>
        tpu.vector_store_idx %arg15[%broadcast_in_dim3A_1047], %masked_cummax3A_1029 masked %eq3A_12 : memref<16xf32, #tpu.memory_space<vmem>>[vector<16xi32>], vector<16xf32>, vector<16xi1>
        %broadcast_in_dim3A_1048 = arith.constant 15 : i32
        %broadcast_in_dim3A_1049 = vector.broadcast %broadcast_in_dim3A_1048 : i32 to vector<16xi32>
        tpu.vector_store_idx %arg15[%broadcast_in_dim3A_1049], %masked_cummax3A_1033 masked %eq3A_12 : memref<16xf32, #tpu.memory_space<vmem>>[vector<16xi32>], vector<16xf32>, vector<16xi1>
        %mul3A_1050 = arith.constant 80 : i32
        %mul3A_1051 = arith.muli %mul3A_49, %mul3A_1050 : i32
        %mul3A_1052 = arith.constant 16 : i32
        %mul3A_1053 = arith.muli %scan3A_112, %mul3A_1052 : i32
        %add3A_1054 = arith.addi %mul3A_1051, %mul3A_1053 : i32
        %get3A_1055 = arith.constant 0 : index
        %get3A_1056 = tpu.vector_load %arg15[%get3A_1055] {strides = array<i32>} : memref<16xf32, #tpu.memory_space<vmem>>, vector<16xf32>,
        %get3A_1057 = arith.index_cast %add3A_1054 : i32 to index
        %get3A_1058 = tpu.vector_load %arg9[%get3A_1057] {strides = array<i32>} : memref<10000xf32, #tpu.memory_space<vmem>>, vector<16xf32>,
        %div3A = arith.divf %get3A_1056, %get3A_1058 : vector<16xf32>
        %get3A_1059 = arith.index_cast %add3A_1054 : i32 to index
        %get3A_1060 = tpu.vector_load %arg8[%get3A_1059] {strides = array<i32>} : memref<10000xi32, #tpu.memory_space<vmem>>, vector<16xi32>,
        tpu.vector_store_idx %arg14[%get3A_1060], %div3A {add = true} : memref<10000xf32, #tpu.memory_space<vmem>>[vector<16xi32>], vector<16xf32>,
      }
      %scan3A_79 = arith.constant 5 : i32
      %add3A_80 = arith.constant 2 : i32
      %add3A_81 = arith.addi %mul3A_49, %add3A_80 : i32
      %mul3A_82 = arith.constant 80 : i32
      %mul3A_83 = arith.muli %add3A_81, %mul3A_82 : i32
      %dma_start3A_84 = tpu.memref_slice %arg7[%mul3A_83] : memref<10000xi32, #tpu.memory_space<vmem>> -> memref<80xi32, #tpu.memory_space<vmem>>
      %dma_start3A_85 = arith.constant 0 : i32
      %dma_start3A_86 = arith.constant 0 : i32
      %dma_start3A_87 = tpu.memref_slice %arg2[%dma_start3A_85, %dma_start3A_86] : memref<10000x64xi32, #tpu.memory_space<hbm>> -> memref<10000x64xi32, #tpu.memory_space<hbm>>
      tpu.enqueue_indirect_dma source(%dma_start3A_87 : memref<10000x64xi32, #tpu.memory_space<hbm>>) target(%arg10 : memref<80x64xi32, #tpu.memory_space<vmem>>) offsets(%dma_start3A_84 : memref<80xi32, #tpu.memory_space<vmem>>) semaphore(%arg16 : memref<!tpu.dma_semaphore, #tpu.memory_space<semaphore_mem>>)
      %mul3A_88 = arith.constant 80 : i32
      %mul3A_89 = arith.muli %add3A_81, %mul3A_88 : i32
      %dma_start3A_90 = tpu.memref_slice %arg8[%mul3A_89] : memref<10000xi32, #tpu.memory_space<vmem>> -> memref<80xi32, #tpu.memory_space<vmem>>
      %dma_start3A_91 = arith.constant 0 : i32
      %dma_start3A_92 = arith.constant 0 : i32
      %dma_start3A_93 = tpu.memref_slice %arg2[%dma_start3A_91, %dma_start3A_92] : memref<10000x64xi32, #tpu.memory_space<hbm>> -> memref<10000x64xi32, #tpu.memory_space<hbm>>
      tpu.enqueue_indirect_dma source(%dma_start3A_93 : memref<10000x64xi32, #tpu.memory_space<hbm>>) target(%arg11 : memref<80x64xi32, #tpu.memory_space<vmem>>) offsets(%dma_start3A_90 : memref<80xi32, #tpu.memory_space<vmem>>) semaphore(%arg16 : memref<!tpu.dma_semaphore, #tpu.memory_space<semaphore_mem>>)
      %dma_wait3A_94 = arith.constant 0 : i32
      %dma_wait3A_95 = tpu.memref_slice %arg7[%dma_wait3A_94] : memref<10000xi32, #tpu.memory_space<vmem>> -> memref<80xi32, #tpu.memory_space<vmem>>
      %dma_wait3A_96 = arith.constant 0 : i32
      %dma_wait3A_97 = arith.constant 0 : i32
      %dma_wait3A_98 = tpu.memref_slice %arg2[%dma_wait3A_96, %dma_wait3A_97] : memref<10000x64xi32, #tpu.memory_space<hbm>> -> memref<10000x64xi32, #tpu.memory_space<hbm>>
      tpu.wait_indirect_dma semaphore(%arg17 : memref<!tpu.dma_semaphore, #tpu.memory_space<semaphore_mem>>) src(%dma_wait3A_98 : memref<10000x64xi32, #tpu.memory_space<hbm>>) dst(%arg12 : memref<80x64xi32, #tpu.memory_space<vmem>>)
      %dma_wait3A_99 = arith.constant 0 : i32
      %dma_wait3A_100 = tpu.memref_slice %arg8[%dma_wait3A_99] : memref<10000xi32, #tpu.memory_space<vmem>> -> memref<80xi32, #tpu.memory_space<vmem>>
      %dma_wait3A_101 = arith.constant 0 : i32
      %dma_wait3A_102 = arith.constant 0 : i32
      %dma_wait3A_103 = tpu.memref_slice %arg2[%dma_wait3A_101, %dma_wait3A_102] : memref<10000x64xi32, #tpu.memory_space<hbm>> -> memref<10000x64xi32, #tpu.memory_space<hbm>>
      tpu.wait_indirect_dma semaphore(%arg17 : memref<!tpu.dma_semaphore, #tpu.memory_space<semaphore_mem>>) src(%dma_wait3A_103 : memref<10000x64xi32, #tpu.memory_space<hbm>>) dst(%arg13 : memref<80x64xi32, #tpu.memory_space<vmem>>)
      %add3A_104 = arith.constant 1 : i32
      %add3A_105 = arith.addi %mul3A_49, %add3A_104 : i32
      %scan3A_106 = arith.constant 0 : i32
      %scan3A_107 = arith.constant 0 : i32
      %scan3A_108 = arith.constant 5 : i32
      %scan3A_109 = arith.addi %scan3A_107, %scan3A_108 : i32
      %scan3A_110 = arith.constant 1 : i32
      scf.for %scan3A_112 = %scan3A_107 to %scan3A_109 step %scan3A_110  : i32 {
        %mul3A_113 = arith.constant 16 : i32
        %mul3A_114 = arith.muli %scan3A_112, %mul3A_113 : i32
        %add3A_115 = arith.constant 0 : i32
        %add3A_116 = arith.addi %mul3A_114, %add3A_115 : i32
        %add3A_117 = arith.constant 0 : i32
        %add3A_118 = arith.addi %add3A_116, %add3A_117 : i32
        %mul3A_119 = arith.constant 16 : i32
        %mul3A_120 = arith.muli %scan3A_112, %mul3A_119 : i32
        %add3A_121 = arith.constant 0 : i32
        %add3A_122 = arith.addi %mul3A_120, %add3A_121 : i32
        %add3A_123 = arith.constant 1 : i32
        %add3A_124 = arith.addi %add3A_122, %add3A_123 : i32
        %mul3A_125 = arith.constant 16 : i32
        %mul3A_126 = arith.muli %scan3A_112, %mul3A_125 : i32
        %add3A_127 = arith.constant 0 : i32
        %add3A_128 = arith.addi %mul3A_126, %add3A_127 : i32
        %add3A_129 = arith.constant 2 : i32
        %add3A_130 = arith.addi %add3A_128, %add3A_129 : i32
        %mul3A_131 = arith.constant 16 : i32
        %mul3A_132 = arith.muli %scan3A_112, %mul3A_131 : i32
        %add3A_133 = arith.constant 0 : i32
        %add3A_134 = arith.addi %mul3A_132, %add3A_133 : i32
        %add3A_135 = arith.constant 3 : i32
        %add3A_136 = arith.addi %add3A_134, %add3A_135 : i32
        %mul3A_137 = arith.constant 16 : i32
        %mul3A_138 = arith.muli %scan3A_112, %mul3A_137 : i32
        %add3A_139 = arith.constant 0 : i32
        %add3A_140 = arith.addi %mul3A_138, %add3A_139 : i32
        %add3A_141 = arith.constant 4 : i32
        %add3A_142 = arith.addi %add3A_140, %add3A_141 : i32
        %mul3A_143 = arith.constant 16 : i32
        %mul3A_144 = arith.muli %scan3A_112, %mul3A_143 : i32
        %add3A_145 = arith.constant 0 : i32
        %add3A_146 = arith.addi %mul3A_144, %add3A_145 : i32
        %add3A_147 = arith.constant 5 : i32
        %add3A_148 = arith.addi %add3A_146, %add3A_147 : i32
        %mul3A_149 = arith.constant 16 : i32
        %mul3A_150 = arith.muli %scan3A_112, %mul3A_149 : i32
        %add3A_151 = arith.constant 0 : i32
        %add3A_152 = arith.addi %mul3A_150, %add3A_151 : i32
        %add3A_153 = arith.constant 6 : i32
        %add3A_154 = arith.addi %add3A_152, %add3A_153 : i32
        %mul3A_155 = arith.constant 16 : i32
        %mul3A_156 = arith.muli %scan3A_112, %mul3A_155 : i32
        %add3A_157 = arith.constant 0 : i32
        %add3A_158 = arith.addi %mul3A_156, %add3A_157 : i32
        %add3A_159 = arith.constant 7 : i32
        %add3A_160 = arith.addi %add3A_158, %add3A_159 : i32
        %get3A = arith.index_cast %add3A_118 : i32 to index
        %get3A_161 = arith.constant 0 : index
        %get3A_162 = tpu.vector_load %arg12[%get3A, %get3A_161] {strides = array<i32>} : memref<80x64xi32, #tpu.memory_space<vmem>>, vector<16xi32>,
        %bitcast3A = vector.bitcast %get3A_162 : vector<16xi32> to vector<32xbf16>
        %get3A_163 = arith.index_cast %add3A_124 : i32 to index
        %get3A_164 = arith.constant 0 : index
        %get3A_165 = tpu.vector_load %arg12[%get3A_163, %get3A_164] {strides = array<i32>} : memref<80x64xi32, #tpu.memory_space<vmem>>, vector<16xi32>,
        %bitcast3A_166 = vector.bitcast %get3A_165 : vector<16xi32> to vector<32xbf16>
        %get3A_167 = arith.index_cast %add3A_130 : i32 to index
        %get3A_168 = arith.constant 0 : index
        %get3A_169 = tpu.vector_load %arg12[%get3A_167, %get3A_168] {strides = array<i32>} : memref<80x64xi32, #tpu.memory_space<vmem>>, vector<16xi32>,
        %bitcast3A_170 = vector.bitcast %get3A_169 : vector<16xi32> to vector<32xbf16>
        %get3A_171 = arith.index_cast %add3A_136 : i32 to index
        %get3A_172 = arith.constant 0 : index
        %get3A_173 = tpu.vector_load %arg12[%get3A_171, %get3A_172] {strides = array<i32>} : memref<80x64xi32, #tpu.memory_space<vmem>>, vector<16xi32>,
        %bitcast3A_174 = vector.bitcast %get3A_173 : vector<16xi32> to vector<32xbf16>
        %get3A_175 = arith.index_cast %add3A_142 : i32 to index
        %get3A_176 = arith.constant 0 : index
        %get3A_177 = tpu.vector_load %arg12[%get3A_175, %get3A_176] {strides = array<i32>} : memref<80x64xi32, #tpu.memory_space<vmem>>, vector<16xi32>,
        %bitcast3A_178 = vector.bitcast %get3A_177 : vector<16xi32> to vector<32xbf16>
        %get3A_179 = arith.index_cast %add3A_148 : i32 to index
        %get3A_180 = arith.constant 0 : index
        %get3A_181 = tpu.vector_load %arg12[%get3A_179, %get3A_180] {strides = array<i32>} : memref<80x64xi32, #tpu.memory_space<vmem>>, vector<16xi32>,
        %bitcast3A_182 = vector.bitcast %get3A_181 : vector<16xi32> to vector<32xbf16>
        %get3A_183 = arith.index_cast %add3A_154 : i32 to index
        %get3A_184 = arith.constant 0 : index
        %get3A_185 = tpu.vector_load %arg12[%get3A_183, %get3A_184] {strides = array<i32>} : memref<80x64xi32, #tpu.memory_space<vmem>>, vector<16xi32>,
        %bitcast3A_186 = vector.bitcast %get3A_185 : vector<16xi32> to vector<32xbf16>
        %get3A_187 = arith.index_cast %add3A_160 : i32 to index
        %get3A_188 = arith.constant 0 : index
        %get3A_189 = tpu.vector_load %arg12[%get3A_187, %get3A_188] {strides = array<i32>} : memref<80x64xi32, #tpu.memory_space<vmem>>, vector<16xi32>,
        %bitcast3A_190 = vector.bitcast %get3A_189 : vector<16xi32> to vector<32xbf16>
        %get3A_191 = arith.index_cast %add3A_118 : i32 to index
        %get3A_192 = arith.constant 0 : index
        %get3A_193 = tpu.vector_load %arg13[%get3A_191, %get3A_192] {strides = array<i32>} : memref<80x64xi32, #tpu.memory_space<vmem>>, vector<16xi32>,
        %bitcast3A_194 = vector.bitcast %get3A_193 : vector<16xi32> to vector<32xbf16>
        %get3A_195 = arith.index_cast %add3A_124 : i32 to index
        %get3A_196 = arith.constant 0 : index
        %get3A_197 = tpu.vector_load %arg13[%get3A_195, %get3A_196] {strides = array<i32>} : memref<80x64xi32, #tpu.memory_space<vmem>>, vector<16xi32>,
        %bitcast3A_198 = vector.bitcast %get3A_197 : vector<16xi32> to vector<32xbf16>
        %get3A_199 = arith.index_cast %add3A_130 : i32 to index
        %get3A_200 = arith.constant 0 : index
        %get3A_201 = tpu.vector_load %arg13[%get3A_199, %get3A_200] {strides = array<i32>} : memref<80x64xi32, #tpu.memory_space<vmem>>, vector<16xi32>,
        %bitcast3A_202 = vector.bitcast %get3A_201 : vector<16xi32> to vector<32xbf16>
        %get3A_203 = arith.index_cast %add3A_136 : i32 to index
        %get3A_204 = arith.constant 0 : index
        %get3A_205 = tpu.vector_load %arg13[%get3A_203, %get3A_204] {strides = array<i32>} : memref<80x64xi32, #tpu.memory_space<vmem>>, vector<16xi32>,
        %bitcast3A_206 = vector.bitcast %get3A_205 : vector<16xi32> to vector<32xbf16>
        %get3A_207 = arith.index_cast %add3A_142 : i32 to index
        %get3A_208 = arith.constant 0 : index
        %get3A_209 = tpu.vector_load %arg13[%get3A_207, %get3A_208] {strides = array<i32>} : memref<80x64xi32, #tpu.memory_space<vmem>>, vector<16xi32>,
        %bitcast3A_210 = vector.bitcast %get3A_209 : vector<16xi32> to vector<32xbf16>
        %get3A_211 = arith.index_cast %add3A_148 : i32 to index
        %get3A_212 = arith.constant 0 : index
        %get3A_213 = tpu.vector_load %arg13[%get3A_211, %get3A_212] {strides = array<i32>} : memref<80x64xi32, #tpu.memory_space<vmem>>, vector<16xi32>,
        %bitcast3A_214 = vector.bitcast %get3A_213 : vector<16xi32> to vector<32xbf16>
        %get3A_215 = arith.index_cast %add3A_154 : i32 to index
        %get3A_216 = arith.constant 0 : index
        %get3A_217 = tpu.vector_load %arg13[%get3A_215, %get3A_216] {strides = array<i32>} : memref<80x64xi32, #tpu.memory_space<vmem>>, vector<16xi32>,
        %bitcast3A_218 = vector.bitcast %get3A_217 : vector<16xi32> to vector<32xbf16>
        %get3A_219 = arith.index_cast %add3A_160 : i32 to index
        %get3A_220 = arith.constant 0 : index
        %get3A_221 = tpu.vector_load %arg13[%get3A_219, %get3A_220] {strides = array<i32>} : memref<80x64xi32, #tpu.memory_space<vmem>>, vector<16xi32>,
        %bitcast3A_222 = vector.bitcast %get3A_221 : vector<16xi32> to vector<32xbf16>
        %sub3A = arith.subf %bitcast3A, %bitcast3A_194 : vector<32xbf16>
        %max3A = arith.maximumf %broadcast_in_dim3A_10, %sub3A : vector<32xbf16>
        %sub3A_223 = arith.subf %bitcast3A_166, %bitcast3A_198 : vector<32xbf16>
        %max3A_224 = arith.maximumf %broadcast_in_dim3A_10, %sub3A_223 : vector<32xbf16>
        %sub3A_225 = arith.subf %bitcast3A_170, %bitcast3A_202 : vector<32xbf16>
        %max3A_226 = arith.maximumf %broadcast_in_dim3A_10, %sub3A_225 : vector<32xbf16>
        %sub3A_227 = arith.subf %bitcast3A_174, %bitcast3A_206 : vector<32xbf16>
        %max3A_228 = arith.maximumf %broadcast_in_dim3A_10, %sub3A_227 : vector<32xbf16>
        %sub3A_229 = arith.subf %bitcast3A_178, %bitcast3A_210 : vector<32xbf16>
        %max3A_230 = arith.maximumf %broadcast_in_dim3A_10, %sub3A_229 : vector<32xbf16>
        %sub3A_231 = arith.subf %bitcast3A_182, %bitcast3A_214 : vector<32xbf16>
        %max3A_232 = arith.maximumf %broadcast_in_dim3A_10, %sub3A_231 : vector<32xbf16>
        %sub3A_233 = arith.subf %bitcast3A_186, %bitcast3A_218 : vector<32xbf16>
        %max3A_234 = arith.maximumf %broadcast_in_dim3A_10, %sub3A_233 : vector<32xbf16>
        %sub3A_235 = arith.subf %bitcast3A_190, %bitcast3A_222 : vector<32xbf16>
        %max3A_236 = arith.maximumf %broadcast_in_dim3A_10, %sub3A_235 : vector<32xbf16>
        %get3A_237 = arith.index_cast %add3A_118 : i32 to index
        %get3A_238 = arith.constant 16 : index
        %get3A_239 = tpu.vector_load %arg12[%get3A_237, %get3A_238] {strides = array<i32>} : memref<80x64xi32, #tpu.memory_space<vmem>>, vector<16xi32>,
        %bitcast3A_240 = vector.bitcast %get3A_239 : vector<16xi32> to vector<32xbf16>
        %get3A_241 = arith.index_cast %add3A_124 : i32 to index
        %get3A_242 = arith.constant 16 : index
        %get3A_243 = tpu.vector_load %arg12[%get3A_241, %get3A_242] {strides = array<i32>} : memref<80x64xi32, #tpu.memory_space<vmem>>, vector<16xi32>,
        %bitcast3A_244 = vector.bitcast %get3A_243 : vector<16xi32> to vector<32xbf16>
        %get3A_245 = arith.index_cast %add3A_130 : i32 to index
        %get3A_246 = arith.constant 16 : index
        %get3A_247 = tpu.vector_load %arg12[%get3A_245, %get3A_246] {strides = array<i32>} : memref<80x64xi32, #tpu.memory_space<vmem>>, vector<16xi32>,
        %bitcast3A_248 = vector.bitcast %get3A_247 : vector<16xi32> to vector<32xbf16>
        %get3A_249 = arith.index_cast %add3A_136 : i32 to index
        %get3A_250 = arith.constant 16 : index
        %get3A_251 = tpu.vector_load %arg12[%get3A_249, %get3A_250] {strides = array<i32>} : memref<80x64xi32, #tpu.memory_space<vmem>>, vector<16xi32>,
        %bitcast3A_252 = vector.bitcast %get3A_251 : vector<16xi32> to vector<32xbf16>
        %get3A_253 = arith.index_cast %add3A_142 : i32 to index
        %get3A_254 = arith.constant 16 : index
        %get3A_255 = tpu.vector_load %arg12[%get3A_253, %get3A_254] {strides = array<i32>} : memref<80x64xi32, #tpu.memory_space<vmem>>, vector<16xi32>,
        %bitcast3A_256 = vector.bitcast %get3A_255 : vector<16xi32> to vector<32xbf16>
        %get3A_257 = arith.index_cast %add3A_148 : i32 to index
        %get3A_258 = arith.constant 16 : index
        %get3A_259 = tpu.vector_load %arg12[%get3A_257, %get3A_258] {strides = array<i32>} : memref<80x64xi32, #tpu.memory_space<vmem>>, vector<16xi32>,
        %bitcast3A_260 = vector.bitcast %get3A_259 : vector<16xi32> to vector<32xbf16>
        %get3A_261 = arith.index_cast %add3A_154 : i32 to index
        %get3A_262 = arith.constant 16 : index
        %get3A_263 = tpu.vector_load %arg12[%get3A_261, %get3A_262] {strides = array<i32>} : memref<80x64xi32, #tpu.memory_space<vmem>>, vector<16xi32>,
        %bitcast3A_264 = vector.bitcast %get3A_263 : vector<16xi32> to vector<32xbf16>
        %get3A_265 = arith.index_cast %add3A_160 : i32 to index
        %get3A_266 = arith.constant 16 : index
        %get3A_267 = tpu.vector_load %arg12[%get3A_265, %get3A_266] {strides = array<i32>} : memref<80x64xi32, #tpu.memory_space<vmem>>, vector<16xi32>,
        %bitcast3A_268 = vector.bitcast %get3A_267 : vector<16xi32> to vector<32xbf16>
        %get3A_269 = arith.index_cast %add3A_118 : i32 to index
        %get3A_270 = arith.constant 16 : index
        %get3A_271 = tpu.vector_load %arg13[%get3A_269, %get3A_270] {strides = array<i32>} : memref<80x64xi32, #tpu.memory_space<vmem>>, vector<16xi32>,
        %bitcast3A_272 = vector.bitcast %get3A_271 : vector<16xi32> to vector<32xbf16>
        %get3A_273 = arith.index_cast %add3A_124 : i32 to index
        %get3A_274 = arith.constant 16 : index
        %get3A_275 = tpu.vector_load %arg13[%get3A_273, %get3A_274] {strides = array<i32>} : memref<80x64xi32, #tpu.memory_space<vmem>>, vector<16xi32>,
        %bitcast3A_276 = vector.bitcast %get3A_275 : vector<16xi32> to vector<32xbf16>
        %get3A_277 = arith.index_cast %add3A_130 : i32 to index
        %get3A_278 = arith.constant 16 : index
        %get3A_279 = tpu.vector_load %arg13[%get3A_277, %get3A_278] {strides = array<i32>} : memref<80x64xi32, #tpu.memory_space<vmem>>, vector<16xi32>,
        %bitcast3A_280 = vector.bitcast %get3A_279 : vector<16xi32> to vector<32xbf16>
        %get3A_281 = arith.index_cast %add3A_136 : i32 to index
        %get3A_282 = arith.constant 16 : index
        %get3A_283 = tpu.vector_load %arg13[%get3A_281, %get3A_282] {strides = array<i32>} : memref<80x64xi32, #tpu.memory_space<vmem>>, vector<16xi32>,
        %bitcast3A_284 = vector.bitcast %get3A_283 : vector<16xi32> to vector<32xbf16>
        %get3A_285 = arith.index_cast %add3A_142 : i32 to index
        %get3A_286 = arith.constant 16 : index
        %get3A_287 = tpu.vector_load %arg13[%get3A_285, %get3A_286] {strides = array<i32>} : memref<80x64xi32, #tpu.memory_space<vmem>>, vector<16xi32>,
        %bitcast3A_288 = vector.bitcast %get3A_287 : vector<16xi32> to vector<32xbf16>
        %get3A_289 = arith.index_cast %add3A_148 : i32 to index
        %get3A_290 = arith.constant 16 : index
        %get3A_291 = tpu.vector_load %arg13[%get3A_289, %get3A_290] {strides = array<i32>} : memref<80x64xi32, #tpu.memory_space<vmem>>, vector<16xi32>,
        %bitcast3A_292 = vector.bitcast %get3A_291 : vector<16xi32> to vector<32xbf16>
        %get3A_293 = arith.index_cast %add3A_154 : i32 to index
        %get3A_294 = arith.constant 16 : index
        %get3A_295 = tpu.vector_load %arg13[%get3A_293, %get3A_294] {strides = array<i32>} : memref<80x64xi32, #tpu.memory_space<vmem>>, vector<16xi32>,
        %bitcast3A_296 = vector.bitcast %get3A_295 : vector<16xi32> to vector<32xbf16>
        %get3A_297 = arith.index_cast %add3A_160 : i32 to index
        %get3A_298 = arith.constant 16 : index
        %get3A_299 = tpu.vector_load %arg13[%get3A_297, %get3A_298] {strides = array<i32>} : memref<80x64xi32, #tpu.memory_space<vmem>>, vector<16xi32>,
        %bitcast3A_300 = vector.bitcast %get3A_299 : vector<16xi32> to vector<32xbf16>
        %sub3A_301 = arith.subf %bitcast3A_240, %bitcast3A_272 : vector<32xbf16>
        %max3A_302 = arith.maximumf %max3A, %sub3A_301 : vector<32xbf16>
        %sub3A_303 = arith.subf %bitcast3A_244, %bitcast3A_276 : vector<32xbf16>
        %max3A_304 = arith.maximumf %max3A_224, %sub3A_303 : vector<32xbf16>
        %sub3A_305 = arith.subf %bitcast3A_248, %bitcast3A_280 : vector<32xbf16>
        %max3A_306 = arith.maximumf %max3A_226, %sub3A_305 : vector<32xbf16>
        %sub3A_307 = arith.subf %bitcast3A_252, %bitcast3A_284 : vector<32xbf16>
        %max3A_308 = arith.maximumf %max3A_228, %sub3A_307 : vector<32xbf16>
        %sub3A_309 = arith.subf %bitcast3A_256, %bitcast3A_288 : vector<32xbf16>
        %max3A_310 = arith.maximumf %max3A_230, %sub3A_309 : vector<32xbf16>
        %sub3A_311 = arith.subf %bitcast3A_260, %bitcast3A_292 : vector<32xbf16>
        %max3A_312 = arith.maximumf %max3A_232, %sub3A_311 : vector<32xbf16>
        %sub3A_313 = arith.subf %bitcast3A_264, %bitcast3A_296 : vector<32xbf16>
        %max3A_314 = arith.maximumf %max3A_234, %sub3A_313 : vector<32xbf16>
        %sub3A_315 = arith.subf %bitcast3A_268, %bitcast3A_300 : vector<32xbf16>
        %max3A_316 = arith.maximumf %max3A_236, %sub3A_315 : vector<32xbf16>
        %get3A_317 = arith.index_cast %add3A_118 : i32 to index
        %get3A_318 = arith.constant 32 : index
        %get3A_319 = tpu.vector_load %arg12[%get3A_317, %get3A_318] {strides = array<i32>} : memref<80x64xi32, #tpu.memory_space<vmem>>, vector<16xi32>,
        %bitcast3A_320 = vector.bitcast %get3A_319 : vector<16xi32> to vector<32xbf16>
        %get3A_321 = arith.index_cast %add3A_124 : i32 to index
        %get3A_322 = arith.constant 32 : index
        %get3A_323 = tpu.vector_load %arg12[%get3A_321, %get3A_322] {strides = array<i32>} : memref<80x64xi32, #tpu.memory_space<vmem>>, vector<16xi32>,
        %bitcast3A_324 = vector.bitcast %get3A_323 : vector<16xi32> to vector<32xbf16>
        %get3A_325 = arith.index_cast %add3A_130 : i32 to index
        %get3A_326 = arith.constant 32 : index
        %get3A_327 = tpu.vector_load %arg12[%get3A_325, %get3A_326] {strides = array<i32>} : memref<80x64xi32, #tpu.memory_space<vmem>>, vector<16xi32>,
        %bitcast3A_328 = vector.bitcast %get3A_327 : vector<16xi32> to vector<32xbf16>
        %get3A_329 = arith.index_cast %add3A_136 : i32 to index
        %get3A_330 = arith.constant 32 : index
        %get3A_331 = tpu.vector_load %arg12[%get3A_329, %get3A_330] {strides = array<i32>} : memref<80x64xi32, #tpu.memory_space<vmem>>, vector<16xi32>,
        %bitcast3A_332 = vector.bitcast %get3A_331 : vector<16xi32> to vector<32xbf16>
        %get3A_333 = arith.index_cast %add3A_142 : i32 to index
        %get3A_334 = arith.constant 32 : index
        %get3A_335 = tpu.vector_load %arg12[%get3A_333, %get3A_334] {strides = array<i32>} : memref<80x64xi32, #tpu.memory_space<vmem>>, vector<16xi32>,
        %bitcast3A_336 = vector.bitcast %get3A_335 : vector<16xi32> to vector<32xbf16>
        %get3A_337 = arith.index_cast %add3A_148 : i32 to index
        %get3A_338 = arith.constant 32 : index
        %get3A_339 = tpu.vector_load %arg12[%get3A_337, %get3A_338] {strides = array<i32>} : memref<80x64xi32, #tpu.memory_space<vmem>>, vector<16xi32>,
        %bitcast3A_340 = vector.bitcast %get3A_339 : vector<16xi32> to vector<32xbf16>
        %get3A_341 = arith.index_cast %add3A_154 : i32 to index
        %get3A_342 = arith.constant 32 : index
        %get3A_343 = tpu.vector_load %arg12[%get3A_341, %get3A_342] {strides = array<i32>} : memref<80x64xi32, #tpu.memory_space<vmem>>, vector<16xi32>,
        %bitcast3A_344 = vector.bitcast %get3A_343 : vector<16xi32> to vector<32xbf16>
        %get3A_345 = arith.index_cast %add3A_160 : i32 to index
        %get3A_346 = arith.constant 32 : index
        %get3A_347 = tpu.vector_load %arg12[%get3A_345, %get3A_346] {strides = array<i32>} : memref<80x64xi32, #tpu.memory_space<vmem>>, vector<16xi32>,
        %bitcast3A_348 = vector.bitcast %get3A_347 : vector<16xi32> to vector<32xbf16>
        %get3A_349 = arith.index_cast %add3A_118 : i32 to index
        %get3A_350 = arith.constant 32 : index
        %get3A_351 = tpu.vector_load %arg13[%get3A_349, %get3A_350] {strides = array<i32>} : memref<80x64xi32, #tpu.memory_space<vmem>>, vector<16xi32>,
        %bitcast3A_352 = vector.bitcast %get3A_351 : vector<16xi32> to vector<32xbf16>
        %get3A_353 = arith.index_cast %add3A_124 : i32 to index
        %get3A_354 = arith.constant 32 : index
        %get3A_355 = tpu.vector_load %arg13[%get3A_353, %get3A_354] {strides = array<i32>} : memref<80x64xi32, #tpu.memory_space<vmem>>, vector<16xi32>,
        %bitcast3A_356 = vector.bitcast %get3A_355 : vector<16xi32> to vector<32xbf16>
        %get3A_357 = arith.index_cast %add3A_130 : i32 to index
        %get3A_358 = arith.constant 32 : index
        %get3A_359 = tpu.vector_load %arg13[%get3A_357, %get3A_358] {strides = array<i32>} : memref<80x64xi32, #tpu.memory_space<vmem>>, vector<16xi32>,
        %bitcast3A_360 = vector.bitcast %get3A_359 : vector<16xi32> to vector<32xbf16>
        %get3A_361 = arith.index_cast %add3A_136 : i32 to index
        %get3A_362 = arith.constant 32 : index
        %get3A_363 = tpu.vector_load %arg13[%get3A_361, %get3A_362] {strides = array<i32>} : memref<80x64xi32, #tpu.memory_space<vmem>>, vector<16xi32>,
        %bitcast3A_364 = vector.bitcast %get3A_363 : vector<16xi32> to vector<32xbf16>
        %get3A_365 = arith.index_cast %add3A_142 : i32 to index
        %get3A_366 = arith.constant 32 : index
        %get3A_367 = tpu.vector_load %arg13[%get3A_365, %get3A_366] {strides = array<i32>} : memref<80x64xi32, #tpu.memory_space<vmem>>, vector<16xi32>,
        %bitcast3A_368 = vector.bitcast %get3A_367 : vector<16xi32> to vector<32xbf16>
        %get3A_369 = arith.index_cast %add3A_148 : i32 to index
        %get3A_370 = arith.constant 32 : index
        %get3A_371 = tpu.vector_load %arg13[%get3A_369, %get3A_370] {strides = array<i32>} : memref<80x64xi32, #tpu.memory_space<vmem>>, vector<16xi32>,
        %bitcast3A_372 = vector.bitcast %get3A_371 : vector<16xi32> to vector<32xbf16>
        %get3A_373 = arith.index_cast %add3A_154 : i32 to index
        %get3A_374 = arith.constant 32 : index
        %get3A_375 = tpu.vector_load %arg13[%get3A_373, %get3A_374] {strides = array<i32>} : memref<80x64xi32, #tpu.memory_space<vmem>>, vector<16xi32>,
        %bitcast3A_376 = vector.bitcast %get3A_375 : vector<16xi32> to vector<32xbf16>
        %get3A_377 = arith.index_cast %add3A_160 : i32 to index
        %get3A_378 = arith.constant 32 : index
        %get3A_379 = tpu.vector_load %arg13[%get3A_377, %get3A_378] {strides = array<i32>} : memref<80x64xi32, #tpu.memory_space<vmem>>, vector<16xi32>,
        %bitcast3A_380 = vector.bitcast %get3A_379 : vector<16xi32> to vector<32xbf16>
        %sub3A_381 = arith.subf %bitcast3A_320, %bitcast3A_352 : vector<32xbf16>
        %max3A_382 = arith.maximumf %max3A_302, %sub3A_381 : vector<32xbf16>
        %sub3A_383 = arith.subf %bitcast3A_324, %bitcast3A_356 : vector<32xbf16>
        %max3A_384 = arith.maximumf %max3A_304, %sub3A_383 : vector<32xbf16>
        %sub3A_385 = arith.subf %bitcast3A_328, %bitcast3A_360 : vector<32xbf16>
        %max3A_386 = arith.maximumf %max3A_306, %sub3A_385 : vector<32xbf16>
        %sub3A_387 = arith.subf %bitcast3A_332, %bitcast3A_364 : vector<32xbf16>
        %max3A_388 = arith.maximumf %max3A_308, %sub3A_387 : vector<32xbf16>
        %sub3A_389 = arith.subf %bitcast3A_336, %bitcast3A_368 : vector<32xbf16>
        %max3A_390 = arith.maximumf %max3A_310, %sub3A_389 : vector<32xbf16>
        %sub3A_391 = arith.subf %bitcast3A_340, %bitcast3A_372 : vector<32xbf16>
        %max3A_392 = arith.maximumf %max3A_312, %sub3A_391 : vector<32xbf16>
        %sub3A_393 = arith.subf %bitcast3A_344, %bitcast3A_376 : vector<32xbf16>
        %max3A_394 = arith.maximumf %max3A_314, %sub3A_393 : vector<32xbf16>
        %sub3A_395 = arith.subf %bitcast3A_348, %bitcast3A_380 : vector<32xbf16>
        %max3A_396 = arith.maximumf %max3A_316, %sub3A_395 : vector<32xbf16>
        %get3A_397 = arith.index_cast %add3A_118 : i32 to index
        %get3A_398 = arith.constant 48 : index
        %get3A_399 = tpu.vector_load %arg12[%get3A_397, %get3A_398] {strides = array<i32>} : memref<80x64xi32, #tpu.memory_space<vmem>>, vector<16xi32>,
        %bitcast3A_400 = vector.bitcast %get3A_399 : vector<16xi32> to vector<32xbf16>
        %get3A_401 = arith.index_cast %add3A_124 : i32 to index
        %get3A_402 = arith.constant 48 : index
        %get3A_403 = tpu.vector_load %arg12[%get3A_401, %get3A_402] {strides = array<i32>} : memref<80x64xi32, #tpu.memory_space<vmem>>, vector<16xi32>,
        %bitcast3A_404 = vector.bitcast %get3A_403 : vector<16xi32> to vector<32xbf16>
        %get3A_405 = arith.index_cast %add3A_130 : i32 to index
        %get3A_406 = arith.constant 48 : index
        %get3A_407 = tpu.vector_load %arg12[%get3A_405, %get3A_406] {strides = array<i32>} : memref<80x64xi32, #tpu.memory_space<vmem>>, vector<16xi32>,
        %bitcast3A_408 = vector.bitcast %get3A_407 : vector<16xi32> to vector<32xbf16>
        %get3A_409 = arith.index_cast %add3A_136 : i32 to index
        %get3A_410 = arith.constant 48 : index
        %get3A_411 = tpu.vector_load %arg12[%get3A_409, %get3A_410] {strides = array<i32>} : memref<80x64xi32, #tpu.memory_space<vmem>>, vector<16xi32>,
        %bitcast3A_412 = vector.bitcast %get3A_411 : vector<16xi32> to vector<32xbf16>
        %get3A_413 = arith.index_cast %add3A_142 : i32 to index
        %get3A_414 = arith.constant 48 : index
        %get3A_415 = tpu.vector_load %arg12[%get3A_413, %get3A_414] {strides = array<i32>} : memref<80x64xi32, #tpu.memory_space<vmem>>, vector<16xi32>,
        %bitcast3A_416 = vector.bitcast %get3A_415 : vector<16xi32> to vector<32xbf16>
        %get3A_417 = arith.index_cast %add3A_148 : i32 to index
        %get3A_418 = arith.constant 48 : index
        %get3A_419 = tpu.vector_load %arg12[%get3A_417, %get3A_418] {strides = array<i32>} : memref<80x64xi32, #tpu.memory_space<vmem>>, vector<16xi32>,
        %bitcast3A_420 = vector.bitcast %get3A_419 : vector<16xi32> to vector<32xbf16>
        %get3A_421 = arith.index_cast %add3A_154 : i32 to index
        %get3A_422 = arith.constant 48 : index
        %get3A_423 = tpu.vector_load %arg12[%get3A_421, %get3A_422] {strides = array<i32>} : memref<80x64xi32, #tpu.memory_space<vmem>>, vector<16xi32>,
        %bitcast3A_424 = vector.bitcast %get3A_423 : vector<16xi32> to vector<32xbf16>
        %get3A_425 = arith.index_cast %add3A_160 : i32 to index
        %get3A_426 = arith.constant 48 : index
        %get3A_427 = tpu.vector_load %arg12[%get3A_425, %get3A_426] {strides = array<i32>} : memref<80x64xi32, #tpu.memory_space<vmem>>, vector<16xi32>,
        %bitcast3A_428 = vector.bitcast %get3A_427 : vector<16xi32> to vector<32xbf16>
        %get3A_429 = arith.index_cast %add3A_118 : i32 to index
        %get3A_430 = arith.constant 48 : index
        %get3A_431 = tpu.vector_load %arg13[%get3A_429, %get3A_430] {strides = array<i32>} : memref<80x64xi32, #tpu.memory_space<vmem>>, vector<16xi32>,
        %bitcast3A_432 = vector.bitcast %get3A_431 : vector<16xi32> to vector<32xbf16>
        %get3A_433 = arith.index_cast %add3A_124 : i32 to index
        %get3A_434 = arith.constant 48 : index
        %get3A_435 = tpu.vector_load %arg13[%get3A_433, %get3A_434] {strides = array<i32>} : memref<80x64xi32, #tpu.memory_space<vmem>>, vector<16xi32>,
        %bitcast3A_436 = vector.bitcast %get3A_435 : vector<16xi32> to vector<32xbf16>
        %get3A_437 = arith.index_cast %add3A_130 : i32 to index
        %get3A_438 = arith.constant 48 : index
        %get3A_439 = tpu.vector_load %arg13[%get3A_437, %get3A_438] {strides = array<i32>} : memref<80x64xi32, #tpu.memory_space<vmem>>, vector<16xi32>,
        %bitcast3A_440 = vector.bitcast %get3A_439 : vector<16xi32> to vector<32xbf16>
        %get3A_441 = arith.index_cast %add3A_136 : i32 to index
        %get3A_442 = arith.constant 48 : index
        %get3A_443 = tpu.vector_load %arg13[%get3A_441, %get3A_442] {strides = array<i32>} : memref<80x64xi32, #tpu.memory_space<vmem>>, vector<16xi32>,
        %bitcast3A_444 = vector.bitcast %get3A_443 : vector<16xi32> to vector<32xbf16>
        %get3A_445 = arith.index_cast %add3A_142 : i32 to index
        %get3A_446 = arith.constant 48 : index
        %get3A_447 = tpu.vector_load %arg13[%get3A_445, %get3A_446] {strides = array<i32>} : memref<80x64xi32, #tpu.memory_space<vmem>>, vector<16xi32>,
        %bitcast3A_448 = vector.bitcast %get3A_447 : vector<16xi32> to vector<32xbf16>
        %get3A_449 = arith.index_cast %add3A_148 : i32 to index
        %get3A_450 = arith.constant 48 : index
        %get3A_451 = tpu.vector_load %arg13[%get3A_449, %get3A_450] {strides = array<i32>} : memref<80x64xi32, #tpu.memory_space<vmem>>, vector<16xi32>,
        %bitcast3A_452 = vector.bitcast %get3A_451 : vector<16xi32> to vector<32xbf16>
        %get3A_453 = arith.index_cast %add3A_154 : i32 to index
        %get3A_454 = arith.constant 48 : index
        %get3A_455 = tpu.vector_load %arg13[%get3A_453, %get3A_454] {strides = array<i32>} : memref<80x64xi32, #tpu.memory_space<vmem>>, vector<16xi32>,
        %bitcast3A_456 = vector.bitcast %get3A_455 : vector<16xi32> to vector<32xbf16>
        %get3A_457 = arith.index_cast %add3A_160 : i32 to index
        %get3A_458 = arith.constant 48 : index
        %get3A_459 = tpu.vector_load %arg13[%get3A_457, %get3A_458] {strides = array<i32>} : memref<80x64xi32, #tpu.memory_space<vmem>>, vector<16xi32>,
        %bitcast3A_460 = vector.bitcast %get3A_459 : vector<16xi32> to vector<32xbf16>
        %sub3A_461 = arith.subf %bitcast3A_400, %bitcast3A_432 : vector<32xbf16>
        %max3A_462 = arith.maximumf %max3A_382, %sub3A_461 : vector<32xbf16>
        %sub3A_463 = arith.subf %bitcast3A_404, %bitcast3A_436 : vector<32xbf16>
        %max3A_464 = arith.maximumf %max3A_384, %sub3A_463 : vector<32xbf16>
        %sub3A_465 = arith.subf %bitcast3A_408, %bitcast3A_440 : vector<32xbf16>
        %max3A_466 = arith.maximumf %max3A_386, %sub3A_465 : vector<32xbf16>
        %sub3A_467 = arith.subf %bitcast3A_412, %bitcast3A_444 : vector<32xbf16>
        %max3A_468 = arith.maximumf %max3A_388, %sub3A_467 : vector<32xbf16>
        %sub3A_469 = arith.subf %bitcast3A_416, %bitcast3A_448 : vector<32xbf16>
        %max3A_470 = arith.maximumf %max3A_390, %sub3A_469 : vector<32xbf16>
        %sub3A_471 = arith.subf %bitcast3A_420, %bitcast3A_452 : vector<32xbf16>
        %max3A_472 = arith.maximumf %max3A_392, %sub3A_471 : vector<32xbf16>
        %sub3A_473 = arith.subf %bitcast3A_424, %bitcast3A_456 : vector<32xbf16>
        %max3A_474 = arith.maximumf %max3A_394, %sub3A_473 : vector<32xbf16>
        %sub3A_475 = arith.subf %bitcast3A_428, %bitcast3A_460 : vector<32xbf16>
        %max3A_476 = arith.maximumf %max3A_396, %sub3A_475 : vector<32xbf16>
        %bitcast3A_477 = vector.bitcast %max3A_462 : vector<32xbf16> to vector<16xi32>
        %bitcast3A_478 = vector.bitcast %max3A_464 : vector<32xbf16> to vector<16xi32>
        %bitcast3A_479 = vector.bitcast %max3A_466 : vector<32xbf16> to vector<16xi32>
        %bitcast3A_480 = vector.bitcast %max3A_468 : vector<32xbf16> to vector<16xi32>
        %bitcast3A_481 = vector.bitcast %max3A_470 : vector<32xbf16> to vector<16xi32>
        %bitcast3A_482 = vector.bitcast %max3A_472 : vector<32xbf16> to vector<16xi32>
        %bitcast3A_483 = vector.bitcast %max3A_474 : vector<32xbf16> to vector<16xi32>
        %bitcast3A_484 = vector.bitcast %max3A_476 : vector<32xbf16> to vector<16xi32>
        %shift_left3A = arith.constant 16 : i32
        %shift_left3A_485 = vector.broadcast %shift_left3A : i32 to vector<16xi32>
        %shift_left3A_486 = arith.shli %bitcast3A_477, %shift_left3A_485 : vector<16xi32>
        %bitcast3A_487 = vector.bitcast %shift_left3A_486 : vector<16xi32> to vector<16xf32>
        %shift_left3A_488 = arith.constant 16 : i32
        %shift_left3A_489 = vector.broadcast %shift_left3A_488 : i32 to vector<16xi32>
        %shift_left3A_490 = arith.shli %bitcast3A_478, %shift_left3A_489 : vector<16xi32>
        %bitcast3A_491 = vector.bitcast %shift_left3A_490 : vector<16xi32> to vector<16xf32>
        %shift_left3A_492 = arith.constant 16 : i32
        %shift_left3A_493 = vector.broadcast %shift_left3A_492 : i32 to vector<16xi32>
        %shift_left3A_494 = arith.shli %bitcast3A_479, %shift_left3A_493 : vector<16xi32>
        %bitcast3A_495 = vector.bitcast %shift_left3A_494 : vector<16xi32> to vector<16xf32>
        %shift_left3A_496 = arith.constant 16 : i32
        %shift_left3A_497 = vector.broadcast %shift_left3A_496 : i32 to vector<16xi32>
        %shift_left3A_498 = arith.shli %bitcast3A_480, %shift_left3A_497 : vector<16xi32>
        %bitcast3A_499 = vector.bitcast %shift_left3A_498 : vector<16xi32> to vector<16xf32>
        %shift_left3A_500 = arith.constant 16 : i32
        %shift_left3A_501 = vector.broadcast %shift_left3A_500 : i32 to vector<16xi32>
        %shift_left3A_502 = arith.shli %bitcast3A_481, %shift_left3A_501 : vector<16xi32>
        %bitcast3A_503 = vector.bitcast %shift_left3A_502 : vector<16xi32> to vector<16xf32>
        %shift_left3A_504 = arith.constant 16 : i32
        %shift_left3A_505 = vector.broadcast %shift_left3A_504 : i32 to vector<16xi32>
        %shift_left3A_506 = arith.shli %bitcast3A_482, %shift_left3A_505 : vector<16xi32>
        %bitcast3A_507 = vector.bitcast %shift_left3A_506 : vector<16xi32> to vector<16xf32>
        %shift_left3A_508 = arith.constant 16 : i32
        %shift_left3A_509 = vector.broadcast %shift_left3A_508 : i32 to vector<16xi32>
        %shift_left3A_510 = arith.shli %bitcast3A_483, %shift_left3A_509 : vector<16xi32>
        %bitcast3A_511 = vector.bitcast %shift_left3A_510 : vector<16xi32> to vector<16xf32>
        %shift_left3A_512 = arith.constant 16 : i32
        %shift_left3A_513 = vector.broadcast %shift_left3A_512 : i32 to vector<16xi32>
        %shift_left3A_514 = arith.shli %bitcast3A_484, %shift_left3A_513 : vector<16xi32>
        %bitcast3A_515 = vector.bitcast %shift_left3A_514 : vector<16xi32> to vector<16xf32>
        %and3A = arith.andi %bitcast3A_477, %broadcast_in_dim3A_14 : vector<16xi32>
        %bitcast3A_516 = vector.bitcast %and3A : vector<16xi32> to vector<16xf32>
        %and3A_517 = arith.andi %bitcast3A_478, %broadcast_in_dim3A_14 : vector<16xi32>
        %bitcast3A_518 = vector.bitcast %and3A_517 : vector<16xi32> to vector<16xf32>
        %and3A_519 = arith.andi %bitcast3A_479, %broadcast_in_dim3A_14 : vector<16xi32>
        %bitcast3A_520 = vector.bitcast %and3A_519 : vector<16xi32> to vector<16xf32>
        %and3A_521 = arith.andi %bitcast3A_480, %broadcast_in_dim3A_14 : vector<16xi32>
        %bitcast3A_522 = vector.bitcast %and3A_521 : vector<16xi32> to vector<16xf32>
        %and3A_523 = arith.andi %bitcast3A_481, %broadcast_in_dim3A_14 : vector<16xi32>
        %bitcast3A_524 = vector.bitcast %and3A_523 : vector<16xi32> to vector<16xf32>
        %and3A_525 = arith.andi %bitcast3A_482, %broadcast_in_dim3A_14 : vector<16xi32>
        %bitcast3A_526 = vector.bitcast %and3A_525 : vector<16xi32> to vector<16xf32>
        %and3A_527 = arith.andi %bitcast3A_483, %broadcast_in_dim3A_14 : vector<16xi32>
        %bitcast3A_528 = vector.bitcast %and3A_527 : vector<16xi32> to vector<16xf32>
        %and3A_529 = arith.andi %bitcast3A_484, %broadcast_in_dim3A_14 : vector<16xi32>
        %bitcast3A_530 = vector.bitcast %and3A_529 : vector<16xi32> to vector<16xf32>
        %max3A_531 = arith.maximumf %bitcast3A_487, %bitcast3A_516 : vector<16xf32>
        %broadcast_in_dim3A_532 = arith.constant true
        %broadcast_in_dim3A_533 = vector.broadcast %broadcast_in_dim3A_532 : i1 to vector<16xi1>
        %masked_cummax3A = tpu.scan <max>, %max3A_531 masked %broadcast_in_dim3A_533 : vector<16xf32>, vector<16xi1> -> vector<16xf32>
        %max3A_534 = arith.maximumf %bitcast3A_491, %bitcast3A_518 : vector<16xf32>
        %broadcast_in_dim3A_535 = arith.constant true
        %broadcast_in_dim3A_536 = vector.broadcast %broadcast_in_dim3A_535 : i1 to vector<16xi1>
        %masked_cummax3A_537 = tpu.scan <max>, %max3A_534 masked %broadcast_in_dim3A_536 : vector<16xf32>, vector<16xi1> -> vector<16xf32>
        %max3A_538 = arith.maximumf %bitcast3A_495, %bitcast3A_520 : vector<16xf32>
        %broadcast_in_dim3A_539 = arith.constant true
        %broadcast_in_dim3A_540 = vector.broadcast %broadcast_in_dim3A_539 : i1 to vector<16xi1>
        %masked_cummax3A_541 = tpu.scan <max>, %max3A_538 masked %broadcast_in_dim3A_540 : vector<16xf32>, vector<16xi1> -> vector<16xf32>
        %max3A_542 = arith.maximumf %bitcast3A_499, %bitcast3A_522 : vector<16xf32>
        %broadcast_in_dim3A_543 = arith.constant true
        %broadcast_in_dim3A_544 = vector.broadcast %broadcast_in_dim3A_543 : i1 to vector<16xi1>
        %masked_cummax3A_545 = tpu.scan <max>, %max3A_542 masked %broadcast_in_dim3A_544 : vector<16xf32>, vector<16xi1> -> vector<16xf32>
        %max3A_546 = arith.maximumf %bitcast3A_503, %bitcast3A_524 : vector<16xf32>
        %broadcast_in_dim3A_547 = arith.constant true
        %broadcast_in_dim3A_548 = vector.broadcast %broadcast_in_dim3A_547 : i1 to vector<16xi1>
        %masked_cummax3A_549 = tpu.scan <max>, %max3A_546 masked %broadcast_in_dim3A_548 : vector<16xf32>, vector<16xi1> -> vector<16xf32>
        %max3A_550 = arith.maximumf %bitcast3A_507, %bitcast3A_526 : vector<16xf32>
        %broadcast_in_dim3A_551 = arith.constant true
        %broadcast_in_dim3A_552 = vector.broadcast %broadcast_in_dim3A_551 : i1 to vector<16xi1>
        %masked_cummax3A_553 = tpu.scan <max>, %max3A_550 masked %broadcast_in_dim3A_552 : vector<16xf32>, vector<16xi1> -> vector<16xf32>
        %max3A_554 = arith.maximumf %bitcast3A_511, %bitcast3A_528 : vector<16xf32>
        %broadcast_in_dim3A_555 = arith.constant true
        %broadcast_in_dim3A_556 = vector.broadcast %broadcast_in_dim3A_555 : i1 to vector<16xi1>
        %masked_cummax3A_557 = tpu.scan <max>, %max3A_554 masked %broadcast_in_dim3A_556 : vector<16xf32>, vector<16xi1> -> vector<16xf32>
        %max3A_558 = arith.maximumf %bitcast3A_515, %bitcast3A_530 : vector<16xf32>
        %broadcast_in_dim3A_559 = arith.constant true
        %broadcast_in_dim3A_560 = vector.broadcast %broadcast_in_dim3A_559 : i1 to vector<16xi1>
        %masked_cummax3A_561 = tpu.scan <max>, %max3A_558 masked %broadcast_in_dim3A_560 : vector<16xf32>, vector<16xi1> -> vector<16xf32>
        %broadcast_in_dim3A_562 = arith.constant 0 : i32
        %broadcast_in_dim3A_563 = vector.broadcast %broadcast_in_dim3A_562 : i32 to vector<16xi32>
        tpu.vector_store_idx %arg15[%broadcast_in_dim3A_563], %masked_cummax3A masked %eq3A_12 : memref<16xf32, #tpu.memory_space<vmem>>[vector<16xi32>], vector<16xf32>, vector<16xi1>
        %broadcast_in_dim3A_564 = arith.constant 1 : i32
        %broadcast_in_dim3A_565 = vector.broadcast %broadcast_in_dim3A_564 : i32 to vector<16xi32>
        tpu.vector_store_idx %arg15[%broadcast_in_dim3A_565], %masked_cummax3A_537 masked %eq3A_12 : memref<16xf32, #tpu.memory_space<vmem>>[vector<16xi32>], vector<16xf32>, vector<16xi1>
        %broadcast_in_dim3A_566 = arith.constant 2 : i32
        %broadcast_in_dim3A_567 = vector.broadcast %broadcast_in_dim3A_566 : i32 to vector<16xi32>
        tpu.vector_store_idx %arg15[%broadcast_in_dim3A_567], %masked_cummax3A_541 masked %eq3A_12 : memref<16xf32, #tpu.memory_space<vmem>>[vector<16xi32>], vector<16xf32>, vector<16xi1>
        %broadcast_in_dim3A_568 = arith.constant 3 : i32
        %broadcast_in_dim3A_569 = vector.broadcast %broadcast_in_dim3A_568 : i32 to vector<16xi32>
        tpu.vector_store_idx %arg15[%broadcast_in_dim3A_569], %masked_cummax3A_545 masked %eq3A_12 : memref<16xf32, #tpu.memory_space<vmem>>[vector<16xi32>], vector<16xf32>, vector<16xi1>
        %broadcast_in_dim3A_570 = arith.constant 4 : i32
        %broadcast_in_dim3A_571 = vector.broadcast %broadcast_in_dim3A_570 : i32 to vector<16xi32>
        tpu.vector_store_idx %arg15[%broadcast_in_dim3A_571], %masked_cummax3A_549 masked %eq3A_12 : memref<16xf32, #tpu.memory_space<vmem>>[vector<16xi32>], vector<16xf32>, vector<16xi1>
        %broadcast_in_dim3A_572 = arith.constant 5 : i32
        %broadcast_in_dim3A_573 = vector.broadcast %broadcast_in_dim3A_572 : i32 to vector<16xi32>
        tpu.vector_store_idx %arg15[%broadcast_in_dim3A_573], %masked_cummax3A_553 masked %eq3A_12 : memref<16xf32, #tpu.memory_space<vmem>>[vector<16xi32>], vector<16xf32>, vector<16xi1>
        %broadcast_in_dim3A_574 = arith.constant 6 : i32
        %broadcast_in_dim3A_575 = vector.broadcast %broadcast_in_dim3A_574 : i32 to vector<16xi32>
        tpu.vector_store_idx %arg15[%broadcast_in_dim3A_575], %masked_cummax3A_557 masked %eq3A_12 : memref<16xf32, #tpu.memory_space<vmem>>[vector<16xi32>], vector<16xf32>, vector<16xi1>
        %broadcast_in_dim3A_576 = arith.constant 7 : i32
        %broadcast_in_dim3A_577 = vector.broadcast %broadcast_in_dim3A_576 : i32 to vector<16xi32>
        tpu.vector_store_idx %arg15[%broadcast_in_dim3A_577], %masked_cummax3A_561 masked %eq3A_12 : memref<16xf32, #tpu.memory_space<vmem>>[vector<16xi32>], vector<16xf32>, vector<16xi1>
        %mul3A_578 = arith.constant 16 : i32
        %mul3A_579 = arith.muli %scan3A_112, %mul3A_578 : i32
        %add3A_580 = arith.constant 8 : i32
        %add3A_581 = arith.addi %mul3A_579, %add3A_580 : i32
        %add3A_582 = arith.constant 0 : i32
        %add3A_583 = arith.addi %add3A_581, %add3A_582 : i32
        %mul3A_584 = arith.constant 16 : i32
        %mul3A_585 = arith.muli %scan3A_112, %mul3A_584 : i32
        %add3A_586 = arith.constant 8 : i32
        %add3A_587 = arith.addi %mul3A_585, %add3A_586 : i32
        %add3A_588 = arith.constant 1 : i32
        %add3A_589 = arith.addi %add3A_587, %add3A_588 : i32
        %mul3A_590 = arith.constant 16 : i32
        %mul3A_591 = arith.muli %scan3A_112, %mul3A_590 : i32
        %add3A_592 = arith.constant 8 : i32
        %add3A_593 = arith.addi %mul3A_591, %add3A_592 : i32
        %add3A_594 = arith.constant 2 : i32
        %add3A_595 = arith.addi %add3A_593, %add3A_594 : i32
        %mul3A_596 = arith.constant 16 : i32
        %mul3A_597 = arith.muli %scan3A_112, %mul3A_596 : i32
        %add3A_598 = arith.constant 8 : i32
        %add3A_599 = arith.addi %mul3A_597, %add3A_598 : i32
        %add3A_600 = arith.constant 3 : i32
        %add3A_601 = arith.addi %add3A_599, %add3A_600 : i32
        %mul3A_602 = arith.constant 16 : i32
        %mul3A_603 = arith.muli %scan3A_112, %mul3A_602 : i32
        %add3A_604 = arith.constant 8 : i32
        %add3A_605 = arith.addi %mul3A_603, %add3A_604 : i32
        %add3A_606 = arith.constant 4 : i32
        %add3A_607 = arith.addi %add3A_605, %add3A_606 : i32
        %mul3A_608 = arith.constant 16 : i32
        %mul3A_609 = arith.muli %scan3A_112, %mul3A_608 : i32
        %add3A_610 = arith.constant 8 : i32
        %add3A_611 = arith.addi %mul3A_609, %add3A_610 : i32
        %add3A_612 = arith.constant 5 : i32
        %add3A_613 = arith.addi %add3A_611, %add3A_612 : i32
        %mul3A_614 = arith.constant 16 : i32
        %mul3A_615 = arith.muli %scan3A_112, %mul3A_614 : i32
        %add3A_616 = arith.constant 8 : i32
        %add3A_617 = arith.addi %mul3A_615, %add3A_616 : i32
        %add3A_618 = arith.constant 6 : i32
        %add3A_619 = arith.addi %add3A_617, %add3A_618 : i32
        %mul3A_620 = arith.constant 16 : i32
        %mul3A_621 = arith.muli %scan3A_112, %mul3A_620 : i32
        %add3A_622 = arith.constant 8 : i32
        %add3A_623 = arith.addi %mul3A_621, %add3A_622 : i32
        %add3A_624 = arith.constant 7 : i32
        %add3A_625 = arith.addi %add3A_623, %add3A_624 : i32
        %get3A_626 = arith.index_cast %add3A_583 : i32 to index
        %get3A_627 = arith.constant 0 : index
        %get3A_628 = tpu.vector_load %arg12[%get3A_626, %get3A_627] {strides = array<i32>} : memref<80x64xi32, #tpu.memory_space<vmem>>, vector<16xi32>,
        %bitcast3A_629 = vector.bitcast %get3A_628 : vector<16xi32> to vector<32xbf16>
        %get3A_630 = arith.index_cast %add3A_589 : i32 to index
        %get3A_631 = arith.constant 0 : index
        %get3A_632 = tpu.vector_load %arg12[%get3A_630, %get3A_631] {strides = array<i32>} : memref<80x64xi32, #tpu.memory_space<vmem>>, vector<16xi32>,
        %bitcast3A_633 = vector.bitcast %get3A_632 : vector<16xi32> to vector<32xbf16>
        %get3A_634 = arith.index_cast %add3A_595 : i32 to index
        %get3A_635 = arith.constant 0 : index
        %get3A_636 = tpu.vector_load %arg12[%get3A_634, %get3A_635] {strides = array<i32>} : memref<80x64xi32, #tpu.memory_space<vmem>>, vector<16xi32>,
        %bitcast3A_637 = vector.bitcast %get3A_636 : vector<16xi32> to vector<32xbf16>
        %get3A_638 = arith.index_cast %add3A_601 : i32 to index
        %get3A_639 = arith.constant 0 : index
        %get3A_640 = tpu.vector_load %arg12[%get3A_638, %get3A_639] {strides = array<i32>} : memref<80x64xi32, #tpu.memory_space<vmem>>, vector<16xi32>,
        %bitcast3A_641 = vector.bitcast %get3A_640 : vector<16xi32> to vector<32xbf16>
        %get3A_642 = arith.index_cast %add3A_607 : i32 to index
        %get3A_643 = arith.constant 0 : index
        %get3A_644 = tpu.vector_load %arg12[%get3A_642, %get3A_643] {strides = array<i32>} : memref<80x64xi32, #tpu.memory_space<vmem>>, vector<16xi32>,
        %bitcast3A_645 = vector.bitcast %get3A_644 : vector<16xi32> to vector<32xbf16>
        %get3A_646 = arith.index_cast %add3A_613 : i32 to index
        %get3A_647 = arith.constant 0 : index
        %get3A_648 = tpu.vector_load %arg12[%get3A_646, %get3A_647] {strides = array<i32>} : memref<80x64xi32, #tpu.memory_space<vmem>>, vector<16xi32>,
        %bitcast3A_649 = vector.bitcast %get3A_648 : vector<16xi32> to vector<32xbf16>
        %get3A_650 = arith.index_cast %add3A_619 : i32 to index
        %get3A_651 = arith.constant 0 : index
        %get3A_652 = tpu.vector_load %arg12[%get3A_650, %get3A_651] {strides = array<i32>} : memref<80x64xi32, #tpu.memory_space<vmem>>, vector<16xi32>,
        %bitcast3A_653 = vector.bitcast %get3A_652 : vector<16xi32> to vector<32xbf16>
        %get3A_654 = arith.index_cast %add3A_625 : i32 to index
        %get3A_655 = arith.constant 0 : index
        %get3A_656 = tpu.vector_load %arg12[%get3A_654, %get3A_655] {strides = array<i32>} : memref<80x64xi32, #tpu.memory_space<vmem>>, vector<16xi32>,
        %bitcast3A_657 = vector.bitcast %get3A_656 : vector<16xi32> to vector<32xbf16>
        %get3A_658 = arith.index_cast %add3A_583 : i32 to index
        %get3A_659 = arith.constant 0 : index
        %get3A_660 = tpu.vector_load %arg13[%get3A_658, %get3A_659] {strides = array<i32>} : memref<80x64xi32, #tpu.memory_space<vmem>>, vector<16xi32>,
        %bitcast3A_661 = vector.bitcast %get3A_660 : vector<16xi32> to vector<32xbf16>
        %get3A_662 = arith.index_cast %add3A_589 : i32 to index
        %get3A_663 = arith.constant 0 : index
        %get3A_664 = tpu.vector_load %arg13[%get3A_662, %get3A_663] {strides = array<i32>} : memref<80x64xi32, #tpu.memory_space<vmem>>, vector<16xi32>,
        %bitcast3A_665 = vector.bitcast %get3A_664 : vector<16xi32> to vector<32xbf16>
        %get3A_666 = arith.index_cast %add3A_595 : i32 to index
        %get3A_667 = arith.constant 0 : index
        %get3A_668 = tpu.vector_load %arg13[%get3A_666, %get3A_667] {strides = array<i32>} : memref<80x64xi32, #tpu.memory_space<vmem>>, vector<16xi32>,
        %bitcast3A_669 = vector.bitcast %get3A_668 : vector<16xi32> to vector<32xbf16>
        %get3A_670 = arith.index_cast %add3A_601 : i32 to index
        %get3A_671 = arith.constant 0 : index
        %get3A_672 = tpu.vector_load %arg13[%get3A_670, %get3A_671] {strides = array<i32>} : memref<80x64xi32, #tpu.memory_space<vmem>>, vector<16xi32>,
        %bitcast3A_673 = vector.bitcast %get3A_672 : vector<16xi32> to vector<32xbf16>
        %get3A_674 = arith.index_cast %add3A_607 : i32 to index
        %get3A_675 = arith.constant 0 : index
        %get3A_676 = tpu.vector_load %arg13[%get3A_674, %get3A_675] {strides = array<i32>} : memref<80x64xi32, #tpu.memory_space<vmem>>, vector<16xi32>,
        %bitcast3A_677 = vector.bitcast %get3A_676 : vector<16xi32> to vector<32xbf16>
        %get3A_678 = arith.index_cast %add3A_613 : i32 to index
        %get3A_679 = arith.constant 0 : index
        %get3A_680 = tpu.vector_load %arg13[%get3A_678, %get3A_679] {strides = array<i32>} : memref<80x64xi32, #tpu.memory_space<vmem>>, vector<16xi32>,
        %bitcast3A_681 = vector.bitcast %get3A_680 : vector<16xi32> to vector<32xbf16>
        %get3A_682 = arith.index_cast %add3A_619 : i32 to index
        %get3A_683 = arith.constant 0 : index
        %get3A_684 = tpu.vector_load %arg13[%get3A_682, %get3A_683] {strides = array<i32>} : memref<80x64xi32, #tpu.memory_space<vmem>>, vector<16xi32>,
        %bitcast3A_685 = vector.bitcast %get3A_684 : vector<16xi32> to vector<32xbf16>
        %get3A_686 = arith.index_cast %add3A_625 : i32 to index
        %get3A_687 = arith.constant 0 : index
        %get3A_688 = tpu.vector_load %arg13[%get3A_686, %get3A_687] {strides = array<i32>} : memref<80x64xi32, #tpu.memory_space<vmem>>, vector<16xi32>,
        %bitcast3A_689 = vector.bitcast %get3A_688 : vector<16xi32> to vector<32xbf16>
        %sub3A_690 = arith.subf %bitcast3A_629, %bitcast3A_661 : vector<32xbf16>
        %max3A_691 = arith.maximumf %broadcast_in_dim3A_10, %sub3A_690 : vector<32xbf16>
        %sub3A_692 = arith.subf %bitcast3A_633, %bitcast3A_665 : vector<32xbf16>
        %max3A_693 = arith.maximumf %broadcast_in_dim3A_10, %sub3A_692 : vector<32xbf16>
        %sub3A_694 = arith.subf %bitcast3A_637, %bitcast3A_669 : vector<32xbf16>
        %max3A_695 = arith.maximumf %broadcast_in_dim3A_10, %sub3A_694 : vector<32xbf16>
        %sub3A_696 = arith.subf %bitcast3A_641, %bitcast3A_673 : vector<32xbf16>
        %max3A_697 = arith.maximumf %broadcast_in_dim3A_10, %sub3A_696 : vector<32xbf16>
        %sub3A_698 = arith.subf %bitcast3A_645, %bitcast3A_677 : vector<32xbf16>
        %max3A_699 = arith.maximumf %broadcast_in_dim3A_10, %sub3A_698 : vector<32xbf16>
        %sub3A_700 = arith.subf %bitcast3A_649, %bitcast3A_681 : vector<32xbf16>
        %max3A_701 = arith.maximumf %broadcast_in_dim3A_10, %sub3A_700 : vector<32xbf16>
        %sub3A_702 = arith.subf %bitcast3A_653, %bitcast3A_685 : vector<32xbf16>
        %max3A_703 = arith.maximumf %broadcast_in_dim3A_10, %sub3A_702 : vector<32xbf16>
        %sub3A_704 = arith.subf %bitcast3A_657, %bitcast3A_689 : vector<32xbf16>
        %max3A_705 = arith.maximumf %broadcast_in_dim3A_10, %sub3A_704 : vector<32xbf16>
        %get3A_706 = arith.index_cast %add3A_583 : i32 to index
        %get3A_707 = arith.constant 16 : index
        %get3A_708 = tpu.vector_load %arg12[%get3A_706, %get3A_707] {strides = array<i32>} : memref<80x64xi32, #tpu.memory_space<vmem>>, vector<16xi32>,
        %bitcast3A_709 = vector.bitcast %get3A_708 : vector<16xi32> to vector<32xbf16>
        %get3A_710 = arith.index_cast %add3A_589 : i32 to index
        %get3A_711 = arith.constant 16 : index
        %get3A_712 = tpu.vector_load %arg12[%get3A_710, %get3A_711] {strides = array<i32>} : memref<80x64xi32, #tpu.memory_space<vmem>>, vector<16xi32>,
        %bitcast3A_713 = vector.bitcast %get3A_712 : vector<16xi32> to vector<32xbf16>
        %get3A_714 = arith.index_cast %add3A_595 : i32 to index
        %get3A_715 = arith.constant 16 : index
        %get3A_716 = tpu.vector_load %arg12[%get3A_714, %get3A_715] {strides = array<i32>} : memref<80x64xi32, #tpu.memory_space<vmem>>, vector<16xi32>,
        %bitcast3A_717 = vector.bitcast %get3A_716 : vector<16xi32> to vector<32xbf16>
        %get3A_718 = arith.index_cast %add3A_601 : i32 to index
        %get3A_719 = arith.constant 16 : index
        %get3A_720 = tpu.vector_load %arg12[%get3A_718, %get3A_719] {strides = array<i32>} : memref<80x64xi32, #tpu.memory_space<vmem>>, vector<16xi32>,
        %bitcast3A_721 = vector.bitcast %get3A_720 : vector<16xi32> to vector<32xbf16>
        %get3A_722 = arith.index_cast %add3A_607 : i32 to index
        %get3A_723 = arith.constant 16 : index
        %get3A_724 = tpu.vector_load %arg12[%get3A_722, %get3A_723] {strides = array<i32>} : memref<80x64xi32, #tpu.memory_space<vmem>>, vector<16xi32>,
        %bitcast3A_725 = vector.bitcast %get3A_724 : vector<16xi32> to vector<32xbf16>
        %get3A_726 = arith.index_cast %add3A_613 : i32 to index
        %get3A_727 = arith.constant 16 : index
        %get3A_728 = tpu.vector_load %arg12[%get3A_726, %get3A_727] {strides = array<i32>} : memref<80x64xi32, #tpu.memory_space<vmem>>, vector<16xi32>,
        %bitcast3A_729 = vector.bitcast %get3A_728 : vector<16xi32> to vector<32xbf16>
        %get3A_730 = arith.index_cast %add3A_619 : i32 to index
        %get3A_731 = arith.constant 16 : index
        %get3A_732 = tpu.vector_load %arg12[%get3A_730, %get3A_731] {strides = array<i32>} : memref<80x64xi32, #tpu.memory_space<vmem>>, vector<16xi32>,
        %bitcast3A_733 = vector.bitcast %get3A_732 : vector<16xi32> to vector<32xbf16>
        %get3A_734 = arith.index_cast %add3A_625 : i32 to index
        %get3A_735 = arith.constant 16 : index
        %get3A_736 = tpu.vector_load %arg12[%get3A_734, %get3A_735] {strides = array<i32>} : memref<80x64xi32, #tpu.memory_space<vmem>>, vector<16xi32>,
        %bitcast3A_737 = vector.bitcast %get3A_736 : vector<16xi32> to vector<32xbf16>
        %get3A_738 = arith.index_cast %add3A_583 : i32 to index
        %get3A_739 = arith.constant 16 : index
        %get3A_740 = tpu.vector_load %arg13[%get3A_738, %get3A_739] {strides = array<i32>} : memref<80x64xi32, #tpu.memory_space<vmem>>, vector<16xi32>,
        %bitcast3A_741 = vector.bitcast %get3A_740 : vector<16xi32> to vector<32xbf16>
        %get3A_742 = arith.index_cast %add3A_589 : i32 to index
        %get3A_743 = arith.constant 16 : index
        %get3A_744 = tpu.vector_load %arg13[%get3A_742, %get3A_743] {strides = array<i32>} : memref<80x64xi32, #tpu.memory_space<vmem>>, vector<16xi32>,
        %bitcast3A_745 = vector.bitcast %get3A_744 : vector<16xi32> to vector<32xbf16>
        %get3A_746 = arith.index_cast %add3A_595 : i32 to index
        %get3A_747 = arith.constant 16 : index
        %get3A_748 = tpu.vector_load %arg13[%get3A_746, %get3A_747] {strides = array<i32>} : memref<80x64xi32, #tpu.memory_space<vmem>>, vector<16xi32>,
        %bitcast3A_749 = vector.bitcast %get3A_748 : vector<16xi32> to vector<32xbf16>
        %get3A_750 = arith.index_cast %add3A_601 : i32 to index
        %get3A_751 = arith.constant 16 : index
        %get3A_752 = tpu.vector_load %arg13[%get3A_750, %get3A_751] {strides = array<i32>} : memref<80x64xi32, #tpu.memory_space<vmem>>, vector<16xi32>,
        %bitcast3A_753 = vector.bitcast %get3A_752 : vector<16xi32> to vector<32xbf16>
        %get3A_754 = arith.index_cast %add3A_607 : i32 to index
        %get3A_755 = arith.constant 16 : index
        %get3A_756 = tpu.vector_load %arg13[%get3A_754, %get3A_755] {strides = array<i32>} : memref<80x64xi32, #tpu.memory_space<vmem>>, vector<16xi32>,
        %bitcast3A_757 = vector.bitcast %get3A_756 : vector<16xi32> to vector<32xbf16>
        %get3A_758 = arith.index_cast %add3A_613 : i32 to index
        %get3A_759 = arith.constant 16 : index
        %get3A_760 = tpu.vector_load %arg13[%get3A_758, %get3A_759] {strides = array<i32>} : memref<80x64xi32, #tpu.memory_space<vmem>>, vector<16xi32>,
        %bitcast3A_761 = vector.bitcast %get3A_760 : vector<16xi32> to vector<32xbf16>
        %get3A_762 = arith.index_cast %add3A_619 : i32 to index
        %get3A_763 = arith.constant 16 : index
        %get3A_764 = tpu.vector_load %arg13[%get3A_762, %get3A_763] {strides = array<i32>} : memref<80x64xi32, #tpu.memory_space<vmem>>, vector<16xi32>,
        %bitcast3A_765 = vector.bitcast %get3A_764 : vector<16xi32> to vector<32xbf16>
        %get3A_766 = arith.index_cast %add3A_625 : i32 to index
        %get3A_767 = arith.constant 16 : index
        %get3A_768 = tpu.vector_load %arg13[%get3A_766, %get3A_767] {strides = array<i32>} : memref<80x64xi32, #tpu.memory_space<vmem>>, vector<16xi32>,
        %bitcast3A_769 = vector.bitcast %get3A_768 : vector<16xi32> to vector<32xbf16>
        %sub3A_770 = arith.subf %bitcast3A_709, %bitcast3A_741 : vector<32xbf16>
        %max3A_771 = arith.maximumf %max3A_691, %sub3A_770 : vector<32xbf16>
        %sub3A_772 = arith.subf %bitcast3A_713, %bitcast3A_745 : vector<32xbf16>
        %max3A_773 = arith.maximumf %max3A_693, %sub3A_772 : vector<32xbf16>
        %sub3A_774 = arith.subf %bitcast3A_717, %bitcast3A_749 : vector<32xbf16>
        %max3A_775 = arith.maximumf %max3A_695, %sub3A_774 : vector<32xbf16>
        %sub3A_776 = arith.subf %bitcast3A_721, %bitcast3A_753 : vector<32xbf16>
        %max3A_777 = arith.maximumf %max3A_697, %sub3A_776 : vector<32xbf16>
        %sub3A_778 = arith.subf %bitcast3A_725, %bitcast3A_757 : vector<32xbf16>
        %max3A_779 = arith.maximumf %max3A_699, %sub3A_778 : vector<32xbf16>
        %sub3A_780 = arith.subf %bitcast3A_729, %bitcast3A_761 : vector<32xbf16>
        %max3A_781 = arith.maximumf %max3A_701, %sub3A_780 : vector<32xbf16>
        %sub3A_782 = arith.subf %bitcast3A_733, %bitcast3A_765 : vector<32xbf16>
        %max3A_783 = arith.maximumf %max3A_703, %sub3A_782 : vector<32xbf16>
        %sub3A_784 = arith.subf %bitcast3A_737, %bitcast3A_769 : vector<32xbf16>
        %max3A_785 = arith.maximumf %max3A_705, %sub3A_784 : vector<32xbf16>
        %get3A_786 = arith.index_cast %add3A_583 : i32 to index
        %get3A_787 = arith.constant 32 : index
        %get3A_788 = tpu.vector_load %arg12[%get3A_786, %get3A_787] {strides = array<i32>} : memref<80x64xi32, #tpu.memory_space<vmem>>, vector<16xi32>,
        %bitcast3A_789 = vector.bitcast %get3A_788 : vector<16xi32> to vector<32xbf16>
        %get3A_790 = arith.index_cast %add3A_589 : i32 to index
        %get3A_791 = arith.constant 32 : index
        %get3A_792 = tpu.vector_load %arg12[%get3A_790, %get3A_791] {strides = array<i32>} : memref<80x64xi32, #tpu.memory_space<vmem>>, vector<16xi32>,
        %bitcast3A_793 = vector.bitcast %get3A_792 : vector<16xi32> to vector<32xbf16>
        %get3A_794 = arith.index_cast %add3A_595 : i32 to index
        %get3A_795 = arith.constant 32 : index
        %get3A_796 = tpu.vector_load %arg12[%get3A_794, %get3A_795] {strides = array<i32>} : memref<80x64xi32, #tpu.memory_space<vmem>>, vector<16xi32>,
        %bitcast3A_797 = vector.bitcast %get3A_796 : vector<16xi32> to vector<32xbf16>
        %get3A_798 = arith.index_cast %add3A_601 : i32 to index
        %get3A_799 = arith.constant 32 : index
        %get3A_800 = tpu.vector_load %arg12[%get3A_798, %get3A_799] {strides = array<i32>} : memref<80x64xi32, #tpu.memory_space<vmem>>, vector<16xi32>,
        %bitcast3A_801 = vector.bitcast %get3A_800 : vector<16xi32> to vector<32xbf16>
        %get3A_802 = arith.index_cast %add3A_607 : i32 to index
        %get3A_803 = arith.constant 32 : index
        %get3A_804 = tpu.vector_load %arg12[%get3A_802, %get3A_803] {strides = array<i32>} : memref<80x64xi32, #tpu.memory_space<vmem>>, vector<16xi32>,
        %bitcast3A_805 = vector.bitcast %get3A_804 : vector<16xi32> to vector<32xbf16>
        %get3A_806 = arith.index_cast %add3A_613 : i32 to index
        %get3A_807 = arith.constant 32 : index
        %get3A_808 = tpu.vector_load %arg12[%get3A_806, %get3A_807] {strides = array<i32>} : memref<80x64xi32, #tpu.memory_space<vmem>>, vector<16xi32>,
        %bitcast3A_809 = vector.bitcast %get3A_808 : vector<16xi32> to vector<32xbf16>
        %get3A_810 = arith.index_cast %add3A_619 : i32 to index
        %get3A_811 = arith.constant 32 : index
        %get3A_812 = tpu.vector_load %arg12[%get3A_810, %get3A_811] {strides = array<i32>} : memref<80x64xi32, #tpu.memory_space<vmem>>, vector<16xi32>,
        %bitcast3A_813 = vector.bitcast %get3A_812 : vector<16xi32> to vector<32xbf16>
        %get3A_814 = arith.index_cast %add3A_625 : i32 to index
        %get3A_815 = arith.constant 32 : index
        %get3A_816 = tpu.vector_load %arg12[%get3A_814, %get3A_815] {strides = array<i32>} : memref<80x64xi32, #tpu.memory_space<vmem>>, vector<16xi32>,
        %bitcast3A_817 = vector.bitcast %get3A_816 : vector<16xi32> to vector<32xbf16>
        %get3A_818 = arith.index_cast %add3A_583 : i32 to index
        %get3A_819 = arith.constant 32 : index
        %get3A_820 = tpu.vector_load %arg13[%get3A_818, %get3A_819] {strides = array<i32>} : memref<80x64xi32, #tpu.memory_space<vmem>>, vector<16xi32>,
        %bitcast3A_821 = vector.bitcast %get3A_820 : vector<16xi32> to vector<32xbf16>
        %get3A_822 = arith.index_cast %add3A_589 : i32 to index
        %get3A_823 = arith.constant 32 : index
        %get3A_824 = tpu.vector_load %arg13[%get3A_822, %get3A_823] {strides = array<i32>} : memref<80x64xi32, #tpu.memory_space<vmem>>, vector<16xi32>,
        %bitcast3A_825 = vector.bitcast %get3A_824 : vector<16xi32> to vector<32xbf16>
        %get3A_826 = arith.index_cast %add3A_595 : i32 to index
        %get3A_827 = arith.constant 32 : index
        %get3A_828 = tpu.vector_load %arg13[%get3A_826, %get3A_827] {strides = array<i32>} : memref<80x64xi32, #tpu.memory_space<vmem>>, vector<16xi32>,
        %bitcast3A_829 = vector.bitcast %get3A_828 : vector<16xi32> to vector<32xbf16>
        %get3A_830 = arith.index_cast %add3A_601 : i32 to index
        %get3A_831 = arith.constant 32 : index
        %get3A_832 = tpu.vector_load %arg13[%get3A_830, %get3A_831] {strides = array<i32>} : memref<80x64xi32, #tpu.memory_space<vmem>>, vector<16xi32>,
        %bitcast3A_833 = vector.bitcast %get3A_832 : vector<16xi32> to vector<32xbf16>
        %get3A_834 = arith.index_cast %add3A_607 : i32 to index
        %get3A_835 = arith.constant 32 : index
        %get3A_836 = tpu.vector_load %arg13[%get3A_834, %get3A_835] {strides = array<i32>} : memref<80x64xi32, #tpu.memory_space<vmem>>, vector<16xi32>,
        %bitcast3A_837 = vector.bitcast %get3A_836 : vector<16xi32> to vector<32xbf16>
        %get3A_838 = arith.index_cast %add3A_613 : i32 to index
        %get3A_839 = arith.constant 32 : index
        %get3A_840 = tpu.vector_load %arg13[%get3A_838, %get3A_839] {strides = array<i32>} : memref<80x64xi32, #tpu.memory_space<vmem>>, vector<16xi32>,
        %bitcast3A_841 = vector.bitcast %get3A_840 : vector<16xi32> to vector<32xbf16>
        %get3A_842 = arith.index_cast %add3A_619 : i32 to index
        %get3A_843 = arith.constant 32 : index
        %get3A_844 = tpu.vector_load %arg13[%get3A_842, %get3A_843] {strides = array<i32>} : memref<80x64xi32, #tpu.memory_space<vmem>>, vector<16xi32>,
        %bitcast3A_845 = vector.bitcast %get3A_844 : vector<16xi32> to vector<32xbf16>
        %get3A_846 = arith.index_cast %add3A_625 : i32 to index
        %get3A_847 = arith.constant 32 : index
        %get3A_848 = tpu.vector_load %arg13[%get3A_846, %get3A_847] {strides = array<i32>} : memref<80x64xi32, #tpu.memory_space<vmem>>, vector<16xi32>,
        %bitcast3A_849 = vector.bitcast %get3A_848 : vector<16xi32> to vector<32xbf16>
        %sub3A_850 = arith.subf %bitcast3A_789, %bitcast3A_821 : vector<32xbf16>
        %max3A_851 = arith.maximumf %max3A_771, %sub3A_850 : vector<32xbf16>
        %sub3A_852 = arith.subf %bitcast3A_793, %bitcast3A_825 : vector<32xbf16>
        %max3A_853 = arith.maximumf %max3A_773, %sub3A_852 : vector<32xbf16>
        %sub3A_854 = arith.subf %bitcast3A_797, %bitcast3A_829 : vector<32xbf16>
        %max3A_855 = arith.maximumf %max3A_775, %sub3A_854 : vector<32xbf16>
        %sub3A_856 = arith.subf %bitcast3A_801, %bitcast3A_833 : vector<32xbf16>
        %max3A_857 = arith.maximumf %max3A_777, %sub3A_856 : vector<32xbf16>
        %sub3A_858 = arith.subf %bitcast3A_805, %bitcast3A_837 : vector<32xbf16>
        %max3A_859 = arith.maximumf %max3A_779, %sub3A_858 : vector<32xbf16>
        %sub3A_860 = arith.subf %bitcast3A_809, %bitcast3A_841 : vector<32xbf16>
        %max3A_861 = arith.maximumf %max3A_781, %sub3A_860 : vector<32xbf16>
        %sub3A_862 = arith.subf %bitcast3A_813, %bitcast3A_845 : vector<32xbf16>
        %max3A_863 = arith.maximumf %max3A_783, %sub3A_862 : vector<32xbf16>
        %sub3A_864 = arith.subf %bitcast3A_817, %bitcast3A_849 : vector<32xbf16>
        %max3A_865 = arith.maximumf %max3A_785, %sub3A_864 : vector<32xbf16>
        %get3A_866 = arith.index_cast %add3A_583 : i32 to index
        %get3A_867 = arith.constant 48 : index
        %get3A_868 = tpu.vector_load %arg12[%get3A_866, %get3A_867] {strides = array<i32>} : memref<80x64xi32, #tpu.memory_space<vmem>>, vector<16xi32>,
        %bitcast3A_869 = vector.bitcast %get3A_868 : vector<16xi32> to vector<32xbf16>
        %get3A_870 = arith.index_cast %add3A_589 : i32 to index
        %get3A_871 = arith.constant 48 : index
        %get3A_872 = tpu.vector_load %arg12[%get3A_870, %get3A_871] {strides = array<i32>} : memref<80x64xi32, #tpu.memory_space<vmem>>, vector<16xi32>,
        %bitcast3A_873 = vector.bitcast %get3A_872 : vector<16xi32> to vector<32xbf16>
        %get3A_874 = arith.index_cast %add3A_595 : i32 to index
        %get3A_875 = arith.constant 48 : index
        %get3A_876 = tpu.vector_load %arg12[%get3A_874, %get3A_875] {strides = array<i32>} : memref<80x64xi32, #tpu.memory_space<vmem>>, vector<16xi32>,
        %bitcast3A_877 = vector.bitcast %get3A_876 : vector<16xi32> to vector<32xbf16>
        %get3A_878 = arith.index_cast %add3A_601 : i32 to index
        %get3A_879 = arith.constant 48 : index
        %get3A_880 = tpu.vector_load %arg12[%get3A_878, %get3A_879] {strides = array<i32>} : memref<80x64xi32, #tpu.memory_space<vmem>>, vector<16xi32>,
        %bitcast3A_881 = vector.bitcast %get3A_880 : vector<16xi32> to vector<32xbf16>
        %get3A_882 = arith.index_cast %add3A_607 : i32 to index
        %get3A_883 = arith.constant 48 : index
        %get3A_884 = tpu.vector_load %arg12[%get3A_882, %get3A_883] {strides = array<i32>} : memref<80x64xi32, #tpu.memory_space<vmem>>, vector<16xi32>,
        %bitcast3A_885 = vector.bitcast %get3A_884 : vector<16xi32> to vector<32xbf16>
        %get3A_886 = arith.index_cast %add3A_613 : i32 to index
        %get3A_887 = arith.constant 48 : index
        %get3A_888 = tpu.vector_load %arg12[%get3A_886, %get3A_887] {strides = array<i32>} : memref<80x64xi32, #tpu.memory_space<vmem>>, vector<16xi32>,
        %bitcast3A_889 = vector.bitcast %get3A_888 : vector<16xi32> to vector<32xbf16>
        %get3A_890 = arith.index_cast %add3A_619 : i32 to index
        %get3A_891 = arith.constant 48 : index
        %get3A_892 = tpu.vector_load %arg12[%get3A_890, %get3A_891] {strides = array<i32>} : memref<80x64xi32, #tpu.memory_space<vmem>>, vector<16xi32>,
        %bitcast3A_893 = vector.bitcast %get3A_892 : vector<16xi32> to vector<32xbf16>
        %get3A_894 = arith.index_cast %add3A_625 : i32 to index
        %get3A_895 = arith.constant 48 : index
        %get3A_896 = tpu.vector_load %arg12[%get3A_894, %get3A_895] {strides = array<i32>} : memref<80x64xi32, #tpu.memory_space<vmem>>, vector<16xi32>,
        %bitcast3A_897 = vector.bitcast %get3A_896 : vector<16xi32> to vector<32xbf16>
        %get3A_898 = arith.index_cast %add3A_583 : i32 to index
        %get3A_899 = arith.constant 48 : index
        %get3A_900 = tpu.vector_load %arg13[%get3A_898, %get3A_899] {strides = array<i32>} : memref<80x64xi32, #tpu.memory_space<vmem>>, vector<16xi32>,
        %bitcast3A_901 = vector.bitcast %get3A_900 : vector<16xi32> to vector<32xbf16>
        %get3A_902 = arith.index_cast %add3A_589 : i32 to index
        %get3A_903 = arith.constant 48 : index
        %get3A_904 = tpu.vector_load %arg13[%get3A_902, %get3A_903] {strides = array<i32>} : memref<80x64xi32, #tpu.memory_space<vmem>>, vector<16xi32>,
        %bitcast3A_905 = vector.bitcast %get3A_904 : vector<16xi32> to vector<32xbf16>
        %get3A_906 = arith.index_cast %add3A_595 : i32 to index
        %get3A_907 = arith.constant 48 : index
        %get3A_908 = tpu.vector_load %arg13[%get3A_906, %get3A_907] {strides = array<i32>} : memref<80x64xi32, #tpu.memory_space<vmem>>, vector<16xi32>,
        %bitcast3A_909 = vector.bitcast %get3A_908 : vector<16xi32> to vector<32xbf16>
        %get3A_910 = arith.index_cast %add3A_601 : i32 to index
        %get3A_911 = arith.constant 48 : index
        %get3A_912 = tpu.vector_load %arg13[%get3A_910, %get3A_911] {strides = array<i32>} : memref<80x64xi32, #tpu.memory_space<vmem>>, vector<16xi32>,
        %bitcast3A_913 = vector.bitcast %get3A_912 : vector<16xi32> to vector<32xbf16>
        %get3A_914 = arith.index_cast %add3A_607 : i32 to index
        %get3A_915 = arith.constant 48 : index
        %get3A_916 = tpu.vector_load %arg13[%get3A_914, %get3A_915] {strides = array<i32>} : memref<80x64xi32, #tpu.memory_space<vmem>>, vector<16xi32>,
        %bitcast3A_917 = vector.bitcast %get3A_916 : vector<16xi32> to vector<32xbf16>
        %get3A_918 = arith.index_cast %add3A_613 : i32 to index
        %get3A_919 = arith.constant 48 : index
        %get3A_920 = tpu.vector_load %arg13[%get3A_918, %get3A_919] {strides = array<i32>} : memref<80x64xi32, #tpu.memory_space<vmem>>, vector<16xi32>,
        %bitcast3A_921 = vector.bitcast %get3A_920 : vector<16xi32> to vector<32xbf16>
        %get3A_922 = arith.index_cast %add3A_619 : i32 to index
        %get3A_923 = arith.constant 48 : index
        %get3A_924 = tpu.vector_load %arg13[%get3A_922, %get3A_923] {strides = array<i32>} : memref<80x64xi32, #tpu.memory_space<vmem>>, vector<16xi32>,
        %bitcast3A_925 = vector.bitcast %get3A_924 : vector<16xi32> to vector<32xbf16>
        %get3A_926 = arith.index_cast %add3A_625 : i32 to index
        %get3A_927 = arith.constant 48 : index
        %get3A_928 = tpu.vector_load %arg13[%get3A_926, %get3A_927] {strides = array<i32>} : memref<80x64xi32, #tpu.memory_space<vmem>>, vector<16xi32>,
        %bitcast3A_929 = vector.bitcast %get3A_928 : vector<16xi32> to vector<32xbf16>
        %sub3A_930 = arith.subf %bitcast3A_869, %bitcast3A_901 : vector<32xbf16>
        %max3A_931 = arith.maximumf %max3A_851, %sub3A_930 : vector<32xbf16>
        %sub3A_932 = arith.subf %bitcast3A_873, %bitcast3A_905 : vector<32xbf16>
        %max3A_933 = arith.maximumf %max3A_853, %sub3A_932 : vector<32xbf16>
        %sub3A_934 = arith.subf %bitcast3A_877, %bitcast3A_909 : vector<32xbf16>
        %max3A_935 = arith.maximumf %max3A_855, %sub3A_934 : vector<32xbf16>
        %sub3A_936 = arith.subf %bitcast3A_881, %bitcast3A_913 : vector<32xbf16>
        %max3A_937 = arith.maximumf %max3A_857, %sub3A_936 : vector<32xbf16>
        %sub3A_938 = arith.subf %bitcast3A_885, %bitcast3A_917 : vector<32xbf16>
        %max3A_939 = arith.maximumf %max3A_859, %sub3A_938 : vector<32xbf16>
        %sub3A_940 = arith.subf %bitcast3A_889, %bitcast3A_921 : vector<32xbf16>
        %max3A_941 = arith.maximumf %max3A_861, %sub3A_940 : vector<32xbf16>
        %sub3A_942 = arith.subf %bitcast3A_893, %bitcast3A_925 : vector<32xbf16>
        %max3A_943 = arith.maximumf %max3A_863, %sub3A_942 : vector<32xbf16>
        %sub3A_944 = arith.subf %bitcast3A_897, %bitcast3A_929 : vector<32xbf16>
        %max3A_945 = arith.maximumf %max3A_865, %sub3A_944 : vector<32xbf16>
        %bitcast3A_946 = vector.bitcast %max3A_931 : vector<32xbf16> to vector<16xi32>
        %bitcast3A_947 = vector.bitcast %max3A_933 : vector<32xbf16> to vector<16xi32>
        %bitcast3A_948 = vector.bitcast %max3A_935 : vector<32xbf16> to vector<16xi32>
        %bitcast3A_949 = vector.bitcast %max3A_937 : vector<32xbf16> to vector<16xi32>
        %bitcast3A_950 = vector.bitcast %max3A_939 : vector<32xbf16> to vector<16xi32>
        %bitcast3A_951 = vector.bitcast %max3A_941 : vector<32xbf16> to vector<16xi32>
        %bitcast3A_952 = vector.bitcast %max3A_943 : vector<32xbf16> to vector<16xi32>
        %bitcast3A_953 = vector.bitcast %max3A_945 : vector<32xbf16> to vector<16xi32>
        %shift_left3A_954 = arith.constant 16 : i32
        %shift_left3A_955 = vector.broadcast %shift_left3A_954 : i32 to vector<16xi32>
        %shift_left3A_956 = arith.shli %bitcast3A_946, %shift_left3A_955 : vector<16xi32>
        %bitcast3A_957 = vector.bitcast %shift_left3A_956 : vector<16xi32> to vector<16xf32>
        %shift_left3A_958 = arith.constant 16 : i32
        %shift_left3A_959 = vector.broadcast %shift_left3A_958 : i32 to vector<16xi32>
        %shift_left3A_960 = arith.shli %bitcast3A_947, %shift_left3A_959 : vector<16xi32>
        %bitcast3A_961 = vector.bitcast %shift_left3A_960 : vector<16xi32> to vector<16xf32>
        %shift_left3A_962 = arith.constant 16 : i32
        %shift_left3A_963 = vector.broadcast %shift_left3A_962 : i32 to vector<16xi32>
        %shift_left3A_964 = arith.shli %bitcast3A_948, %shift_left3A_963 : vector<16xi32>
        %bitcast3A_965 = vector.bitcast %shift_left3A_964 : vector<16xi32> to vector<16xf32>
        %shift_left3A_966 = arith.constant 16 : i32
        %shift_left3A_967 = vector.broadcast %shift_left3A_966 : i32 to vector<16xi32>
        %shift_left3A_968 = arith.shli %bitcast3A_949, %shift_left3A_967 : vector<16xi32>
        %bitcast3A_969 = vector.bitcast %shift_left3A_968 : vector<16xi32> to vector<16xf32>
        %shift_left3A_970 = arith.constant 16 : i32
        %shift_left3A_971 = vector.broadcast %shift_left3A_970 : i32 to vector<16xi32>
        %shift_left3A_972 = arith.shli %bitcast3A_950, %shift_left3A_971 : vector<16xi32>
        %bitcast3A_973 = vector.bitcast %shift_left3A_972 : vector<16xi32> to vector<16xf32>
        %shift_left3A_974 = arith.constant 16 : i32
        %shift_left3A_975 = vector.broadcast %shift_left3A_974 : i32 to vector<16xi32>
        %shift_left3A_976 = arith.shli %bitcast3A_951, %shift_left3A_975 : vector<16xi32>
        %bitcast3A_977 = vector.bitcast %shift_left3A_976 : vector<16xi32> to vector<16xf32>
        %shift_left3A_978 = arith.constant 16 : i32
        %shift_left3A_979 = vector.broadcast %shift_left3A_978 : i32 to vector<16xi32>
        %shift_left3A_980 = arith.shli %bitcast3A_952, %shift_left3A_979 : vector<16xi32>
        %bitcast3A_981 = vector.bitcast %shift_left3A_980 : vector<16xi32> to vector<16xf32>
        %shift_left3A_982 = arith.constant 16 : i32
        %shift_left3A_983 = vector.broadcast %shift_left3A_982 : i32 to vector<16xi32>
        %shift_left3A_984 = arith.shli %bitcast3A_953, %shift_left3A_983 : vector<16xi32>
        %bitcast3A_985 = vector.bitcast %shift_left3A_984 : vector<16xi32> to vector<16xf32>
        %and3A_986 = arith.andi %bitcast3A_946, %broadcast_in_dim3A_14 : vector<16xi32>
        %bitcast3A_987 = vector.bitcast %and3A_986 : vector<16xi32> to vector<16xf32>
        %and3A_988 = arith.andi %bitcast3A_947, %broadcast_in_dim3A_14 : vector<16xi32>
        %bitcast3A_989 = vector.bitcast %and3A_988 : vector<16xi32> to vector<16xf32>
        %and3A_990 = arith.andi %bitcast3A_948, %broadcast_in_dim3A_14 : vector<16xi32>
        %bitcast3A_991 = vector.bitcast %and3A_990 : vector<16xi32> to vector<16xf32>
        %and3A_992 = arith.andi %bitcast3A_949, %broadcast_in_dim3A_14 : vector<16xi32>
        %bitcast3A_993 = vector.bitcast %and3A_992 : vector<16xi32> to vector<16xf32>
        %and3A_994 = arith.andi %bitcast3A_950, %broadcast_in_dim3A_14 : vector<16xi32>
        %bitcast3A_995 = vector.bitcast %and3A_994 : vector<16xi32> to vector<16xf32>
        %and3A_996 = arith.andi %bitcast3A_951, %broadcast_in_dim3A_14 : vector<16xi32>
        %bitcast3A_997 = vector.bitcast %and3A_996 : vector<16xi32> to vector<16xf32>
        %and3A_998 = arith.andi %bitcast3A_952, %broadcast_in_dim3A_14 : vector<16xi32>
        %bitcast3A_999 = vector.bitcast %and3A_998 : vector<16xi32> to vector<16xf32>
        %and3A_1000 = arith.andi %bitcast3A_953, %broadcast_in_dim3A_14 : vector<16xi32>
        %bitcast3A_1001 = vector.bitcast %and3A_1000 : vector<16xi32> to vector<16xf32>
        %max3A_1002 = arith.maximumf %bitcast3A_957, %bitcast3A_987 : vector<16xf32>
        %broadcast_in_dim3A_1003 = arith.constant true
        %broadcast_in_dim3A_1004 = vector.broadcast %broadcast_in_dim3A_1003 : i1 to vector<16xi1>
        %masked_cummax3A_1005 = tpu.scan <max>, %max3A_1002 masked %broadcast_in_dim3A_1004 : vector<16xf32>, vector<16xi1> -> vector<16xf32>
        %max3A_1006 = arith.maximumf %bitcast3A_961, %bitcast3A_989 : vector<16xf32>
        %broadcast_in_dim3A_1007 = arith.constant true
        %broadcast_in_dim3A_1008 = vector.broadcast %broadcast_in_dim3A_1007 : i1 to vector<16xi1>
        %masked_cummax3A_1009 = tpu.scan <max>, %max3A_1006 masked %broadcast_in_dim3A_1008 : vector<16xf32>, vector<16xi1> -> vector<16xf32>
        %max3A_1010 = arith.maximumf %bitcast3A_965, %bitcast3A_991 : vector<16xf32>
        %broadcast_in_dim3A_1011 = arith.constant true
        %broadcast_in_dim3A_1012 = vector.broadcast %broadcast_in_dim3A_1011 : i1 to vector<16xi1>
        %masked_cummax3A_1013 = tpu.scan <max>, %max3A_1010 masked %broadcast_in_dim3A_1012 : vector<16xf32>, vector<16xi1> -> vector<16xf32>
        %max3A_1014 = arith.maximumf %bitcast3A_969, %bitcast3A_993 : vector<16xf32>
        %broadcast_in_dim3A_1015 = arith.constant true
        %broadcast_in_dim3A_1016 = vector.broadcast %broadcast_in_dim3A_1015 : i1 to vector<16xi1>
        %masked_cummax3A_1017 = tpu.scan <max>, %max3A_1014 masked %broadcast_in_dim3A_1016 : vector<16xf32>, vector<16xi1> -> vector<16xf32>
        %max3A_1018 = arith.maximumf %bitcast3A_973, %bitcast3A_995 : vector<16xf32>
        %broadcast_in_dim3A_1019 = arith.constant true
        %broadcast_in_dim3A_1020 = vector.broadcast %broadcast_in_dim3A_1019 : i1 to vector<16xi1>
        %masked_cummax3A_1021 = tpu.scan <max>, %max3A_1018 masked %broadcast_in_dim3A_1020 : vector<16xf32>, vector<16xi1> -> vector<16xf32>
        %max3A_1022 = arith.maximumf %bitcast3A_977, %bitcast3A_997 : vector<16xf32>
        %broadcast_in_dim3A_1023 = arith.constant true
        %broadcast_in_dim3A_1024 = vector.broadcast %broadcast_in_dim3A_1023 : i1 to vector<16xi1>
        %masked_cummax3A_1025 = tpu.scan <max>, %max3A_1022 masked %broadcast_in_dim3A_1024 : vector<16xf32>, vector<16xi1> -> vector<16xf32>
        %max3A_1026 = arith.maximumf %bitcast3A_981, %bitcast3A_999 : vector<16xf32>
        %broadcast_in_dim3A_1027 = arith.constant true
        %broadcast_in_dim3A_1028 = vector.broadcast %broadcast_in_dim3A_1027 : i1 to vector<16xi1>
        %masked_cummax3A_1029 = tpu.scan <max>, %max3A_1026 masked %broadcast_in_dim3A_1028 : vector<16xf32>, vector<16xi1> -> vector<16xf32>
        %max3A_1030 = arith.maximumf %bitcast3A_985, %bitcast3A_1001 : vector<16xf32>
        %broadcast_in_dim3A_1031 = arith.constant true
        %broadcast_in_dim3A_1032 = vector.broadcast %broadcast_in_dim3A_1031 : i1 to vector<16xi1>
        %masked_cummax3A_1033 = tpu.scan <max>, %max3A_1030 masked %broadcast_in_dim3A_1032 : vector<16xf32>, vector<16xi1> -> vector<16xf32>
        %broadcast_in_dim3A_1034 = arith.constant 8 : i32
        %broadcast_in_dim3A_1035 = vector.broadcast %broadcast_in_dim3A_1034 : i32 to vector<16xi32>
        tpu.vector_store_idx %arg15[%broadcast_in_dim3A_1035], %masked_cummax3A_1005 masked %eq3A_12 : memref<16xf32, #tpu.memory_space<vmem>>[vector<16xi32>], vector<16xf32>, vector<16xi1>
        %broadcast_in_dim3A_1036 = arith.constant 9 : i32
        %broadcast_in_dim3A_1037 = vector.broadcast %broadcast_in_dim3A_1036 : i32 to vector<16xi32>
        tpu.vector_store_idx %arg15[%broadcast_in_dim3A_1037], %masked_cummax3A_1009 masked %eq3A_12 : memref<16xf32, #tpu.memory_space<vmem>>[vector<16xi32>], vector<16xf32>, vector<16xi1>
        %broadcast_in_dim3A_1038 = arith.constant 10 : i32
        %broadcast_in_dim3A_1039 = vector.broadcast %broadcast_in_dim3A_1038 : i32 to vector<16xi32>
        tpu.vector_store_idx %arg15[%broadcast_in_dim3A_1039], %masked_cummax3A_1013 masked %eq3A_12 : memref<16xf32, #tpu.memory_space<vmem>>[vector<16xi32>], vector<16xf32>, vector<16xi1>
        %broadcast_in_dim3A_1040 = arith.constant 11 : i32
        %broadcast_in_dim3A_1041 = vector.broadcast %broadcast_in_dim3A_1040 : i32 to vector<16xi32>
        tpu.vector_store_idx %arg15[%broadcast_in_dim3A_1041], %masked_cummax3A_1017 masked %eq3A_12 : memref<16xf32, #tpu.memory_space<vmem>>[vector<16xi32>], vector<16xf32>, vector<16xi1>
        %broadcast_in_dim3A_1042 = arith.constant 12 : i32
        %broadcast_in_dim3A_1043 = vector.broadcast %broadcast_in_dim3A_1042 : i32 to vector<16xi32>
        tpu.vector_store_idx %arg15[%broadcast_in_dim3A_1043], %masked_cummax3A_1021 masked %eq3A_12 : memref<16xf32, #tpu.memory_space<vmem>>[vector<16xi32>], vector<16xf32>, vector<16xi1>
        %broadcast_in_dim3A_1044 = arith.constant 13 : i32
        %broadcast_in_dim3A_1045 = vector.broadcast %broadcast_in_dim3A_1044 : i32 to vector<16xi32>
        tpu.vector_store_idx %arg15[%broadcast_in_dim3A_1045], %masked_cummax3A_1025 masked %eq3A_12 : memref<16xf32, #tpu.memory_space<vmem>>[vector<16xi32>], vector<16xf32>, vector<16xi1>
        %broadcast_in_dim3A_1046 = arith.constant 14 : i32
        %broadcast_in_dim3A_1047 = vector.broadcast %broadcast_in_dim3A_1046 : i32 to vector<16xi32>
        tpu.vector_store_idx %arg15[%broadcast_in_dim3A_1047], %masked_cummax3A_1029 masked %eq3A_12 : memref<16xf32, #tpu.memory_space<vmem>>[vector<16xi32>], vector<16xf32>, vector<16xi1>
        %broadcast_in_dim3A_1048 = arith.constant 15 : i32
        %broadcast_in_dim3A_1049 = vector.broadcast %broadcast_in_dim3A_1048 : i32 to vector<16xi32>
        tpu.vector_store_idx %arg15[%broadcast_in_dim3A_1049], %masked_cummax3A_1033 masked %eq3A_12 : memref<16xf32, #tpu.memory_space<vmem>>[vector<16xi32>], vector<16xf32>, vector<16xi1>
        %mul3A_1050 = arith.constant 80 : i32
        %mul3A_1051 = arith.muli %add3A_105, %mul3A_1050 : i32
        %mul3A_1052 = arith.constant 16 : i32
        %mul3A_1053 = arith.muli %scan3A_112, %mul3A_1052 : i32
        %add3A_1054 = arith.addi %mul3A_1051, %mul3A_1053 : i32
        %get3A_1055 = arith.constant 0 : index
        %get3A_1056 = tpu.vector_load %arg15[%get3A_1055] {strides = array<i32>} : memref<16xf32, #tpu.memory_space<vmem>>, vector<16xf32>,
        %get3A_1057 = arith.index_cast %add3A_1054 : i32 to index
        %get3A_1058 = tpu.vector_load %arg9[%get3A_1057] {strides = array<i32>} : memref<10000xf32, #tpu.memory_space<vmem>>, vector<16xf32>,
        %div3A = arith.divf %get3A_1056, %get3A_1058 : vector<16xf32>
        %get3A_1059 = arith.index_cast %add3A_1054 : i32 to index
        %get3A_1060 = tpu.vector_load %arg8[%get3A_1059] {strides = array<i32>} : memref<10000xi32, #tpu.memory_space<vmem>>, vector<16xi32>,
        tpu.vector_store_idx %arg14[%get3A_1060], %div3A {add = true} : memref<10000xf32, #tpu.memory_space<vmem>>[vector<16xi32>], vector<16xf32>,
      }
      %scan3A_111 = arith.constant 5 : i32
    }
    %scan3A_29 = arith.constant 62 : i32
    %dma_wait3A = arith.constant 0 : i32
    %dma_wait3A_30 = tpu.memref_slice %arg7[%dma_wait3A] : memref<10000xi32, #tpu.memory_space<vmem>> -> memref<80xi32, #tpu.memory_space<vmem>>
    %dma_wait3A_31 = arith.constant 0 : i32
    %dma_wait3A_32 = arith.constant 0 : i32
    %dma_wait3A_33 = tpu.memref_slice %arg2[%dma_wait3A_31, %dma_wait3A_32] : memref<10000x64xi32, #tpu.memory_space<hbm>> -> memref<10000x64xi32, #tpu.memory_space<hbm>>
    tpu.wait_indirect_dma semaphore(%arg16 : memref<!tpu.dma_semaphore, #tpu.memory_space<semaphore_mem>>) src(%dma_wait3A_33 : memref<10000x64xi32, #tpu.memory_space<hbm>>) dst(%arg10 : memref<80x64xi32, #tpu.memory_space<vmem>>)
    %dma_wait3A_34 = arith.constant 0 : i32
    %dma_wait3A_35 = tpu.memref_slice %arg8[%dma_wait3A_34] : memref<10000xi32, #tpu.memory_space<vmem>> -> memref<80xi32, #tpu.memory_space<vmem>>
    %dma_wait3A_36 = arith.constant 0 : i32
    %dma_wait3A_37 = arith.constant 0 : i32
    %dma_wait3A_38 = tpu.memref_slice %arg2[%dma_wait3A_36, %dma_wait3A_37] : memref<10000x64xi32, #tpu.memory_space<hbm>> -> memref<10000x64xi32, #tpu.memory_space<hbm>>
    tpu.wait_indirect_dma semaphore(%arg16 : memref<!tpu.dma_semaphore, #tpu.memory_space<semaphore_mem>>) src(%dma_wait3A_38 : memref<10000x64xi32, #tpu.memory_space<hbm>>) dst(%arg11 : memref<80x64xi32, #tpu.memory_space<vmem>>)
    %scan3A_39 = arith.constant 0 : i32
    %scan3A_40 = arith.constant 0 : i32
    %scan3A_41 = arith.constant 5 : i32
    %scan3A_42 = arith.addi %scan3A_40, %scan3A_41 : i32
    %scan3A_43 = arith.constant 1 : i32
    scf.for %scan3A_47 = %scan3A_40 to %scan3A_42 step %scan3A_43  : i32 {
      %mul3A_48 = arith.constant 16 : i32
      %mul3A_49 = arith.muli %scan3A_47, %mul3A_48 : i32
      %add3A_50 = arith.constant 0 : i32
      %add3A_51 = arith.addi %mul3A_49, %add3A_50 : i32
      %add3A_52 = arith.constant 0 : i32
      %add3A_53 = arith.addi %add3A_51, %add3A_52 : i32
      %mul3A_54 = arith.constant 16 : i32
      %mul3A_55 = arith.muli %scan3A_47, %mul3A_54 : i32
      %add3A_56 = arith.constant 0 : i32
      %add3A_57 = arith.addi %mul3A_55, %add3A_56 : i32
      %add3A_58 = arith.constant 1 : i32
      %add3A_59 = arith.addi %add3A_57, %add3A_58 : i32
      %mul3A_60 = arith.constant 16 : i32
      %mul3A_61 = arith.muli %scan3A_47, %mul3A_60 : i32
      %add3A_62 = arith.constant 0 : i32
      %add3A_63 = arith.addi %mul3A_61, %add3A_62 : i32
      %add3A_64 = arith.constant 2 : i32
      %add3A_65 = arith.addi %add3A_63, %add3A_64 : i32
      %mul3A_66 = arith.constant 16 : i32
      %mul3A_67 = arith.muli %scan3A_47, %mul3A_66 : i32
      %add3A_68 = arith.constant 0 : i32
      %add3A_69 = arith.addi %mul3A_67, %add3A_68 : i32
      %add3A_70 = arith.constant 3 : i32
      %add3A_71 = arith.addi %add3A_69, %add3A_70 : i32
      %mul3A_72 = arith.constant 16 : i32
      %mul3A_73 = arith.muli %scan3A_47, %mul3A_72 : i32
      %add3A_74 = arith.constant 0 : i32
      %add3A_75 = arith.addi %mul3A_73, %add3A_74 : i32
      %add3A_76 = arith.constant 4 : i32
      %add3A_77 = arith.addi %add3A_75, %add3A_76 : i32
      %mul3A_78 = arith.constant 16 : i32
      %mul3A_79 = arith.muli %scan3A_47, %mul3A_78 : i32
      %add3A_80 = arith.constant 0 : i32
      %add3A_81 = arith.addi %mul3A_79, %add3A_80 : i32
      %add3A_82 = arith.constant 5 : i32
      %add3A_83 = arith.addi %add3A_81, %add3A_82 : i32
      %mul3A_84 = arith.constant 16 : i32
      %mul3A_85 = arith.muli %scan3A_47, %mul3A_84 : i32
      %add3A_86 = arith.constant 0 : i32
      %add3A_87 = arith.addi %mul3A_85, %add3A_86 : i32
      %add3A_88 = arith.constant 6 : i32
      %add3A_89 = arith.addi %add3A_87, %add3A_88 : i32
      %mul3A_90 = arith.constant 16 : i32
      %mul3A_91 = arith.muli %scan3A_47, %mul3A_90 : i32
      %add3A_92 = arith.constant 0 : i32
      %add3A_93 = arith.addi %mul3A_91, %add3A_92 : i32
      %add3A_94 = arith.constant 7 : i32
      %add3A_95 = arith.addi %add3A_93, %add3A_94 : i32
      %get3A = arith.index_cast %add3A_53 : i32 to index
      %get3A_96 = arith.constant 0 : index
      %get3A_97 = tpu.vector_load %arg10[%get3A, %get3A_96] {strides = array<i32>} : memref<80x64xi32, #tpu.memory_space<vmem>>, vector<16xi32>,
      %bitcast3A = vector.bitcast %get3A_97 : vector<16xi32> to vector<32xbf16>
      %get3A_98 = arith.index_cast %add3A_59 : i32 to index
      %get3A_99 = arith.constant 0 : index
      %get3A_100 = tpu.vector_load %arg10[%get3A_98, %get3A_99] {strides = array<i32>} : memref<80x64xi32, #tpu.memory_space<vmem>>, vector<16xi32>,
      %bitcast3A_101 = vector.bitcast %get3A_100 : vector<16xi32> to vector<32xbf16>
      %get3A_102 = arith.index_cast %add3A_65 : i32 to index
      %get3A_103 = arith.constant 0 : index
      %get3A_104 = tpu.vector_load %arg10[%get3A_102, %get3A_103] {strides = array<i32>} : memref<80x64xi32, #tpu.memory_space<vmem>>, vector<16xi32>,
      %bitcast3A_105 = vector.bitcast %get3A_104 : vector<16xi32> to vector<32xbf16>
      %get3A_106 = arith.index_cast %add3A_71 : i32 to index
      %get3A_107 = arith.constant 0 : index
      %get3A_108 = tpu.vector_load %arg10[%get3A_106, %get3A_107] {strides = array<i32>} : memref<80x64xi32, #tpu.memory_space<vmem>>, vector<16xi32>,
      %bitcast3A_109 = vector.bitcast %get3A_108 : vector<16xi32> to vector<32xbf16>
      %get3A_110 = arith.index_cast %add3A_77 : i32 to index
      %get3A_111 = arith.constant 0 : index
      %get3A_112 = tpu.vector_load %arg10[%get3A_110, %get3A_111] {strides = array<i32>} : memref<80x64xi32, #tpu.memory_space<vmem>>, vector<16xi32>,
      %bitcast3A_113 = vector.bitcast %get3A_112 : vector<16xi32> to vector<32xbf16>
      %get3A_114 = arith.index_cast %add3A_83 : i32 to index
      %get3A_115 = arith.constant 0 : index
      %get3A_116 = tpu.vector_load %arg10[%get3A_114, %get3A_115] {strides = array<i32>} : memref<80x64xi32, #tpu.memory_space<vmem>>, vector<16xi32>,
      %bitcast3A_117 = vector.bitcast %get3A_116 : vector<16xi32> to vector<32xbf16>
      %get3A_118 = arith.index_cast %add3A_89 : i32 to index
      %get3A_119 = arith.constant 0 : index
      %get3A_120 = tpu.vector_load %arg10[%get3A_118, %get3A_119] {strides = array<i32>} : memref<80x64xi32, #tpu.memory_space<vmem>>, vector<16xi32>,
      %bitcast3A_121 = vector.bitcast %get3A_120 : vector<16xi32> to vector<32xbf16>
      %get3A_122 = arith.index_cast %add3A_95 : i32 to index
      %get3A_123 = arith.constant 0 : index
      %get3A_124 = tpu.vector_load %arg10[%get3A_122, %get3A_123] {strides = array<i32>} : memref<80x64xi32, #tpu.memory_space<vmem>>, vector<16xi32>,
      %bitcast3A_125 = vector.bitcast %get3A_124 : vector<16xi32> to vector<32xbf16>
      %get3A_126 = arith.index_cast %add3A_53 : i32 to index
      %get3A_127 = arith.constant 0 : index
      %get3A_128 = tpu.vector_load %arg11[%get3A_126, %get3A_127] {strides = array<i32>} : memref<80x64xi32, #tpu.memory_space<vmem>>, vector<16xi32>,
      %bitcast3A_129 = vector.bitcast %get3A_128 : vector<16xi32> to vector<32xbf16>
      %get3A_130 = arith.index_cast %add3A_59 : i32 to index
      %get3A_131 = arith.constant 0 : index
      %get3A_132 = tpu.vector_load %arg11[%get3A_130, %get3A_131] {strides = array<i32>} : memref<80x64xi32, #tpu.memory_space<vmem>>, vector<16xi32>,
      %bitcast3A_133 = vector.bitcast %get3A_132 : vector<16xi32> to vector<32xbf16>
      %get3A_134 = arith.index_cast %add3A_65 : i32 to index
      %get3A_135 = arith.constant 0 : index
      %get3A_136 = tpu.vector_load %arg11[%get3A_134, %get3A_135] {strides = array<i32>} : memref<80x64xi32, #tpu.memory_space<vmem>>, vector<16xi32>,
      %bitcast3A_137 = vector.bitcast %get3A_136 : vector<16xi32> to vector<32xbf16>
      %get3A_138 = arith.index_cast %add3A_71 : i32 to index
      %get3A_139 = arith.constant 0 : index
      %get3A_140 = tpu.vector_load %arg11[%get3A_138, %get3A_139] {strides = array<i32>} : memref<80x64xi32, #tpu.memory_space<vmem>>, vector<16xi32>,
      %bitcast3A_141 = vector.bitcast %get3A_140 : vector<16xi32> to vector<32xbf16>
      %get3A_142 = arith.index_cast %add3A_77 : i32 to index
      %get3A_143 = arith.constant 0 : index
      %get3A_144 = tpu.vector_load %arg11[%get3A_142, %get3A_143] {strides = array<i32>} : memref<80x64xi32, #tpu.memory_space<vmem>>, vector<16xi32>,
      %bitcast3A_145 = vector.bitcast %get3A_144 : vector<16xi32> to vector<32xbf16>
      %get3A_146 = arith.index_cast %add3A_83 : i32 to index
      %get3A_147 = arith.constant 0 : index
      %get3A_148 = tpu.vector_load %arg11[%get3A_146, %get3A_147] {strides = array<i32>} : memref<80x64xi32, #tpu.memory_space<vmem>>, vector<16xi32>,
      %bitcast3A_149 = vector.bitcast %get3A_148 : vector<16xi32> to vector<32xbf16>
      %get3A_150 = arith.index_cast %add3A_89 : i32 to index
      %get3A_151 = arith.constant 0 : index
      %get3A_152 = tpu.vector_load %arg11[%get3A_150, %get3A_151] {strides = array<i32>} : memref<80x64xi32, #tpu.memory_space<vmem>>, vector<16xi32>,
      %bitcast3A_153 = vector.bitcast %get3A_152 : vector<16xi32> to vector<32xbf16>
      %get3A_154 = arith.index_cast %add3A_95 : i32 to index
      %get3A_155 = arith.constant 0 : index
      %get3A_156 = tpu.vector_load %arg11[%get3A_154, %get3A_155] {strides = array<i32>} : memref<80x64xi32, #tpu.memory_space<vmem>>, vector<16xi32>,
      %bitcast3A_157 = vector.bitcast %get3A_156 : vector<16xi32> to vector<32xbf16>
      %sub3A = arith.subf %bitcast3A, %bitcast3A_129 : vector<32xbf16>
      %max3A = arith.maximumf %broadcast_in_dim3A_10, %sub3A : vector<32xbf16>
      %sub3A_158 = arith.subf %bitcast3A_101, %bitcast3A_133 : vector<32xbf16>
      %max3A_159 = arith.maximumf %broadcast_in_dim3A_10, %sub3A_158 : vector<32xbf16>
      %sub3A_160 = arith.subf %bitcast3A_105, %bitcast3A_137 : vector<32xbf16>
      %max3A_161 = arith.maximumf %broadcast_in_dim3A_10, %sub3A_160 : vector<32xbf16>
      %sub3A_162 = arith.subf %bitcast3A_109, %bitcast3A_141 : vector<32xbf16>
      %max3A_163 = arith.maximumf %broadcast_in_dim3A_10, %sub3A_162 : vector<32xbf16>
      %sub3A_164 = arith.subf %bitcast3A_113, %bitcast3A_145 : vector<32xbf16>
      %max3A_165 = arith.maximumf %broadcast_in_dim3A_10, %sub3A_164 : vector<32xbf16>
      %sub3A_166 = arith.subf %bitcast3A_117, %bitcast3A_149 : vector<32xbf16>
      %max3A_167 = arith.maximumf %broadcast_in_dim3A_10, %sub3A_166 : vector<32xbf16>
      %sub3A_168 = arith.subf %bitcast3A_121, %bitcast3A_153 : vector<32xbf16>
      %max3A_169 = arith.maximumf %broadcast_in_dim3A_10, %sub3A_168 : vector<32xbf16>
      %sub3A_170 = arith.subf %bitcast3A_125, %bitcast3A_157 : vector<32xbf16>
      %max3A_171 = arith.maximumf %broadcast_in_dim3A_10, %sub3A_170 : vector<32xbf16>
      %get3A_172 = arith.index_cast %add3A_53 : i32 to index
      %get3A_173 = arith.constant 16 : index
      %get3A_174 = tpu.vector_load %arg10[%get3A_172, %get3A_173] {strides = array<i32>} : memref<80x64xi32, #tpu.memory_space<vmem>>, vector<16xi32>,
      %bitcast3A_175 = vector.bitcast %get3A_174 : vector<16xi32> to vector<32xbf16>
      %get3A_176 = arith.index_cast %add3A_59 : i32 to index
      %get3A_177 = arith.constant 16 : index
      %get3A_178 = tpu.vector_load %arg10[%get3A_176, %get3A_177] {strides = array<i32>} : memref<80x64xi32, #tpu.memory_space<vmem>>, vector<16xi32>,
      %bitcast3A_179 = vector.bitcast %get3A_178 : vector<16xi32> to vector<32xbf16>
      %get3A_180 = arith.index_cast %add3A_65 : i32 to index
      %get3A_181 = arith.constant 16 : index
      %get3A_182 = tpu.vector_load %arg10[%get3A_180, %get3A_181] {strides = array<i32>} : memref<80x64xi32, #tpu.memory_space<vmem>>, vector<16xi32>,
      %bitcast3A_183 = vector.bitcast %get3A_182 : vector<16xi32> to vector<32xbf16>
      %get3A_184 = arith.index_cast %add3A_71 : i32 to index
      %get3A_185 = arith.constant 16 : index
      %get3A_186 = tpu.vector_load %arg10[%get3A_184, %get3A_185] {strides = array<i32>} : memref<80x64xi32, #tpu.memory_space<vmem>>, vector<16xi32>,
      %bitcast3A_187 = vector.bitcast %get3A_186 : vector<16xi32> to vector<32xbf16>
      %get3A_188 = arith.index_cast %add3A_77 : i32 to index
      %get3A_189 = arith.constant 16 : index
      %get3A_190 = tpu.vector_load %arg10[%get3A_188, %get3A_189] {strides = array<i32>} : memref<80x64xi32, #tpu.memory_space<vmem>>, vector<16xi32>,
      %bitcast3A_191 = vector.bitcast %get3A_190 : vector<16xi32> to vector<32xbf16>
      %get3A_192 = arith.index_cast %add3A_83 : i32 to index
      %get3A_193 = arith.constant 16 : index
      %get3A_194 = tpu.vector_load %arg10[%get3A_192, %get3A_193] {strides = array<i32>} : memref<80x64xi32, #tpu.memory_space<vmem>>, vector<16xi32>,
      %bitcast3A_195 = vector.bitcast %get3A_194 : vector<16xi32> to vector<32xbf16>
      %get3A_196 = arith.index_cast %add3A_89 : i32 to index
      %get3A_197 = arith.constant 16 : index
      %get3A_198 = tpu.vector_load %arg10[%get3A_196, %get3A_197] {strides = array<i32>} : memref<80x64xi32, #tpu.memory_space<vmem>>, vector<16xi32>,
      %bitcast3A_199 = vector.bitcast %get3A_198 : vector<16xi32> to vector<32xbf16>
      %get3A_200 = arith.index_cast %add3A_95 : i32 to index
      %get3A_201 = arith.constant 16 : index
      %get3A_202 = tpu.vector_load %arg10[%get3A_200, %get3A_201] {strides = array<i32>} : memref<80x64xi32, #tpu.memory_space<vmem>>, vector<16xi32>,
      %bitcast3A_203 = vector.bitcast %get3A_202 : vector<16xi32> to vector<32xbf16>
      %get3A_204 = arith.index_cast %add3A_53 : i32 to index
      %get3A_205 = arith.constant 16 : index
      %get3A_206 = tpu.vector_load %arg11[%get3A_204, %get3A_205] {strides = array<i32>} : memref<80x64xi32, #tpu.memory_space<vmem>>, vector<16xi32>,
      %bitcast3A_207 = vector.bitcast %get3A_206 : vector<16xi32> to vector<32xbf16>
      %get3A_208 = arith.index_cast %add3A_59 : i32 to index
      %get3A_209 = arith.constant 16 : index
      %get3A_210 = tpu.vector_load %arg11[%get3A_208, %get3A_209] {strides = array<i32>} : memref<80x64xi32, #tpu.memory_space<vmem>>, vector<16xi32>,
      %bitcast3A_211 = vector.bitcast %get3A_210 : vector<16xi32> to vector<32xbf16>
      %get3A_212 = arith.index_cast %add3A_65 : i32 to index
      %get3A_213 = arith.constant 16 : index
      %get3A_214 = tpu.vector_load %arg11[%get3A_212, %get3A_213] {strides = array<i32>} : memref<80x64xi32, #tpu.memory_space<vmem>>, vector<16xi32>,
      %bitcast3A_215 = vector.bitcast %get3A_214 : vector<16xi32> to vector<32xbf16>
      %get3A_216 = arith.index_cast %add3A_71 : i32 to index
      %get3A_217 = arith.constant 16 : index
      %get3A_218 = tpu.vector_load %arg11[%get3A_216, %get3A_217] {strides = array<i32>} : memref<80x64xi32, #tpu.memory_space<vmem>>, vector<16xi32>,
      %bitcast3A_219 = vector.bitcast %get3A_218 : vector<16xi32> to vector<32xbf16>
      %get3A_220 = arith.index_cast %add3A_77 : i32 to index
      %get3A_221 = arith.constant 16 : index
      %get3A_222 = tpu.vector_load %arg11[%get3A_220, %get3A_221] {strides = array<i32>} : memref<80x64xi32, #tpu.memory_space<vmem>>, vector<16xi32>,
      %bitcast3A_223 = vector.bitcast %get3A_222 : vector<16xi32> to vector<32xbf16>
      %get3A_224 = arith.index_cast %add3A_83 : i32 to index
      %get3A_225 = arith.constant 16 : index
      %get3A_226 = tpu.vector_load %arg11[%get3A_224, %get3A_225] {strides = array<i32>} : memref<80x64xi32, #tpu.memory_space<vmem>>, vector<16xi32>,
      %bitcast3A_227 = vector.bitcast %get3A_226 : vector<16xi32> to vector<32xbf16>
      %get3A_228 = arith.index_cast %add3A_89 : i32 to index
      %get3A_229 = arith.constant 16 : index
      %get3A_230 = tpu.vector_load %arg11[%get3A_228, %get3A_229] {strides = array<i32>} : memref<80x64xi32, #tpu.memory_space<vmem>>, vector<16xi32>,
      %bitcast3A_231 = vector.bitcast %get3A_230 : vector<16xi32> to vector<32xbf16>
      %get3A_232 = arith.index_cast %add3A_95 : i32 to index
      %get3A_233 = arith.constant 16 : index
      %get3A_234 = tpu.vector_load %arg11[%get3A_232, %get3A_233] {strides = array<i32>} : memref<80x64xi32, #tpu.memory_space<vmem>>, vector<16xi32>,
      %bitcast3A_235 = vector.bitcast %get3A_234 : vector<16xi32> to vector<32xbf16>
      %sub3A_236 = arith.subf %bitcast3A_175, %bitcast3A_207 : vector<32xbf16>
      %max3A_237 = arith.maximumf %max3A, %sub3A_236 : vector<32xbf16>
      %sub3A_238 = arith.subf %bitcast3A_179, %bitcast3A_211 : vector<32xbf16>
      %max3A_239 = arith.maximumf %max3A_159, %sub3A_238 : vector<32xbf16>
      %sub3A_240 = arith.subf %bitcast3A_183, %bitcast3A_215 : vector<32xbf16>
      %max3A_241 = arith.maximumf %max3A_161, %sub3A_240 : vector<32xbf16>
      %sub3A_242 = arith.subf %bitcast3A_187, %bitcast3A_219 : vector<32xbf16>
      %max3A_243 = arith.maximumf %max3A_163, %sub3A_242 : vector<32xbf16>
      %sub3A_244 = arith.subf %bitcast3A_191, %bitcast3A_223 : vector<32xbf16>
      %max3A_245 = arith.maximumf %max3A_165, %sub3A_244 : vector<32xbf16>
      %sub3A_246 = arith.subf %bitcast3A_195, %bitcast3A_227 : vector<32xbf16>
      %max3A_247 = arith.maximumf %max3A_167, %sub3A_246 : vector<32xbf16>
      %sub3A_248 = arith.subf %bitcast3A_199, %bitcast3A_231 : vector<32xbf16>
      %max3A_249 = arith.maximumf %max3A_169, %sub3A_248 : vector<32xbf16>
      %sub3A_250 = arith.subf %bitcast3A_203, %bitcast3A_235 : vector<32xbf16>
      %max3A_251 = arith.maximumf %max3A_171, %sub3A_250 : vector<32xbf16>
      %get3A_252 = arith.index_cast %add3A_53 : i32 to index
      %get3A_253 = arith.constant 32 : index
      %get3A_254 = tpu.vector_load %arg10[%get3A_252, %get3A_253] {strides = array<i32>} : memref<80x64xi32, #tpu.memory_space<vmem>>, vector<16xi32>,
      %bitcast3A_255 = vector.bitcast %get3A_254 : vector<16xi32> to vector<32xbf16>
      %get3A_256 = arith.index_cast %add3A_59 : i32 to index
      %get3A_257 = arith.constant 32 : index
      %get3A_258 = tpu.vector_load %arg10[%get3A_256, %get3A_257] {strides = array<i32>} : memref<80x64xi32, #tpu.memory_space<vmem>>, vector<16xi32>,
      %bitcast3A_259 = vector.bitcast %get3A_258 : vector<16xi32> to vector<32xbf16>
      %get3A_260 = arith.index_cast %add3A_65 : i32 to index
      %get3A_261 = arith.constant 32 : index
      %get3A_262 = tpu.vector_load %arg10[%get3A_260, %get3A_261] {strides = array<i32>} : memref<80x64xi32, #tpu.memory_space<vmem>>, vector<16xi32>,
      %bitcast3A_263 = vector.bitcast %get3A_262 : vector<16xi32> to vector<32xbf16>
      %get3A_264 = arith.index_cast %add3A_71 : i32 to index
      %get3A_265 = arith.constant 32 : index
      %get3A_266 = tpu.vector_load %arg10[%get3A_264, %get3A_265] {strides = array<i32>} : memref<80x64xi32, #tpu.memory_space<vmem>>, vector<16xi32>,
      %bitcast3A_267 = vector.bitcast %get3A_266 : vector<16xi32> to vector<32xbf16>
      %get3A_268 = arith.index_cast %add3A_77 : i32 to index
      %get3A_269 = arith.constant 32 : index
      %get3A_270 = tpu.vector_load %arg10[%get3A_268, %get3A_269] {strides = array<i32>} : memref<80x64xi32, #tpu.memory_space<vmem>>, vector<16xi32>,
      %bitcast3A_271 = vector.bitcast %get3A_270 : vector<16xi32> to vector<32xbf16>
      %get3A_272 = arith.index_cast %add3A_83 : i32 to index
      %get3A_273 = arith.constant 32 : index
      %get3A_274 = tpu.vector_load %arg10[%get3A_272, %get3A_273] {strides = array<i32>} : memref<80x64xi32, #tpu.memory_space<vmem>>, vector<16xi32>,
      %bitcast3A_275 = vector.bitcast %get3A_274 : vector<16xi32> to vector<32xbf16>
      %get3A_276 = arith.index_cast %add3A_89 : i32 to index
      %get3A_277 = arith.constant 32 : index
      %get3A_278 = tpu.vector_load %arg10[%get3A_276, %get3A_277] {strides = array<i32>} : memref<80x64xi32, #tpu.memory_space<vmem>>, vector<16xi32>,
      %bitcast3A_279 = vector.bitcast %get3A_278 : vector<16xi32> to vector<32xbf16>
      %get3A_280 = arith.index_cast %add3A_95 : i32 to index
      %get3A_281 = arith.constant 32 : index
      %get3A_282 = tpu.vector_load %arg10[%get3A_280, %get3A_281] {strides = array<i32>} : memref<80x64xi32, #tpu.memory_space<vmem>>, vector<16xi32>,
      %bitcast3A_283 = vector.bitcast %get3A_282 : vector<16xi32> to vector<32xbf16>
      %get3A_284 = arith.index_cast %add3A_53 : i32 to index
      %get3A_285 = arith.constant 32 : index
      %get3A_286 = tpu.vector_load %arg11[%get3A_284, %get3A_285] {strides = array<i32>} : memref<80x64xi32, #tpu.memory_space<vmem>>, vector<16xi32>,
      %bitcast3A_287 = vector.bitcast %get3A_286 : vector<16xi32> to vector<32xbf16>
      %get3A_288 = arith.index_cast %add3A_59 : i32 to index
      %get3A_289 = arith.constant 32 : index
      %get3A_290 = tpu.vector_load %arg11[%get3A_288, %get3A_289] {strides = array<i32>} : memref<80x64xi32, #tpu.memory_space<vmem>>, vector<16xi32>,
      %bitcast3A_291 = vector.bitcast %get3A_290 : vector<16xi32> to vector<32xbf16>
      %get3A_292 = arith.index_cast %add3A_65 : i32 to index
      %get3A_293 = arith.constant 32 : index
      %get3A_294 = tpu.vector_load %arg11[%get3A_292, %get3A_293] {strides = array<i32>} : memref<80x64xi32, #tpu.memory_space<vmem>>, vector<16xi32>,
      %bitcast3A_295 = vector.bitcast %get3A_294 : vector<16xi32> to vector<32xbf16>
      %get3A_296 = arith.index_cast %add3A_71 : i32 to index
      %get3A_297 = arith.constant 32 : index
      %get3A_298 = tpu.vector_load %arg11[%get3A_296, %get3A_297] {strides = array<i32>} : memref<80x64xi32, #tpu.memory_space<vmem>>, vector<16xi32>,
      %bitcast3A_299 = vector.bitcast %get3A_298 : vector<16xi32> to vector<32xbf16>
      %get3A_300 = arith.index_cast %add3A_77 : i32 to index
      %get3A_301 = arith.constant 32 : index
      %get3A_302 = tpu.vector_load %arg11[%get3A_300, %get3A_301] {strides = array<i32>} : memref<80x64xi32, #tpu.memory_space<vmem>>, vector<16xi32>,
      %bitcast3A_303 = vector.bitcast %get3A_302 : vector<16xi32> to vector<32xbf16>
      %get3A_304 = arith.index_cast %add3A_83 : i32 to index
      %get3A_305 = arith.constant 32 : index
      %get3A_306 = tpu.vector_load %arg11[%get3A_304, %get3A_305] {strides = array<i32>} : memref<80x64xi32, #tpu.memory_space<vmem>>, vector<16xi32>,
      %bitcast3A_307 = vector.bitcast %get3A_306 : vector<16xi32> to vector<32xbf16>
      %get3A_308 = arith.index_cast %add3A_89 : i32 to index
      %get3A_309 = arith.constant 32 : index
      %get3A_310 = tpu.vector_load %arg11[%get3A_308, %get3A_309] {strides = array<i32>} : memref<80x64xi32, #tpu.memory_space<vmem>>, vector<16xi32>,
      %bitcast3A_311 = vector.bitcast %get3A_310 : vector<16xi32> to vector<32xbf16>
      %get3A_312 = arith.index_cast %add3A_95 : i32 to index
      %get3A_313 = arith.constant 32 : index
      %get3A_314 = tpu.vector_load %arg11[%get3A_312, %get3A_313] {strides = array<i32>} : memref<80x64xi32, #tpu.memory_space<vmem>>, vector<16xi32>,
      %bitcast3A_315 = vector.bitcast %get3A_314 : vector<16xi32> to vector<32xbf16>
      %sub3A_316 = arith.subf %bitcast3A_255, %bitcast3A_287 : vector<32xbf16>
      %max3A_317 = arith.maximumf %max3A_237, %sub3A_316 : vector<32xbf16>
      %sub3A_318 = arith.subf %bitcast3A_259, %bitcast3A_291 : vector<32xbf16>
      %max3A_319 = arith.maximumf %max3A_239, %sub3A_318 : vector<32xbf16>
      %sub3A_320 = arith.subf %bitcast3A_263, %bitcast3A_295 : vector<32xbf16>
      %max3A_321 = arith.maximumf %max3A_241, %sub3A_320 : vector<32xbf16>
      %sub3A_322 = arith.subf %bitcast3A_267, %bitcast3A_299 : vector<32xbf16>
      %max3A_323 = arith.maximumf %max3A_243, %sub3A_322 : vector<32xbf16>
      %sub3A_324 = arith.subf %bitcast3A_271, %bitcast3A_303 : vector<32xbf16>
      %max3A_325 = arith.maximumf %max3A_245, %sub3A_324 : vector<32xbf16>
      %sub3A_326 = arith.subf %bitcast3A_275, %bitcast3A_307 : vector<32xbf16>
      %max3A_327 = arith.maximumf %max3A_247, %sub3A_326 : vector<32xbf16>
      %sub3A_328 = arith.subf %bitcast3A_279, %bitcast3A_311 : vector<32xbf16>
      %max3A_329 = arith.maximumf %max3A_249, %sub3A_328 : vector<32xbf16>
      %sub3A_330 = arith.subf %bitcast3A_283, %bitcast3A_315 : vector<32xbf16>
      %max3A_331 = arith.maximumf %max3A_251, %sub3A_330 : vector<32xbf16>
      %get3A_332 = arith.index_cast %add3A_53 : i32 to index
      %get3A_333 = arith.constant 48 : index
      %get3A_334 = tpu.vector_load %arg10[%get3A_332, %get3A_333] {strides = array<i32>} : memref<80x64xi32, #tpu.memory_space<vmem>>, vector<16xi32>,
      %bitcast3A_335 = vector.bitcast %get3A_334 : vector<16xi32> to vector<32xbf16>
      %get3A_336 = arith.index_cast %add3A_59 : i32 to index
      %get3A_337 = arith.constant 48 : index
      %get3A_338 = tpu.vector_load %arg10[%get3A_336, %get3A_337] {strides = array<i32>} : memref<80x64xi32, #tpu.memory_space<vmem>>, vector<16xi32>,
      %bitcast3A_339 = vector.bitcast %get3A_338 : vector<16xi32> to vector<32xbf16>
      %get3A_340 = arith.index_cast %add3A_65 : i32 to index
      %get3A_341 = arith.constant 48 : index
      %get3A_342 = tpu.vector_load %arg10[%get3A_340, %get3A_341] {strides = array<i32>} : memref<80x64xi32, #tpu.memory_space<vmem>>, vector<16xi32>,
      %bitcast3A_343 = vector.bitcast %get3A_342 : vector<16xi32> to vector<32xbf16>
      %get3A_344 = arith.index_cast %add3A_71 : i32 to index
      %get3A_345 = arith.constant 48 : index
      %get3A_346 = tpu.vector_load %arg10[%get3A_344, %get3A_345] {strides = array<i32>} : memref<80x64xi32, #tpu.memory_space<vmem>>, vector<16xi32>,
      %bitcast3A_347 = vector.bitcast %get3A_346 : vector<16xi32> to vector<32xbf16>
      %get3A_348 = arith.index_cast %add3A_77 : i32 to index
      %get3A_349 = arith.constant 48 : index
      %get3A_350 = tpu.vector_load %arg10[%get3A_348, %get3A_349] {strides = array<i32>} : memref<80x64xi32, #tpu.memory_space<vmem>>, vector<16xi32>,
      %bitcast3A_351 = vector.bitcast %get3A_350 : vector<16xi32> to vector<32xbf16>
      %get3A_352 = arith.index_cast %add3A_83 : i32 to index
      %get3A_353 = arith.constant 48 : index
      %get3A_354 = tpu.vector_load %arg10[%get3A_352, %get3A_353] {strides = array<i32>} : memref<80x64xi32, #tpu.memory_space<vmem>>, vector<16xi32>,
      %bitcast3A_355 = vector.bitcast %get3A_354 : vector<16xi32> to vector<32xbf16>
      %get3A_356 = arith.index_cast %add3A_89 : i32 to index
      %get3A_357 = arith.constant 48 : index
      %get3A_358 = tpu.vector_load %arg10[%get3A_356, %get3A_357] {strides = array<i32>} : memref<80x64xi32, #tpu.memory_space<vmem>>, vector<16xi32>,
      %bitcast3A_359 = vector.bitcast %get3A_358 : vector<16xi32> to vector<32xbf16>
      %get3A_360 = arith.index_cast %add3A_95 : i32 to index
      %get3A_361 = arith.constant 48 : index
      %get3A_362 = tpu.vector_load %arg10[%get3A_360, %get3A_361] {strides = array<i32>} : memref<80x64xi32, #tpu.memory_space<vmem>>, vector<16xi32>,
      %bitcast3A_363 = vector.bitcast %get3A_362 : vector<16xi32> to vector<32xbf16>
      %get3A_364 = arith.index_cast %add3A_53 : i32 to index
      %get3A_365 = arith.constant 48 : index
      %get3A_366 = tpu.vector_load %arg11[%get3A_364, %get3A_365] {strides = array<i32>} : memref<80x64xi32, #tpu.memory_space<vmem>>, vector<16xi32>,
      %bitcast3A_367 = vector.bitcast %get3A_366 : vector<16xi32> to vector<32xbf16>
      %get3A_368 = arith.index_cast %add3A_59 : i32 to index
      %get3A_369 = arith.constant 48 : index
      %get3A_370 = tpu.vector_load %arg11[%get3A_368, %get3A_369] {strides = array<i32>} : memref<80x64xi32, #tpu.memory_space<vmem>>, vector<16xi32>,
      %bitcast3A_371 = vector.bitcast %get3A_370 : vector<16xi32> to vector<32xbf16>
      %get3A_372 = arith.index_cast %add3A_65 : i32 to index
      %get3A_373 = arith.constant 48 : index
      %get3A_374 = tpu.vector_load %arg11[%get3A_372, %get3A_373] {strides = array<i32>} : memref<80x64xi32, #tpu.memory_space<vmem>>, vector<16xi32>,
      %bitcast3A_375 = vector.bitcast %get3A_374 : vector<16xi32> to vector<32xbf16>
      %get3A_376 = arith.index_cast %add3A_71 : i32 to index
      %get3A_377 = arith.constant 48 : index
      %get3A_378 = tpu.vector_load %arg11[%get3A_376, %get3A_377] {strides = array<i32>} : memref<80x64xi32, #tpu.memory_space<vmem>>, vector<16xi32>,
      %bitcast3A_379 = vector.bitcast %get3A_378 : vector<16xi32> to vector<32xbf16>
      %get3A_380 = arith.index_cast %add3A_77 : i32 to index
      %get3A_381 = arith.constant 48 : index
      %get3A_382 = tpu.vector_load %arg11[%get3A_380, %get3A_381] {strides = array<i32>} : memref<80x64xi32, #tpu.memory_space<vmem>>, vector<16xi32>,
      %bitcast3A_383 = vector.bitcast %get3A_382 : vector<16xi32> to vector<32xbf16>
      %get3A_384 = arith.index_cast %add3A_83 : i32 to index
      %get3A_385 = arith.constant 48 : index
      %get3A_386 = tpu.vector_load %arg11[%get3A_384, %get3A_385] {strides = array<i32>} : memref<80x64xi32, #tpu.memory_space<vmem>>, vector<16xi32>,
      %bitcast3A_387 = vector.bitcast %get3A_386 : vector<16xi32> to vector<32xbf16>
      %get3A_388 = arith.index_cast %add3A_89 : i32 to index
      %get3A_389 = arith.constant 48 : index
      %get3A_390 = tpu.vector_load %arg11[%get3A_388, %get3A_389] {strides = array<i32>} : memref<80x64xi32, #tpu.memory_space<vmem>>, vector<16xi32>,
      %bitcast3A_391 = vector.bitcast %get3A_390 : vector<16xi32> to vector<32xbf16>
      %get3A_392 = arith.index_cast %add3A_95 : i32 to index
      %get3A_393 = arith.constant 48 : index
      %get3A_394 = tpu.vector_load %arg11[%get3A_392, %get3A_393] {strides = array<i32>} : memref<80x64xi32, #tpu.memory_space<vmem>>, vector<16xi32>,
      %bitcast3A_395 = vector.bitcast %get3A_394 : vector<16xi32> to vector<32xbf16>
      %sub3A_396 = arith.subf %bitcast3A_335, %bitcast3A_367 : vector<32xbf16>
      %max3A_397 = arith.maximumf %max3A_317, %sub3A_396 : vector<32xbf16>
      %sub3A_398 = arith.subf %bitcast3A_339, %bitcast3A_371 : vector<32xbf16>
      %max3A_399 = arith.maximumf %max3A_319, %sub3A_398 : vector<32xbf16>
      %sub3A_400 = arith.subf %bitcast3A_343, %bitcast3A_375 : vector<32xbf16>
      %max3A_401 = arith.maximumf %max3A_321, %sub3A_400 : vector<32xbf16>
      %sub3A_402 = arith.subf %bitcast3A_347, %bitcast3A_379 : vector<32xbf16>
      %max3A_403 = arith.maximumf %max3A_323, %sub3A_402 : vector<32xbf16>
      %sub3A_404 = arith.subf %bitcast3A_351, %bitcast3A_383 : vector<32xbf16>
      %max3A_405 = arith.maximumf %max3A_325, %sub3A_404 : vector<32xbf16>
      %sub3A_406 = arith.subf %bitcast3A_355, %bitcast3A_387 : vector<32xbf16>
      %max3A_407 = arith.maximumf %max3A_327, %sub3A_406 : vector<32xbf16>
      %sub3A_408 = arith.subf %bitcast3A_359, %bitcast3A_391 : vector<32xbf16>
      %max3A_409 = arith.maximumf %max3A_329, %sub3A_408 : vector<32xbf16>
      %sub3A_410 = arith.subf %bitcast3A_363, %bitcast3A_395 : vector<32xbf16>
      %max3A_411 = arith.maximumf %max3A_331, %sub3A_410 : vector<32xbf16>
      %bitcast3A_412 = vector.bitcast %max3A_397 : vector<32xbf16> to vector<16xi32>
      %bitcast3A_413 = vector.bitcast %max3A_399 : vector<32xbf16> to vector<16xi32>
      %bitcast3A_414 = vector.bitcast %max3A_401 : vector<32xbf16> to vector<16xi32>
      %bitcast3A_415 = vector.bitcast %max3A_403 : vector<32xbf16> to vector<16xi32>
      %bitcast3A_416 = vector.bitcast %max3A_405 : vector<32xbf16> to vector<16xi32>
      %bitcast3A_417 = vector.bitcast %max3A_407 : vector<32xbf16> to vector<16xi32>
      %bitcast3A_418 = vector.bitcast %max3A_409 : vector<32xbf16> to vector<16xi32>
      %bitcast3A_419 = vector.bitcast %max3A_411 : vector<32xbf16> to vector<16xi32>
      %shift_left3A = arith.constant 16 : i32
      %shift_left3A_420 = vector.broadcast %shift_left3A : i32 to vector<16xi32>
      %shift_left3A_421 = arith.shli %bitcast3A_412, %shift_left3A_420 : vector<16xi32>
      %bitcast3A_422 = vector.bitcast %shift_left3A_421 : vector<16xi32> to vector<16xf32>
      %shift_left3A_423 = arith.constant 16 : i32
      %shift_left3A_424 = vector.broadcast %shift_left3A_423 : i32 to vector<16xi32>
      %shift_left3A_425 = arith.shli %bitcast3A_413, %shift_left3A_424 : vector<16xi32>
      %bitcast3A_426 = vector.bitcast %shift_left3A_425 : vector<16xi32> to vector<16xf32>
      %shift_left3A_427 = arith.constant 16 : i32
      %shift_left3A_428 = vector.broadcast %shift_left3A_427 : i32 to vector<16xi32>
      %shift_left3A_429 = arith.shli %bitcast3A_414, %shift_left3A_428 : vector<16xi32>
      %bitcast3A_430 = vector.bitcast %shift_left3A_429 : vector<16xi32> to vector<16xf32>
      %shift_left3A_431 = arith.constant 16 : i32
      %shift_left3A_432 = vector.broadcast %shift_left3A_431 : i32 to vector<16xi32>
      %shift_left3A_433 = arith.shli %bitcast3A_415, %shift_left3A_432 : vector<16xi32>
      %bitcast3A_434 = vector.bitcast %shift_left3A_433 : vector<16xi32> to vector<16xf32>
      %shift_left3A_435 = arith.constant 16 : i32
      %shift_left3A_436 = vector.broadcast %shift_left3A_435 : i32 to vector<16xi32>
      %shift_left3A_437 = arith.shli %bitcast3A_416, %shift_left3A_436 : vector<16xi32>
      %bitcast3A_438 = vector.bitcast %shift_left3A_437 : vector<16xi32> to vector<16xf32>
      %shift_left3A_439 = arith.constant 16 : i32
      %shift_left3A_440 = vector.broadcast %shift_left3A_439 : i32 to vector<16xi32>
      %shift_left3A_441 = arith.shli %bitcast3A_417, %shift_left3A_440 : vector<16xi32>
      %bitcast3A_442 = vector.bitcast %shift_left3A_441 : vector<16xi32> to vector<16xf32>
      %shift_left3A_443 = arith.constant 16 : i32
      %shift_left3A_444 = vector.broadcast %shift_left3A_443 : i32 to vector<16xi32>
      %shift_left3A_445 = arith.shli %bitcast3A_418, %shift_left3A_444 : vector<16xi32>
      %bitcast3A_446 = vector.bitcast %shift_left3A_445 : vector<16xi32> to vector<16xf32>
      %shift_left3A_447 = arith.constant 16 : i32
      %shift_left3A_448 = vector.broadcast %shift_left3A_447 : i32 to vector<16xi32>
      %shift_left3A_449 = arith.shli %bitcast3A_419, %shift_left3A_448 : vector<16xi32>
      %bitcast3A_450 = vector.bitcast %shift_left3A_449 : vector<16xi32> to vector<16xf32>
      %and3A = arith.andi %bitcast3A_412, %broadcast_in_dim3A_14 : vector<16xi32>
      %bitcast3A_451 = vector.bitcast %and3A : vector<16xi32> to vector<16xf32>
      %and3A_452 = arith.andi %bitcast3A_413, %broadcast_in_dim3A_14 : vector<16xi32>
      %bitcast3A_453 = vector.bitcast %and3A_452 : vector<16xi32> to vector<16xf32>
      %and3A_454 = arith.andi %bitcast3A_414, %broadcast_in_dim3A_14 : vector<16xi32>
      %bitcast3A_455 = vector.bitcast %and3A_454 : vector<16xi32> to vector<16xf32>
      %and3A_456 = arith.andi %bitcast3A_415, %broadcast_in_dim3A_14 : vector<16xi32>
      %bitcast3A_457 = vector.bitcast %and3A_456 : vector<16xi32> to vector<16xf32>
      %and3A_458 = arith.andi %bitcast3A_416, %broadcast_in_dim3A_14 : vector<16xi32>
      %bitcast3A_459 = vector.bitcast %and3A_458 : vector<16xi32> to vector<16xf32>
      %and3A_460 = arith.andi %bitcast3A_417, %broadcast_in_dim3A_14 : vector<16xi32>
      %bitcast3A_461 = vector.bitcast %and3A_460 : vector<16xi32> to vector<16xf32>
      %and3A_462 = arith.andi %bitcast3A_418, %broadcast_in_dim3A_14 : vector<16xi32>
      %bitcast3A_463 = vector.bitcast %and3A_462 : vector<16xi32> to vector<16xf32>
      %and3A_464 = arith.andi %bitcast3A_419, %broadcast_in_dim3A_14 : vector<16xi32>
      %bitcast3A_465 = vector.bitcast %and3A_464 : vector<16xi32> to vector<16xf32>
      %max3A_466 = arith.maximumf %bitcast3A_422, %bitcast3A_451 : vector<16xf32>
      %broadcast_in_dim3A_467 = arith.constant true
      %broadcast_in_dim3A_468 = vector.broadcast %broadcast_in_dim3A_467 : i1 to vector<16xi1>
      %masked_cummax3A = tpu.scan <max>, %max3A_466 masked %broadcast_in_dim3A_468 : vector<16xf32>, vector<16xi1> -> vector<16xf32>
      %max3A_469 = arith.maximumf %bitcast3A_426, %bitcast3A_453 : vector<16xf32>
      %broadcast_in_dim3A_470 = arith.constant true
      %broadcast_in_dim3A_471 = vector.broadcast %broadcast_in_dim3A_470 : i1 to vector<16xi1>
      %masked_cummax3A_472 = tpu.scan <max>, %max3A_469 masked %broadcast_in_dim3A_471 : vector<16xf32>, vector<16xi1> -> vector<16xf32>
      %max3A_473 = arith.maximumf %bitcast3A_430, %bitcast3A_455 : vector<16xf32>
      %broadcast_in_dim3A_474 = arith.constant true
      %broadcast_in_dim3A_475 = vector.broadcast %broadcast_in_dim3A_474 : i1 to vector<16xi1>
      %masked_cummax3A_476 = tpu.scan <max>, %max3A_473 masked %broadcast_in_dim3A_475 : vector<16xf32>, vector<16xi1> -> vector<16xf32>
      %max3A_477 = arith.maximumf %bitcast3A_434, %bitcast3A_457 : vector<16xf32>
      %broadcast_in_dim3A_478 = arith.constant true
      %broadcast_in_dim3A_479 = vector.broadcast %broadcast_in_dim3A_478 : i1 to vector<16xi1>
      %masked_cummax3A_480 = tpu.scan <max>, %max3A_477 masked %broadcast_in_dim3A_479 : vector<16xf32>, vector<16xi1> -> vector<16xf32>
      %max3A_481 = arith.maximumf %bitcast3A_438, %bitcast3A_459 : vector<16xf32>
      %broadcast_in_dim3A_482 = arith.constant true
      %broadcast_in_dim3A_483 = vector.broadcast %broadcast_in_dim3A_482 : i1 to vector<16xi1>
      %masked_cummax3A_484 = tpu.scan <max>, %max3A_481 masked %broadcast_in_dim3A_483 : vector<16xf32>, vector<16xi1> -> vector<16xf32>
      %max3A_485 = arith.maximumf %bitcast3A_442, %bitcast3A_461 : vector<16xf32>
      %broadcast_in_dim3A_486 = arith.constant true
      %broadcast_in_dim3A_487 = vector.broadcast %broadcast_in_dim3A_486 : i1 to vector<16xi1>
      %masked_cummax3A_488 = tpu.scan <max>, %max3A_485 masked %broadcast_in_dim3A_487 : vector<16xf32>, vector<16xi1> -> vector<16xf32>
      %max3A_489 = arith.maximumf %bitcast3A_446, %bitcast3A_463 : vector<16xf32>
      %broadcast_in_dim3A_490 = arith.constant true
      %broadcast_in_dim3A_491 = vector.broadcast %broadcast_in_dim3A_490 : i1 to vector<16xi1>
      %masked_cummax3A_492 = tpu.scan <max>, %max3A_489 masked %broadcast_in_dim3A_491 : vector<16xf32>, vector<16xi1> -> vector<16xf32>
      %max3A_493 = arith.maximumf %bitcast3A_450, %bitcast3A_465 : vector<16xf32>
      %broadcast_in_dim3A_494 = arith.constant true
      %broadcast_in_dim3A_495 = vector.broadcast %broadcast_in_dim3A_494 : i1 to vector<16xi1>
      %masked_cummax3A_496 = tpu.scan <max>, %max3A_493 masked %broadcast_in_dim3A_495 : vector<16xf32>, vector<16xi1> -> vector<16xf32>
      %broadcast_in_dim3A_497 = arith.constant 0 : i32
      %broadcast_in_dim3A_498 = vector.broadcast %broadcast_in_dim3A_497 : i32 to vector<16xi32>
      tpu.vector_store_idx %arg15[%broadcast_in_dim3A_498], %masked_cummax3A masked %eq3A_12 : memref<16xf32, #tpu.memory_space<vmem>>[vector<16xi32>], vector<16xf32>, vector<16xi1>
      %broadcast_in_dim3A_499 = arith.constant 1 : i32
      %broadcast_in_dim3A_500 = vector.broadcast %broadcast_in_dim3A_499 : i32 to vector<16xi32>
      tpu.vector_store_idx %arg15[%broadcast_in_dim3A_500], %masked_cummax3A_472 masked %eq3A_12 : memref<16xf32, #tpu.memory_space<vmem>>[vector<16xi32>], vector<16xf32>, vector<16xi1>
      %broadcast_in_dim3A_501 = arith.constant 2 : i32
      %broadcast_in_dim3A_502 = vector.broadcast %broadcast_in_dim3A_501 : i32 to vector<16xi32>
      tpu.vector_store_idx %arg15[%broadcast_in_dim3A_502], %masked_cummax3A_476 masked %eq3A_12 : memref<16xf32, #tpu.memory_space<vmem>>[vector<16xi32>], vector<16xf32>, vector<16xi1>
      %broadcast_in_dim3A_503 = arith.constant 3 : i32
      %broadcast_in_dim3A_504 = vector.broadcast %broadcast_in_dim3A_503 : i32 to vector<16xi32>
      tpu.vector_store_idx %arg15[%broadcast_in_dim3A_504], %masked_cummax3A_480 masked %eq3A_12 : memref<16xf32, #tpu.memory_space<vmem>>[vector<16xi32>], vector<16xf32>, vector<16xi1>
      %broadcast_in_dim3A_505 = arith.constant 4 : i32
      %broadcast_in_dim3A_506 = vector.broadcast %broadcast_in_dim3A_505 : i32 to vector<16xi32>
      tpu.vector_store_idx %arg15[%broadcast_in_dim3A_506], %masked_cummax3A_484 masked %eq3A_12 : memref<16xf32, #tpu.memory_space<vmem>>[vector<16xi32>], vector<16xf32>, vector<16xi1>
      %broadcast_in_dim3A_507 = arith.constant 5 : i32
      %broadcast_in_dim3A_508 = vector.broadcast %broadcast_in_dim3A_507 : i32 to vector<16xi32>
      tpu.vector_store_idx %arg15[%broadcast_in_dim3A_508], %masked_cummax3A_488 masked %eq3A_12 : memref<16xf32, #tpu.memory_space<vmem>>[vector<16xi32>], vector<16xf32>, vector<16xi1>
      %broadcast_in_dim3A_509 = arith.constant 6 : i32
      %broadcast_in_dim3A_510 = vector.broadcast %broadcast_in_dim3A_509 : i32 to vector<16xi32>
      tpu.vector_store_idx %arg15[%broadcast_in_dim3A_510], %masked_cummax3A_492 masked %eq3A_12 : memref<16xf32, #tpu.memory_space<vmem>>[vector<16xi32>], vector<16xf32>, vector<16xi1>
      %broadcast_in_dim3A_511 = arith.constant 7 : i32
      %broadcast_in_dim3A_512 = vector.broadcast %broadcast_in_dim3A_511 : i32 to vector<16xi32>
      tpu.vector_store_idx %arg15[%broadcast_in_dim3A_512], %masked_cummax3A_496 masked %eq3A_12 : memref<16xf32, #tpu.memory_space<vmem>>[vector<16xi32>], vector<16xf32>, vector<16xi1>
      %mul3A_513 = arith.constant 16 : i32
      %mul3A_514 = arith.muli %scan3A_47, %mul3A_513 : i32
      %add3A_515 = arith.constant 8 : i32
      %add3A_516 = arith.addi %mul3A_514, %add3A_515 : i32
      %add3A_517 = arith.constant 0 : i32
      %add3A_518 = arith.addi %add3A_516, %add3A_517 : i32
      %mul3A_519 = arith.constant 16 : i32
      %mul3A_520 = arith.muli %scan3A_47, %mul3A_519 : i32
      %add3A_521 = arith.constant 8 : i32
      %add3A_522 = arith.addi %mul3A_520, %add3A_521 : i32
      %add3A_523 = arith.constant 1 : i32
      %add3A_524 = arith.addi %add3A_522, %add3A_523 : i32
      %mul3A_525 = arith.constant 16 : i32
      %mul3A_526 = arith.muli %scan3A_47, %mul3A_525 : i32
      %add3A_527 = arith.constant 8 : i32
      %add3A_528 = arith.addi %mul3A_526, %add3A_527 : i32
      %add3A_529 = arith.constant 2 : i32
      %add3A_530 = arith.addi %add3A_528, %add3A_529 : i32
      %mul3A_531 = arith.constant 16 : i32
      %mul3A_532 = arith.muli %scan3A_47, %mul3A_531 : i32
      %add3A_533 = arith.constant 8 : i32
      %add3A_534 = arith.addi %mul3A_532, %add3A_533 : i32
      %add3A_535 = arith.constant 3 : i32
      %add3A_536 = arith.addi %add3A_534, %add3A_535 : i32
      %mul3A_537 = arith.constant 16 : i32
      %mul3A_538 = arith.muli %scan3A_47, %mul3A_537 : i32
      %add3A_539 = arith.constant 8 : i32
      %add3A_540 = arith.addi %mul3A_538, %add3A_539 : i32
      %add3A_541 = arith.constant 4 : i32
      %add3A_542 = arith.addi %add3A_540, %add3A_541 : i32
      %mul3A_543 = arith.constant 16 : i32
      %mul3A_544 = arith.muli %scan3A_47, %mul3A_543 : i32
      %add3A_545 = arith.constant 8 : i32
      %add3A_546 = arith.addi %mul3A_544, %add3A_545 : i32
      %add3A_547 = arith.constant 5 : i32
      %add3A_548 = arith.addi %add3A_546, %add3A_547 : i32
      %mul3A_549 = arith.constant 16 : i32
      %mul3A_550 = arith.muli %scan3A_47, %mul3A_549 : i32
      %add3A_551 = arith.constant 8 : i32
      %add3A_552 = arith.addi %mul3A_550, %add3A_551 : i32
      %add3A_553 = arith.constant 6 : i32
      %add3A_554 = arith.addi %add3A_552, %add3A_553 : i32
      %mul3A_555 = arith.constant 16 : i32
      %mul3A_556 = arith.muli %scan3A_47, %mul3A_555 : i32
      %add3A_557 = arith.constant 8 : i32
      %add3A_558 = arith.addi %mul3A_556, %add3A_557 : i32
      %add3A_559 = arith.constant 7 : i32
      %add3A_560 = arith.addi %add3A_558, %add3A_559 : i32
      %get3A_561 = arith.index_cast %add3A_518 : i32 to index
      %get3A_562 = arith.constant 0 : index
      %get3A_563 = tpu.vector_load %arg10[%get3A_561, %get3A_562] {strides = array<i32>} : memref<80x64xi32, #tpu.memory_space<vmem>>, vector<16xi32>,
      %bitcast3A_564 = vector.bitcast %get3A_563 : vector<16xi32> to vector<32xbf16>
      %get3A_565 = arith.index_cast %add3A_524 : i32 to index
      %get3A_566 = arith.constant 0 : index
      %get3A_567 = tpu.vector_load %arg10[%get3A_565, %get3A_566] {strides = array<i32>} : memref<80x64xi32, #tpu.memory_space<vmem>>, vector<16xi32>,
      %bitcast3A_568 = vector.bitcast %get3A_567 : vector<16xi32> to vector<32xbf16>
      %get3A_569 = arith.index_cast %add3A_530 : i32 to index
      %get3A_570 = arith.constant 0 : index
      %get3A_571 = tpu.vector_load %arg10[%get3A_569, %get3A_570] {strides = array<i32>} : memref<80x64xi32, #tpu.memory_space<vmem>>, vector<16xi32>,
      %bitcast3A_572 = vector.bitcast %get3A_571 : vector<16xi32> to vector<32xbf16>
      %get3A_573 = arith.index_cast %add3A_536 : i32 to index
      %get3A_574 = arith.constant 0 : index
      %get3A_575 = tpu.vector_load %arg10[%get3A_573, %get3A_574] {strides = array<i32>} : memref<80x64xi32, #tpu.memory_space<vmem>>, vector<16xi32>,
      %bitcast3A_576 = vector.bitcast %get3A_575 : vector<16xi32> to vector<32xbf16>
      %get3A_577 = arith.index_cast %add3A_542 : i32 to index
      %get3A_578 = arith.constant 0 : index
      %get3A_579 = tpu.vector_load %arg10[%get3A_577, %get3A_578] {strides = array<i32>} : memref<80x64xi32, #tpu.memory_space<vmem>>, vector<16xi32>,
      %bitcast3A_580 = vector.bitcast %get3A_579 : vector<16xi32> to vector<32xbf16>
      %get3A_581 = arith.index_cast %add3A_548 : i32 to index
      %get3A_582 = arith.constant 0 : index
      %get3A_583 = tpu.vector_load %arg10[%get3A_581, %get3A_582] {strides = array<i32>} : memref<80x64xi32, #tpu.memory_space<vmem>>, vector<16xi32>,
      %bitcast3A_584 = vector.bitcast %get3A_583 : vector<16xi32> to vector<32xbf16>
      %get3A_585 = arith.index_cast %add3A_554 : i32 to index
      %get3A_586 = arith.constant 0 : index
      %get3A_587 = tpu.vector_load %arg10[%get3A_585, %get3A_586] {strides = array<i32>} : memref<80x64xi32, #tpu.memory_space<vmem>>, vector<16xi32>,
      %bitcast3A_588 = vector.bitcast %get3A_587 : vector<16xi32> to vector<32xbf16>
      %get3A_589 = arith.index_cast %add3A_560 : i32 to index
      %get3A_590 = arith.constant 0 : index
      %get3A_591 = tpu.vector_load %arg10[%get3A_589, %get3A_590] {strides = array<i32>} : memref<80x64xi32, #tpu.memory_space<vmem>>, vector<16xi32>,
      %bitcast3A_592 = vector.bitcast %get3A_591 : vector<16xi32> to vector<32xbf16>
      %get3A_593 = arith.index_cast %add3A_518 : i32 to index
      %get3A_594 = arith.constant 0 : index
      %get3A_595 = tpu.vector_load %arg11[%get3A_593, %get3A_594] {strides = array<i32>} : memref<80x64xi32, #tpu.memory_space<vmem>>, vector<16xi32>,
      %bitcast3A_596 = vector.bitcast %get3A_595 : vector<16xi32> to vector<32xbf16>
      %get3A_597 = arith.index_cast %add3A_524 : i32 to index
      %get3A_598 = arith.constant 0 : index
      %get3A_599 = tpu.vector_load %arg11[%get3A_597, %get3A_598] {strides = array<i32>} : memref<80x64xi32, #tpu.memory_space<vmem>>, vector<16xi32>,
      %bitcast3A_600 = vector.bitcast %get3A_599 : vector<16xi32> to vector<32xbf16>
      %get3A_601 = arith.index_cast %add3A_530 : i32 to index
      %get3A_602 = arith.constant 0 : index
      %get3A_603 = tpu.vector_load %arg11[%get3A_601, %get3A_602] {strides = array<i32>} : memref<80x64xi32, #tpu.memory_space<vmem>>, vector<16xi32>,
      %bitcast3A_604 = vector.bitcast %get3A_603 : vector<16xi32> to vector<32xbf16>
      %get3A_605 = arith.index_cast %add3A_536 : i32 to index
      %get3A_606 = arith.constant 0 : index
      %get3A_607 = tpu.vector_load %arg11[%get3A_605, %get3A_606] {strides = array<i32>} : memref<80x64xi32, #tpu.memory_space<vmem>>, vector<16xi32>,
      %bitcast3A_608 = vector.bitcast %get3A_607 : vector<16xi32> to vector<32xbf16>
      %get3A_609 = arith.index_cast %add3A_542 : i32 to index
      %get3A_610 = arith.constant 0 : index
      %get3A_611 = tpu.vector_load %arg11[%get3A_609, %get3A_610] {strides = array<i32>} : memref<80x64xi32, #tpu.memory_space<vmem>>, vector<16xi32>,
      %bitcast3A_612 = vector.bitcast %get3A_611 : vector<16xi32> to vector<32xbf16>
      %get3A_613 = arith.index_cast %add3A_548 : i32 to index
      %get3A_614 = arith.constant 0 : index
      %get3A_615 = tpu.vector_load %arg11[%get3A_613, %get3A_614] {strides = array<i32>} : memref<80x64xi32, #tpu.memory_space<vmem>>, vector<16xi32>,
      %bitcast3A_616 = vector.bitcast %get3A_615 : vector<16xi32> to vector<32xbf16>
      %get3A_617 = arith.index_cast %add3A_554 : i32 to index
      %get3A_618 = arith.constant 0 : index
      %get3A_619 = tpu.vector_load %arg11[%get3A_617, %get3A_618] {strides = array<i32>} : memref<80x64xi32, #tpu.memory_space<vmem>>, vector<16xi32>,
      %bitcast3A_620 = vector.bitcast %get3A_619 : vector<16xi32> to vector<32xbf16>
      %get3A_621 = arith.index_cast %add3A_560 : i32 to index
      %get3A_622 = arith.constant 0 : index
      %get3A_623 = tpu.vector_load %arg11[%get3A_621, %get3A_622] {strides = array<i32>} : memref<80x64xi32, #tpu.memory_space<vmem>>, vector<16xi32>,
      %bitcast3A_624 = vector.bitcast %get3A_623 : vector<16xi32> to vector<32xbf16>
      %sub3A_625 = arith.subf %bitcast3A_564, %bitcast3A_596 : vector<32xbf16>
      %max3A_626 = arith.maximumf %broadcast_in_dim3A_10, %sub3A_625 : vector<32xbf16>
      %sub3A_627 = arith.subf %bitcast3A_568, %bitcast3A_600 : vector<32xbf16>
      %max3A_628 = arith.maximumf %broadcast_in_dim3A_10, %sub3A_627 : vector<32xbf16>
      %sub3A_629 = arith.subf %bitcast3A_572, %bitcast3A_604 : vector<32xbf16>
      %max3A_630 = arith.maximumf %broadcast_in_dim3A_10, %sub3A_629 : vector<32xbf16>
      %sub3A_631 = arith.subf %bitcast3A_576, %bitcast3A_608 : vector<32xbf16>
      %max3A_632 = arith.maximumf %broadcast_in_dim3A_10, %sub3A_631 : vector<32xbf16>
      %sub3A_633 = arith.subf %bitcast3A_580, %bitcast3A_612 : vector<32xbf16>
      %max3A_634 = arith.maximumf %broadcast_in_dim3A_10, %sub3A_633 : vector<32xbf16>
      %sub3A_635 = arith.subf %bitcast3A_584, %bitcast3A_616 : vector<32xbf16>
      %max3A_636 = arith.maximumf %broadcast_in_dim3A_10, %sub3A_635 : vector<32xbf16>
      %sub3A_637 = arith.subf %bitcast3A_588, %bitcast3A_620 : vector<32xbf16>
      %max3A_638 = arith.maximumf %broadcast_in_dim3A_10, %sub3A_637 : vector<32xbf16>
      %sub3A_639 = arith.subf %bitcast3A_592, %bitcast3A_624 : vector<32xbf16>
      %max3A_640 = arith.maximumf %broadcast_in_dim3A_10, %sub3A_639 : vector<32xbf16>
      %get3A_641 = arith.index_cast %add3A_518 : i32 to index
      %get3A_642 = arith.constant 16 : index
      %get3A_643 = tpu.vector_load %arg10[%get3A_641, %get3A_642] {strides = array<i32>} : memref<80x64xi32, #tpu.memory_space<vmem>>, vector<16xi32>,
      %bitcast3A_644 = vector.bitcast %get3A_643 : vector<16xi32> to vector<32xbf16>
      %get3A_645 = arith.index_cast %add3A_524 : i32 to index
      %get3A_646 = arith.constant 16 : index
      %get3A_647 = tpu.vector_load %arg10[%get3A_645, %get3A_646] {strides = array<i32>} : memref<80x64xi32, #tpu.memory_space<vmem>>, vector<16xi32>,
      %bitcast3A_648 = vector.bitcast %get3A_647 : vector<16xi32> to vector<32xbf16>
      %get3A_649 = arith.index_cast %add3A_530 : i32 to index
      %get3A_650 = arith.constant 16 : index
      %get3A_651 = tpu.vector_load %arg10[%get3A_649, %get3A_650] {strides = array<i32>} : memref<80x64xi32, #tpu.memory_space<vmem>>, vector<16xi32>,
      %bitcast3A_652 = vector.bitcast %get3A_651 : vector<16xi32> to vector<32xbf16>
      %get3A_653 = arith.index_cast %add3A_536 : i32 to index
      %get3A_654 = arith.constant 16 : index
      %get3A_655 = tpu.vector_load %arg10[%get3A_653, %get3A_654] {strides = array<i32>} : memref<80x64xi32, #tpu.memory_space<vmem>>, vector<16xi32>,
      %bitcast3A_656 = vector.bitcast %get3A_655 : vector<16xi32> to vector<32xbf16>
      %get3A_657 = arith.index_cast %add3A_542 : i32 to index
      %get3A_658 = arith.constant 16 : index
      %get3A_659 = tpu.vector_load %arg10[%get3A_657, %get3A_658] {strides = array<i32>} : memref<80x64xi32, #tpu.memory_space<vmem>>, vector<16xi32>,
      %bitcast3A_660 = vector.bitcast %get3A_659 : vector<16xi32> to vector<32xbf16>
      %get3A_661 = arith.index_cast %add3A_548 : i32 to index
      %get3A_662 = arith.constant 16 : index
      %get3A_663 = tpu.vector_load %arg10[%get3A_661, %get3A_662] {strides = array<i32>} : memref<80x64xi32, #tpu.memory_space<vmem>>, vector<16xi32>,
      %bitcast3A_664 = vector.bitcast %get3A_663 : vector<16xi32> to vector<32xbf16>
      %get3A_665 = arith.index_cast %add3A_554 : i32 to index
      %get3A_666 = arith.constant 16 : index
      %get3A_667 = tpu.vector_load %arg10[%get3A_665, %get3A_666] {strides = array<i32>} : memref<80x64xi32, #tpu.memory_space<vmem>>, vector<16xi32>,
      %bitcast3A_668 = vector.bitcast %get3A_667 : vector<16xi32> to vector<32xbf16>
      %get3A_669 = arith.index_cast %add3A_560 : i32 to index
      %get3A_670 = arith.constant 16 : index
      %get3A_671 = tpu.vector_load %arg10[%get3A_669, %get3A_670] {strides = array<i32>} : memref<80x64xi32, #tpu.memory_space<vmem>>, vector<16xi32>,
      %bitcast3A_672 = vector.bitcast %get3A_671 : vector<16xi32> to vector<32xbf16>
      %get3A_673 = arith.index_cast %add3A_518 : i32 to index
      %get3A_674 = arith.constant 16 : index
      %get3A_675 = tpu.vector_load %arg11[%get3A_673, %get3A_674] {strides = array<i32>} : memref<80x64xi32, #tpu.memory_space<vmem>>, vector<16xi32>,
      %bitcast3A_676 = vector.bitcast %get3A_675 : vector<16xi32> to vector<32xbf16>
      %get3A_677 = arith.index_cast %add3A_524 : i32 to index
      %get3A_678 = arith.constant 16 : index
      %get3A_679 = tpu.vector_load %arg11[%get3A_677, %get3A_678] {strides = array<i32>} : memref<80x64xi32, #tpu.memory_space<vmem>>, vector<16xi32>,
      %bitcast3A_680 = vector.bitcast %get3A_679 : vector<16xi32> to vector<32xbf16>
      %get3A_681 = arith.index_cast %add3A_530 : i32 to index
      %get3A_682 = arith.constant 16 : index
      %get3A_683 = tpu.vector_load %arg11[%get3A_681, %get3A_682] {strides = array<i32>} : memref<80x64xi32, #tpu.memory_space<vmem>>, vector<16xi32>,
      %bitcast3A_684 = vector.bitcast %get3A_683 : vector<16xi32> to vector<32xbf16>
      %get3A_685 = arith.index_cast %add3A_536 : i32 to index
      %get3A_686 = arith.constant 16 : index
      %get3A_687 = tpu.vector_load %arg11[%get3A_685, %get3A_686] {strides = array<i32>} : memref<80x64xi32, #tpu.memory_space<vmem>>, vector<16xi32>,
      %bitcast3A_688 = vector.bitcast %get3A_687 : vector<16xi32> to vector<32xbf16>
      %get3A_689 = arith.index_cast %add3A_542 : i32 to index
      %get3A_690 = arith.constant 16 : index
      %get3A_691 = tpu.vector_load %arg11[%get3A_689, %get3A_690] {strides = array<i32>} : memref<80x64xi32, #tpu.memory_space<vmem>>, vector<16xi32>,
      %bitcast3A_692 = vector.bitcast %get3A_691 : vector<16xi32> to vector<32xbf16>
      %get3A_693 = arith.index_cast %add3A_548 : i32 to index
      %get3A_694 = arith.constant 16 : index
      %get3A_695 = tpu.vector_load %arg11[%get3A_693, %get3A_694] {strides = array<i32>} : memref<80x64xi32, #tpu.memory_space<vmem>>, vector<16xi32>,
      %bitcast3A_696 = vector.bitcast %get3A_695 : vector<16xi32> to vector<32xbf16>
      %get3A_697 = arith.index_cast %add3A_554 : i32 to index
      %get3A_698 = arith.constant 16 : index
      %get3A_699 = tpu.vector_load %arg11[%get3A_697, %get3A_698] {strides = array<i32>} : memref<80x64xi32, #tpu.memory_space<vmem>>, vector<16xi32>,
      %bitcast3A_700 = vector.bitcast %get3A_699 : vector<16xi32> to vector<32xbf16>
      %get3A_701 = arith.index_cast %add3A_560 : i32 to index
      %get3A_702 = arith.constant 16 : index
      %get3A_703 = tpu.vector_load %arg11[%get3A_701, %get3A_702] {strides = array<i32>} : memref<80x64xi32, #tpu.memory_space<vmem>>, vector<16xi32>,
      %bitcast3A_704 = vector.bitcast %get3A_703 : vector<16xi32> to vector<32xbf16>
      %sub3A_705 = arith.subf %bitcast3A_644, %bitcast3A_676 : vector<32xbf16>
      %max3A_706 = arith.maximumf %max3A_626, %sub3A_705 : vector<32xbf16>
      %sub3A_707 = arith.subf %bitcast3A_648, %bitcast3A_680 : vector<32xbf16>
      %max3A_708 = arith.maximumf %max3A_628, %sub3A_707 : vector<32xbf16>
      %sub3A_709 = arith.subf %bitcast3A_652, %bitcast3A_684 : vector<32xbf16>
      %max3A_710 = arith.maximumf %max3A_630, %sub3A_709 : vector<32xbf16>
      %sub3A_711 = arith.subf %bitcast3A_656, %bitcast3A_688 : vector<32xbf16>
      %max3A_712 = arith.maximumf %max3A_632, %sub3A_711 : vector<32xbf16>
      %sub3A_713 = arith.subf %bitcast3A_660, %bitcast3A_692 : vector<32xbf16>
      %max3A_714 = arith.maximumf %max3A_634, %sub3A_713 : vector<32xbf16>
      %sub3A_715 = arith.subf %bitcast3A_664, %bitcast3A_696 : vector<32xbf16>
      %max3A_716 = arith.maximumf %max3A_636, %sub3A_715 : vector<32xbf16>
      %sub3A_717 = arith.subf %bitcast3A_668, %bitcast3A_700 : vector<32xbf16>
      %max3A_718 = arith.maximumf %max3A_638, %sub3A_717 : vector<32xbf16>
      %sub3A_719 = arith.subf %bitcast3A_672, %bitcast3A_704 : vector<32xbf16>
      %max3A_720 = arith.maximumf %max3A_640, %sub3A_719 : vector<32xbf16>
      %get3A_721 = arith.index_cast %add3A_518 : i32 to index
      %get3A_722 = arith.constant 32 : index
      %get3A_723 = tpu.vector_load %arg10[%get3A_721, %get3A_722] {strides = array<i32>} : memref<80x64xi32, #tpu.memory_space<vmem>>, vector<16xi32>,
      %bitcast3A_724 = vector.bitcast %get3A_723 : vector<16xi32> to vector<32xbf16>
      %get3A_725 = arith.index_cast %add3A_524 : i32 to index
      %get3A_726 = arith.constant 32 : index
      %get3A_727 = tpu.vector_load %arg10[%get3A_725, %get3A_726] {strides = array<i32>} : memref<80x64xi32, #tpu.memory_space<vmem>>, vector<16xi32>,
      %bitcast3A_728 = vector.bitcast %get3A_727 : vector<16xi32> to vector<32xbf16>
      %get3A_729 = arith.index_cast %add3A_530 : i32 to index
      %get3A_730 = arith.constant 32 : index
      %get3A_731 = tpu.vector_load %arg10[%get3A_729, %get3A_730] {strides = array<i32>} : memref<80x64xi32, #tpu.memory_space<vmem>>, vector<16xi32>,
      %bitcast3A_732 = vector.bitcast %get3A_731 : vector<16xi32> to vector<32xbf16>
      %get3A_733 = arith.index_cast %add3A_536 : i32 to index
      %get3A_734 = arith.constant 32 : index
      %get3A_735 = tpu.vector_load %arg10[%get3A_733, %get3A_734] {strides = array<i32>} : memref<80x64xi32, #tpu.memory_space<vmem>>, vector<16xi32>,
      %bitcast3A_736 = vector.bitcast %get3A_735 : vector<16xi32> to vector<32xbf16>
      %get3A_737 = arith.index_cast %add3A_542 : i32 to index
      %get3A_738 = arith.constant 32 : index
      %get3A_739 = tpu.vector_load %arg10[%get3A_737, %get3A_738] {strides = array<i32>} : memref<80x64xi32, #tpu.memory_space<vmem>>, vector<16xi32>,
      %bitcast3A_740 = vector.bitcast %get3A_739 : vector<16xi32> to vector<32xbf16>
      %get3A_741 = arith.index_cast %add3A_548 : i32 to index
      %get3A_742 = arith.constant 32 : index
      %get3A_743 = tpu.vector_load %arg10[%get3A_741, %get3A_742] {strides = array<i32>} : memref<80x64xi32, #tpu.memory_space<vmem>>, vector<16xi32>,
      %bitcast3A_744 = vector.bitcast %get3A_743 : vector<16xi32> to vector<32xbf16>
      %get3A_745 = arith.index_cast %add3A_554 : i32 to index
      %get3A_746 = arith.constant 32 : index
      %get3A_747 = tpu.vector_load %arg10[%get3A_745, %get3A_746] {strides = array<i32>} : memref<80x64xi32, #tpu.memory_space<vmem>>, vector<16xi32>,
      %bitcast3A_748 = vector.bitcast %get3A_747 : vector<16xi32> to vector<32xbf16>
      %get3A_749 = arith.index_cast %add3A_560 : i32 to index
      %get3A_750 = arith.constant 32 : index
      %get3A_751 = tpu.vector_load %arg10[%get3A_749, %get3A_750] {strides = array<i32>} : memref<80x64xi32, #tpu.memory_space<vmem>>, vector<16xi32>,
      %bitcast3A_752 = vector.bitcast %get3A_751 : vector<16xi32> to vector<32xbf16>
      %get3A_753 = arith.index_cast %add3A_518 : i32 to index
      %get3A_754 = arith.constant 32 : index
      %get3A_755 = tpu.vector_load %arg11[%get3A_753, %get3A_754] {strides = array<i32>} : memref<80x64xi32, #tpu.memory_space<vmem>>, vector<16xi32>,
      %bitcast3A_756 = vector.bitcast %get3A_755 : vector<16xi32> to vector<32xbf16>
      %get3A_757 = arith.index_cast %add3A_524 : i32 to index
      %get3A_758 = arith.constant 32 : index
      %get3A_759 = tpu.vector_load %arg11[%get3A_757, %get3A_758] {strides = array<i32>} : memref<80x64xi32, #tpu.memory_space<vmem>>, vector<16xi32>,
      %bitcast3A_760 = vector.bitcast %get3A_759 : vector<16xi32> to vector<32xbf16>
      %get3A_761 = arith.index_cast %add3A_530 : i32 to index
      %get3A_762 = arith.constant 32 : index
      %get3A_763 = tpu.vector_load %arg11[%get3A_761, %get3A_762] {strides = array<i32>} : memref<80x64xi32, #tpu.memory_space<vmem>>, vector<16xi32>,
      %bitcast3A_764 = vector.bitcast %get3A_763 : vector<16xi32> to vector<32xbf16>
      %get3A_765 = arith.index_cast %add3A_536 : i32 to index
      %get3A_766 = arith.constant 32 : index
      %get3A_767 = tpu.vector_load %arg11[%get3A_765, %get3A_766] {strides = array<i32>} : memref<80x64xi32, #tpu.memory_space<vmem>>, vector<16xi32>,
      %bitcast3A_768 = vector.bitcast %get3A_767 : vector<16xi32> to vector<32xbf16>
      %get3A_769 = arith.index_cast %add3A_542 : i32 to index
      %get3A_770 = arith.constant 32 : index
      %get3A_771 = tpu.vector_load %arg11[%get3A_769, %get3A_770] {strides = array<i32>} : memref<80x64xi32, #tpu.memory_space<vmem>>, vector<16xi32>,
      %bitcast3A_772 = vector.bitcast %get3A_771 : vector<16xi32> to vector<32xbf16>
      %get3A_773 = arith.index_cast %add3A_548 : i32 to index
      %get3A_774 = arith.constant 32 : index
      %get3A_775 = tpu.vector_load %arg11[%get3A_773, %get3A_774] {strides = array<i32>} : memref<80x64xi32, #tpu.memory_space<vmem>>, vector<16xi32>,
      %bitcast3A_776 = vector.bitcast %get3A_775 : vector<16xi32> to vector<32xbf16>
      %get3A_777 = arith.index_cast %add3A_554 : i32 to index
      %get3A_778 = arith.constant 32 : index
      %get3A_779 = tpu.vector_load %arg11[%get3A_777, %get3A_778] {strides = array<i32>} : memref<80x64xi32, #tpu.memory_space<vmem>>, vector<16xi32>,
      %bitcast3A_780 = vector.bitcast %get3A_779 : vector<16xi32> to vector<32xbf16>
      %get3A_781 = arith.index_cast %add3A_560 : i32 to index
      %get3A_782 = arith.constant 32 : index
      %get3A_783 = tpu.vector_load %arg11[%get3A_781, %get3A_782] {strides = array<i32>} : memref<80x64xi32, #tpu.memory_space<vmem>>, vector<16xi32>,
      %bitcast3A_784 = vector.bitcast %get3A_783 : vector<16xi32> to vector<32xbf16>
      %sub3A_785 = arith.subf %bitcast3A_724, %bitcast3A_756 : vector<32xbf16>
      %max3A_786 = arith.maximumf %max3A_706, %sub3A_785 : vector<32xbf16>
      %sub3A_787 = arith.subf %bitcast3A_728, %bitcast3A_760 : vector<32xbf16>
      %max3A_788 = arith.maximumf %max3A_708, %sub3A_787 : vector<32xbf16>
      %sub3A_789 = arith.subf %bitcast3A_732, %bitcast3A_764 : vector<32xbf16>
      %max3A_790 = arith.maximumf %max3A_710, %sub3A_789 : vector<32xbf16>
      %sub3A_791 = arith.subf %bitcast3A_736, %bitcast3A_768 : vector<32xbf16>
      %max3A_792 = arith.maximumf %max3A_712, %sub3A_791 : vector<32xbf16>
      %sub3A_793 = arith.subf %bitcast3A_740, %bitcast3A_772 : vector<32xbf16>
      %max3A_794 = arith.maximumf %max3A_714, %sub3A_793 : vector<32xbf16>
      %sub3A_795 = arith.subf %bitcast3A_744, %bitcast3A_776 : vector<32xbf16>
      %max3A_796 = arith.maximumf %max3A_716, %sub3A_795 : vector<32xbf16>
      %sub3A_797 = arith.subf %bitcast3A_748, %bitcast3A_780 : vector<32xbf16>
      %max3A_798 = arith.maximumf %max3A_718, %sub3A_797 : vector<32xbf16>
      %sub3A_799 = arith.subf %bitcast3A_752, %bitcast3A_784 : vector<32xbf16>
      %max3A_800 = arith.maximumf %max3A_720, %sub3A_799 : vector<32xbf16>
      %get3A_801 = arith.index_cast %add3A_518 : i32 to index
      %get3A_802 = arith.constant 48 : index
      %get3A_803 = tpu.vector_load %arg10[%get3A_801, %get3A_802] {strides = array<i32>} : memref<80x64xi32, #tpu.memory_space<vmem>>, vector<16xi32>,
      %bitcast3A_804 = vector.bitcast %get3A_803 : vector<16xi32> to vector<32xbf16>
      %get3A_805 = arith.index_cast %add3A_524 : i32 to index
      %get3A_806 = arith.constant 48 : index
      %get3A_807 = tpu.vector_load %arg10[%get3A_805, %get3A_806] {strides = array<i32>} : memref<80x64xi32, #tpu.memory_space<vmem>>, vector<16xi32>,
      %bitcast3A_808 = vector.bitcast %get3A_807 : vector<16xi32> to vector<32xbf16>
      %get3A_809 = arith.index_cast %add3A_530 : i32 to index
      %get3A_810 = arith.constant 48 : index
      %get3A_811 = tpu.vector_load %arg10[%get3A_809, %get3A_810] {strides = array<i32>} : memref<80x64xi32, #tpu.memory_space<vmem>>, vector<16xi32>,
      %bitcast3A_812 = vector.bitcast %get3A_811 : vector<16xi32> to vector<32xbf16>
      %get3A_813 = arith.index_cast %add3A_536 : i32 to index
      %get3A_814 = arith.constant 48 : index
      %get3A_815 = tpu.vector_load %arg10[%get3A_813, %get3A_814] {strides = array<i32>} : memref<80x64xi32, #tpu.memory_space<vmem>>, vector<16xi32>,
      %bitcast3A_816 = vector.bitcast %get3A_815 : vector<16xi32> to vector<32xbf16>
      %get3A_817 = arith.index_cast %add3A_542 : i32 to index
      %get3A_818 = arith.constant 48 : index
      %get3A_819 = tpu.vector_load %arg10[%get3A_817, %get3A_818] {strides = array<i32>} : memref<80x64xi32, #tpu.memory_space<vmem>>, vector<16xi32>,
      %bitcast3A_820 = vector.bitcast %get3A_819 : vector<16xi32> to vector<32xbf16>
      %get3A_821 = arith.index_cast %add3A_548 : i32 to index
      %get3A_822 = arith.constant 48 : index
      %get3A_823 = tpu.vector_load %arg10[%get3A_821, %get3A_822] {strides = array<i32>} : memref<80x64xi32, #tpu.memory_space<vmem>>, vector<16xi32>,
      %bitcast3A_824 = vector.bitcast %get3A_823 : vector<16xi32> to vector<32xbf16>
      %get3A_825 = arith.index_cast %add3A_554 : i32 to index
      %get3A_826 = arith.constant 48 : index
      %get3A_827 = tpu.vector_load %arg10[%get3A_825, %get3A_826] {strides = array<i32>} : memref<80x64xi32, #tpu.memory_space<vmem>>, vector<16xi32>,
      %bitcast3A_828 = vector.bitcast %get3A_827 : vector<16xi32> to vector<32xbf16>
      %get3A_829 = arith.index_cast %add3A_560 : i32 to index
      %get3A_830 = arith.constant 48 : index
      %get3A_831 = tpu.vector_load %arg10[%get3A_829, %get3A_830] {strides = array<i32>} : memref<80x64xi32, #tpu.memory_space<vmem>>, vector<16xi32>,
      %bitcast3A_832 = vector.bitcast %get3A_831 : vector<16xi32> to vector<32xbf16>
      %get3A_833 = arith.index_cast %add3A_518 : i32 to index
      %get3A_834 = arith.constant 48 : index
      %get3A_835 = tpu.vector_load %arg11[%get3A_833, %get3A_834] {strides = array<i32>} : memref<80x64xi32, #tpu.memory_space<vmem>>, vector<16xi32>,
      %bitcast3A_836 = vector.bitcast %get3A_835 : vector<16xi32> to vector<32xbf16>
      %get3A_837 = arith.index_cast %add3A_524 : i32 to index
      %get3A_838 = arith.constant 48 : index
      %get3A_839 = tpu.vector_load %arg11[%get3A_837, %get3A_838] {strides = array<i32>} : memref<80x64xi32, #tpu.memory_space<vmem>>, vector<16xi32>,
      %bitcast3A_840 = vector.bitcast %get3A_839 : vector<16xi32> to vector<32xbf16>
      %get3A_841 = arith.index_cast %add3A_530 : i32 to index
      %get3A_842 = arith.constant 48 : index
      %get3A_843 = tpu.vector_load %arg11[%get3A_841, %get3A_842] {strides = array<i32>} : memref<80x64xi32, #tpu.memory_space<vmem>>, vector<16xi32>,
      %bitcast3A_844 = vector.bitcast %get3A_843 : vector<16xi32> to vector<32xbf16>
      %get3A_845 = arith.index_cast %add3A_536 : i32 to index
      %get3A_846 = arith.constant 48 : index
      %get3A_847 = tpu.vector_load %arg11[%get3A_845, %get3A_846] {strides = array<i32>} : memref<80x64xi32, #tpu.memory_space<vmem>>, vector<16xi32>,
      %bitcast3A_848 = vector.bitcast %get3A_847 : vector<16xi32> to vector<32xbf16>
      %get3A_849 = arith.index_cast %add3A_542 : i32 to index
      %get3A_850 = arith.constant 48 : index
      %get3A_851 = tpu.vector_load %arg11[%get3A_849, %get3A_850] {strides = array<i32>} : memref<80x64xi32, #tpu.memory_space<vmem>>, vector<16xi32>,
      %bitcast3A_852 = vector.bitcast %get3A_851 : vector<16xi32> to vector<32xbf16>
      %get3A_853 = arith.index_cast %add3A_548 : i32 to index
      %get3A_854 = arith.constant 48 : index
      %get3A_855 = tpu.vector_load %arg11[%get3A_853, %get3A_854] {strides = array<i32>} : memref<80x64xi32, #tpu.memory_space<vmem>>, vector<16xi32>,
      %bitcast3A_856 = vector.bitcast %get3A_855 : vector<16xi32> to vector<32xbf16>
      %get3A_857 = arith.index_cast %add3A_554 : i32 to index
      %get3A_858 = arith.constant 48 : index
      %get3A_859 = tpu.vector_load %arg11[%get3A_857, %get3A_858] {strides = array<i32>} : memref<80x64xi32, #tpu.memory_space<vmem>>, vector<16xi32>,
      %bitcast3A_860 = vector.bitcast %get3A_859 : vector<16xi32> to vector<32xbf16>
      %get3A_861 = arith.index_cast %add3A_560 : i32 to index
      %get3A_862 = arith.constant 48 : index
      %get3A_863 = tpu.vector_load %arg11[%get3A_861, %get3A_862] {strides = array<i32>} : memref<80x64xi32, #tpu.memory_space<vmem>>, vector<16xi32>,
      %bitcast3A_864 = vector.bitcast %get3A_863 : vector<16xi32> to vector<32xbf16>
      %sub3A_865 = arith.subf %bitcast3A_804, %bitcast3A_836 : vector<32xbf16>
      %max3A_866 = arith.maximumf %max3A_786, %sub3A_865 : vector<32xbf16>
      %sub3A_867 = arith.subf %bitcast3A_808, %bitcast3A_840 : vector<32xbf16>
      %max3A_868 = arith.maximumf %max3A_788, %sub3A_867 : vector<32xbf16>
      %sub3A_869 = arith.subf %bitcast3A_812, %bitcast3A_844 : vector<32xbf16>
      %max3A_870 = arith.maximumf %max3A_790, %sub3A_869 : vector<32xbf16>
      %sub3A_871 = arith.subf %bitcast3A_816, %bitcast3A_848 : vector<32xbf16>
      %max3A_872 = arith.maximumf %max3A_792, %sub3A_871 : vector<32xbf16>
      %sub3A_873 = arith.subf %bitcast3A_820, %bitcast3A_852 : vector<32xbf16>
      %max3A_874 = arith.maximumf %max3A_794, %sub3A_873 : vector<32xbf16>
      %sub3A_875 = arith.subf %bitcast3A_824, %bitcast3A_856 : vector<32xbf16>
      %max3A_876 = arith.maximumf %max3A_796, %sub3A_875 : vector<32xbf16>
      %sub3A_877 = arith.subf %bitcast3A_828, %bitcast3A_860 : vector<32xbf16>
      %max3A_878 = arith.maximumf %max3A_798, %sub3A_877 : vector<32xbf16>
      %sub3A_879 = arith.subf %bitcast3A_832, %bitcast3A_864 : vector<32xbf16>
      %max3A_880 = arith.maximumf %max3A_800, %sub3A_879 : vector<32xbf16>
      %bitcast3A_881 = vector.bitcast %max3A_866 : vector<32xbf16> to vector<16xi32>
      %bitcast3A_882 = vector.bitcast %max3A_868 : vector<32xbf16> to vector<16xi32>
      %bitcast3A_883 = vector.bitcast %max3A_870 : vector<32xbf16> to vector<16xi32>
      %bitcast3A_884 = vector.bitcast %max3A_872 : vector<32xbf16> to vector<16xi32>
      %bitcast3A_885 = vector.bitcast %max3A_874 : vector<32xbf16> to vector<16xi32>
      %bitcast3A_886 = vector.bitcast %max3A_876 : vector<32xbf16> to vector<16xi32>
      %bitcast3A_887 = vector.bitcast %max3A_878 : vector<32xbf16> to vector<16xi32>
      %bitcast3A_888 = vector.bitcast %max3A_880 : vector<32xbf16> to vector<16xi32>
      %shift_left3A_889 = arith.constant 16 : i32
      %shift_left3A_890 = vector.broadcast %shift_left3A_889 : i32 to vector<16xi32>
      %shift_left3A_891 = arith.shli %bitcast3A_881, %shift_left3A_890 : vector<16xi32>
      %bitcast3A_892 = vector.bitcast %shift_left3A_891 : vector<16xi32> to vector<16xf32>
      %shift_left3A_893 = arith.constant 16 : i32
      %shift_left3A_894 = vector.broadcast %shift_left3A_893 : i32 to vector<16xi32>
      %shift_left3A_895 = arith.shli %bitcast3A_882, %shift_left3A_894 : vector<16xi32>
      %bitcast3A_896 = vector.bitcast %shift_left3A_895 : vector<16xi32> to vector<16xf32>
      %shift_left3A_897 = arith.constant 16 : i32
      %shift_left3A_898 = vector.broadcast %shift_left3A_897 : i32 to vector<16xi32>
      %shift_left3A_899 = arith.shli %bitcast3A_883, %shift_left3A_898 : vector<16xi32>
      %bitcast3A_900 = vector.bitcast %shift_left3A_899 : vector<16xi32> to vector<16xf32>
      %shift_left3A_901 = arith.constant 16 : i32
      %shift_left3A_902 = vector.broadcast %shift_left3A_901 : i32 to vector<16xi32>
      %shift_left3A_903 = arith.shli %bitcast3A_884, %shift_left3A_902 : vector<16xi32>
      %bitcast3A_904 = vector.bitcast %shift_left3A_903 : vector<16xi32> to vector<16xf32>
      %shift_left3A_905 = arith.constant 16 : i32
      %shift_left3A_906 = vector.broadcast %shift_left3A_905 : i32 to vector<16xi32>
      %shift_left3A_907 = arith.shli %bitcast3A_885, %shift_left3A_906 : vector<16xi32>
      %bitcast3A_908 = vector.bitcast %shift_left3A_907 : vector<16xi32> to vector<16xf32>
      %shift_left3A_909 = arith.constant 16 : i32
      %shift_left3A_910 = vector.broadcast %shift_left3A_909 : i32 to vector<16xi32>
      %shift_left3A_911 = arith.shli %bitcast3A_886, %shift_left3A_910 : vector<16xi32>
      %bitcast3A_912 = vector.bitcast %shift_left3A_911 : vector<16xi32> to vector<16xf32>
      %shift_left3A_913 = arith.constant 16 : i32
      %shift_left3A_914 = vector.broadcast %shift_left3A_913 : i32 to vector<16xi32>
      %shift_left3A_915 = arith.shli %bitcast3A_887, %shift_left3A_914 : vector<16xi32>
      %bitcast3A_916 = vector.bitcast %shift_left3A_915 : vector<16xi32> to vector<16xf32>
      %shift_left3A_917 = arith.constant 16 : i32
      %shift_left3A_918 = vector.broadcast %shift_left3A_917 : i32 to vector<16xi32>
      %shift_left3A_919 = arith.shli %bitcast3A_888, %shift_left3A_918 : vector<16xi32>
      %bitcast3A_920 = vector.bitcast %shift_left3A_919 : vector<16xi32> to vector<16xf32>
      %and3A_921 = arith.andi %bitcast3A_881, %broadcast_in_dim3A_14 : vector<16xi32>
      %bitcast3A_922 = vector.bitcast %and3A_921 : vector<16xi32> to vector<16xf32>
      %and3A_923 = arith.andi %bitcast3A_882, %broadcast_in_dim3A_14 : vector<16xi32>
      %bitcast3A_924 = vector.bitcast %and3A_923 : vector<16xi32> to vector<16xf32>
      %and3A_925 = arith.andi %bitcast3A_883, %broadcast_in_dim3A_14 : vector<16xi32>
      %bitcast3A_926 = vector.bitcast %and3A_925 : vector<16xi32> to vector<16xf32>
      %and3A_927 = arith.andi %bitcast3A_884, %broadcast_in_dim3A_14 : vector<16xi32>
      %bitcast3A_928 = vector.bitcast %and3A_927 : vector<16xi32> to vector<16xf32>
      %and3A_929 = arith.andi %bitcast3A_885, %broadcast_in_dim3A_14 : vector<16xi32>
      %bitcast3A_930 = vector.bitcast %and3A_929 : vector<16xi32> to vector<16xf32>
      %and3A_931 = arith.andi %bitcast3A_886, %broadcast_in_dim3A_14 : vector<16xi32>
      %bitcast3A_932 = vector.bitcast %and3A_931 : vector<16xi32> to vector<16xf32>
      %and3A_933 = arith.andi %bitcast3A_887, %broadcast_in_dim3A_14 : vector<16xi32>
      %bitcast3A_934 = vector.bitcast %and3A_933 : vector<16xi32> to vector<16xf32>
      %and3A_935 = arith.andi %bitcast3A_888, %broadcast_in_dim3A_14 : vector<16xi32>
      %bitcast3A_936 = vector.bitcast %and3A_935 : vector<16xi32> to vector<16xf32>
      %max3A_937 = arith.maximumf %bitcast3A_892, %bitcast3A_922 : vector<16xf32>
      %broadcast_in_dim3A_938 = arith.constant true
      %broadcast_in_dim3A_939 = vector.broadcast %broadcast_in_dim3A_938 : i1 to vector<16xi1>
      %masked_cummax3A_940 = tpu.scan <max>, %max3A_937 masked %broadcast_in_dim3A_939 : vector<16xf32>, vector<16xi1> -> vector<16xf32>
      %max3A_941 = arith.maximumf %bitcast3A_896, %bitcast3A_924 : vector<16xf32>
      %broadcast_in_dim3A_942 = arith.constant true
      %broadcast_in_dim3A_943 = vector.broadcast %broadcast_in_dim3A_942 : i1 to vector<16xi1>
      %masked_cummax3A_944 = tpu.scan <max>, %max3A_941 masked %broadcast_in_dim3A_943 : vector<16xf32>, vector<16xi1> -> vector<16xf32>
      %max3A_945 = arith.maximumf %bitcast3A_900, %bitcast3A_926 : vector<16xf32>
      %broadcast_in_dim3A_946 = arith.constant true
      %broadcast_in_dim3A_947 = vector.broadcast %broadcast_in_dim3A_946 : i1 to vector<16xi1>
      %masked_cummax3A_948 = tpu.scan <max>, %max3A_945 masked %broadcast_in_dim3A_947 : vector<16xf32>, vector<16xi1> -> vector<16xf32>
      %max3A_949 = arith.maximumf %bitcast3A_904, %bitcast3A_928 : vector<16xf32>
      %broadcast_in_dim3A_950 = arith.constant true
      %broadcast_in_dim3A_951 = vector.broadcast %broadcast_in_dim3A_950 : i1 to vector<16xi1>
      %masked_cummax3A_952 = tpu.scan <max>, %max3A_949 masked %broadcast_in_dim3A_951 : vector<16xf32>, vector<16xi1> -> vector<16xf32>
      %max3A_953 = arith.maximumf %bitcast3A_908, %bitcast3A_930 : vector<16xf32>
      %broadcast_in_dim3A_954 = arith.constant true
      %broadcast_in_dim3A_955 = vector.broadcast %broadcast_in_dim3A_954 : i1 to vector<16xi1>
      %masked_cummax3A_956 = tpu.scan <max>, %max3A_953 masked %broadcast_in_dim3A_955 : vector<16xf32>, vector<16xi1> -> vector<16xf32>
      %max3A_957 = arith.maximumf %bitcast3A_912, %bitcast3A_932 : vector<16xf32>
      %broadcast_in_dim3A_958 = arith.constant true
      %broadcast_in_dim3A_959 = vector.broadcast %broadcast_in_dim3A_958 : i1 to vector<16xi1>
      %masked_cummax3A_960 = tpu.scan <max>, %max3A_957 masked %broadcast_in_dim3A_959 : vector<16xf32>, vector<16xi1> -> vector<16xf32>
      %max3A_961 = arith.maximumf %bitcast3A_916, %bitcast3A_934 : vector<16xf32>
      %broadcast_in_dim3A_962 = arith.constant true
      %broadcast_in_dim3A_963 = vector.broadcast %broadcast_in_dim3A_962 : i1 to vector<16xi1>
      %masked_cummax3A_964 = tpu.scan <max>, %max3A_961 masked %broadcast_in_dim3A_963 : vector<16xf32>, vector<16xi1> -> vector<16xf32>
      %max3A_965 = arith.maximumf %bitcast3A_920, %bitcast3A_936 : vector<16xf32>
      %broadcast_in_dim3A_966 = arith.constant true
      %broadcast_in_dim3A_967 = vector.broadcast %broadcast_in_dim3A_966 : i1 to vector<16xi1>
      %masked_cummax3A_968 = tpu.scan <max>, %max3A_965 masked %broadcast_in_dim3A_967 : vector<16xf32>, vector<16xi1> -> vector<16xf32>
      %broadcast_in_dim3A_969 = arith.constant 8 : i32
      %broadcast_in_dim3A_970 = vector.broadcast %broadcast_in_dim3A_969 : i32 to vector<16xi32>
      tpu.vector_store_idx %arg15[%broadcast_in_dim3A_970], %masked_cummax3A_940 masked %eq3A_12 : memref<16xf32, #tpu.memory_space<vmem>>[vector<16xi32>], vector<16xf32>, vector<16xi1>
      %broadcast_in_dim3A_971 = arith.constant 9 : i32
      %broadcast_in_dim3A_972 = vector.broadcast %broadcast_in_dim3A_971 : i32 to vector<16xi32>
      tpu.vector_store_idx %arg15[%broadcast_in_dim3A_972], %masked_cummax3A_944 masked %eq3A_12 : memref<16xf32, #tpu.memory_space<vmem>>[vector<16xi32>], vector<16xf32>, vector<16xi1>
      %broadcast_in_dim3A_973 = arith.constant 10 : i32
      %broadcast_in_dim3A_974 = vector.broadcast %broadcast_in_dim3A_973 : i32 to vector<16xi32>
      tpu.vector_store_idx %arg15[%broadcast_in_dim3A_974], %masked_cummax3A_948 masked %eq3A_12 : memref<16xf32, #tpu.memory_space<vmem>>[vector<16xi32>], vector<16xf32>, vector<16xi1>
      %broadcast_in_dim3A_975 = arith.constant 11 : i32
      %broadcast_in_dim3A_976 = vector.broadcast %broadcast_in_dim3A_975 : i32 to vector<16xi32>
      tpu.vector_store_idx %arg15[%broadcast_in_dim3A_976], %masked_cummax3A_952 masked %eq3A_12 : memref<16xf32, #tpu.memory_space<vmem>>[vector<16xi32>], vector<16xf32>, vector<16xi1>
      %broadcast_in_dim3A_977 = arith.constant 12 : i32
      %broadcast_in_dim3A_978 = vector.broadcast %broadcast_in_dim3A_977 : i32 to vector<16xi32>
      tpu.vector_store_idx %arg15[%broadcast_in_dim3A_978], %masked_cummax3A_956 masked %eq3A_12 : memref<16xf32, #tpu.memory_space<vmem>>[vector<16xi32>], vector<16xf32>, vector<16xi1>
      %broadcast_in_dim3A_979 = arith.constant 13 : i32
      %broadcast_in_dim3A_980 = vector.broadcast %broadcast_in_dim3A_979 : i32 to vector<16xi32>
      tpu.vector_store_idx %arg15[%broadcast_in_dim3A_980], %masked_cummax3A_960 masked %eq3A_12 : memref<16xf32, #tpu.memory_space<vmem>>[vector<16xi32>], vector<16xf32>, vector<16xi1>
      %broadcast_in_dim3A_981 = arith.constant 14 : i32
      %broadcast_in_dim3A_982 = vector.broadcast %broadcast_in_dim3A_981 : i32 to vector<16xi32>
      tpu.vector_store_idx %arg15[%broadcast_in_dim3A_982], %masked_cummax3A_964 masked %eq3A_12 : memref<16xf32, #tpu.memory_space<vmem>>[vector<16xi32>], vector<16xf32>, vector<16xi1>
      %broadcast_in_dim3A_983 = arith.constant 15 : i32
      %broadcast_in_dim3A_984 = vector.broadcast %broadcast_in_dim3A_983 : i32 to vector<16xi32>
      tpu.vector_store_idx %arg15[%broadcast_in_dim3A_984], %masked_cummax3A_968 masked %eq3A_12 : memref<16xf32, #tpu.memory_space<vmem>>[vector<16xi32>], vector<16xf32>, vector<16xi1>
      %mul3A_985 = arith.constant 16 : i32
      %mul3A_986 = arith.muli %scan3A_47, %mul3A_985 : i32
      %add3A_987 = arith.constant 9920 : i32
      %add3A_988 = arith.addi %add3A_987, %mul3A_986 : i32
      %get3A_989 = arith.constant 0 : index
      %get3A_990 = tpu.vector_load %arg15[%get3A_989] {strides = array<i32>} : memref<16xf32, #tpu.memory_space<vmem>>, vector<16xf32>,
      %get3A_991 = arith.index_cast %add3A_988 : i32 to index
      %get3A_992 = tpu.vector_load %arg9[%get3A_991] {strides = array<i32>} : memref<10000xf32, #tpu.memory_space<vmem>>, vector<16xf32>,
      %div3A = arith.divf %get3A_990, %get3A_992 : vector<16xf32>
      %get3A_993 = arith.index_cast %add3A_988 : i32 to index
      %get3A_994 = tpu.vector_load %arg8[%get3A_993] {strides = array<i32>} : memref<10000xi32, #tpu.memory_space<vmem>>, vector<16xi32>,
      tpu.vector_store_idx %arg14[%get3A_994], %div3A {add = true} : memref<10000xf32, #tpu.memory_space<vmem>>[vector<16xi32>], vector<16xf32>,
    }
    %scan3A_44 = arith.constant 5 : i32
    %mul3A_45 = arith.constant 10000 : i32
    %mul3A_46 = arith.muli %add3A, %mul3A_45 : i32
    "tpu.region"() ({
      %run_scoped3A = tpu.sem_alloc : memref<!tpu.dma_semaphore, #tpu.memory_space<semaphore_mem>>
      %dma_start3A_47 = tpu.memref_slice %arg6[%mul3A_46] : memref<320000xf32, #tpu.memory_space<hbm>> -> memref<10000xf32, #tpu.memory_space<hbm>>
      %dma_start3A_48 = tpu.memref_slice %arg6[%mul3A_46] : memref<320000xf32, #tpu.memory_space<hbm>> -> memref<10000xf32, #tpu.memory_space<hbm>>
      tpu.enqueue_dma source(%arg14 : memref<10000xf32, #tpu.memory_space<vmem>>) target(%dma_start3A_48 : memref<10000xf32, #tpu.memory_space<hbm>>) target_semaphore(%run_scoped3A : memref<!tpu.dma_semaphore, #tpu.memory_space<semaphore_mem>>)
      %dma_wait3A_49 = tpu.memref_slice %arg6[%mul3A_46] : memref<320000xf32, #tpu.memory_space<hbm>> -> memref<10000xf32, #tpu.memory_space<hbm>>
      %dma_wait3A_50 = tpu.memref_slice %arg6[%mul3A_46] : memref<320000xf32, #tpu.memory_space<hbm>> -> memref<10000xf32, #tpu.memory_space<hbm>>
      tpu.wait_dma2 semaphore(%run_scoped3A : memref<!tpu.dma_semaphore, #tpu.memory_space<semaphore_mem>>) src(%arg14 : memref<10000xf32, #tpu.memory_space<vmem>>) dst(%dma_wait3A_50 : memref<10000xf32, #tpu.memory_space<hbm>>)
      tpu.yield
    }) : () -> ()
    return
  }
}

module attributes {stable_mosaic.version = 14 : i64} {
  func.func @body(%arg0: memref<10000x128xf32, #tpu.memory_space<vmem>>, %arg1: memref<10000x128xf32, #tpu.memory_space<vmem>>, %arg2: memref<10000x64xi32, #tpu.memory_space<vmem>>, %arg3: memref<1x1xf32, #tpu.memory_space<smem>>) attributes {dimension_semantics = [], scalar_prefetch = 0 : i64, scratch_operands = 0 : i64, tpu.core_type = #tpu.core_type<tc>} {
    %get3A = arith.constant 0 : index
    %get3A_0 = arith.constant 0 : index
    %get3A_1 = vector.load %arg0[%get3A, %get3A_0] : memref<10000x128xf32, #tpu.memory_space<vmem>>, vector<10000x128xf32>
    %get3A_2 = arith.constant 0 : index
    %get3A_3 = arith.constant 0 : index
    %get3A_4 = vector.load %arg1[%get3A_2, %get3A_3] : memref<10000x128xf32, #tpu.memory_space<vmem>>, vector<10000x128xf32>
    %sub3A = arith.subf %get3A_1, %get3A_4 : vector<10000x128xf32>
    %mul3A = arith.mulf %sub3A, %sub3A : vector<10000x128xf32>
    %reduce_sum3A = vector.shape_cast %mul3A : vector<10000x128xf32> to vector<1x10000x128xf32>
    %reduce_sum3A_5 = arith.constant dense<0.000000e+00> : vector<1xf32>
    %reduce_sum3A_6 = vector.multi_reduction <add>, %reduce_sum3A, %reduce_sum3A_5 [1, 2] : vector<1x10000x128xf32> to vector<1xf32>
    %reduce_sum3A_7 = vector.shape_cast %reduce_sum3A_6 : vector<1xf32> to vector<1x1x1xf32>
    %reduce_sum3A_8 = vector.extract %reduce_sum3A_7[0, 0, 0] : f32 from vector<1x1x1xf32>
    %swap3A = arith.constant 0 : index
    %swap3A_9 = arith.constant 0 : index
    %swap3A_10 = memref.load %arg3[%swap3A, %swap3A_9] : memref<1x1xf32, #tpu.memory_space<smem>>
    memref.store %reduce_sum3A_8, %arg3[%swap3A, %swap3A_9] : memref<1x1xf32, #tpu.memory_space<smem>>
    %slice3A = vector.extract_strided_slice %sub3A {offsets = [0, 0], sizes = [10000, 64], strides = [1, 1]} : vector<10000x128xf32> to vector<10000x64xf32>
    %bitcast_convert_type3A = tpu.bitcast %slice3A : vector<10000x64xf32> -> vector<10000x64xi32>
    %shift_right_logical3A = arith.constant 16 : i32
    %shift_right_logical3A_11 = vector.broadcast %shift_right_logical3A : i32 to vector<10000x64xi32>
    %shift_right_logical3A_12 = arith.shrui %bitcast_convert_type3A, %shift_right_logical3A_11 : vector<10000x64xi32>
    %and3A = arith.constant 1 : i32
    %and3A_13 = vector.broadcast %and3A : i32 to vector<10000x64xi32>
    %and3A_14 = arith.andi %shift_right_logical3A_12, %and3A_13 : vector<10000x64xi32>
    %add3A = arith.constant 32767 : i32
    %add3A_15 = vector.broadcast %add3A : i32 to vector<10000x64xi32>
    %add3A_16 = arith.addi %bitcast_convert_type3A, %add3A_15 : vector<10000x64xi32>
    %add3A_17 = arith.addi %add3A_16, %and3A_14 : vector<10000x64xi32>
    %shift_right_logical3A_18 = arith.constant 16 : i32
    %shift_right_logical3A_19 = vector.broadcast %shift_right_logical3A_18 : i32 to vector<10000x64xi32>
    %shift_right_logical3A_20 = arith.shrui %add3A_17, %shift_right_logical3A_19 : vector<10000x64xi32>
    %slice3A_21 = vector.extract_strided_slice %sub3A {offsets = [0, 64], sizes = [10000, 64], strides = [1, 1]} : vector<10000x128xf32> to vector<10000x64xf32>
    %bitcast_convert_type3A_22 = tpu.bitcast %slice3A_21 : vector<10000x64xf32> -> vector<10000x64xi32>
    %shift_right_logical3A_23 = arith.constant 16 : i32
    %shift_right_logical3A_24 = vector.broadcast %shift_right_logical3A_23 : i32 to vector<10000x64xi32>
    %shift_right_logical3A_25 = arith.shrui %bitcast_convert_type3A_22, %shift_right_logical3A_24 : vector<10000x64xi32>
    %and3A_26 = arith.constant 1 : i32
    %and3A_27 = vector.broadcast %and3A_26 : i32 to vector<10000x64xi32>
    %and3A_28 = arith.andi %shift_right_logical3A_25, %and3A_27 : vector<10000x64xi32>
    %add3A_29 = arith.constant 32767 : i32
    %add3A_30 = vector.broadcast %add3A_29 : i32 to vector<10000x64xi32>
    %add3A_31 = arith.addi %bitcast_convert_type3A_22, %add3A_30 : vector<10000x64xi32>
    %add3A_32 = arith.addi %add3A_31, %and3A_28 : vector<10000x64xi32>
    %shift_right_logical3A_33 = arith.constant 16 : i32
    %shift_right_logical3A_34 = vector.broadcast %shift_right_logical3A_33 : i32 to vector<10000x64xi32>
    %shift_right_logical3A_35 = arith.shrui %add3A_32, %shift_right_logical3A_34 : vector<10000x64xi32>
    %shift_left3A = arith.constant 16 : i32
    %shift_left3A_36 = vector.broadcast %shift_left3A : i32 to vector<10000x64xi32>
    %shift_left3A_37 = arith.shli %shift_right_logical3A_35, %shift_left3A_36 : vector<10000x64xi32>
    %or3A = arith.ori %shift_right_logical3A_20, %shift_left3A_37 : vector<10000x64xi32>
    %swap3A_38 = arith.constant 0 : index
    %swap3A_39 = arith.constant 0 : index
    %swap3A_40 = vector.load %arg2[%swap3A_38, %swap3A_39] : memref<10000x64xi32, #tpu.memory_space<vmem>>, vector<10000x64xi32>
    tpu.vector_store %arg2[%swap3A_38, %swap3A_39], %or3A {strides = array<i32>} : memref<10000x64xi32, #tpu.memory_space<vmem>>, vector<10000x64xi32>,
    return
  }
}

module attributes {stable_mosaic.version = 14 : i64} {
  func.func @body(%arg0: memref<32x10000xf32, #tpu.memory_space<vmem>>, %arg1: memref<1x1xf32, #tpu.memory_space<smem>>, %arg2: memref<1x1xf32, #tpu.memory_space<smem>>) attributes {dimension_semantics = [], scalar_prefetch = 0 : i64, scratch_operands = 0 : i64, tpu.core_type = #tpu.core_type<tc>} {
    %get3A = arith.constant 0 : index
    %get3A_0 = arith.constant 0 : index
    %get3A_1 = vector.load %arg0[%get3A, %get3A_0] : memref<32x10000xf32, #tpu.memory_space<vmem>>, vector<32x10000xf32>
    %reduce_sum3A = arith.constant dense<0.000000e+00> : vector<10000xf32>
    %reduce_sum3A_2 = vector.multi_reduction <add>, %get3A_1, %reduce_sum3A [0] : vector<32x10000xf32> to vector<10000xf32>
    %min3A = arith.constant 1.000000e+00 : f32
    %min3A_3 = vector.broadcast %min3A : f32 to vector<10000xf32>
    %min3A_4 = arith.minimumf %reduce_sum3A_2, %min3A_3 : vector<10000xf32>
    %get3A_5 = arith.constant 0 : index
    %get3A_6 = arith.constant 0 : index
    %get3A_7 = memref.load %arg1[%get3A_5, %get3A_6] : memref<1x1xf32, #tpu.memory_space<smem>>
    %div3A = arith.constant 1.280000e+06 : f32
    %div3A_8 = arith.divf %get3A_7, %div3A : f32
    %reduce_sum3A_9 = vector.shape_cast %min3A_4 : vector<10000xf32> to vector<1x10000xf32>
    %reduce_sum3A_10 = arith.constant dense<0.000000e+00> : vector<1xf32>
    %reduce_sum3A_11 = vector.multi_reduction <add>, %reduce_sum3A_9, %reduce_sum3A_10 [1] : vector<1x10000xf32> to vector<1xf32>
    %reduce_sum3A_12 = vector.shape_cast %reduce_sum3A_11 : vector<1xf32> to vector<1x1xf32>
    %reduce_sum3A_13 = vector.extract %reduce_sum3A_12[0, 0] : f32 from vector<1x1xf32>
    %mul3A = arith.mulf %div3A_8, %reduce_sum3A_13 : f32
    %swap3A = arith.constant 0 : index
    %swap3A_14 = arith.constant 0 : index
    %swap3A_15 = memref.load %arg2[%swap3A, %swap3A_14] : memref<1x1xf32, #tpu.memory_space<smem>>
    memref.store %mul3A, %arg2[%swap3A, %swap3A_14] : memref<1x1xf32, #tpu.memory_space<smem>>
    return
  }
}

</mosaic_0001>

<sc_bundles>
// kernel: kernel.5.cloned.1.call-start
scs
__scs_entry_jumppad:
0x0: {  	(pc) =	sbr.rel $0x88, $3  }
0x1: {  	(tag) =	ssettag $0x0;
	lr =	simm.s32 $0x1  }
0x2: {  	[smem:$0x3F9D] =	sst lr;
	_ =	strace $0xD0000000  }
0x3: {  	_ = 	snop  }
0x4: {  	_ = 	snop  }
0x5: {  	_ = 	snop  }
0x6: {  	_ = 	snop  }
0x7: {  	_ = 	snop  }
__scs_overlays_trampoline_lowered:
0x8: {  	[smem:$0x3FAC] =	sst s0  }
0x9: {  	[smem:$0x3FAD] =	sst s1  }
0xa: {  	[smem:$0x3FAE] =	sst s2  }
0xb: {  	[smem:$0x3FAF] =	sst s3  }
0xc: {  	[smem:$0x3FB0] =	sst s4  }
0xd: {  	[smem:$0x3FB1] =	sst s5  }
0xe: {  	[smem:$0x3FB2] =	sst s6  }
0xf: {  	[smem:$0x3FB3] =	sst s7  }
0x10: {  	[smem:$0x3FB4] =	sst s8  }
0x11: {  	[smem:$0x3FB5] =	sst s9;
	s0 =	simm.s32 @!p0 $0x0  }
0x12: {  	s1 =	sld [smem:$0x3F9B];
	s0 =	simm.s32 @p0 $0x1  }
0x13: {  	[smem:$0x3FB6] =	sst s0;
	s0 =	simm.s32 @!p1 $0x0  }
0x14: {  	s2 =	sld [smem:$0x3F9A];
	s0 =	simm.s32 @p1 $0x1  }
0x15: {  	[smem:$0x3FB7] =	sst s0;
	s0 =	simm.s32 @!p2 $0x0  }
0x16: {  	s3 =	sld [smem:$0x3FDB];
	s0 =	simm.s32 @p2 $0x1  }
0x17: {  	s4 =	simm.s32 $0x1BF5;
	[smem:$0x3FB9] =	sst s0  }
0x18: {  	s0 =	sld [smem:$0x3F9C];
	_ =	swait.ge [sflag:s4], $0x0  }
0x19: {  	s7 =	sld [smem:$0x3F9D]  }
0x1a: {  	s8 =	sadd.s32 $0xFFFFE003, lr  }
0x1b: {  	s9 =	sadd.s32 $0xFFFFFEF7, lr;
	s5 =	simm.s32 $0xFFFFFFFF;
	p2 =	slt.u32 s8, $0xFFFFF086  }
0x1c: {  	p1 =	slt.u32 s9, $0xF7A;
	s5 =	simm.s32 @!p2 $0x0  }
0x1d: {  	s5 =	simm.s32 @p1 $0x1;
	p0 =	seq.s32 s7, s2  }
0x1e: {  	s7 =	smul.u32 @!p0 $0xF7A, s2;
	p2 =	seq.s32 @!p0 s5, $0x0  }
0x1f: {  	s9 =	smul.u32 $0xF7A, s1;
	s8 =	simm.s32 @!p0 $0x1BF5;
	p2 =	por !p2, p0  }
0x20: {  	[sflag:s8] =	ssyncset.s32 @!p0 $0xFFFFF086;
	s6 =	sadd.s32 @!p0 s3, s7;
	s7 =	simm.s32 @!p0 $0x108  }
0x21: {  	s3 =	sadd.s32 s3, s9;
	s6 =	sadd.s32 @!p0 $0x88, s6;
	s7 =	simm.s32 @p2 $0x1082  }
0x22: {  	[simem:s7], [sflag:s8] =	dma.local @!p0 [hbm:s6], $0xF7A  }
0x23: {  	s9 =	sor.u32 $0xD0000000, s2;
	s6 =	simm.s32 $0x108;
	_ =	swait.ge @!p0 [sflag:s8], $0x0  }
0x24: {  	s3 =	sadd.s32 $0x88, s3;
	s6 =	simm.s32 @!p1 $0x1082;
	[sflag:s4] =	ssyncset.s32 $0xFFFFF086  }
0x25: {  	[simem:s6], [sflag:s4] =	dma.local [hbm:s3], $0xF7A  }
0x26: {  	[smem:$0x3F9D] =	sst s1;
	(tag) =	ssettag s2;
	_ =	strace s9  }
0x27: {  	s1 =	sld [smem:$0x3FAD]  }
0x28: {  	s2 =	sld [smem:$0x3FAE]  }
0x29: {  	s4 =	sld [smem:$0x3FB0]  }
0x2a: {  	p0 =	seq.s32 s5, $0x0;
	s5 =	sld [smem:$0x3FB1]  }
0x2b: {  	s6 =	sld [smem:$0x3FB2]  }
0x2c: {  	s7 =	sld [smem:$0x3FB3]  }
0x2d: {  	s3 =	simm.s32 $0x108;
	s8 =	sld [smem:$0x3FB4]  }
0x2e: {  	s3 =	simm.s32 @!p0 $0x1082;
	s9 =	sld [smem:$0x3FB5]  }
0x2f: {  	lr =	sadd.s32 s0, s3;
	s0 =	sld [smem:$0x3FAC]  }
0x30: {  	s3 =	sld [smem:$0x3FAF]  }
0x31: {  	[smem:$0x3FB8] =	sst s10  }
0x32: {  	s10 =	sld [smem:$0x3FB6];
	_ =	sdelay $0x3  }
0x33: {  	p0 =	seq.s32 s10, $0x1;
	s10 =	sld [smem:$0x3FB8];
	_ =	sdelay $0x3  }
0x34: {  	[smem:$0x3FB8] =	sst s10  }
0x35: {  	s10 =	sld [smem:$0x3FB7];
	_ =	sdelay $0x3  }
0x36: {  	p1 =	seq.s32 s10, $0x1;
	s10 =	sld [smem:$0x3FB8];
	_ =	sdelay $0x3  }
0x37: {  	[smem:$0x3FB8] =	sst s10  }
0x38: {  	s10 =	sld [smem:$0x3FB9]  }
0x39: {  	_ = 	snop;
	(pc) =	sbr.ind lr, $3  }
0x3a: {  	_ = 	snop  }
0x3b: {  	_ = 	snop  }
0x3c: {  	p2 =	seq.s32 s10, $0x1;
	s10 =	sld [smem:$0x3FB8]  }
0x3d: {  	_ =	shalt  }
0x3e: {  	_ =	shalt  }
0x3f: {  	_ =	shalt  }
0x40: {  	_ =	shalt  }
0x41: {  	_ =	shalt  }
0x42: {  	_ =	shalt  }
0x43: {  	_ =	shalt  }
0x44: {  	_ =	shalt  }
0x45: {  	_ =	shalt  }
0x46: {  	_ =	shalt  }
0x47: {  	_ =	shalt  }
0x48: {  	_ =	shalt  }
0x49: {  	_ =	shalt  }
0x4a: {  	_ =	shalt  }
0x4b: {  	_ =	shalt  }
0x4c: {  	_ =	shalt  }
0x4d: {  	_ =	shalt  }
0x4e: {  	_ =	shalt  }
0x4f: {  	_ =	shalt  }
0x50: {  	_ =	shalt  }
0x51: {  	_ =	shalt  }
0x52: {  	_ =	shalt  }
0x53: {  	_ =	shalt  }
0x54: {  	_ =	shalt  }
0x55: {  	_ =	shalt  }
0x56: {  	_ =	shalt  }
0x57: {  	_ =	shalt  }
0x58: {  	_ =	shalt  }
0x59: {  	_ =	shalt  }
0x5a: {  	_ =	shalt  }
0x5b: {  	_ =	shalt  }
0x5c: {  	_ =	shalt  }
0x5d: {  	_ =	shalt  }
0x5e: {  	_ =	shalt  }
0x5f: {  	_ =	shalt  }
0x60: {  	_ =	shalt  }
0x61: {  	_ =	shalt  }
0x62: {  	_ =	shalt  }
0x63: {  	_ =	shalt  }
0x64: {  	_ =	shalt  }
0x65: {  	_ =	shalt  }
0x66: {  	_ =	shalt  }
0x67: {  	_ =	shalt  }
0x68: {  	_ =	shalt  }
0x69: {  	_ =	shalt  }
0x6a: {  	_ =	shalt  }
0x6b: {  	_ =	shalt  }
0x6c: {  	_ =	shalt  }
0x6d: {  	_ =	shalt  }
0x6e: {  	_ =	shalt  }
0x6f: {  	_ =	shalt  }
0x70: {  	_ =	shalt  }
0x71: {  	_ =	shalt  }
0x72: {  	_ =	shalt  }
0x73: {  	_ =	shalt  }
0x74: {  	_ =	shalt  }
0x75: {  	_ =	shalt  }
0x76: {  	_ =	shalt  }
0x77: {  	_ =	shalt  }
0x78: {  	_ =	shalt  }
0x79: {  	_ =	shalt  }
0x7a: {  	_ =	shalt  }
0x7b: {  	_ =	shalt  }
0x7c: {  	_ =	shalt  }
0x7d: {  	_ =	shalt  }
0x7e: {  	_ =	shalt  }
0x7f: {  	_ =	shalt  }
0x80: {  	_ =	shalt  }
0x81: {  	_ =	shalt  }
0x82: {  	_ =	shalt  }
0x83: {  	_ =	shalt  }
0x84: {  	_ =	shalt  }
0x85: {  	_ =	shalt  }
0x86: {  	_ =	shalt  }
0x87: {  	_ =	shalt  }
.Lfunc_end0:
.L_simem_size_0:
called_computation_lowered:
.L_overlay_start_0:
0x88: {  	s2 =	sld [smem:$0x3FD9]  }
0x89: {  	s3 =	sld [smem:$0x3FFE];
	_ =	sdelay $0x1  }
0x8a: {  	s1 =	srdreg.scid  }
0x8b: {  	s0 =	sand.u32 $0x1, s1  }
0x8c: {  	s16 =	sshll.u32 s0, $0xA;
	s2 =	sadd.s32 s3, s2  }
0x8d: {  	s2 =	sadd.s32 s2, s16  }
0x8e: {  	[smem:$0x3FC4] =	sst s2  }
0x8f: {  	_ = 	snop  }
0x90: {  	(tm) =	ssettm $0x1  }
0x91: {  	s17 =	sld [smem:$0x3FFB];
	_ =	sdelay $0x3  }
0x92: {  	_ =	strace s17  }
0x93: {  	s2 =	sld [smem:$0x3FFC];
	_ =	sdelay $0x3  }
0x94: {  	_ =	strace s2  }
0x95: {  	s2 =	sld [smem:$0x3FFD];
	_ =	sdelay $0x3  }
0x96: {  	_ =	strace s2  }
0x97: {  	_ =	strace $0x8FFFFFFF  }
0x98: {  	s18 =	sld [smem:$0x3FDB];
	_ =	sdelay $0x1  }
0x99: {  	s19 =	simm.s32 $_scs_section_size  }
0x9a: {  	s4 =	simm.s32 $_size__tile_overlayer_lowered;
	s5 =	simm.s32 $_tile_overlayer_lowered  }
0x9b: {  	s22 =	simm.s32 $0x1BFF;
	s21 =	sshll.u32 s5, $0x1;
	s2 =	sadd.s32 s19, s18  }
0x9c: {  	s6 =	simm.s32 $0x0;
	s20 =	sshll.u32 s4, $0x1;
	s4 =	sadd.s32 s21, s2  }
0x9d: {  	[timem:s6], [sflag:s22] =	dma.local [hbm:s4], s20  }
0x9e: {  	_ =	swait.ge [sflag:s22], s20  }
0x9f: {  	s3 =	ssub.s32 $0x0, s20;
	[sflag:s22] =	ssyncset.done $0x0  }
0xa0: {  	[sflag:s22] =	ssyncadd.s32 s3;
	_ =	sdelay $0x1  }
0xa1: {  	s23 =	simm.s32 $0x1B8B  }
0xa2: {  	_ =	swait.ge [sflag:s23], $0x1  }
0xa3: {  	[sflag:s23] =	ssyncset.done $0x0  }
0xa4: {  	s25 =	simm.s32 $0x1B8E;
	s24 =	sld [smem:$0x3FFE];
	[sflag:s23] =	ssyncadd.s32 $0xFFFFFFFF  }
0xa5: {  	s26 =	simm.s32 $execute0_lowered;
	[smem:$0x3FD2] =	sst s25  }
0xa6: {  	s4 =	sshll.u32 s26, $0x1;
	_ =	strace $0x80000046;
	[dreg:$0x1] =	wrdreg $0xFFFFFFFF  }
0xa7: {  	s28 =	simm.s32 $_size_execute0_lowered;
	s2 =	sadd.s32 s2, s4;
	[dreg:$0x0] =	wrdreg $0x0  }
0xa8: {  	s4 =	sshll.u32 s28, $0x1;
	[dreg:$0x2] =	wrdreg s2  }
0xa9: {  	[dreg:$0x3] =	wrdreg s4  }
0xaa: {  	[dreg:$0x4] =	wrdreg $0xC0  }
0xab: {  	_ =	task [dreg:s6], $0x5FFFF  }
0xac: {  	[dreg:$0x1] =	wrdreg $0xFFFFFFFF  }
0xad: {  	[dreg:$0x0] =	wrdreg $0x60  }
0xae: {  	[dreg:$0x2] =	wrdreg s24  }
0xaf: {  	[dreg:$0x3] =	wrdreg $0x9  }
0xb0: {  	_ =	task.clear_ibuf [dreg:s6], $0x4FFFF;
	_ =	strace $0x90000046  }
0xb1: {  	s29 =	simm.s32 $0x9;
	_ =	strace $0x80000048  }
0xb2: {  	_ =	swait.ge [sflag:s29], $0x1  }
0xb3: {  	[sflag:s29] =	ssyncadd.s32 $0xFFFFFFFF  }
0xb4: {  	_ =	strace $0x90000048  }
0xb5: {  	_ =	sfence  }
0xb6: {  	s30 =	sld [smem:$0x0];
	_ =	sdelay $0x2  }
0xb7: {  	s31 =	sshll.u32 s1, $0xD;
	s1 =	sshrl.u32 s1, $0x2  }
0xb8: {  	s3 =	sand.u32 $0x4000, s31;
	s1 =	sadd.s32 s1, s30  }
0xb9: {  	s0 =	sor.u32 s3, s0;
	s1 =	sshll.u32 s1, $0x11  }
0xba: {  	s0 =	sor.u32 s1, s0  }
0xbb: {  	s0 =	sadd.s32 $0x8F2B, s0  }
0xbc: {  	[sflag:s0] =	ssyncadd.remote.s32 $0x1  }
0xbd: {  	_ =	sfence.sel $0xFFFF  }
0xbe: {  	[dreg:$0x0] =	wrdreg $0xFFFFFFFF;
	(pc) =	sbr.abs _section_cstart, $3  }
0xbf: {  	[dreg:$0x1] =	wrdreg $0xFFFFFFFF  }
0xc0: {  	_ =	task.clear_ibuf [dreg:s6], $0x2FFFF;
	_ =	strace $0x9FFFFFFF  }
0xc1: {  	(tm) =	ssettm $0x7FFFFFFF  }
tec
execute0_lowered:
.L_overlay_start_1:
0x0: {  	(tag) =	ssettag $0x1  }
0x1: {  	s1 =	srdreg.scid  }
0x2: {  	s0 =	stileid.u32;
	s4 =	rddreg [dreg:$0x0]  }
0x3: {  	s2 =	simm.s32 $0x0;
	s10 =	simm.s32 $0x2710;
	s11 =	simm.s32 $0x4E20  }
0x4: {  	s12 =	simm.s32 $0x50;
	s13 =	simm.s32 $0x7530;
	s14 =	simm.s32 $0x8930  }
0x5: {  	s15 =	simm.s32 $0x9D30;
	s16 =	simm.s32 $0xB130;
	s17 =	simm.s32 $0x1  }
0x6: {  	s18 =	simm.s32 $0xEC40;
	s3 =	sand.u32 $0x1, s1;
	s5 =	sshll.u32 s0, $0x1  }
0x7: {  	s19 =	simm.s32 $0xC530;
	s20 =	simm.s32 $0x2;
	s5 =	sor.u32 s3, s5  }
0x8: {  	[smem:$0x7FF] =	sst s2;
	s6 =	ssub.s32 $0x2, s3;
	s5 =	smul.u32 $0x4E2, s5  }
0x9: {  	s21 =	simm.s32 $0x0;
	_ =	strace $0x80000047;
	s7 =	sshrl.u32 s6, $0x1  }
0xa: {  	s3 =	sadd.s32 $0x200, s4;
	s9 =	ssub.s32 s6, s7;
	s8 =	sadd.s32 s5, s4  }
0xb: {  	v0 =	vimm.f32 $0.0e+00;
	vm0 =	vcmask $0x3F3C;
	v13 =	vimm.s32 $0xC;
	s4 =	sadd.s32 $0x1DA00, s8;
	s5 =	sadd.s32 $0x13C00, s8;
	s6 =	sadd.s32 $0x27800, s8  }
0xc: {  	v14 =	vimm.s32 $0xD;
	v15 =	vimm.s32 $0xE;
	v16 =	vimm.s32 $0xF;
	s7 =	sadd.s32 $0x31600, s8;
	s8 =	smax.u32 s9, $0x1;
	s9 =	simm.s32 $0x3  }
.LBB2_1:
0xd: {  	[tilespmem:s2], [sflag:$0x3] =	stream.linear.gather [hbm4b:s4+s2], $0x2710, $0x38;
	[tilespmem:$0xEC50] =	vst v63  }
0xe: {  	_ =	swait.ge [sflag:s9], $0x2710  }
0xf: {  	[sflag:s9] =	ssyncset.done $0x0  }
0x10: {  	[sflag:s9] =	ssyncadd.s32 $0xFFFFD8F0  }
0x11: {  	[tilespmem:s10], [sflag:$0x3] =	stream.linear.gather [hbm4b:s5+s2], $0x2710, $0x38;
	[tilespmem:$0xEC50] =	vst v63  }
0x12: {  	_ =	swait.ge [sflag:s9], $0x2710  }
0x13: {  	[sflag:s9] =	ssyncset.done $0x0  }
0x14: {  	[sflag:s9] =	ssyncadd.s32 $0xFFFFD8F0  }
0x15: {  	[tilespmem:s11], [sflag:$0x3] =	stream.linear.gather [hbm4b:s6+s2], $0x2710, $0x38;
	[tilespmem:$0xEC50] =	vst v63  }
0x16: {  	_ =	swait.ge [sflag:s9], $0x2710  }
0x17: {  	[sflag:s9] =	ssyncset.done $0x0  }
0x18: {  	s22 =	simm.s32 $0x40;
	s23 =	simm.s32 $0x0;
	[sflag:s9] =	ssyncadd.s32 $0xFFFFD8F0  }
.LBB2_2:
0x19: {  	p0 =	sne.s32 s22, $0x9C00;
	[tilespmem:s23+$0xC530] =	vst v0;
	s23 =	smov.u32 s22;
	s22 =	sadd.s32 $0x40, s22  }
.Ltmp0:
0x1a: {  	(pc) =	sbr.rel @p0 .LBB2_2-.Ltmp0, $2  }
0x1b: {  	_ =	sdelay $0x2  }
0x1c: {  	s23 =	sshra.s32 s23, $0x2  }
0x1d: {  	[tilespmem:s23+$0xC530] =	vst v0;
	s22 =	simm.s32 $0x0;
	s23 =	simm.s32 $0x2710  }
0x1e: {  	[tilespmem:s13], [sflag:$0x1] =	stream.indirect.gather [hbm4b:s3+s12], $0x40, s22, s12, $0xb8;
	[tilespmem:$0xEC50] =	vst v63  }
0x1f: {  	s24 =	simm.s32 $0x4E20;
	s25 =	simm.s32 $0x2760;
	s26 =	simm.s32 $0x4E70  }
0x20: {  	[tilespmem:s14], [sflag:$0x1] =	stream.indirect.gather [hbm4b:s3+s12], $0x40, s23, s12, $0xb8;
	[tilespmem:$0xEC50] =	vst v63  }
.LBB2_4:
0x21: {  	s28 =	smul.u32 $0xA0, s22;
	_ =	sdelay $0x1  }
0x22: {  	s29 =	sadd.s32 $0x50, s28  }
0x23: {  	[tilespmem:s15], [sflag:$0x2] =	stream.indirect.gather [hbm4b:s3+s12], $0x40, s29, s12, $0xb8;
	[tilespmem:$0xEC50] =	vst v63  }
0x24: {  	s29 =	sadd.s32 $0x2760, s28  }
0x25: {  	[tilespmem:s16], [sflag:$0x2] =	stream.indirect.gather [hbm4b:s3+s12], $0x40, s29, s12, $0xb8;
	[tilespmem:$0xEC50] =	vst v63  }
0x26: {  	_ =	swait.ge [sflag:s17], $0x1400  }
0x27: {  	[sflag:s17] =	ssyncset.done $0x0  }
0x28: {  	v17 =	vmov s24;
	[sflag:s17] =	ssyncadd.s32 $0xFFFFEC00  }
0x29: {  	v18 =	vmov s23;
	v5 =	vimm.s32 $0x0;
	v6 =	vimm.s32 $0x1;
	_ =	swait.ge [sflag:s17], $0x1400  }
0x2a: {  	s30 =	simm.s32 $0x8B30;
	v7 =	vimm.s32 $0x2;
	v8 =	vimm.s32 $0x3;
	v9 =	vimm.s32 $0x4;
	[sflag:s17] =	ssyncset.done $0x0  }
0x2b: {  	s31 =	simm.s32 $0x0;
	v10 =	vimm.s32 $0x5;
	v11 =	vimm.s32 $0x6;
	v12 =	vimm.s32 $0x7;
	s29 =	simm.s32 $0x7730;
	[sflag:s17] =	ssyncadd.s32 $0xFFFFEC00  }
.LBB2_5:
0x2c: {  	v19 =	vld [tilespmem:s29+$0xFFFFFE00]  }
0x2d: {  	v20 =	vld [tilespmem:s29+$0xFFFFFE40]  }
0x2e: {  	v21 =	vld [tilespmem:s29+$0xFFFFFE80]  }
0x2f: {  	v22 =	vld [tilespmem:s29+$0xFFFFFEC0]  }
0x30: {  	v23 =	vld [tilespmem:s29+$0xFFFFFF00]  }
0x31: {  	v24 =	vld [tilespmem:s29+$0xFFFFFF40]  }
0x32: {  	v25 =	vld [tilespmem:s29+$0xFFFFFF80]  }
0x33: {  	v26 =	vld [tilespmem:s29+$0xFFFFFFC0]  }
0x34: {  	v27 =	vld [tilespmem:s30+$0xFFFFFE00]  }
0x35: {  	v28 =	vld [tilespmem:s30+$0xFFFFFE40]  }
0x36: {  	v29 =	vld [tilespmem:s30+$0xFFFFFE80]  }
0x37: {  	v30 =	vld [tilespmem:s30+$0xFFFFFEC0]  }
0x38: {  	v31 =	vld [tilespmem:s30+$0xFFFFFF00]  }
0x39: {  	v32 =	vld [tilespmem:s30+$0xFFFFFF40]  }
0x3a: {  	v33 =	vld [tilespmem:s30+$0xFFFFFF80]  }
0x3b: {  	v34 =	vld [tilespmem:s30+$0xFFFFFFC0]  }
0x3c: {  	v35 =	vld [tilespmem:s29+$0xFFFFFE10]  }
0x3d: {  	v36 =	vld [tilespmem:s29+$0xFFFFFE50]  }
0x3e: {  	v37 =	vld [tilespmem:s29+$0xFFFFFE90]  }
0x3f: {  	v38 =	vld [tilespmem:s29+$0xFFFFFED0]  }
0x40: {  	v39 =	vld [tilespmem:s29+$0xFFFFFF10]  }
0x41: {  	v40 =	vld [tilespmem:s29+$0xFFFFFF50]  }
0x42: {  	v41 =	vld [tilespmem:s29+$0xFFFFFF90]  }
0x43: {  	v42 =	vld [tilespmem:s29+$0xFFFFFFD0]  }
0x44: {  	v43 =	vld [tilespmem:s30+$0xFFFFFE10]  }
0x45: {  	v44 =	vld [tilespmem:s30+$0xFFFFFE50]  }
0x46: {  	v45 =	vld [tilespmem:s30+$0xFFFFFE90]  }
0x47: {  	v46 =	vld [tilespmem:s30+$0xFFFFFED0]  }
0x48: {  	v47 =	vld [tilespmem:s30+$0xFFFFFF10]  }
0x49: {  	v48 =	vld [tilespmem:s30+$0xFFFFFF50]  }
0x4a: {  	v49 =	vld [tilespmem:s30+$0xFFFFFF90]  }
0x4b: {  	v50 =	vld [tilespmem:s30+$0xFFFFFFD0]  }
0x4c: {  	v51 =	vld [tilespmem:s29+$0xFFFFFE20]  }
0x4d: {  	v52 =	vld [tilespmem:s29+$0xFFFFFE60]  }
0x4e: {  	v53 =	vld [tilespmem:s29+$0xFFFFFEA0]  }
0x4f: {  	v54 =	vld [tilespmem:s29+$0xFFFFFEE0]  }
0x50: {  	v55 =	vld [tilespmem:s29+$0xFFFFFF20]  }
0x51: {  	v56 =	vld [tilespmem:s29+$0xFFFFFF60]  }
0x52: {  	v57 =	vld [tilespmem:s29+$0xFFFFFFA0]  }
0x53: {  	v58 =	vld [tilespmem:s29+$0xFFFFFFE0]  }
0x54: {  	v59 =	vld [tilespmem:s30+$0xFFFFFE20]  }
0x55: {  	v60 =	vld [tilespmem:s30+$0xFFFFFE60]  }
0x56: {  	v61 =	vld [tilespmem:s30+$0xFFFFFEA0]  }
0x57: {  	v62 =	vld [tilespmem:s30+$0xFFFFFEE0]  }
0x58: {  	v63 =	vld [tilespmem:s30+$0xFFFFFF20]  }
0x59: {  	v0 =	vld [tilespmem:s30+$0xFFFFFF60]  }
0x5a: {  	v1 =	vld [tilespmem:s30+$0xFFFFFFA0]  }
0x5b: {  	v2 =	vld [tilespmem:s30+$0xFFFFFFE0]  }
0x5c: {  	v3 =	vld [tilespmem:s29+$0xFFFFFE30]  }
0x5d: {  	v4 =	vld [tilespmem:s29+$0xFFFFFE70];
	v19 =	vsub.bf16 v19, v27;
	v20 =	vsub.bf16 v20, v28  }
0x5e: {  	v27 =	vld [tilespmem:s29+$0xFFFFFEB0];
	v21 =	vsub.bf16 v21, v29;
	v22 =	vsub.bf16 v22, v30  }
0x5f: {  	v28 =	vld [tilespmem:s29+$0xFFFFFEF0];
	v23 =	vsub.bf16 v23, v31;
	v24 =	vsub.bf16 v24, v32  }
0x60: {  	v29 =	vld [tilespmem:s29+$0xFFFFFF30];
	v25 =	vsub.bf16 v25, v33;
	v43 =	vsub.bf16 v35, v43  }
0x61: {  	v31 =	vld [tilespmem:s29+$0xFFFFFF70];
	v44 =	vsub.bf16 v36, v44;
	v45 =	vsub.bf16 v37, v45  }
0x62: {  	v35 =	vld [tilespmem:s29+$0xFFFFFFB0];
	v26 =	vsub.bf16 v26, v34;
	v46 =	vsub.bf16 v38, v46  }
0x63: {  	v34 =	vld [tilespmem:s29+$0xFFFFFFF0];
	v47 =	vsub.bf16 v39, v47;
	v0 =	vsub.bf16 v56, v0  }
0x64: {  	v33 =	vld [tilespmem:s30+$0xFFFFFE30];
	v1 =	vsub.bf16 v57, v1;
	v2 =	vsub.bf16 v58, v2;
	v19 =	vmax.bf16 v19, v43  }
0x65: {  	v20 =	vmax.bf16 v20, v44;
	v21 =	vmax.bf16 v21, v45;
	v43 =	vsub.bf16 v40, v48;
	v45 =	vld [tilespmem:s30+$0xFFFFFE70]  }
0x66: {  	v22 =	vmax.bf16 v22, v46;
	v44 =	vsub.bf16 v41, v49;
	v46 =	vsub.bf16 v42, v50;
	v48 =	vld [tilespmem:s30+$0xFFFFFEB0]  }
0x67: {  	v23 =	vmax.bf16 v23, v47;
	v47 =	vsub.bf16 v51, v59;
	v49 =	vsub.bf16 v52, v60;
	v50 =	vld [tilespmem:s30+$0xFFFFFEF0]  }
0x68: {  	v51 =	vsub.bf16 v53, v61;
	v52 =	vld [tilespmem:s30+$0xFFFFFF30];
	v53 =	vsub.bf16 v54, v62  }
0x69: {  	v54 =	vsub.bf16 v55, v63;
	v59 =	vld [tilespmem:s30+$0xFFFFFFB0];
	v24 =	vmax.bf16 v24, v43;
	v25 =	vmax.bf16 v25, v44  }
0x6a: {  	v60 =	vld [tilespmem:s30+$0xFFFFFFF0];
	v26 =	vmax.bf16 v26, v46;
	v19 =	vmax.bf16 v19, v47;
	v20 =	vmax.bf16 v20, v49  }
0x6b: {  	v55 =	vld [tilespmem:s30+$0xFFFFFF70];
	v21 =	vmax.bf16 v21, v51;
	v22 =	vmax.bf16 v22, v53;
	v23 =	vmax.bf16 v23, v54  }
0x6c: {  	v0 =	vmax.bf16 v24, v0;
	v1 =	vmax.bf16 v25, v1;
	v3 =	vsub.bf16 v3, v33  }
0x6d: {  	v2 =	vmax.bf16 v26, v2;
	v4 =	vsub.bf16 v4, v45;
	v61 =	vsub.bf16 v27, v48  }
0x6e: {  	v3 =	vmax.bf16 v19, v3;
	v19 =	vsub.bf16 v28, v50;
	v62 =	vsub.bf16 v29, v52  }
0x6f: {  	v63 =	vsub.bf16 v35, v59;
	v24 =	vsub.bf16 v34, v60;
	v4 =	vmax.bf16 v20, v4  }
0x70: {  	v20 =	vsub.bf16 v31, v55;
	v21 =	vmax.bf16 v21, v61;
	v19 =	vmax.bf16 v22, v19  }
0x71: {  	v23 =	vmax.bf16 v23, v62;
	v1 =	vmax.bf16 v1, v63;
	v2 =	vmax.bf16 v2, v24  }
0x72: {  	v0 =	vmax.bf16 v0, v20;
	v20 =	vshll.u32 v3, $0x10;
	v3 =	vand.u32 $0xFFFF0000, v3  }
0x73: {  	v26 =	vshll.u32 v4, $0x10;
	v4 =	vand.u32 $0xFFFF0000, v4;
	v3 =	vmax.f32 v20, v3  }
0x74: {  	v20 =	vshll.u32 v21, $0x10;
	v21 =	vand.u32 $0xFFFF0000, v21;
	(xrf0) =	vmax.scan.msk.f32 $0xffff, v3;
	v3 =	vmax.f32 v26, v4  }
0x75: {  	v4 =	vshll.u32 v19, $0x10;
	v19 =	vand.u32 $0xFFFF0000, v19;
	(xrf0) =	vmax.scan.msk.f32 $0xffff, v3;
	v3 =	vmax.f32 v20, v21  }
0x76: {  	v27 =	vand.u32 $0xFFFF0000, v23;
	v20 =	vshll.u32 v23, $0x10;
	(xrf0) =	vmax.scan.msk.f32 $0xffff, v3;
	v3 =	vmax.f32 v4, v19  }
0x77: {  	v4 =	vshll.u32 v0, $0x10;
	v0 =	vand.u32 $0xFFFF0000, v0;
	(xrf0) =	vmax.scan.msk.f32 $0xffff, v3;
	v3 =	vmax.f32 v20, v27  }
0x78: {  	v19 =	vshll.u32 v1, $0x10;
	v1 =	vand.u32 $0xFFFF0000, v1;
	v0 =	vmax.f32 v4, v0;
	(xrf0) =	vmax.scan.msk.f32 $0xffff, v3  }
0x79: {  	v28 =	vmax.f32 v19, v1;
	v3 =	vshll.u32 v2, $0x10;
	v2 =	vand.u32 $0xFFFF0000, v2;
	(xrf0) =	vmax.scan.msk.f32 $0xffff, v0  }
0x7a: {  	v30 =	vmax.f32 v3, v2;
	v29, _, _ =	vpop (xrf0);
	(xrf0) =	vmax.scan.msk.f32 $0xffff, v28  }
0x7b: {  	v31, _, _ =	vpop (xrf0);
	(xrf0) =	vmax.scan.msk.f32 $0xffff, v30;
	[tilespmem:v5+s18+$0x0] =	vst.idx.msk vm0, v29  }
0x7c: {  	v32, _, _ =	vpop (xrf0);
	[tilespmem:v6+s18+$0x0] =	vst.idx.msk vm0, v31  }
0x7d: {  	v33, _, _ =	vpop (xrf0);
	[tilespmem:v7+s18+$0x0] =	vst.idx.msk vm0, v32  }
0x7e: {  	v34, _, _ =	vpop (xrf0);
	[tilespmem:v8+s18+$0x0] =	vst.idx.msk vm0, v33  }
0x7f: {  	v35, _, _ =	vpop (xrf0);
	[tilespmem:v9+s18+$0x0] =	vst.idx.msk vm0, v34  }
0x80: {  	v36, _, _ =	vpop (xrf0);
	[tilespmem:v10+s18+$0x0] =	vst.idx.msk vm0, v35  }
0x81: {  	v37, _, _ =	vpop (xrf0);
	[tilespmem:v11+s18+$0x0] =	vst.idx.msk vm0, v36  }
0x82: {  	[tilespmem:v12+s18+$0x0] =	vst.idx.msk vm0, v37  }
0x83: {  	v0 =	vld [tilespmem:s29+$0x0]  }
0x84: {  	v1 =	vld [tilespmem:s29+$0x40]  }
0x85: {  	v2 =	vld [tilespmem:s29+$0x80]  }
0x86: {  	v3 =	vld [tilespmem:s29+$0xC0]  }
0x87: {  	v4 =	vld [tilespmem:s29+$0x100]  }
0x88: {  	v19 =	vld [tilespmem:s29+$0x140]  }
0x89: {  	v20 =	vld [tilespmem:s29+$0x180]  }
0x8a: {  	v21 =	vld [tilespmem:s29+$0x1C0]  }
0x8b: {  	v22 =	vld [tilespmem:s30+$0x0]  }
0x8c: {  	v23 =	vld [tilespmem:s30+$0x40]  }
0x8d: {  	v24 =	vld [tilespmem:s30+$0x80]  }
0x8e: {  	v25 =	vld [tilespmem:s30+$0xC0]  }
0x8f: {  	v26 =	vld [tilespmem:s30+$0x100]  }
0x90: {  	v27 =	vld [tilespmem:s30+$0x140]  }
0x91: {  	v28 =	vld [tilespmem:s30+$0x180]  }
0x92: {  	v29 =	vld [tilespmem:s30+$0x1C0]  }
0x93: {  	v30 =	vld [tilespmem:s29+$0x10]  }
0x94: {  	v31 =	vld [tilespmem:s29+$0x50]  }
0x95: {  	v32 =	vld [tilespmem:s29+$0x90]  }
0x96: {  	v33 =	vld [tilespmem:s29+$0xD0]  }
0x97: {  	v34 =	vld [tilespmem:s29+$0x110]  }
0x98: {  	v35 =	vld [tilespmem:s29+$0x150]  }
0x99: {  	v36 =	vld [tilespmem:s29+$0x190]  }
0x9a: {  	v37 =	vld [tilespmem:s29+$0x1D0]  }
0x9b: {  	v38 =	vld [tilespmem:s30+$0x10]  }
0x9c: {  	v39 =	vld [tilespmem:s30+$0x50]  }
0x9d: {  	v40 =	vld [tilespmem:s30+$0x90]  }
0x9e: {  	v41 =	vld [tilespmem:s30+$0xD0]  }
0x9f: {  	v42 =	vld [tilespmem:s30+$0x110]  }
0xa0: {  	v43 =	vld [tilespmem:s30+$0x150]  }
0xa1: {  	v44 =	vld [tilespmem:s30+$0x190]  }
0xa2: {  	v45 =	vld [tilespmem:s30+$0x1D0]  }
0xa3: {  	v46 =	vld [tilespmem:s29+$0x20]  }
0xa4: {  	v47 =	vld [tilespmem:s29+$0x60]  }
0xa5: {  	v48 =	vld [tilespmem:s29+$0xA0]  }
0xa6: {  	v49 =	vld [tilespmem:s29+$0xE0]  }
0xa7: {  	v50 =	vld [tilespmem:s29+$0x120]  }
0xa8: {  	v51 =	vld [tilespmem:s29+$0x160]  }
0xa9: {  	v52 =	vld [tilespmem:s29+$0x1A0]  }
0xaa: {  	v53 =	vld [tilespmem:s29+$0x1E0]  }
0xab: {  	v54 =	vld [tilespmem:s30+$0x20]  }
0xac: {  	v55 =	vld [tilespmem:s30+$0x60]  }
0xad: {  	v56 =	vld [tilespmem:s30+$0xA0]  }
0xae: {  	v57 =	vld [tilespmem:s30+$0xE0]  }
0xaf: {  	v58 =	vld [tilespmem:s30+$0x120]  }
0xb0: {  	v59 =	vld [tilespmem:s30+$0x160]  }
0xb1: {  	v60 =	vld [tilespmem:s30+$0x1A0]  }
0xb2: {  	v61 =	vld [tilespmem:s30+$0x1E0]  }
0xb3: {  	v62 =	vld [tilespmem:s29+$0x30]  }
0xb4: {  	v63 =	vld [tilespmem:s29+$0x70];
	v0 =	vsub.bf16 v0, v22  }
0xb5: {  	v1 =	vsub.bf16 v1, v23;
	v22 =	vld [tilespmem:s29+$0xB0];
	v2 =	vsub.bf16 v2, v24  }
0xb6: {  	v3 =	vsub.bf16 v3, v25;
	v23 =	vld [tilespmem:s29+$0xF0];
	v4 =	vsub.bf16 v4, v26  }
0xb7: {  	v19 =	vsub.bf16 v19, v27;
	v24 =	vld [tilespmem:s29+$0x130];
	v20 =	vsub.bf16 v20, v28  }
0xb8: {  	v38 =	vsub.bf16 v30, v38;
	v26 =	vld [tilespmem:s29+$0x170];
	v39 =	vsub.bf16 v31, v39  }
0xb9: {  	v40 =	vsub.bf16 v32, v40;
	v30 =	vld [tilespmem:s29+$0x1B0];
	v21 =	vsub.bf16 v21, v29  }
0xba: {  	v33 =	vsub.bf16 v33, v41;
	v29 =	vld [tilespmem:s29+$0x1F0];
	v49 =	vsub.bf16 v49, v57  }
0xbb: {  	v28 =	vld [tilespmem:s30+$0x30];
	v50 =	vsub.bf16 v50, v58;
	v58 =	vsub.bf16 v53, v61;
	v0 =	vmax.bf16 v0, v38  }
0xbc: {  	v41 =	vld [tilespmem:s30+$0x70];
	v1 =	vmax.bf16 v1, v39;
	v38 =	vsub.bf16 v34, v42;
	v39 =	vsub.bf16 v35, v43  }
0xbd: {  	v57 =	vld [tilespmem:s30+$0x1B0];
	v2 =	vmax.bf16 v2, v40;
	v40 =	vsub.bf16 v36, v44;
	v42 =	vsub.bf16 v37, v45  }
0xbe: {  	v61 =	vimm.s32 $0x8;
	v43 =	vsub.bf16 v46, v54;
	v44 =	vld [tilespmem:s30+$0xB0];
	v45 =	vsub.bf16 v47, v55  }
0xbf: {  	v3 =	vmax.bf16 v3, v33;
	v46 =	vld [tilespmem:s30+$0xF0];
	v47 =	vsub.bf16 v48, v56;
	v55 =	vsub.bf16 v51, v59  }
0xc0: {  	v48 =	vld [tilespmem:s30+$0x130];
	v56 =	vsub.bf16 v52, v60;
	v3 =	vmax.bf16 v3, v49;
	v4 =	vmax.bf16 v4, v38  }
0xc1: {  	v54 =	vld [tilespmem:s30+$0x170];
	v19 =	vmax.bf16 v19, v39;
	v20 =	vmax.bf16 v20, v40;
	v21 =	vmax.bf16 v21, v42  }
0xc2: {  	v59 =	vld [tilespmem:s30+$0x1F0];
	v0 =	vmax.bf16 v0, v43;
	v1 =	vmax.bf16 v1, v45;
	v2 =	vmax.bf16 v2, v47  }
0xc3: {  	v4 =	vmax.bf16 v4, v50;
	v19 =	vmax.bf16 v19, v55;
	v20 =	vmax.bf16 v20, v56  }
0xc4: {  	v60 =	vsub.bf16 v62, v28;
	v21 =	vmax.bf16 v21, v58;
	v62 =	vsub.bf16 v63, v41  }
0xc5: {  	v63 =	vimm.s32 $0x9;
	v36 =	vsub.bf16 v30, v57;
	v22 =	vsub.bf16 v22, v44  }
0xc6: {  	v0 =	vmax.bf16 v0, v60;
	v23 =	vsub.bf16 v23, v46;
	v24 =	vsub.bf16 v24, v48  }
0xc7: {  	v1 =	vmax.bf16 v1, v62;
	v34 =	vsub.bf16 v26, v54;
	v37 =	vsub.bf16 v29, v59  }
0xc8: {  	v20 =	vmax.bf16 v20, v36;
	v38 =	vshll.u32 v0, $0x10;
	v0 =	vand.u32 $0xFFFF0000, v0  }
0xc9: {  	v39 =	vshll.u32 v1, $0x10;
	v1 =	vand.u32 $0xFFFF0000, v1;
	v48 =	vshll.u32 v20, $0x10  }
0xca: {  	v2 =	vmax.bf16 v2, v22;
	v3 =	vmax.bf16 v3, v23;
	v4 =	vmax.bf16 v4, v24  }
0xcb: {  	v19 =	vmax.bf16 v19, v34;
	v21 =	vmax.bf16 v21, v37;
	v0 =	vmax.f32 v38, v0  }
0xcc: {  	v41 =	vmax.f32 v39, v1;
	v40 =	vshll.u32 v2, $0x10;
	v2 =	vand.u32 $0xFFFF0000, v2  }
0xcd: {  	(xrf0) =	vmax.scan.msk.f32 $0xffff, v0;
	v42 =	vshll.u32 v3, $0x10;
	v3 =	vand.u32 $0xFFFF0000, v3;
	v44 =	vshll.u32 v4, $0x10  }
0xce: {  	v4 =	vand.u32 $0xFFFF0000, v4;
	v46 =	vshll.u32 v19, $0x10;
	(xrf0) =	vmax.scan.msk.f32 $0xffff, v41;
	v43 =	vmax.f32 v40, v2  }
0xcf: {  	v50 =	vshll.u32 v21, $0x10;
	v45 =	vmax.f32 v42, v3;
	v3 =	vand.u32 $0xFFFF0000, v19;
	(xrf0) =	vmax.scan.msk.f32 $0xffff, v43  }
0xd0: {  	v47 =	vmax.f32 v44, v4;
	v49 =	vmax.f32 v46, v3;
	v3 =	vand.u32 $0xFFFF0000, v21;
	(xrf0) =	vmax.scan.msk.f32 $0xffff, v45  }
0xd1: {  	v4 =	vand.u32 $0xFFFF0000, v20;
	v53 =	vmax.f32 v50, v3;
	v3 =	vimm.s32 $0xA;
	(xrf0) =	vmax.scan.msk.f32 $0xffff, v47  }
0xd2: {  	v57 =	vimm.s32 $0xB;
	v51 =	vmax.f32 v48, v4;
	(xrf0) =	vmax.scan.msk.f32 $0xffff, v49  }
0xd3: {  	v52, _, _ =	vpop (xrf0);
	(xrf0) =	vmax.scan.msk.f32 $0xffff, v51  }
0xd4: {  	v54, _, _ =	vpop (xrf0);
	(xrf0) =	vmax.scan.msk.f32 $0xffff, v53;
	[tilespmem:v61+s18+$0x0] =	vst.idx.msk vm0, v52  }
0xd5: {  	v55, _, _ =	vpop (xrf0);
	[tilespmem:v63+s18+$0x0] =	vst.idx.msk vm0, v54  }
0xd6: {  	v56, _, _ =	vpop (xrf0);
	[tilespmem:v3+s18+$0x0] =	vst.idx.msk vm0, v55  }
0xd7: {  	v58, _, _ =	vpop (xrf0);
	[tilespmem:v57+s18+$0x0] =	vst.idx.msk vm0, v56  }
0xd8: {  	v59, _, _ =	vpop (xrf0);
	[tilespmem:v13+s18+$0x0] =	vst.idx.msk vm0, v58  }
0xd9: {  	v60, _, _ =	vpop (xrf0);
	[tilespmem:v14+s18+$0x0] =	vst.idx.msk vm0, v59  }
0xda: {  	v61, _, _ =	vpop (xrf0);
	[tilespmem:v15+s18+$0x0] =	vst.idx.msk vm0, v60  }
0xdb: {  	s1 =	sshra.s32 s31, $0x2;
	[tilespmem:v16+s18+$0x0] =	vst.idx.msk vm0, v61  }
0xdc: {  	v0 =	vld.idx.msk [tilespmem:v17+s1+$0x0 ss:$0x1], $0xffff;
	_ =	sdelay $0x4  }
0xdd: {  	(erf) = vrcp.f32 v0;
	_ =	sdelay $0x3  }
0xde: {  	v62 =	vld.idx.msk [tilespmem:v18+s1+$0x0 ss:$0x1], $0xffff  }
0xdf: {  	v1 =	vld [tilespmem:$0xEC40];
	_ =	sdelay $0x1  }
0xe0: {  	p0 =	sne.s32 s31, $0x100  }
.Ltmp1:
0xe1: {  	_ = 	snop;
	(pc) =	sbr.rel @p0 .LBB2_5-.Ltmp1, $3  }
0xe2: {  	v63 =	vpop (erf)  }
0xe3: {  	v1 =	vmul.f32 v63, v1;
	_ =	sdelay $0x1  }
0xe4: {  	s31 =	sadd.s32 $0x40, s31;
	s29 =	sadd.s32 $0x400, s29;
	s30 =	sadd.s32 $0x400, s30;
	[tilespmem:v62+s19+$0x0] =	vst.idx.add.f32.msk $0xffff, v1  }
0xe5: {  	s1 =	sadd.s32 $0xA0, s28  }
0xe6: {  	[tilespmem:s13], [sflag:$0x1] =	stream.indirect.gather [hbm4b:s3+s12], $0x40, s1, s12, $0xb8;
	[tilespmem:$0xEC50] =	vst v63  }
0xe7: {  	s31 =	sadd.s32 $0x27B0, s28  }
0xe8: {  	[tilespmem:s14], [sflag:$0x1] =	stream.indirect.gather [hbm4b:s3+s12], $0x40, s31, s12, $0xb8;
	[tilespmem:$0xEC50] =	vst v63  }
0xe9: {  	_ =	swait.ge [sflag:s20], $0x1400  }
0xea: {  	[sflag:s20] =	ssyncset.done $0x0  }
0xeb: {  	[sflag:s20] =	ssyncadd.s32 $0xFFFFEC00  }
0xec: {  	_ =	swait.ge [sflag:s20], $0x1400  }
0xed: {  	s28 =	simm.s32 $0x0;
	[sflag:s20] =	ssyncset.done $0x0  }
0xee: {  	s29 =	simm.s32 $0x9F30;
	s30 =	simm.s32 $0xB330;
	v17 =	vmov s26;
	v18 =	vmov s25;
	[sflag:s20] =	ssyncadd.s32 $0xFFFFEC00  }
.LBB2_7:
0xef: {  	v0 =	vld [tilespmem:s29+$0xFFFFFE00]  }
0xf0: {  	v1 =	vld [tilespmem:s29+$0xFFFFFE40]  }
0xf1: {  	v2 =	vld [tilespmem:s29+$0xFFFFFE80]  }
0xf2: {  	v3 =	vld [tilespmem:s29+$0xFFFFFEC0]  }
0xf3: {  	v4 =	vld [tilespmem:s29+$0xFFFFFF00]  }
0xf4: {  	v19 =	vld [tilespmem:s29+$0xFFFFFF40]  }
0xf5: {  	v20 =	vld [tilespmem:s29+$0xFFFFFF80]  }
0xf6: {  	v21 =	vld [tilespmem:s29+$0xFFFFFFC0]  }
0xf7: {  	v22 =	vld [tilespmem:s30+$0xFFFFFE00]  }
0xf8: {  	v23 =	vld [tilespmem:s30+$0xFFFFFE40]  }
0xf9: {  	v24 =	vld [tilespmem:s30+$0xFFFFFE80]  }
0xfa: {  	v25 =	vld [tilespmem:s30+$0xFFFFFEC0]  }
0xfb: {  	v26 =	vld [tilespmem:s30+$0xFFFFFF00]  }
0xfc: {  	v27 =	vld [tilespmem:s30+$0xFFFFFF40]  }
0xfd: {  	v28 =	vld [tilespmem:s30+$0xFFFFFF80]  }
0xfe: {  	v29 =	vld [tilespmem:s30+$0xFFFFFFC0]  }
0xff: {  	v30 =	vld [tilespmem:s29+$0xFFFFFE10]  }
0x100: {  	v31 =	vld [tilespmem:s29+$0xFFFFFE50]  }
0x101: {  	v32 =	vld [tilespmem:s29+$0xFFFFFE90]  }
0x102: {  	v33 =	vld [tilespmem:s29+$0xFFFFFED0]  }
0x103: {  	v34 =	vld [tilespmem:s29+$0xFFFFFF10]  }
0x104: {  	v35 =	vld [tilespmem:s29+$0xFFFFFF50]  }
0x105: {  	v36 =	vld [tilespmem:s29+$0xFFFFFF90]  }
0x106: {  	v37 =	vld [tilespmem:s29+$0xFFFFFFD0]  }
0x107: {  	v38 =	vld [tilespmem:s30+$0xFFFFFE10]  }
0x108: {  	v39 =	vld [tilespmem:s30+$0xFFFFFE50]  }
0x109: {  	v40 =	vld [tilespmem:s30+$0xFFFFFE90]  }
0x10a: {  	v41 =	vld [tilespmem:s30+$0xFFFFFED0]  }
0x10b: {  	v42 =	vld [tilespmem:s30+$0xFFFFFF10]  }
0x10c: {  	v43 =	vld [tilespmem:s30+$0xFFFFFF50]  }
0x10d: {  	v44 =	vld [tilespmem:s30+$0xFFFFFF90]  }
0x10e: {  	v45 =	vld [tilespmem:s30+$0xFFFFFFD0]  }
0x10f: {  	v46 =	vld [tilespmem:s29+$0xFFFFFE20]  }
0x110: {  	v47 =	vld [tilespmem:s29+$0xFFFFFE60]  }
0x111: {  	v48 =	vld [tilespmem:s29+$0xFFFFFEA0]  }
0x112: {  	v49 =	vld [tilespmem:s29+$0xFFFFFEE0]  }
0x113: {  	v50 =	vld [tilespmem:s29+$0xFFFFFF20]  }
0x114: {  	v51 =	vld [tilespmem:s29+$0xFFFFFF60]  }
0x115: {  	v52 =	vld [tilespmem:s29+$0xFFFFFFA0]  }
0x116: {  	v53 =	vld [tilespmem:s29+$0xFFFFFFE0]  }
0x117: {  	v54 =	vld [tilespmem:s30+$0xFFFFFE20]  }
0x118: {  	v55 =	vld [tilespmem:s30+$0xFFFFFE60]  }
0x119: {  	v56 =	vld [tilespmem:s30+$0xFFFFFEA0]  }
0x11a: {  	v57 =	vld [tilespmem:s30+$0xFFFFFEE0]  }
0x11b: {  	v58 =	vld [tilespmem:s30+$0xFFFFFF20]  }
0x11c: {  	v59 =	vld [tilespmem:s30+$0xFFFFFF60]  }
0x11d: {  	v60 =	vld [tilespmem:s30+$0xFFFFFFA0]  }
0x11e: {  	v61 =	vld [tilespmem:s30+$0xFFFFFFE0]  }
0x11f: {  	v62 =	vld [tilespmem:s29+$0xFFFFFE30]  }
0x120: {  	v63 =	vld [tilespmem:s29+$0xFFFFFE70];
	v0 =	vsub.bf16 v0, v22;
	v1 =	vsub.bf16 v1, v23  }
0x121: {  	v22 =	vld [tilespmem:s29+$0xFFFFFEB0];
	v2 =	vsub.bf16 v2, v24;
	v3 =	vsub.bf16 v3, v25  }
0x122: {  	v23 =	vld [tilespmem:s29+$0xFFFFFEF0];
	v4 =	vsub.bf16 v4, v26;
	v19 =	vsub.bf16 v19, v27  }
0x123: {  	v24 =	vld [tilespmem:s29+$0xFFFFFF30];
	v20 =	vsub.bf16 v20, v28;
	v38 =	vsub.bf16 v30, v38  }
0x124: {  	v26 =	vld [tilespmem:s29+$0xFFFFFF70];
	v39 =	vsub.bf16 v31, v39;
	v40 =	vsub.bf16 v32, v40  }
0x125: {  	v30 =	vld [tilespmem:s29+$0xFFFFFFB0];
	v21 =	vsub.bf16 v21, v29;
	v41 =	vsub.bf16 v33, v41  }
0x126: {  	v29 =	vld [tilespmem:s29+$0xFFFFFFF0];
	v42 =	vsub.bf16 v34, v42;
	v43 =	vsub.bf16 v35, v43  }
0x127: {  	v28 =	vld [tilespmem:s30+$0xFFFFFE30];
	v44 =	vsub.bf16 v36, v44;
	v45 =	vsub.bf16 v37, v45  }
0x128: {  	v32 =	vld [tilespmem:s30+$0xFFFFFE70];
	v46 =	vsub.bf16 v46, v54;
	v0 =	vmax.bf16 v0, v38;
	v2 =	vmax.bf16 v2, v40  }
0x129: {  	v54 =	vld [tilespmem:s30+$0xFFFFFEB0];
	v3 =	vmax.bf16 v3, v41;
	v4 =	vmax.bf16 v4, v42;
	v19 =	vmax.bf16 v19, v43  }
0x12a: {  	v20 =	vmax.bf16 v20, v44;
	v40 =	vsub.bf16 v47, v55;
	v41 =	vld [tilespmem:s30+$0xFFFFFEF0];
	v42 =	vsub.bf16 v48, v56  }
0x12b: {  	v21 =	vmax.bf16 v21, v45;
	v43 =	vld [tilespmem:s30+$0xFFFFFF30];
	v44 =	vsub.bf16 v49, v57;
	v45 =	vsub.bf16 v50, v58  }
0x12c: {  	v1 =	vmax.bf16 v1, v39;
	v47 =	vsub.bf16 v51, v59;
	v48 =	vsub.bf16 v52, v60;
	v49 =	vld [tilespmem:s30+$0xFFFFFFB0]  }
0x12d: {  	v50 =	vsub.bf16 v53, v61;
	v51 =	vld [tilespmem:s30+$0xFFFFFFF0];
	v0 =	vmax.bf16 v0, v46;
	v1 =	vmax.bf16 v1, v40  }
0x12e: {  	v46 =	vld [tilespmem:s30+$0xFFFFFF70];
	v2 =	vmax.bf16 v2, v42;
	v3 =	vmax.bf16 v3, v44;
	v4 =	vmax.bf16 v4, v45  }
0x12f: {  	v19 =	vmax.bf16 v19, v47;
	v20 =	vmax.bf16 v20, v48;
	v52 =	vsub.bf16 v62, v28  }
0x130: {  	v21 =	vmax.bf16 v21, v50;
	v53 =	vsub.bf16 v63, v32;
	v22 =	vsub.bf16 v22, v54  }
0x131: {  	v0 =	vmax.bf16 v0, v52;
	v23 =	vsub.bf16 v23, v41;
	v24 =	vsub.bf16 v24, v43  }
0x132: {  	v1 =	vmax.bf16 v1, v53;
	v55 =	vsub.bf16 v30, v49;
	v2 =	vmax.bf16 v2, v22  }
0x133: {  	v56 =	vsub.bf16 v29, v51;
	v54 =	vsub.bf16 v26, v46;
	v57 =	vshll.u32 v0, $0x10  }
0x134: {  	v0 =	vand.u32 $0xFFFF0000, v0;
	v58 =	vshll.u32 v1, $0x10;
	v1 =	vand.u32 $0xFFFF0000, v1  }
0x135: {  	v59 =	vshll.u32 v2, $0x10;
	v2 =	vand.u32 $0xFFFF0000, v2;
	v3 =	vmax.bf16 v3, v23  }
0x136: {  	v4 =	vmax.bf16 v4, v24;
	v20 =	vmax.bf16 v20, v55;
	v0 =	vmax.f32 v57, v0  }
0x137: {  	v21 =	vmax.bf16 v21, v56;
	v60 =	vmax.f32 v58, v1;
	v62 =	vmax.f32 v59, v2;
	(xrf0) =	vmax.scan.msk.f32 $0xffff, v0  }
0x138: {  	v19 =	vmax.bf16 v19, v54;
	v61 =	vshll.u32 v3, $0x10;
	v3 =	vand.u32 $0xFFFF0000, v3;
	(xrf0) =	vmax.scan.msk.f32 $0xffff, v60  }
0x139: {  	v63 =	vshll.u32 v4, $0x10;
	v4 =	vand.u32 $0xFFFF0000, v4;
	v22 =	vmax.f32 v61, v3;
	(xrf0) =	vmax.scan.msk.f32 $0xffff, v62  }
0x13a: {  	v23 =	vshll.u32 v19, $0x10;
	v3 =	vand.u32 $0xFFFF0000, v19;
	v24 =	vmax.f32 v63, v4;
	(xrf0) =	vmax.scan.msk.f32 $0xffff, v22  }
0x13b: {  	v25 =	vshll.u32 v20, $0x10;
	v4 =	vand.u32 $0xFFFF0000, v20;
	v26 =	vmax.f32 v23, v3;
	(xrf0) =	vmax.scan.msk.f32 $0xffff, v24  }
0x13c: {  	v27 =	vshll.u32 v21, $0x10;
	v3 =	vand.u32 $0xFFFF0000, v21;
	v28 =	vmax.f32 v25, v4;
	(xrf0) =	vmax.scan.msk.f32 $0xffff, v26  }
0x13d: {  	v30 =	vmax.f32 v27, v3;
	v29, _, _ =	vpop (xrf0);
	(xrf0) =	vmax.scan.msk.f32 $0xffff, v28  }
0x13e: {  	v31, _, _ =	vpop (xrf0);
	(xrf0) =	vmax.scan.msk.f32 $0xffff, v30;
	[tilespmem:v5+s18+$0x0] =	vst.idx.msk vm0, v29  }
0x13f: {  	v32, _, _ =	vpop (xrf0);
	[tilespmem:v6+s18+$0x0] =	vst.idx.msk vm0, v31  }
0x140: {  	v33, _, _ =	vpop (xrf0);
	[tilespmem:v7+s18+$0x0] =	vst.idx.msk vm0, v32  }
0x141: {  	v34, _, _ =	vpop (xrf0);
	[tilespmem:v8+s18+$0x0] =	vst.idx.msk vm0, v33  }
0x142: {  	v35, _, _ =	vpop (xrf0);
	[tilespmem:v9+s18+$0x0] =	vst.idx.msk vm0, v34  }
0x143: {  	v36, _, _ =	vpop (xrf0);
	[tilespmem:v10+s18+$0x0] =	vst.idx.msk vm0, v35  }
0x144: {  	v37, _, _ =	vpop (xrf0);
	[tilespmem:v11+s18+$0x0] =	vst.idx.msk vm0, v36  }
0x145: {  	[tilespmem:v12+s18+$0x0] =	vst.idx.msk vm0, v37  }
0x146: {  	v0 =	vld [tilespmem:s29+$0x0]  }
0x147: {  	v1 =	vld [tilespmem:s29+$0x40]  }
0x148: {  	v2 =	vld [tilespmem:s29+$0x80]  }
0x149: {  	v3 =	vld [tilespmem:s29+$0xC0]  }
0x14a: {  	v4 =	vld [tilespmem:s29+$0x100]  }
0x14b: {  	v19 =	vld [tilespmem:s29+$0x140]  }
0x14c: {  	v20 =	vld [tilespmem:s29+$0x180]  }
0x14d: {  	v21 =	vld [tilespmem:s29+$0x1C0]  }
0x14e: {  	v22 =	vld [tilespmem:s30+$0x0]  }
0x14f: {  	v23 =	vld [tilespmem:s30+$0x40]  }
0x150: {  	v24 =	vld [tilespmem:s30+$0x80]  }
0x151: {  	v25 =	vld [tilespmem:s30+$0xC0]  }
0x152: {  	v26 =	vld [tilespmem:s30+$0x100]  }
0x153: {  	v27 =	vld [tilespmem:s30+$0x140]  }
0x154: {  	v28 =	vld [tilespmem:s30+$0x180]  }
0x155: {  	v29 =	vld [tilespmem:s30+$0x1C0]  }
0x156: {  	v30 =	vld [tilespmem:s29+$0x10]  }
0x157: {  	v31 =	vld [tilespmem:s29+$0x50]  }
0x158: {  	v32 =	vld [tilespmem:s29+$0x90]  }
0x159: {  	v33 =	vld [tilespmem:s29+$0xD0]  }
0x15a: {  	v34 =	vld [tilespmem:s29+$0x110]  }
0x15b: {  	v35 =	vld [tilespmem:s29+$0x150]  }
0x15c: {  	v36 =	vld [tilespmem:s29+$0x190]  }
0x15d: {  	v37 =	vld [tilespmem:s29+$0x1D0]  }
0x15e: {  	v38 =	vld [tilespmem:s30+$0x10]  }
0x15f: {  	v39 =	vld [tilespmem:s30+$0x50]  }
0x160: {  	v40 =	vld [tilespmem:s30+$0x90]  }
0x161: {  	v41 =	vld [tilespmem:s30+$0xD0]  }
0x162: {  	v42 =	vld [tilespmem:s30+$0x110]  }
0x163: {  	v43 =	vld [tilespmem:s30+$0x150]  }
0x164: {  	v44 =	vld [tilespmem:s30+$0x190]  }
0x165: {  	v45 =	vld [tilespmem:s30+$0x1D0]  }
0x166: {  	v46 =	vld [tilespmem:s29+$0x20]  }
0x167: {  	v47 =	vld [tilespmem:s29+$0x60]  }
0x168: {  	v48 =	vld [tilespmem:s29+$0xA0]  }
0x169: {  	v49 =	vld [tilespmem:s29+$0xE0]  }
0x16a: {  	v50 =	vld [tilespmem:s29+$0x120]  }
0x16b: {  	v51 =	vld [tilespmem:s29+$0x160]  }
0x16c: {  	v52 =	vld [tilespmem:s29+$0x1A0]  }
0x16d: {  	v53 =	vld [tilespmem:s29+$0x1E0]  }
0x16e: {  	v54 =	vld [tilespmem:s30+$0x20]  }
0x16f: {  	v55 =	vld [tilespmem:s30+$0x60]  }
0x170: {  	v56 =	vld [tilespmem:s30+$0xA0]  }
0x171: {  	v57 =	vld [tilespmem:s30+$0xE0]  }
0x172: {  	v58 =	vld [tilespmem:s30+$0x120]  }
0x173: {  	v59 =	vld [tilespmem:s30+$0x160]  }
0x174: {  	v60 =	vld [tilespmem:s30+$0x1A0]  }
0x175: {  	v61 =	vld [tilespmem:s30+$0x1E0]  }
0x176: {  	v62 =	vld [tilespmem:s29+$0x30];
	v0 =	vsub.bf16 v0, v22  }
0x177: {  	v63 =	vld [tilespmem:s29+$0x70];
	v1 =	vsub.bf16 v1, v23;
	v2 =	vsub.bf16 v2, v24  }
0x178: {  	v22 =	vld [tilespmem:s29+$0xB0];
	v3 =	vsub.bf16 v3, v25;
	v4 =	vsub.bf16 v4, v26  }
0x179: {  	v23 =	vld [tilespmem:s29+$0xF0];
	v19 =	vsub.bf16 v19, v27;
	v20 =	vsub.bf16 v20, v28  }
0x17a: {  	v24 =	vld [tilespmem:s29+$0x130];
	v38 =	vsub.bf16 v30, v38;
	v39 =	vsub.bf16 v31, v39  }
0x17b: {  	v26 =	vld [tilespmem:s29+$0x170];
	v40 =	vsub.bf16 v32, v40;
	v21 =	vsub.bf16 v21, v29  }
0x17c: {  	v30 =	vld [tilespmem:s29+$0x1B0];
	v41 =	vsub.bf16 v33, v41;
	v42 =	vsub.bf16 v34, v42  }
0x17d: {  	v29 =	vld [tilespmem:s29+$0x1F0];
	v0 =	vmax.bf16 v0, v38;
	v1 =	vmax.bf16 v1, v39;
	v2 =	vmax.bf16 v2, v40  }
0x17e: {  	v28 =	vld [tilespmem:s30+$0x30];
	v3 =	vmax.bf16 v3, v41;
	v38 =	vsub.bf16 v35, v43;
	v39 =	vsub.bf16 v36, v44  }
0x17f: {  	v40 =	vld [tilespmem:s30+$0x70];
	v4 =	vmax.bf16 v4, v42;
	v41 =	vsub.bf16 v37, v45;
	v42 =	vsub.bf16 v46, v54  }
0x180: {  	v43 =	vld [tilespmem:s30+$0xB0];
	v44 =	vsub.bf16 v47, v55;
	v46 =	vsub.bf16 v48, v56  }
0x181: {  	v45 =	vld [tilespmem:s30+$0xF0];
	v48 =	vsub.bf16 v49, v57;
	v49 =	vsub.bf16 v50, v58  }
0x182: {  	v47 =	vld [tilespmem:s30+$0x130];
	v54 =	vsub.bf16 v51, v59;
	v55 =	vsub.bf16 v52, v60  }
0x183: {  	v50 =	vld [tilespmem:s30+$0x170];
	v57 =	vsub.bf16 v53, v61;
	v19 =	vmax.bf16 v19, v38;
	v20 =	vmax.bf16 v20, v39  }
0x184: {  	v56 =	vld [tilespmem:s30+$0x1B0];
	v21 =	vmax.bf16 v21, v41;
	v0 =	vmax.bf16 v0, v42;
	v1 =	vmax.bf16 v1, v44  }
0x185: {  	v58 =	vld [tilespmem:s30+$0x1F0];
	v2 =	vmax.bf16 v2, v46;
	v3 =	vmax.bf16 v3, v48;
	v4 =	vmax.bf16 v4, v49  }
0x186: {  	v19 =	vmax.bf16 v19, v54;
	v20 =	vmax.bf16 v20, v55;
	v59 =	vsub.bf16 v62, v28  }
0x187: {  	v62 =	vimm.s32 $0x8;
	v21 =	vmax.bf16 v21, v57;
	v32 =	vsub.bf16 v63, v40  }
0x188: {  	v63 =	vimm.s32 $0x9;
	v22 =	vsub.bf16 v22, v43;
	v23 =	vsub.bf16 v23, v45  }
0x189: {  	v0 =	vmax.bf16 v0, v59;
	v24 =	vsub.bf16 v24, v47;
	v33 =	vsub.bf16 v26, v50  }
0x18a: {  	v34 =	vsub.bf16 v30, v56;
	v35 =	vsub.bf16 v29, v58;
	v36 =	vshll.u32 v0, $0x10  }
0x18b: {  	v0 =	vand.u32 $0xFFFF0000, v0;
	v1 =	vmax.bf16 v1, v32;
	v2 =	vmax.bf16 v2, v22  }
0x18c: {  	v3 =	vmax.bf16 v3, v23;
	v4 =	vmax.bf16 v4, v24;
	v19 =	vmax.bf16 v19, v33  }
0x18d: {  	v20 =	vmax.bf16 v20, v34;
	v21 =	vmax.bf16 v21, v35;
	v0 =	vmax.f32 v36, v0  }
0x18e: {  	v37 =	vshll.u32 v1, $0x10;
	v1 =	vand.u32 $0xFFFF0000, v1;
	v38 =	vshll.u32 v2, $0x10  }
0x18f: {  	v2 =	vand.u32 $0xFFFF0000, v2;
	v40 =	vshll.u32 v3, $0x10;
	v3 =	vand.u32 $0xFFFF0000, v3  }
0x190: {  	(xrf0) =	vmax.scan.msk.f32 $0xffff, v0;
	v42 =	vshll.u32 v4, $0x10;
	v4 =	vand.u32 $0xFFFF0000, v4;
	v39 =	vmax.f32 v37, v1  }
0x191: {  	v44 =	vshll.u32 v19, $0x10;
	v46 =	vshll.u32 v20, $0x10;
	v41 =	vmax.f32 v38, v2;
	(xrf0) =	vmax.scan.msk.f32 $0xffff, v39  }
0x192: {  	v48 =	vshll.u32 v21, $0x10;
	v43 =	vmax.f32 v40, v3;
	v3 =	vand.u32 $0xFFFF0000, v19;
	(xrf0) =	vmax.scan.msk.f32 $0xffff, v41  }
0x193: {  	v45 =	vmax.f32 v42, v4;
	v47 =	vmax.f32 v44, v3;
	v3 =	vand.u32 $0xFFFF0000, v21;
	(xrf0) =	vmax.scan.msk.f32 $0xffff, v43  }
0x194: {  	v4 =	vand.u32 $0xFFFF0000, v20;
	v51 =	vmax.f32 v48, v3;
	v3 =	vimm.s32 $0xA;
	(xrf0) =	vmax.scan.msk.f32 $0xffff, v45  }
0x195: {  	v55 =	vimm.s32 $0xB;
	v49 =	vmax.f32 v46, v4;
	(xrf0) =	vmax.scan.msk.f32 $0xffff, v47  }
0x196: {  	v50, _, _ =	vpop (xrf0);
	(xrf0) =	vmax.scan.msk.f32 $0xffff, v49  }
0x197: {  	[tilespmem:v62+s18+$0x0] =	vst.idx.msk vm0, v50;
	v52, _, _ =	vpop (xrf0);
	(xrf0) =	vmax.scan.msk.f32 $0xffff, v51  }
0x198: {  	v53, _, _ =	vpop (xrf0);
	[tilespmem:v63+s18+$0x0] =	vst.idx.msk vm0, v52  }
0x199: {  	v54, _, _ =	vpop (xrf0);
	[tilespmem:v3+s18+$0x0] =	vst.idx.msk vm0, v53  }
0x19a: {  	v56, _, _ =	vpop (xrf0);
	[tilespmem:v55+s18+$0x0] =	vst.idx.msk vm0, v54  }
0x19b: {  	v57, _, _ =	vpop (xrf0);
	[tilespmem:v13+s18+$0x0] =	vst.idx.msk vm0, v56  }
0x19c: {  	v58, _, _ =	vpop (xrf0);
	[tilespmem:v14+s18+$0x0] =	vst.idx.msk vm0, v57  }
0x19d: {  	v59, _, _ =	vpop (xrf0);
	[tilespmem:v15+s18+$0x0] =	vst.idx.msk vm0, v58  }
0x19e: {  	s1 =	sshra.s32 s28, $0x2;
	[tilespmem:v16+s18+$0x0] =	vst.idx.msk vm0, v59  }
0x19f: {  	v0 =	vld.idx.msk [tilespmem:v17+s1+$0x0 ss:$0x1], $0xffff;
	_ =	sdelay $0x4  }
0x1a0: {  	(erf) = vrcp.f32 v0;
	_ =	sdelay $0x3  }
0x1a1: {  	v60 =	vld.idx.msk [tilespmem:v18+s1+$0x0 ss:$0x1], $0xffff  }
0x1a2: {  	v1 =	vld [tilespmem:$0xEC40];
	_ =	sdelay $0x1  }
0x1a3: {  	p0 =	sne.s32 s28, $0x100  }
.Ltmp2:
0x1a4: {  	_ = 	snop;
	(pc) =	sbr.rel @p0 .LBB2_7-.Ltmp2, $3  }
0x1a5: {  	v61 =	vpop (erf)  }
0x1a6: {  	v1 =	vmul.f32 v61, v1;
	_ =	sdelay $0x1  }
0x1a7: {  	s28 =	sadd.s32 $0x40, s28;
	s29 =	sadd.s32 $0x400, s29;
	s30 =	sadd.s32 $0x400, s30;
	[tilespmem:v60+s19+$0x0] =	vst.idx.add.f32.msk $0xffff, v1  }
0x1a8: {  	s22 =	sadd.s32 $0x1, s22  }
0x1a9: {  	p0 =	sne.s32 s22, $0x3E  }
.Ltmp3:
0x1aa: {  	_ = 	snop;
	(pc) =	sbr.rel @p0 .LBB2_4-.Ltmp3, $3  }
0x1ab: {  	_ =	sdelay $0x1  }
0x1ac: {  	s23 =	sadd.s32 $0xA0, s23  }
0x1ad: {  	s24 =	sadd.s32 $0xA0, s24;
	s25 =	sadd.s32 $0xA0, s25;
	s26 =	sadd.s32 $0xA0, s26  }
0x1ae: {  	_ =	swait.ge [sflag:s17], $0x1400  }
0x1af: {  	[sflag:s17] =	ssyncset.done $0x0  }
0x1b0: {  	[sflag:s17] =	ssyncadd.s32 $0xFFFFEC00  }
0x1b1: {  	v5 =	vimm.s32 $0x0;
	v6 =	vimm.s32 $0x1;
	_ =	swait.ge [sflag:s17], $0x1400  }
0x1b2: {  	s22 =	simm.s32 $0x0;
	v7 =	vimm.s32 $0x2;
	v8 =	vimm.s32 $0x3;
	v9 =	vimm.s32 $0x4;
	[sflag:s17] =	ssyncset.done $0x0  }
0x1b3: {  	s23 =	simm.s32 $0x7730;
	s24 =	simm.s32 $0x8B30;
	v10 =	vimm.s32 $0x5;
	v11 =	vimm.s32 $0x6;
	v12 =	vimm.s32 $0x7;
	[sflag:s17] =	ssyncadd.s32 $0xFFFFEC00  }
.LBB2_10:
0x1b4: {  	v0 =	vld [tilespmem:s23+$0xFFFFFE00]  }
0x1b5: {  	v1 =	vld [tilespmem:s23+$0xFFFFFE40]  }
0x1b6: {  	v2 =	vld [tilespmem:s23+$0xFFFFFE80]  }
0x1b7: {  	v3 =	vld [tilespmem:s23+$0xFFFFFEC0]  }
0x1b8: {  	v4 =	vld [tilespmem:s23+$0xFFFFFF00]  }
0x1b9: {  	v17 =	vld [tilespmem:s23+$0xFFFFFF40]  }
0x1ba: {  	v18 =	vld [tilespmem:s23+$0xFFFFFF80]  }
0x1bb: {  	v19 =	vld [tilespmem:s23+$0xFFFFFFC0]  }
0x1bc: {  	v20 =	vld [tilespmem:s24+$0xFFFFFE00]  }
0x1bd: {  	v21 =	vld [tilespmem:s24+$0xFFFFFE40]  }
0x1be: {  	v22 =	vld [tilespmem:s24+$0xFFFFFE80]  }
0x1bf: {  	v23 =	vld [tilespmem:s24+$0xFFFFFEC0]  }
0x1c0: {  	v24 =	vld [tilespmem:s24+$0xFFFFFF00]  }
0x1c1: {  	v25 =	vld [tilespmem:s24+$0xFFFFFF40]  }
0x1c2: {  	v26 =	vld [tilespmem:s24+$0xFFFFFF80]  }
0x1c3: {  	v27 =	vld [tilespmem:s24+$0xFFFFFFC0]  }
0x1c4: {  	v28 =	vld [tilespmem:s23+$0xFFFFFE10]  }
0x1c5: {  	v29 =	vld [tilespmem:s23+$0xFFFFFE50]  }
0x1c6: {  	v30 =	vld [tilespmem:s23+$0xFFFFFE90]  }
0x1c7: {  	v31 =	vld [tilespmem:s23+$0xFFFFFED0]  }
0x1c8: {  	v32 =	vld [tilespmem:s23+$0xFFFFFF10]  }
0x1c9: {  	v33 =	vld [tilespmem:s23+$0xFFFFFF50]  }
0x1ca: {  	v34 =	vld [tilespmem:s23+$0xFFFFFF90]  }
0x1cb: {  	v35 =	vld [tilespmem:s23+$0xFFFFFFD0]  }
0x1cc: {  	v36 =	vld [tilespmem:s24+$0xFFFFFE10]  }
0x1cd: {  	v37 =	vld [tilespmem:s24+$0xFFFFFE50]  }
0x1ce: {  	v38 =	vld [tilespmem:s24+$0xFFFFFE90]  }
0x1cf: {  	v39 =	vld [tilespmem:s24+$0xFFFFFED0]  }
0x1d0: {  	v40 =	vld [tilespmem:s24+$0xFFFFFF10]  }
0x1d1: {  	v41 =	vld [tilespmem:s24+$0xFFFFFF50]  }
0x1d2: {  	v42 =	vld [tilespmem:s24+$0xFFFFFF90]  }
0x1d3: {  	v43 =	vld [tilespmem:s24+$0xFFFFFFD0]  }
0x1d4: {  	v44 =	vld [tilespmem:s23+$0xFFFFFE20]  }
0x1d5: {  	v45 =	vld [tilespmem:s23+$0xFFFFFE60]  }
0x1d6: {  	v46 =	vld [tilespmem:s23+$0xFFFFFEA0]  }
0x1d7: {  	v47 =	vld [tilespmem:s23+$0xFFFFFEE0]  }
0x1d8: {  	v48 =	vld [tilespmem:s23+$0xFFFFFF20]  }
0x1d9: {  	v49 =	vld [tilespmem:s23+$0xFFFFFF60]  }
0x1da: {  	v50 =	vld [tilespmem:s23+$0xFFFFFFA0]  }
0x1db: {  	v51 =	vld [tilespmem:s23+$0xFFFFFFE0]  }
0x1dc: {  	v52 =	vld [tilespmem:s24+$0xFFFFFE20]  }
0x1dd: {  	v53 =	vld [tilespmem:s24+$0xFFFFFE60]  }
0x1de: {  	v54 =	vld [tilespmem:s24+$0xFFFFFEA0]  }
0x1df: {  	v55 =	vld [tilespmem:s24+$0xFFFFFEE0]  }
0x1e0: {  	v56 =	vld [tilespmem:s24+$0xFFFFFF20]  }
0x1e1: {  	v57 =	vld [tilespmem:s24+$0xFFFFFF60]  }
0x1e2: {  	v58 =	vld [tilespmem:s24+$0xFFFFFFA0]  }
0x1e3: {  	v59 =	vld [tilespmem:s24+$0xFFFFFFE0];
	v0 =	vsub.bf16 v0, v20  }
0x1e4: {  	v60 =	vld [tilespmem:s23+$0xFFFFFE30];
	v1 =	vsub.bf16 v1, v21;
	v2 =	vsub.bf16 v2, v22  }
0x1e5: {  	v61 =	vld [tilespmem:s23+$0xFFFFFE70];
	v3 =	vsub.bf16 v3, v23;
	v4 =	vsub.bf16 v4, v24  }
0x1e6: {  	v20 =	vld [tilespmem:s23+$0xFFFFFEB0];
	v17 =	vsub.bf16 v17, v25;
	v18 =	vsub.bf16 v18, v26  }
0x1e7: {  	v21 =	vld [tilespmem:s23+$0xFFFFFEF0];
	v36 =	vsub.bf16 v28, v36;
	v37 =	vsub.bf16 v29, v37  }
0x1e8: {  	v22 =	vld [tilespmem:s23+$0xFFFFFF30];
	v38 =	vsub.bf16 v30, v38;
	v19 =	vsub.bf16 v19, v27  }
0x1e9: {  	v28 =	vld [tilespmem:s23+$0xFFFFFFB0];
	v39 =	vsub.bf16 v31, v39;
	v40 =	vsub.bf16 v32, v40  }
0x1ea: {  	v27 =	vld [tilespmem:s23+$0xFFFFFFF0];
	v41 =	vsub.bf16 v33, v41;
	v42 =	vsub.bf16 v34, v42  }
0x1eb: {  	v26 =	vld [tilespmem:s24+$0xFFFFFE30];
	v43 =	vsub.bf16 v35, v43;
	v44 =	vsub.bf16 v44, v52  }
0x1ec: {  	v30 =	vld [tilespmem:s24+$0xFFFFFE70];
	v52 =	vsub.bf16 v45, v53;
	v45 =	vsub.bf16 v49, v57  }
0x1ed: {  	v32 =	vld [tilespmem:s24+$0xFFFFFEB0];
	v0 =	vmax.bf16 v0, v36;
	v1 =	vmax.bf16 v1, v37;
	v2 =	vmax.bf16 v2, v38  }
0x1ee: {  	v53 =	vld [tilespmem:s24+$0xFFFFFEF0];
	v3 =	vmax.bf16 v3, v39;
	v4 =	vmax.bf16 v4, v40;
	v17 =	vmax.bf16 v17, v41  }
0x1ef: {  	v49 =	vld [tilespmem:s24+$0xFFFFFFF0];
	v18 =	vmax.bf16 v18, v42;
	v40 =	vsub.bf16 v46, v54;
	v42 =	vsub.bf16 v47, v55  }
0x1f0: {  	v19 =	vmax.bf16 v19, v43;
	v41 =	vld [tilespmem:s24+$0xFFFFFF30];
	v43 =	vsub.bf16 v48, v56;
	v46 =	vsub.bf16 v50, v58  }
0x1f1: {  	v47 =	vld [tilespmem:s24+$0xFFFFFFB0];
	v48 =	vsub.bf16 v51, v59;
	v0 =	vmax.bf16 v0, v44;
	v1 =	vmax.bf16 v1, v52  }
0x1f2: {  	v24 =	vld [tilespmem:s23+$0xFFFFFF70];
	v17 =	vmax.bf16 v17, v45;
	v2 =	vmax.bf16 v2, v40;
	v3 =	vmax.bf16 v3, v42  }
0x1f3: {  	v44 =	vld [tilespmem:s24+$0xFFFFFF70];
	v4 =	vmax.bf16 v4, v43;
	v18 =	vmax.bf16 v18, v46;
	v50 =	vsub.bf16 v60, v26  }
0x1f4: {  	v19 =	vmax.bf16 v19, v48;
	v51 =	vsub.bf16 v61, v30;
	v20 =	vsub.bf16 v20, v32  }
0x1f5: {  	v21 =	vsub.bf16 v21, v53;
	v54 =	vsub.bf16 v27, v49;
	v0 =	vmax.bf16 v0, v50  }
0x1f6: {  	v22 =	vsub.bf16 v22, v41;
	v1 =	vmax.bf16 v1, v51;
	v53 =	vsub.bf16 v28, v47  }
0x1f7: {  	v2 =	vmax.bf16 v2, v20;
	v3 =	vmax.bf16 v3, v21;
	v19 =	vmax.bf16 v19, v54  }
0x1f8: {  	v52 =	vsub.bf16 v24, v44;
	v55 =	vshll.u32 v0, $0x10;
	v0 =	vand.u32 $0xFFFF0000, v0  }
0x1f9: {  	v56 =	vshll.u32 v1, $0x10;
	v1 =	vand.u32 $0xFFFF0000, v1;
	v57 =	vshll.u32 v2, $0x10  }
0x1fa: {  	v2 =	vand.u32 $0xFFFF0000, v2;
	v59 =	vshll.u32 v3, $0x10;
	v0 =	vmax.f32 v55, v0  }
0x1fb: {  	v3 =	vand.u32 $0xFFFF0000, v3;
	v4 =	vmax.bf16 v4, v22;
	v58 =	vmax.f32 v56, v1;
	(xrf0) =	vmax.scan.msk.f32 $0xffff, v0  }
0x1fc: {  	v18 =	vmax.bf16 v18, v53;
	v60 =	vmax.f32 v57, v2;
	v20 =	vmax.f32 v59, v3;
	(xrf0) =	vmax.scan.msk.f32 $0xffff, v58  }
0x1fd: {  	v17 =	vmax.bf16 v17, v52;
	v61 =	vshll.u32 v4, $0x10;
	v4 =	vand.u32 $0xFFFF0000, v4;
	(xrf0) =	vmax.scan.msk.f32 $0xffff, v60  }
0x1fe: {  	v21 =	vshll.u32 v17, $0x10;
	v3 =	vand.u32 $0xFFFF0000, v17;
	v22 =	vmax.f32 v61, v4;
	(xrf0) =	vmax.scan.msk.f32 $0xffff, v20  }
0x1ff: {  	v23 =	vshll.u32 v18, $0x10;
	v4 =	vand.u32 $0xFFFF0000, v18;
	v24 =	vmax.f32 v21, v3;
	(xrf0) =	vmax.scan.msk.f32 $0xffff, v22  }
0x200: {  	v25 =	vshll.u32 v19, $0x10;
	v3 =	vand.u32 $0xFFFF0000, v19;
	v26 =	vmax.f32 v23, v4;
	(xrf0) =	vmax.scan.msk.f32 $0xffff, v24  }
0x201: {  	v28 =	vmax.f32 v25, v3;
	v27, _, _ =	vpop (xrf0);
	(xrf0) =	vmax.scan.msk.f32 $0xffff, v26  }
0x202: {  	v29, _, _ =	vpop (xrf0);
	(xrf0) =	vmax.scan.msk.f32 $0xffff, v28;
	[tilespmem:v5+s18+$0x0] =	vst.idx.msk vm0, v27  }
0x203: {  	v30, _, _ =	vpop (xrf0);
	[tilespmem:v6+s18+$0x0] =	vst.idx.msk vm0, v29  }
0x204: {  	v31, _, _ =	vpop (xrf0);
	[tilespmem:v7+s18+$0x0] =	vst.idx.msk vm0, v30  }
0x205: {  	v32, _, _ =	vpop (xrf0);
	[tilespmem:v8+s18+$0x0] =	vst.idx.msk vm0, v31  }
0x206: {  	v33, _, _ =	vpop (xrf0);
	[tilespmem:v9+s18+$0x0] =	vst.idx.msk vm0, v32  }
0x207: {  	v34, _, _ =	vpop (xrf0);
	[tilespmem:v10+s18+$0x0] =	vst.idx.msk vm0, v33  }
0x208: {  	v35, _, _ =	vpop (xrf0);
	[tilespmem:v11+s18+$0x0] =	vst.idx.msk vm0, v34  }
0x209: {  	[tilespmem:v12+s18+$0x0] =	vst.idx.msk vm0, v35  }
0x20a: {  	v0 =	vld [tilespmem:s23+$0x0]  }
0x20b: {  	v1 =	vld [tilespmem:s23+$0x40]  }
0x20c: {  	v2 =	vld [tilespmem:s23+$0x80]  }
0x20d: {  	v3 =	vld [tilespmem:s23+$0xC0]  }
0x20e: {  	v4 =	vld [tilespmem:s23+$0x100]  }
0x20f: {  	v17 =	vld [tilespmem:s23+$0x140]  }
0x210: {  	v18 =	vld [tilespmem:s23+$0x180]  }
0x211: {  	v19 =	vld [tilespmem:s23+$0x1C0]  }
0x212: {  	v20 =	vld [tilespmem:s24+$0x0]  }
0x213: {  	v21 =	vld [tilespmem:s24+$0x40]  }
0x214: {  	v22 =	vld [tilespmem:s24+$0x80]  }
0x215: {  	v23 =	vld [tilespmem:s24+$0xC0]  }
0x216: {  	v24 =	vld [tilespmem:s24+$0x100]  }
0x217: {  	v25 =	vld [tilespmem:s24+$0x140]  }
0x218: {  	v26 =	vld [tilespmem:s24+$0x180]  }
0x219: {  	v27 =	vld [tilespmem:s24+$0x1C0]  }
0x21a: {  	v28 =	vld [tilespmem:s23+$0x10]  }
0x21b: {  	v29 =	vld [tilespmem:s23+$0x50]  }
0x21c: {  	v30 =	vld [tilespmem:s23+$0x90]  }
0x21d: {  	v31 =	vld [tilespmem:s23+$0xD0]  }
0x21e: {  	v32 =	vld [tilespmem:s23+$0x110]  }
0x21f: {  	v33 =	vld [tilespmem:s23+$0x150]  }
0x220: {  	v34 =	vld [tilespmem:s23+$0x190]  }
0x221: {  	v35 =	vld [tilespmem:s23+$0x1D0]  }
0x222: {  	v36 =	vld [tilespmem:s24+$0x10]  }
0x223: {  	v37 =	vld [tilespmem:s24+$0x50]  }
0x224: {  	v38 =	vld [tilespmem:s24+$0x90]  }
0x225: {  	v39 =	vld [tilespmem:s24+$0xD0]  }
0x226: {  	v40 =	vld [tilespmem:s24+$0x110]  }
0x227: {  	v41 =	vld [tilespmem:s24+$0x150]  }
0x228: {  	v42 =	vld [tilespmem:s24+$0x190]  }
0x229: {  	v43 =	vld [tilespmem:s24+$0x1D0]  }
0x22a: {  	v44 =	vld [tilespmem:s23+$0x20]  }
0x22b: {  	v45 =	vld [tilespmem:s23+$0x60]  }
0x22c: {  	v46 =	vld [tilespmem:s23+$0xA0]  }
0x22d: {  	v47 =	vld [tilespmem:s23+$0xE0]  }
0x22e: {  	v48 =	vld [tilespmem:s23+$0x120]  }
0x22f: {  	v49 =	vld [tilespmem:s23+$0x160]  }
0x230: {  	v50 =	vld [tilespmem:s23+$0x1A0]  }
0x231: {  	v51 =	vld [tilespmem:s23+$0x1E0]  }
0x232: {  	v52 =	vld [tilespmem:s24+$0x20]  }
0x233: {  	v53 =	vld [tilespmem:s24+$0x60]  }
0x234: {  	v54 =	vld [tilespmem:s24+$0xA0]  }
0x235: {  	v55 =	vld [tilespmem:s24+$0xE0]  }
0x236: {  	v56 =	vld [tilespmem:s24+$0x120]  }
0x237: {  	v57 =	vld [tilespmem:s24+$0x160]  }
0x238: {  	v58 =	vld [tilespmem:s24+$0x1A0]  }
0x239: {  	v59 =	vld [tilespmem:s24+$0x1E0]  }
0x23a: {  	v60 =	vld [tilespmem:s23+$0x30]  }
0x23b: {  	v61 =	vld [tilespmem:s23+$0x70];
	v0 =	vsub.bf16 v0, v20  }
0x23c: {  	v1 =	vsub.bf16 v1, v21;
	v20 =	vld [tilespmem:s23+$0xB0];
	v2 =	vsub.bf16 v2, v22  }
0x23d: {  	v3 =	vsub.bf16 v3, v23;
	v21 =	vld [tilespmem:s23+$0xF0];
	v4 =	vsub.bf16 v4, v24  }
0x23e: {  	v17 =	vsub.bf16 v17, v25;
	v22 =	vld [tilespmem:s23+$0x130];
	v36 =	vsub.bf16 v28, v36  }
0x23f: {  	v18 =	vsub.bf16 v18, v26;
	v24 =	vld [tilespmem:s23+$0x170];
	v37 =	vsub.bf16 v29, v37  }
0x240: {  	v38 =	vsub.bf16 v30, v38;
	v28 =	vld [tilespmem:s23+$0x1B0];
	v19 =	vsub.bf16 v19, v27;
	v0 =	vmax.bf16 v0, v36  }
0x241: {  	v27 =	vld [tilespmem:s23+$0x1F0];
	v36 =	vsub.bf16 v31, v39;
	v1 =	vmax.bf16 v1, v37;
	v37 =	vsub.bf16 v32, v40  }
0x242: {  	v26 =	vld [tilespmem:s24+$0x30];
	v2 =	vmax.bf16 v2, v38;
	v38 =	vsub.bf16 v33, v41;
	v39 =	vsub.bf16 v34, v42  }
0x243: {  	v30 =	vld [tilespmem:s24+$0x70];
	v40 =	vsub.bf16 v35, v43;
	v41 =	vsub.bf16 v44, v52  }
0x244: {  	v42 =	vld [tilespmem:s24+$0xB0];
	v43 =	vsub.bf16 v45, v53;
	v45 =	vsub.bf16 v46, v54  }
0x245: {  	v44 =	vld [tilespmem:s24+$0xF0];
	v52 =	vsub.bf16 v47, v55;
	v53 =	vsub.bf16 v48, v56  }
0x246: {  	v46 =	vld [tilespmem:s24+$0x130];
	v55 =	vsub.bf16 v49, v57;
	v56 =	vsub.bf16 v50, v58  }
0x247: {  	v54 =	vld [tilespmem:s24+$0x170];
	v58 =	vsub.bf16 v51, v59;
	v3 =	vmax.bf16 v3, v36;
	v4 =	vmax.bf16 v4, v37  }
0x248: {  	v57 =	vld [tilespmem:s24+$0x1B0];
	v17 =	vmax.bf16 v17, v38;
	v18 =	vmax.bf16 v18, v39;
	v19 =	vmax.bf16 v19, v40  }
0x249: {  	v59 =	vld [tilespmem:s24+$0x1F0];
	v0 =	vmax.bf16 v0, v41;
	v1 =	vmax.bf16 v1, v43;
	v2 =	vmax.bf16 v2, v45  }
0x24a: {  	v3 =	vmax.bf16 v3, v52;
	v4 =	vmax.bf16 v4, v53;
	v17 =	vmax.bf16 v17, v55  }
0x24b: {  	v18 =	vmax.bf16 v18, v56;
	v60 =	vsub.bf16 v60, v26;
	v30 =	vsub.bf16 v61, v30  }
0x24c: {  	v19 =	vmax.bf16 v19, v58;
	v20 =	vsub.bf16 v20, v42;
	v21 =	vsub.bf16 v21, v44  }
0x24d: {  	v0 =	vmax.bf16 v0, v60;
	v22 =	vsub.bf16 v22, v46;
	v32 =	vsub.bf16 v24, v54  }
0x24e: {  	v1 =	vmax.bf16 v1, v30;
	v34 =	vsub.bf16 v28, v57;
	v35 =	vsub.bf16 v27, v59  }
0x24f: {  	v36 =	vshll.u32 v0, $0x10;
	v0 =	vand.u32 $0xFFFF0000, v0;
	v37 =	vshll.u32 v1, $0x10  }
0x250: {  	v1 =	vand.u32 $0xFFFF0000, v1;
	v2 =	vmax.bf16 v2, v20;
	v3 =	vmax.bf16 v3, v21  }
0x251: {  	v4 =	vmax.bf16 v4, v22;
	v17 =	vmax.bf16 v17, v32;
	v18 =	vmax.bf16 v18, v34  }
0x252: {  	v19 =	vmax.bf16 v19, v35;
	v0 =	vmax.f32 v36, v0;
	v39 =	vmax.f32 v37, v1  }
0x253: {  	v38 =	vshll.u32 v2, $0x10;
	v2 =	vand.u32 $0xFFFF0000, v2;
	v40 =	vshll.u32 v3, $0x10  }
0x254: {  	(xrf0) =	vmax.scan.msk.f32 $0xffff, v0;
	v3 =	vand.u32 $0xFFFF0000, v3;
	v42 =	vshll.u32 v4, $0x10;
	v4 =	vand.u32 $0xFFFF0000, v4  }
0x255: {  	v44 =	vshll.u32 v17, $0x10;
	v46 =	vshll.u32 v18, $0x10;
	(xrf0) =	vmax.scan.msk.f32 $0xffff, v39;
	v41 =	vmax.f32 v38, v2  }
0x256: {  	v48 =	vshll.u32 v19, $0x10;
	v43 =	vmax.f32 v40, v3;
	v3 =	vand.u32 $0xFFFF0000, v17;
	(xrf0) =	vmax.scan.msk.f32 $0xffff, v41  }
0x257: {  	v45 =	vmax.f32 v42, v4;
	v47 =	vmax.f32 v44, v3;
	v3 =	vand.u32 $0xFFFF0000, v19;
	(xrf0) =	vmax.scan.msk.f32 $0xffff, v43  }
0x258: {  	v4 =	vand.u32 $0xFFFF0000, v18;
	v51 =	vmax.f32 v48, v3;
	v3 =	vimm.s32 $0xA;
	(xrf0) =	vmax.scan.msk.f32 $0xffff, v45  }
0x259: {  	v55 =	vimm.s32 $0xB;
	v49 =	vmax.f32 v46, v4;
	(xrf0) =	vmax.scan.msk.f32 $0xffff, v47  }
0x25a: {  	v50, _, _ =	vpop (xrf0);
	(xrf0) =	vmax.scan.msk.f32 $0xffff, v49  }
0x25b: {  	v52, _, _ =	vpop (xrf0);
	(xrf0) =	vmax.scan.msk.f32 $0xffff, v51;
	[tilespmem:v62+s18+$0x0] =	vst.idx.msk vm0, v50  }
0x25c: {  	v53, _, _ =	vpop (xrf0);
	[tilespmem:v63+s18+$0x0] =	vst.idx.msk vm0, v52  }
0x25d: {  	v54, _, _ =	vpop (xrf0);
	[tilespmem:v3+s18+$0x0] =	vst.idx.msk vm0, v53  }
0x25e: {  	v56, _, _ =	vpop (xrf0);
	[tilespmem:v55+s18+$0x0] =	vst.idx.msk vm0, v54  }
0x25f: {  	v57, _, _ =	vpop (xrf0);
	[tilespmem:v13+s18+$0x0] =	vst.idx.msk vm0, v56  }
0x260: {  	v58, _, _ =	vpop (xrf0);
	[tilespmem:v14+s18+$0x0] =	vst.idx.msk vm0, v57  }
0x261: {  	v59, _, _ =	vpop (xrf0);
	[tilespmem:v15+s18+$0x0] =	vst.idx.msk vm0, v58  }
0x262: {  	s1 =	sshra.s32 s22, $0x2;
	[tilespmem:v16+s18+$0x0] =	vst.idx.msk vm0, v59  }
0x263: {  	v0 =	vld [tilespmem:s1+$0x74E0];
	_ =	sdelay $0x4  }
0x264: {  	(erf) = vrcp.f32 v0;
	_ =	sdelay $0x3  }
0x265: {  	v60 =	vld [tilespmem:s1+$0x4DD0]  }
0x266: {  	v1 =	vld [tilespmem:$0xEC40];
	_ =	sdelay $0x1  }
0x267: {  	p0 =	sne.s32 s22, $0x100  }
.Ltmp4:
0x268: {  	_ = 	snop;
	(pc) =	sbr.rel @p0 .LBB2_10-.Ltmp4, $3  }
0x269: {  	v61 =	vpop (erf)  }
0x26a: {  	v1 =	vmul.f32 v61, v1;
	_ =	sdelay $0x1  }
0x26b: {  	s22 =	sadd.s32 $0x40, s22;
	s23 =	sadd.s32 $0x400, s23;
	s24 =	sadd.s32 $0x400, s24;
	[tilespmem:v60+s19+$0x0] =	vst.idx.add.f32.msk $0xffff, v1  }
0x26c: {  	s21 =	sadd.s32 $0x1, s21  }
0x26d: {  	p0 =	sne.s32 s21, s8  }
.Ltmp5:
0x26e: {  	_ = 	snop;
	(pc) =	sbr.rel @p0 .LBB2_1-.Ltmp5, $4  }
0x26f: {  	[hbm4b:s7+s2] =	stream.linear.scatter [tilespmem:s19], [sflag:$0x3], $0x2710, $0x38;
	[tilespmem:$0xEC50] =	vst v63  }
0x270: {  	_ =	swait.ge [sflag:s9], $0x2710  }
0x271: {  	[sflag:s9] =	ssyncset.done $0x0  }
0x272: {  	v0 =	vimm.f32 $0.0e+00;
	[sflag:s9] =	ssyncadd.s32 $0xFFFFD8F0  }
0x273: {  	_ =	sfence.sel $0x180000  }
0x274: {  	[bflag:$0x0] =	sbarrier.arrive $0xFFFF  }
0x275: {  	_ =	strace $0x90000047  }
0x276: {  	[bflag:$0x2] =	sbarrier.arrive $0xFFFF  }
0x277: {  	p0 =	sne.s32 s0, $0x0;
	s0 =	rddreg [dreg:$0x1]  }
0x278: {  	s0 =	sadd.s32 @!p0 $0x100000, s0  }
0x279: {  	[sflag:s0] =	ssyncadd.tile.s32 @!p0 $0x1;
	_ =	shalt  }
.Lfunc_end2:
_tile_overlayer_lowered:
.L_overlay_start_2:
0x27a: {  	(tag) =	ssettag $0x2  }
0x27b: {  	s0 =	rddreg [dreg:$0x0];
	s2 =	stileid.u32  }
0x27c: {  	s1 =	rddreg [dreg:$0x1];
	p0 =	sne.s32 s2, $0x0  }
0x27d: {  	s3 =	rddreg [dreg:$0x2];
	[bflag:$0x3] =	sbarrier.arrive $0xFFFF;
	s2 =	simm.s32 @!p0 $0x1C03  }
0x27e: {  	[timem:s3], [sflag:s2] =	dma.local @!p0 [hbm:s0], s1  }
0x27f: {  	s0 =	simm.s32 @!p0 $0x3  }
0x280: {  	_ =	swait.ge @!p0 [sflag:s0], s1  }
0x281: {  	s1 =	ssub.s32 @!p0 $0x0, s1;
	[sflag:s0] =	ssyncset.done @!p0 $0x0  }
0x282: {  	[sflag:s0] =	ssyncadd.s32 @!p0 s1  }
0x283: {  	[bflag:$0x3] =	sbarrier.arrive $0xFFFF  }
0x284: {  	_ =	shalt  }

</sc_bundles>
